<compile_context>
chip_gen: v7x
topology: tpu7x:2x2x1
jax: 0.10.2.dev20260603
libtpu: 0.0.44.dev20260713+nightly
codegen_flags: <defaults>
</compile_context>

<pallas_src>
import functools

import jax
import jax.numpy as jnp
from jax import lax
from jax.experimental import pallas as pl
from jax.experimental.pallas import tpu as pltpu
from jax.experimental.pallas import tpu_sc as plsc

HID = 64
NG = 50176
NG2 = NG // 2
NM = 4096
NE = 200704
E2 = NE // 2
NV = 17
NSTEP = 2
NCORE, NSUB = 2, 16
NWORK = NCORE * NSUB


def _silu(x):
    return x * (1.0 / (1.0 + jnp.exp(-x)))


def _ln(x):
    mu = jnp.mean(x, axis=-1, keepdims=True)
    var = jnp.mean((x - mu) ** 2, axis=-1, keepdims=True)
    return (x - mu) * lax.rsqrt(var + 1e-5)


def _dot(a, b):
    return jnp.dot(a, b, preferred_element_type=jnp.float32)



_GW = 3584
_EB = 1024


def _rep(shape):
    return pl.BlockSpec(shape, lambda i: (0,) * len(shape))


def _grid_encode(xT, ge1, ge1b, ge2, ge2b, en1, en1b, en2, en2b, wsend1, wrec2):
    nb = NG2 // _GW

    def half(x, w1, b1, w2, b2, e1, eb1, e2, eb2, ws, wr):
        h = _silu(lax.dot_general(x, w1, (((0,), (0,)), ((), ())),
                                  preferred_element_type=jnp.float32) + b1)
        emb = _ln(_dot(h, w2) + b2)
        sp = _dot(emb, ws)
        g = _silu(_dot(emb, e1) + eb1)
        gr = emb + _ln(_dot(g, e2) + eb2)
        return sp, gr, _dot(gr, wr)

    def body(xlo_ref, xhi_ref, w1, b1, w2, b2, e1, eb1, e2, eb2, ws, wr,
             sp_ref, gr_ref, rp_ref):
        args = (w1[...], b1[...], w2[...], b2[...], e1[...], eb1[...],
                e2[...], eb2[...], ws[...], wr[...])
        sp, gr, rp = half(xlo_ref[...], *args)
        sp_ref[:, :HID] = sp
        gr_ref[:, :HID] = gr
        rp_ref[:, :HID] = rp
        sp, gr, rp = half(xhi_ref[...], *args)
        sp_ref[:, HID:] = sp
        gr_ref[:, HID:] = gr
        rp_ref[:, HID:] = rp

    return pl.pallas_call(
        body,
        grid=(nb,),
        in_specs=[
            pl.BlockSpec((NSTEP * NV, _GW), lambda i: (0, i)),
            pl.BlockSpec((NSTEP * NV, _GW), lambda i: (0, i + nb)),
            _rep((NSTEP * NV, HID)), _rep((1, HID)),
            _rep((HID, HID)), _rep((1, HID)),
            _rep((HID, HID)), _rep((1, HID)),
            _rep((HID, HID)), _rep((1, HID)),
            _rep((HID, HID)), _rep((HID, HID)),
        ],
        out_specs=[
            pl.BlockSpec((_GW, 2 * HID), lambda i: (i, 0)),
            pl.BlockSpec((_GW, 2 * HID), lambda i: (i, 0)),
            pl.BlockSpec((_GW, 2 * HID), lambda i: (i, 0)),
        ],
        out_shape=[jax.ShapeDtypeStruct((NG2, 2 * HID), jnp.float32)] * 3,
    )(xT, xT, ge1, ge1b, ge2, ge2b, en1, en1b, en2, en2b, wsend1, wrec2)


def _mesh_encode(msf, me1, me1b, me2, me2b, wrec1):

    def body(x_ref, w1, b1, w2, b2, wr, me_ref, rp_ref):
        h = _silu(_dot(x_ref[...], w1[...]) + b1[...])
        emb = _ln(_dot(h, w2[...]) + b2[...])
        me_ref[...] = emb
        rp_ref[...] = _dot(emb, wr[...])

    return pl.pallas_call(
        body,
        out_shape=[jax.ShapeDtypeStruct((NM, HID), jnp.float32)] * 2,
    )(msf, me1, me1b, me2, me2b, wrec1)


def _bd(w):
    z = jnp.zeros_like(w)
    return jnp.concatenate([jnp.concatenate([w, z], axis=1),
                            jnp.concatenate([z, w], axis=1)], axis=0)


def _tile2(b):
    return jnp.concatenate([b, b]).reshape(1, 2 * HID)


def _ln_half(x, mavg):
    mu = _dot(x, mavg)
    d = x - mu
    var = _dot(d * d, mavg)
    return d * lax.rsqrt(var + 1e-5)


def _edge_msgs(efT, gsum_p, em1, em1b, em2, em2b, w1e, b1, w2, b2):
    nb = E2 // _EB
    fdim = efT.shape[0]

    a1l = jnp.concatenate([em1, jnp.zeros_like(em1)], axis=1)
    a1h = jnp.concatenate([jnp.zeros_like(em1), em1], axis=1)
    a2bd, w1bd, w2bd = _bd(em2), _bd(w1e), _bd(w2)
    a1t, a2t, b1t, b2t = _tile2(em1b), _tile2(em2b), _tile2(b1), _tile2(b2)
    mavg = _bd(jnp.full((HID, HID), 1.0 / HID, jnp.float32))

    def body(flo_ref, fhi_ref, g_ref, a1l_r, a1h_r, a1t_r, a2_r, a2t_r,
             w1_r, b1_r, w2_r, b2_r, mavg_r, out_ref):
        cT = (((0,), (0,)), ((), ()))
        h = _silu(lax.dot_general(flo_ref[...], a1l_r[...], cT,
                                  preferred_element_type=jnp.float32)
                  + lax.dot_general(fhi_ref[...], a1h_r[...], cT,
                                    preferred_element_type=jnp.float32)
                  + a1t_r[...])
        emb = _ln_half(_dot(h, a2_r[...]) + a2t_r[...], mavg_r[...])
        m = _silu(_dot(emb, w1_r[...]) + b1_r[...] + g_ref[...])
        out_ref[...] = _ln_half(_dot(m, w2_r[...]) + b2_r[...], mavg_r[...])

    return pl.pallas_call(
        body,
        grid=(nb,),
        in_specs=[
            pl.BlockSpec((fdim, _EB), lambda i: (0, i)),
            pl.BlockSpec((fdim, _EB), lambda i: (0, i + nb)),
            pl.BlockSpec((_EB, 2 * HID), lambda i: (i, 0)),
            _rep((fdim, 2 * HID)), _rep((fdim, 2 * HID)), _rep((1, 2 * HID)),
            _rep((2 * HID, 2 * HID)), _rep((1, 2 * HID)),
            _rep((2 * HID, 2 * HID)), _rep((1, 2 * HID)),
            _rep((2 * HID, 2 * HID)), _rep((1, 2 * HID)),
            _rep((2 * HID, 2 * HID)),
        ],
        out_specs=pl.BlockSpec((_EB, 2 * HID), lambda i: (i, 0)),
        out_shape=jax.ShapeDtypeStruct((E2, 2 * HID), jnp.float32),
    )(efT, efT, gsum_p, a1l, a1h, a1t, a2bd, a2t, w1bd, b1t, w2bd, b2t, mavg)


def _mesh_update(me, partials_p, u1a, u1b_w, u1bias, u2, u2bias, wsend2):

    def body(me_ref, p_ref, wa, wb, bias1, w2, bias2, ws, sp_ref):
        aggr = p_ref[:, :HID] + p_ref[:, HID:]
        emb = me_ref[...]
        h = _silu(_dot(emb, wa[...]) + _dot(aggr, wb[...]) + bias1[...])
        mr = emb + _ln(_dot(h, w2[...]) + bias2[...])
        sp_ref[...] = _dot(mr, ws[...])

    return pl.pallas_call(
        body,
        out_shape=jax.ShapeDtypeStruct((NM, HID), jnp.float32),
    )(me, partials_p, u1a, u1b_w, u1bias, u2, u2bias, wsend2)


def _grid_update_out(gr_p, aggr_p, v1a, v1b_w, v1bias, v2, v2bias, o1, o1b, o2, o2b):
    nb = NG2 // _GW

    def half(g, a, wa, wb, bias1, w2, bias2, p1, pb1, p2, pb2):
        h = _silu(_dot(g, wa) + _dot(a, wb) + bias1)
        gnew = g + _ln(_dot(h, w2) + bias2)
        t = _silu(_dot(gnew, p1) + pb1)
        return _dot(t, p2) + pb2

    def body(g_ref, a_ref, wa, wb, bias1, w2, bias2, p1, pb1, p2, pb2,
             out_ref):
        args = (wa[...], wb[...], bias1[...], w2[...], bias2[...],
                p1[...], pb1[...], p2[...], pb2[...])
        out_ref[:, :NV] = half(g_ref[:, :HID], a_ref[:, :HID], *args)
        out_ref[:, NV:] = half(g_ref[:, HID:], a_ref[:, HID:], *args)

    return pl.pallas_call(
        body,
        grid=(nb,),
        in_specs=[
            pl.BlockSpec((_GW, 2 * HID), lambda i: (i, 0)),
            pl.BlockSpec((_GW, 2 * HID), lambda i: (i, 0)),
            _rep((HID, HID)), _rep((HID, HID)), _rep((1, HID)),
            _rep((HID, HID)), _rep((1, HID)),
            _rep((HID, HID)), _rep((1, HID)),
            _rep((HID, NV)), _rep((1, NV)),
        ],
        out_specs=pl.BlockSpec((_GW, 2 * NV), lambda i: (i, 0)),
        out_shape=jax.ShapeDtypeStruct((NG2, 2 * NV), jnp.float32),
    )(gr_p, aggr_p, v1a, v1b_w, v1bias, v2, v2bias, o1, o1b, o2, o2b)



_CH = 224
_CHS = 448
_CHG = 112
_SMROWS = NM // NSUB


def _sc_mesh():
    return plsc.VectorSubcoreMesh(core_axis_name="c", subcore_axis_name="s")


_SC_PARAMS = pltpu.CompilerParams(use_tc_tiling_on_sc=False)


_PERW = E2 // NWORK


@functools.partial(
    pl.kernel,
    out_type=jax.ShapeDtypeStruct((E2, 2 * HID), jnp.float32),
    mesh=_sc_mesh(),
    scratch_types=[
        pltpu.VMEM_SHARED((NM, HID), jnp.float32),
        pltpu.VMEM((_PERW,), jnp.int32),
        pltpu.VMEM((_PERW,), jnp.int32),
        pltpu.VMEM((_PERW,), jnp.int32),
        pltpu.VMEM((_PERW,), jnp.int32),
        pltpu.VMEM((_CH,), jnp.int32),
        pltpu.VMEM((_CH,), jnp.int32),
        pltpu.VMEM((_CH,), jnp.int32),
        pltpu.VMEM((_CH,), jnp.int32),
        pltpu.VMEM((_CH, HID), jnp.float32),
        pltpu.VMEM((_CH, HID), jnp.float32),
        pltpu.VMEM((_CH, HID), jnp.float32),
        pltpu.VMEM((_CH, HID), jnp.float32),
    ],
    compiler_params=_SC_PARAMS,
)
def _sc_gather_sum(big_hbm, small_hbm, idx_big_hbm, idx_small_hbm, out_hbm,
                   stab, ibp, ihp, jlp, jhp, ib_lo, ib_hi, is_lo, is_hi,
                   rb_lo, rb_hi, rs_lo, rs_hi):
    cid = lax.axis_index("c")
    sid = lax.axis_index("s")
    wid = sid * NCORE + cid
    n_ch = _PERW // _CH
    base_w = wid * _PERW

    pltpu.sync_copy(small_hbm.at[pl.ds(sid * _SMROWS, _SMROWS)],
                    stab.at[pl.ds(sid * _SMROWS, _SMROWS)])

    pltpu.sync_copy(idx_big_hbm.at[pl.ds(base_w, _PERW)], ibp)
    pltpu.sync_copy(idx_big_hbm.at[pl.ds(E2 + base_w, _PERW)], ihp)
    pltpu.sync_copy(idx_small_hbm.at[pl.ds(base_w, _PERW)], jlp)
    pltpu.sync_copy(idx_small_hbm.at[pl.ds(E2 + base_w, _PERW)], jhp)

    @pl.loop(0, _PERW // 16)
    def _rho(j):
        sl = pl.ds(j * 16, 16)
        v = ibp[sl]
        ibp[sl] = jnp.where(v >= NG2, 2 * (v - NG2) + 1, 2 * v)
        w = ihp[sl]
        ihp[sl] = jnp.where(w >= NG2, 2 * (w - NG2) + 1, 2 * w)

    plsc.subcore_barrier()

    @pl.loop(0, n_ch)
    def _chunk(c):
        base = base_w + c * _CH
        off = c * _CH
        for j in range(_CH // 16):
            d = pl.ds(j * 16, 16)
            src = pl.ds(off + j * 16, 16)
            ib_lo[d] = ibp[src]
            ib_hi[d] = ihp[src]
            is_lo[d] = jlp[src]
            is_hi[d] = jhp[src]
        pltpu.sync_copy(big_hbm.at[ib_lo], rb_lo)
        pltpu.sync_copy(big_hbm.at[ib_hi], rb_hi)
        pltpu.sync_copy(stab.at[is_lo], rs_lo)
        pltpu.sync_copy(stab.at[is_hi], rs_hi)

        @pl.loop(0, _CH)
        def _row(r):
            for l in range(HID // 16):
                sl = pl.ds(l * 16, 16)
                rb_lo[r, sl] = rb_lo[r, sl] + rs_lo[r, sl]
                rb_hi[r, sl] = rb_hi[r, sl] + rs_hi[r, sl]

        pltpu.sync_copy(rb_lo, out_hbm.at[pl.ds(base, _CH), pl.ds(0, HID)])
        pltpu.sync_copy(rb_hi, out_hbm.at[pl.ds(base, _CH), pl.ds(HID, HID)])


@functools.partial(
    pl.kernel,
    out_type=jax.ShapeDtypeStruct((NM, 2 * HID), jnp.float32),
    mesh=_sc_mesh(),
    scratch_types=[
        pltpu.VMEM_SHARED((NM, HID), jnp.float32),
        pltpu.VMEM((_CHS,), jnp.int32),
        pltpu.VMEM((_CHS,), jnp.int32),
        pltpu.VMEM((_CHS, HID), jnp.float32),
        pltpu.VMEM((_CHS, HID), jnp.float32),
        pltpu.VMEM((_SMROWS, HID), jnp.float32),
    ],
    compiler_params=_SC_PARAMS,
)
def _sc_scatter_mesh(msgs_hbm, dst_hbm, out_hbm, acc, idx_lo, idx_hi,
                     m_lo, m_hi, buf_v):
    cid = lax.axis_index("c")
    sid = lax.axis_index("s")
    per_w = E2 // NWORK
    n_ch = per_w // _CHS

    zvec = jnp.zeros((16,), jnp.float32)

    @pl.loop(0, _SMROWS)
    def _fillz(r):
        for l in range(HID // 16):
            buf_v[r, pl.ds(l * 16, 16)] = zvec

    pltpu.sync_copy(buf_v, acc.at[pl.ds(sid * _SMROWS, _SMROWS)])
    plsc.subcore_barrier()

    base_t = (cid * NSUB + sid) * per_w

    @pl.loop(0, n_ch)
    def _chunk(c):
        base = base_t + c * _CHS
        pltpu.sync_copy(dst_hbm.at[pl.ds(base, _CHS)], idx_lo)
        pltpu.sync_copy(dst_hbm.at[pl.ds(E2 + base, _CHS)], idx_hi)
        pltpu.sync_copy(msgs_hbm.at[pl.ds(base, _CHS), pl.ds(0, HID)], m_lo)
        pltpu.sync_copy(msgs_hbm.at[pl.ds(base, _CHS), pl.ds(HID, HID)], m_hi)
        pltpu.sync_copy(m_lo, acc.at[idx_lo], add=True)
        pltpu.sync_copy(m_hi, acc.at[idx_hi], add=True)

    plsc.subcore_barrier()
    pltpu.sync_copy(acc.at[pl.ds(sid * _SMROWS, _SMROWS)], buf_v)
    pltpu.sync_copy(buf_v, out_hbm.at[pl.ds(sid * _SMROWS, _SMROWS),
                                      pl.ds(cid * HID, HID)])


_GACC = 25312
_GZB = 224


@functools.partial(
    pl.kernel,
    out_type=jax.ShapeDtypeStruct((NG2, 2 * HID), jnp.float32),
    mesh=_sc_mesh(),
    scratch_types=[
        pltpu.VMEM_SHARED((_GACC, HID), jnp.float32),
        pltpu.VMEM((_CHG,), jnp.int32),
        pltpu.VMEM((_CHG,), jnp.int32),
        pltpu.VMEM((_CHG, HID), jnp.float32),
        pltpu.VMEM((_CHG, HID), jnp.float32),
        pltpu.VMEM((_GZB, HID), jnp.float32),
    ],
    compiler_params=_SC_PARAMS,
)
def _sc_scatter_grid(msgs_hbm, dst_hbm, out_hbm, acc, idx_lo, idx_hi,
                     m_lo, m_hi, buf_v):
    cid = lax.axis_index("c")
    sid = lax.axis_index("s")
    per_tile = E2 // NSUB
    n_ch = per_tile // _CHG
    base_node = cid * NG2

    zvec = jnp.zeros((16,), jnp.float32)

    @pl.loop(0, _GZB)
    def _fillz(r):
        for l in range(HID // 16):
            buf_v[r, pl.ds(l * 16, 16)] = zvec

    @pl.loop(sid, _GACC // _GZB, step=NSUB)
    def _zero(cblk):
        pltpu.sync_copy(buf_v, acc.at[pl.ds(cblk * _GZB, _GZB)])

    plsc.subcore_barrier()

    base_t = sid * per_tile

    @pl.loop(0, n_ch)
    def _chunk(c):
        base = base_t + c * _CHG
        pltpu.sync_copy(dst_hbm.at[pl.ds(base, _CHG)], idx_lo)
        pltpu.sync_copy(dst_hbm.at[pl.ds(E2 + base, _CHG)], idx_hi)
        for j in range(_CHG // 16):
            sl = pl.ds(j * 16, 16)
            v = idx_lo[sl] - base_node
            idx_lo[sl] = jnp.where((v >= 0) & (v < NG2), v, NG2)
            w = idx_hi[sl] - base_node
            idx_hi[sl] = jnp.where((w >= 0) & (w < NG2), w, NG2)
        pltpu.sync_copy(msgs_hbm.at[pl.ds(base, _CHG), pl.ds(0, HID)], m_lo)
        pltpu.sync_copy(msgs_hbm.at[pl.ds(base, _CHG), pl.ds(HID, HID)], m_hi)
        pltpu.sync_copy(m_lo, acc.at[idx_lo], add=True)
        pltpu.sync_copy(m_hi, acc.at[idx_hi], add=True)

    plsc.subcore_barrier()

    n_out = NG2 // NSUB // _GZB

    @pl.loop(0, n_out)
    def _out(c):
        row = sid * (NG2 // NSUB) + c * _GZB
        pltpu.sync_copy(acc.at[pl.ds(row, _GZB)], buf_v)
        pltpu.sync_copy(buf_v, out_hbm.at[pl.ds(row, _GZB),
                                          pl.ds(cid * HID, HID)])



def _b2d(b):
    return b.reshape(1, -1)


def kernel(prev_states, g2m_features, m2g_features, mesh_static_features,
           params, g2m_edge_index, m2g_edge_index):
    p = params
    (ge1, ge1b), (ge2, ge2b) = p['grid_embedder']
    (me1, me1b), (me2, me2b) = p['mesh_embedder']
    (ee1, ee1b), (ee2, ee2b) = p['g2m_embedder']
    (fe1, fe1b), (fe2, fe2b) = p['m2g_embedder']
    (en1, en1b), (en2, en2b) = p['encoding_grid_mlp']
    (gw1, gw1b), (gw2, gw2b) = p['g2m_edge_mlp']
    (ga1, ga1b), (ga2, ga2b) = p['g2m_aggr_mlp']
    (mw1, mw1b), (mw2, mw2b) = p['m2g_edge_mlp']
    (ma1, ma1b), (ma2, ma2b) = p['m2g_aggr_mlp']
    (o1, o1b), (o2, o2b) = p['output_map']

    xT = prev_states.reshape(NSTEP * NV, NG)

    sp1_p, gr_p, rp2_p = _grid_encode(
        xT, ge1, _b2d(ge1b), ge2, _b2d(ge2b),
        en1, _b2d(en1b), en2, _b2d(en2b),
        gw1[HID:2 * HID], mw1[2 * HID:3 * HID])
    sp1 = sp1_p.reshape(NG, HID)
    rp2 = rp2_p.reshape(NG, HID)

    me, rp1 = _mesh_encode(
        mesh_static_features, me1, _b2d(me1b), me2, _b2d(me2b),
        gw1[2 * HID:3 * HID])

    src1 = g2m_edge_index[0]
    dst1 = g2m_edge_index[1]
    gsum1_p = _sc_gather_sum(sp1, rp1, src1, dst1)
    msgs1_p = _edge_msgs(g2m_features.T, gsum1_p,
                         ee1, ee1b, ee2, ee2b,
                         gw1[:HID], gw1b, gw2, gw2b)
    partials1_p = _sc_scatter_mesh(msgs1_p, dst1)
    sp2 = _mesh_update(me, partials1_p,
                       ga1[:HID], ga1[HID:], _b2d(ga1b), ga2, _b2d(ga2b),
                       mw1[HID:2 * HID])

    src2 = m2g_edge_index[0]
    dst2 = m2g_edge_index[1]
    gsum2_p = _sc_gather_sum(rp2, sp2, dst2, src2)
    msgs2_p = _edge_msgs(m2g_features.T, gsum2_p,
                         fe1, fe1b, fe2, fe2b,
                         mw1[:HID], mw1b, mw2, mw2b)
    aggr2_p = _sc_scatter_grid(msgs2_p, dst2)
    pred_p = _grid_update_out(gr_p, aggr2_p,
                              ma1[:HID], ma1[HID:], _b2d(ma1b), ma2, _b2d(ma2b),
                              o1, _b2d(o1b), o2, _b2d(o2b))

    pred = jnp.concatenate([pred_p[:, :NV], pred_p[:, NV:]], axis=0)
    return pred.T.reshape(1, NV, 256, 196)

# --- scband reference (transcript-rebuilt; emitter-appended) ---
"""Pipeline reference for scband-base-gnn-87368224735342 (READ-ONLY COPY).

The authoritative reference and input builder live on the scoring server;
editing this copy changes nothing except your own understanding.
"""

import jax, jax.numpy as jnp
import numpy as np

H, W_IMG = 256, 196
N_GRID = H * W_IMG
N_MESH = 4096
E_G2M = 200704
E_M2G = 200704
HIDDEN = 64
N_VARS = 17
N_STEPS = 2
B = 1
G2M_DIM = 3
M2G_DIM = 3
MESH_STATIC_DIM = 2


def _init_mlp(key, dims):
    layers = []
    for i in range(len(dims) - 1):
        key, k1 = jax.random.split(key)
        Wm = jax.random.normal(k1, (dims[i], dims[i + 1]), dtype=jnp.float32) / np.sqrt(dims[i])
        bv = jnp.zeros((dims[i + 1],), dtype=jnp.float32)
        layers.append((Wm, bv))
    return layers


def setup_inputs(seed: int = 0):
    key = jax.random.key(seed)
    ks = jax.random.split(key, 20)
    prev_states = jax.random.normal(ks[0], (B, N_STEPS, N_VARS, H, W_IMG), dtype=jnp.float32)
    g2m_features = jax.random.normal(ks[1], (E_G2M, G2M_DIM), dtype=jnp.float32)
    m2g_features = jax.random.normal(ks[2], (E_M2G, M2G_DIM), dtype=jnp.float32)
    mesh_static_features = jax.random.normal(ks[3], (N_MESH, MESH_STATIC_DIM), dtype=jnp.float32)
    g2m_edge_index = jnp.stack([
        jax.random.randint(ks[4], (E_G2M,), 0, N_GRID),
        jax.random.randint(ks[5], (E_G2M,), 0, N_MESH),
    ]).astype(jnp.int32)
    m2g_edge_index = jnp.stack([
        jax.random.randint(ks[6], (E_M2G,), 0, N_MESH),
        jax.random.randint(ks[7], (E_M2G,), 0, N_GRID),
    ]).astype(jnp.int32)
    params = {
        'grid_embedder': _init_mlp(ks[8], [N_STEPS * N_VARS, HIDDEN, HIDDEN]),
        'g2m_embedder': _init_mlp(ks[9], [G2M_DIM, HIDDEN, HIDDEN]),
        'm2g_embedder': _init_mlp(ks[10], [M2G_DIM, HIDDEN, HIDDEN]),
        'mesh_embedder': _init_mlp(ks[11], [MESH_STATIC_DIM, HIDDEN, HIDDEN]),
        'encoding_grid_mlp': _init_mlp(ks[12], [HIDDEN, HIDDEN, HIDDEN]),
        'g2m_edge_mlp': _init_mlp(ks[13], [3 * HIDDEN, HIDDEN, HIDDEN]),
        'g2m_aggr_mlp': _init_mlp(ks[14], [2 * HIDDEN, HIDDEN, HIDDEN]),
        'm2g_edge_mlp': _init_mlp(ks[15], [3 * HIDDEN, HIDDEN, HIDDEN]),
        'm2g_aggr_mlp': _init_mlp(ks[16], [2 * HIDDEN, HIDDEN, HIDDEN]),
        'output_map': _init_mlp(ks[17], [HIDDEN, HIDDEN, N_VARS]),
    }
    return {
        'prev_states': prev_states,
        'g2m_features': g2m_features,
        'm2g_features': m2g_features,
        'mesh_static_features': mesh_static_features,
        'params': params,
        'g2m_edge_index': g2m_edge_index,
        'm2g_edge_index': m2g_edge_index,
    }


def _mlp(x, layers, layer_norm=True):
    n = len(layers)
    for i, (Wm, bv) in enumerate(layers):
        x = x @ Wm + bv
        if i < n - 1:
            x = jax.nn.silu(x)
    if layer_norm:
        mu = jnp.mean(x, axis=-1, keepdims=True)
        var = jnp.var(x, axis=-1, keepdims=True)
        x = (x - mu) / jnp.sqrt(var + 1e-5)
    return x


def _interaction(send_rep, rec_rep, edge_rep, edge_index, edge_mlp, aggr_mlp, n_rec):
    src = edge_index[0]
    dst = edge_index[1]
    edge_in = jnp.concatenate([edge_rep, send_rep[:, src], rec_rep[:, dst]], axis=-1)
    msgs = _mlp(edge_in, edge_mlp, layer_norm=True)
    aggr = jnp.zeros((rec_rep.shape[0], n_rec, msgs.shape[-1]), dtype=msgs.dtype).at[:, dst].add(msgs)
    rec_new = rec_rep + _mlp(jnp.concatenate([rec_rep, aggr], axis=-1), aggr_mlp, layer_norm=True)
    return rec_new


def reference(prev_states, g2m_features, m2g_features, mesh_static_features, params, g2m_edge_index, m2g_edge_index):
    b = prev_states.shape[0]
    n_steps = prev_states.shape[1]
    # grid_to_nodes: (B, S, C, H, W) -> (B, S, N, C)
    x = prev_states.reshape(b, n_steps, N_VARS, N_GRID).transpose(0, 1, 3, 2)
    grid_features = jnp.concatenate([x[:, i] for i in range(n_steps)], axis=-1)
    grid_emb = _mlp(grid_features, params['grid_embedder'])
    g2m_emb = _mlp(g2m_features, params['g2m_embedder'])
    m2g_emb = _mlp(m2g_features, params['m2g_embedder'])
    mesh_emb = _mlp(mesh_static_features, params['mesh_embedder'])
    mesh_emb_exp = jnp.broadcast_to(mesh_emb[None], (b,) + mesh_emb.shape)
    g2m_emb_exp = jnp.broadcast_to(g2m_emb[None], (b,) + g2m_emb.shape)
    mesh_rep = _interaction(grid_emb, mesh_emb_exp, g2m_emb_exp, g2m_edge_index,
                            params['g2m_edge_mlp'], params['g2m_aggr_mlp'], N_MESH)
    grid_rep = grid_emb + _mlp(grid_emb, params['encoding_grid_mlp'])
    # process_step: identity (abstract in BaseGNN; subclass-defined)
    m2g_emb_exp = jnp.broadcast_to(m2g_emb[None], (b,) + m2g_emb.shape)
    grid_rep = _interaction(mesh_rep, grid_rep, m2g_emb_exp, m2g_edge_index,
                            params['m2g_edge_mlp'], params['m2g_aggr_mlp'], N_GRID)
    pred_delta_mean = _mlp(grid_rep, params['output_map'], layer_norm=False)
    # nodes_to_grid: (B, N, C) -> (B, C, H, W)
    return pred_delta_mean.transpose(0, 2, 1).reshape(b, N_VARS, H, W_IMG)

if __name__ == "__main__":
    import jax
    _d = setup_inputs()
    print(jax.jit(kernel)(*tuple(_d.values())))

</pallas_src>

<mosaic_0001>
#map = affine_map<(d0, d1) -> (0, 0)>
#map1 = affine_map<(d0, d1) -> (0)>
module attributes {stable_mosaic.version = 14 : i64} {
  func.func @_sc_gather_sum(%arg0: i32, %arg1: i32, %arg2: memref<50176x64xf32, #tpu.memory_space<hbm>>, %arg3: memref<4096x64xf32, #tpu.memory_space<hbm>>, %arg4: memref<200704xi32, #tpu.memory_space<hbm>>, %arg5: memref<200704xi32, #tpu.memory_space<hbm>>, %arg6: memref<100352x128xf32, #tpu.memory_space<hbm>>, %arg7: memref<4096x64xf32, #tpu.memory_space<vmem_shared>>, %arg8: memref<3136xi32, #tpu.memory_space<vmem>>, %arg9: memref<3136xi32, #tpu.memory_space<vmem>>, %arg10: memref<3136xi32, #tpu.memory_space<vmem>>, %arg11: memref<3136xi32, #tpu.memory_space<vmem>>, %arg12: memref<224xi32, #tpu.memory_space<vmem>>, %arg13: memref<224xi32, #tpu.memory_space<vmem>>, %arg14: memref<224xi32, #tpu.memory_space<vmem>>, %arg15: memref<224xi32, #tpu.memory_space<vmem>>, %arg16: memref<224x64xf32, #tpu.memory_space<vmem>>, %arg17: memref<224x64xf32, #tpu.memory_space<vmem>>, %arg18: memref<224x64xf32, #tpu.memory_space<vmem>>, %arg19: memref<224x64xf32, #tpu.memory_space<vmem>>) attributes {dimension_semantics = [#tpu.dimension_semantics<core_parallel>, #tpu.dimension_semantics<subcore_parallel>], iteration_bounds = array<i64: 2, 16>, scalar_prefetch = 0 : i64, scratch_operands = 13 : i64, tpu.core_type = #tpu.core_type<sc_vector_subcore>, window_params = [{transform_indices = #map}, {transform_indices = #map}, {transform_indices = #map1}, {transform_indices = #map1}, {transform_indices = #map}]} {
    %mul3A = arith.constant 2 : i32
    %mul3A_0 = arith.muli %arg1, %mul3A : i32
    %add3A = arith.addi %mul3A_0, %arg0 : i32
    %mul3A_1 = arith.constant 3136 : i32
    %mul3A_2 = arith.muli %add3A, %mul3A_1 : i32
    %mul3A_3 = arith.constant 256 : i32
    %mul3A_4 = arith.muli %arg1, %mul3A_3 : i32
    %mul3A_5 = arith.constant 256 : i32
    %mul3A_6 = arith.muli %arg1, %mul3A_5 : i32
    "tpu.region"() ({
      %run_scoped3A = tpu.sem_alloc : memref<!tpu.dma_semaphore, #tpu.memory_space<semaphore_mem>>
      %dma_start3A = arith.constant 0 : i32
      %dma_start3A_20 = tpu.memref_slice %arg7[%mul3A_6, %dma_start3A] : memref<4096x64xf32, #tpu.memory_space<vmem_shared>> -> memref<256x64xf32, #tpu.memory_space<vmem_shared>>
      %dma_start3A_21 = arith.constant 0 : i32
      %dma_start3A_22 = tpu.memref_slice %arg3[%mul3A_4, %dma_start3A_21] : memref<4096x64xf32, #tpu.memory_space<hbm>> -> memref<256x64xf32, #tpu.memory_space<hbm>>
      tpu.enqueue_dma source(%dma_start3A_22 : memref<256x64xf32, #tpu.memory_space<hbm>>) target(%dma_start3A_20 : memref<256x64xf32, #tpu.memory_space<vmem_shared>>) target_semaphore(%run_scoped3A : memref<!tpu.dma_semaphore, #tpu.memory_space<semaphore_mem>>)
      %dma_wait3A = arith.constant 0 : i32
      %dma_wait3A_23 = tpu.memref_slice %arg7[%mul3A_6, %dma_wait3A] : memref<4096x64xf32, #tpu.memory_space<vmem_shared>> -> memref<256x64xf32, #tpu.memory_space<vmem_shared>>
      %dma_wait3A_24 = arith.constant 0 : i32
      %dma_wait3A_25 = tpu.memref_slice %arg3[%mul3A_4, %dma_wait3A_24] : memref<4096x64xf32, #tpu.memory_space<hbm>> -> memref<256x64xf32, #tpu.memory_space<hbm>>
      tpu.wait_dma2 semaphore(%run_scoped3A : memref<!tpu.dma_semaphore, #tpu.memory_space<semaphore_mem>>) src(%dma_wait3A_25 : memref<256x64xf32, #tpu.memory_space<hbm>>) dst(%dma_wait3A_23 : memref<256x64xf32, #tpu.memory_space<vmem_shared>>)
      tpu.yield
    }) : () -> ()
    "tpu.region"() ({
      %run_scoped3A = tpu.sem_alloc : memref<!tpu.dma_semaphore, #tpu.memory_space<semaphore_mem>>
      %dma_start3A = tpu.memref_slice %arg4[%mul3A_2] : memref<200704xi32, #tpu.memory_space<hbm>> -> memref<3136xi32, #tpu.memory_space<hbm>>
      %dma_start3A_20 = tpu.memref_slice %arg4[%mul3A_2] : memref<200704xi32, #tpu.memory_space<hbm>> -> memref<3136xi32, #tpu.memory_space<hbm>>
      tpu.enqueue_dma source(%dma_start3A_20 : memref<3136xi32, #tpu.memory_space<hbm>>) target(%arg8 : memref<3136xi32, #tpu.memory_space<vmem>>) target_semaphore(%run_scoped3A : memref<!tpu.dma_semaphore, #tpu.memory_space<semaphore_mem>>)
      %dma_wait3A = tpu.memref_slice %arg4[%mul3A_2] : memref<200704xi32, #tpu.memory_space<hbm>> -> memref<3136xi32, #tpu.memory_space<hbm>>
      %dma_wait3A_21 = tpu.memref_slice %arg4[%mul3A_2] : memref<200704xi32, #tpu.memory_space<hbm>> -> memref<3136xi32, #tpu.memory_space<hbm>>
      tpu.wait_dma2 semaphore(%run_scoped3A : memref<!tpu.dma_semaphore, #tpu.memory_space<semaphore_mem>>) src(%dma_wait3A_21 : memref<3136xi32, #tpu.memory_space<hbm>>) dst(%arg8 : memref<3136xi32, #tpu.memory_space<vmem>>)
      tpu.yield
    }) : () -> ()
    %add3A_7 = arith.constant 100352 : i32
    %add3A_8 = arith.addi %add3A_7, %mul3A_2 : i32
    "tpu.region"() ({
      %run_scoped3A = tpu.sem_alloc : memref<!tpu.dma_semaphore, #tpu.memory_space<semaphore_mem>>
      %dma_start3A = tpu.memref_slice %arg4[%add3A_8] : memref<200704xi32, #tpu.memory_space<hbm>> -> memref<3136xi32, #tpu.memory_space<hbm>>
      %dma_start3A_20 = tpu.memref_slice %arg4[%add3A_8] : memref<200704xi32, #tpu.memory_space<hbm>> -> memref<3136xi32, #tpu.memory_space<hbm>>
      tpu.enqueue_dma source(%dma_start3A_20 : memref<3136xi32, #tpu.memory_space<hbm>>) target(%arg9 : memref<3136xi32, #tpu.memory_space<vmem>>) target_semaphore(%run_scoped3A : memref<!tpu.dma_semaphore, #tpu.memory_space<semaphore_mem>>)
      %dma_wait3A = tpu.memref_slice %arg4[%add3A_8] : memref<200704xi32, #tpu.memory_space<hbm>> -> memref<3136xi32, #tpu.memory_space<hbm>>
      %dma_wait3A_21 = tpu.memref_slice %arg4[%add3A_8] : memref<200704xi32, #tpu.memory_space<hbm>> -> memref<3136xi32, #tpu.memory_space<hbm>>
      tpu.wait_dma2 semaphore(%run_scoped3A : memref<!tpu.dma_semaphore, #tpu.memory_space<semaphore_mem>>) src(%dma_wait3A_21 : memref<3136xi32, #tpu.memory_space<hbm>>) dst(%arg9 : memref<3136xi32, #tpu.memory_space<vmem>>)
      tpu.yield
    }) : () -> ()
    "tpu.region"() ({
      %run_scoped3A = tpu.sem_alloc : memref<!tpu.dma_semaphore, #tpu.memory_space<semaphore_mem>>
      %dma_start3A = tpu.memref_slice %arg5[%mul3A_2] : memref<200704xi32, #tpu.memory_space<hbm>> -> memref<3136xi32, #tpu.memory_space<hbm>>
      %dma_start3A_20 = tpu.memref_slice %arg5[%mul3A_2] : memref<200704xi32, #tpu.memory_space<hbm>> -> memref<3136xi32, #tpu.memory_space<hbm>>
      tpu.enqueue_dma source(%dma_start3A_20 : memref<3136xi32, #tpu.memory_space<hbm>>) target(%arg10 : memref<3136xi32, #tpu.memory_space<vmem>>) target_semaphore(%run_scoped3A : memref<!tpu.dma_semaphore, #tpu.memory_space<semaphore_mem>>)
      %dma_wait3A = tpu.memref_slice %arg5[%mul3A_2] : memref<200704xi32, #tpu.memory_space<hbm>> -> memref<3136xi32, #tpu.memory_space<hbm>>
      %dma_wait3A_21 = tpu.memref_slice %arg5[%mul3A_2] : memref<200704xi32, #tpu.memory_space<hbm>> -> memref<3136xi32, #tpu.memory_space<hbm>>
      tpu.wait_dma2 semaphore(%run_scoped3A : memref<!tpu.dma_semaphore, #tpu.memory_space<semaphore_mem>>) src(%dma_wait3A_21 : memref<3136xi32, #tpu.memory_space<hbm>>) dst(%arg10 : memref<3136xi32, #tpu.memory_space<vmem>>)
      tpu.yield
    }) : () -> ()
    %add3A_9 = arith.constant 100352 : i32
    %add3A_10 = arith.addi %add3A_9, %mul3A_2 : i32
    "tpu.region"() ({
      %run_scoped3A = tpu.sem_alloc : memref<!tpu.dma_semaphore, #tpu.memory_space<semaphore_mem>>
      %dma_start3A = tpu.memref_slice %arg5[%add3A_10] : memref<200704xi32, #tpu.memory_space<hbm>> -> memref<3136xi32, #tpu.memory_space<hbm>>
      %dma_start3A_20 = tpu.memref_slice %arg5[%add3A_10] : memref<200704xi32, #tpu.memory_space<hbm>> -> memref<3136xi32, #tpu.memory_space<hbm>>
      tpu.enqueue_dma source(%dma_start3A_20 : memref<3136xi32, #tpu.memory_space<hbm>>) target(%arg11 : memref<3136xi32, #tpu.memory_space<vmem>>) target_semaphore(%run_scoped3A : memref<!tpu.dma_semaphore, #tpu.memory_space<semaphore_mem>>)
      %dma_wait3A = tpu.memref_slice %arg5[%add3A_10] : memref<200704xi32, #tpu.memory_space<hbm>> -> memref<3136xi32, #tpu.memory_space<hbm>>
      %dma_wait3A_21 = tpu.memref_slice %arg5[%add3A_10] : memref<200704xi32, #tpu.memory_space<hbm>> -> memref<3136xi32, #tpu.memory_space<hbm>>
      tpu.wait_dma2 semaphore(%run_scoped3A : memref<!tpu.dma_semaphore, #tpu.memory_space<semaphore_mem>>) src(%dma_wait3A_21 : memref<3136xi32, #tpu.memory_space<hbm>>) dst(%arg11 : memref<3136xi32, #tpu.memory_space<vmem>>)
      tpu.yield
    }) : () -> ()
    %scan3A = arith.constant 0 : i32
    %scan3A_11 = arith.constant 196 : i32
    %scan3A_12 = arith.addi %scan3A, %scan3A_11 : i32
    %scan3A_13 = arith.constant 1 : i32
    scf.for %scan3A_20 = %scan3A to %scan3A_12 step %scan3A_13  : i32 {
      %mul3A_21 = arith.constant 1 : i32
      %mul3A_22 = arith.muli %scan3A_20, %mul3A_21 : i32
      %add3A_23 = arith.constant 0 : i32
      %add3A_24 = arith.addi %add3A_23, %mul3A_22 : i32
      %mul3A_25 = arith.constant 16 : i32
      %mul3A_26 = arith.muli %add3A_24, %mul3A_25 : i32
      %get3A = arith.index_cast %mul3A_26 : i32 to index
      %get3A_27 = tpu.vector_load %arg8[%get3A] {strides = array<i32>} : memref<3136xi32, #tpu.memory_space<vmem>>, vector<16xi32>,
      %get3A_28 = vector.shape_cast %get3A_27 : vector<16xi32> to vector<16xi32>
      %ge3A = arith.constant 25088 : i32
      %ge3A_29 = vector.broadcast %ge3A : i32 to vector<16xi32>
      %ge3A_30 = arith.cmpi sge, %get3A_28, %ge3A_29 : vector<16xi32>
      %sub3A = arith.constant 25088 : i32
      %sub3A_31 = vector.broadcast %sub3A : i32 to vector<16xi32>
      %sub3A_32 = arith.subi %get3A_28, %sub3A_31 : vector<16xi32>
      %mul3A_33 = arith.constant 2 : i32
      %mul3A_34 = vector.broadcast %mul3A_33 : i32 to vector<16xi32>
      %mul3A_35 = arith.muli %mul3A_34, %sub3A_32 : vector<16xi32>
      %add3A_36 = arith.constant 1 : i32
      %add3A_37 = vector.broadcast %add3A_36 : i32 to vector<16xi32>
      %add3A_38 = arith.addi %mul3A_35, %add3A_37 : vector<16xi32>
      %mul3A_39 = arith.constant 2 : i32
      %mul3A_40 = vector.broadcast %mul3A_39 : i32 to vector<16xi32>
      %mul3A_41 = arith.muli %mul3A_40, %get3A_28 : vector<16xi32>
      %select_n3A = arith.select %ge3A_30, %add3A_38, %mul3A_41 : vector<16xi1>, vector<16xi32>
      %swap3A = arith.index_cast %mul3A_26 : i32 to index
      %swap3A_42 = tpu.vector_load %arg8[%swap3A] {strides = array<i32>} : memref<3136xi32, #tpu.memory_space<vmem>>, vector<16xi32>,
      %swap3A_43 = vector.shape_cast %swap3A_42 : vector<16xi32> to vector<16xi32>
      %swap3A_44 = vector.shape_cast %select_n3A : vector<16xi32> to vector<16xi32>
      tpu.vector_store %arg8[%swap3A], %swap3A_44 {strides = array<i32>} : memref<3136xi32, #tpu.memory_space<vmem>>, vector<16xi32>,
      %get3A_45 = arith.index_cast %mul3A_26 : i32 to index
      %get3A_46 = tpu.vector_load %arg9[%get3A_45] {strides = array<i32>} : memref<3136xi32, #tpu.memory_space<vmem>>, vector<16xi32>,
      %get3A_47 = vector.shape_cast %get3A_46 : vector<16xi32> to vector<16xi32>
      %ge3A_48 = arith.constant 25088 : i32
      %ge3A_49 = vector.broadcast %ge3A_48 : i32 to vector<16xi32>
      %ge3A_50 = arith.cmpi sge, %get3A_47, %ge3A_49 : vector<16xi32>
      %sub3A_51 = arith.constant 25088 : i32
      %sub3A_52 = vector.broadcast %sub3A_51 : i32 to vector<16xi32>
      %sub3A_53 = arith.subi %get3A_47, %sub3A_52 : vector<16xi32>
      %mul3A_54 = arith.constant 2 : i32
      %mul3A_55 = vector.broadcast %mul3A_54 : i32 to vector<16xi32>
      %mul3A_56 = arith.muli %mul3A_55, %sub3A_53 : vector<16xi32>
      %add3A_57 = arith.constant 1 : i32
      %add3A_58 = vector.broadcast %add3A_57 : i32 to vector<16xi32>
      %add3A_59 = arith.addi %mul3A_56, %add3A_58 : vector<16xi32>
      %mul3A_60 = arith.constant 2 : i32
      %mul3A_61 = vector.broadcast %mul3A_60 : i32 to vector<16xi32>
      %mul3A_62 = arith.muli %mul3A_61, %get3A_47 : vector<16xi32>
      %select_n3A_63 = arith.select %ge3A_50, %add3A_59, %mul3A_62 : vector<16xi1>, vector<16xi32>
      %swap3A_64 = arith.index_cast %mul3A_26 : i32 to index
      %swap3A_65 = tpu.vector_load %arg9[%swap3A_64] {strides = array<i32>} : memref<3136xi32, #tpu.memory_space<vmem>>, vector<16xi32>,
      %swap3A_66 = vector.shape_cast %swap3A_65 : vector<16xi32> to vector<16xi32>
      %swap3A_67 = vector.shape_cast %select_n3A_63 : vector<16xi32> to vector<16xi32>
      tpu.vector_store %arg9[%swap3A_64], %swap3A_67 {strides = array<i32>} : memref<3136xi32, #tpu.memory_space<vmem>>, vector<16xi32>,
    }
    %scan3A_14 = arith.constant 196 : i32
    %barrier3A = arith.constant 0 : index
    tpu.barrier barrier_id(%barrier3A)
    %scan3A_15 = arith.constant 0 : i32
    %scan3A_16 = arith.constant 14 : i32
    %scan3A_17 = arith.addi %scan3A_15, %scan3A_16 : i32
    %scan3A_18 = arith.constant 1 : i32
    scf.for %scan3A_20 = %scan3A_15 to %scan3A_17 step %scan3A_18  : i32 {
      %mul3A_21 = arith.constant 1 : i32
      %mul3A_22 = arith.muli %scan3A_20, %mul3A_21 : i32
      %add3A_23 = arith.constant 0 : i32
      %add3A_24 = arith.addi %add3A_23, %mul3A_22 : i32
      %mul3A_25 = arith.constant 224 : i32
      %mul3A_26 = arith.muli %add3A_24, %mul3A_25 : i32
      %add3A_27 = arith.addi %mul3A_2, %mul3A_26 : i32
      %mul3A_28 = arith.constant 224 : i32
      %mul3A_29 = arith.muli %add3A_24, %mul3A_28 : i32
      %add3A_30 = arith.constant 0 : i32
      %add3A_31 = arith.addi %mul3A_29, %add3A_30 : i32
      %get3A = arith.index_cast %add3A_31 : i32 to index
      %get3A_32 = tpu.vector_load %arg8[%get3A] {strides = array<i32>} : memref<3136xi32, #tpu.memory_space<vmem>>, vector<16xi32>,
      %get3A_33 = vector.shape_cast %get3A_32 : vector<16xi32> to vector<16xi32>
      %swap3A = arith.constant 0 : index
      %swap3A_34 = tpu.vector_load %arg12[%swap3A] {strides = array<i32>} : memref<224xi32, #tpu.memory_space<vmem>>, vector<16xi32>,
      %swap3A_35 = vector.shape_cast %swap3A_34 : vector<16xi32> to vector<16xi32>
      %swap3A_36 = vector.shape_cast %get3A_33 : vector<16xi32> to vector<16xi32>
      tpu.vector_store %arg12[%swap3A], %swap3A_36 {strides = array<i32>} : memref<224xi32, #tpu.memory_space<vmem>>, vector<16xi32>,
      %get3A_37 = arith.index_cast %add3A_31 : i32 to index
      %get3A_38 = tpu.vector_load %arg9[%get3A_37] {strides = array<i32>} : memref<3136xi32, #tpu.memory_space<vmem>>, vector<16xi32>,
      %get3A_39 = vector.shape_cast %get3A_38 : vector<16xi32> to vector<16xi32>
      %swap3A_40 = arith.constant 0 : index
      %swap3A_41 = tpu.vector_load %arg13[%swap3A_40] {strides = array<i32>} : memref<224xi32, #tpu.memory_space<vmem>>, vector<16xi32>,
      %swap3A_42 = vector.shape_cast %swap3A_41 : vector<16xi32> to vector<16xi32>
      %swap3A_43 = vector.shape_cast %get3A_39 : vector<16xi32> to vector<16xi32>
      tpu.vector_store %arg13[%swap3A_40], %swap3A_43 {strides = array<i32>} : memref<224xi32, #tpu.memory_space<vmem>>, vector<16xi32>,
      %get3A_44 = arith.index_cast %add3A_31 : i32 to index
      %get3A_45 = tpu.vector_load %arg10[%get3A_44] {strides = array<i32>} : memref<3136xi32, #tpu.memory_space<vmem>>, vector<16xi32>,
      %get3A_46 = vector.shape_cast %get3A_45 : vector<16xi32> to vector<16xi32>
      %swap3A_47 = arith.constant 0 : index
      %swap3A_48 = tpu.vector_load %arg14[%swap3A_47] {strides = array<i32>} : memref<224xi32, #tpu.memory_space<vmem>>, vector<16xi32>,
      %swap3A_49 = vector.shape_cast %swap3A_48 : vector<16xi32> to vector<16xi32>
      %swap3A_50 = vector.shape_cast %get3A_46 : vector<16xi32> to vector<16xi32>
      tpu.vector_store %arg14[%swap3A_47], %swap3A_50 {strides = array<i32>} : memref<224xi32, #tpu.memory_space<vmem>>, vector<16xi32>,
      %get3A_51 = arith.index_cast %add3A_31 : i32 to index
      %get3A_52 = tpu.vector_load %arg11[%get3A_51] {strides = array<i32>} : memref<3136xi32, #tpu.memory_space<vmem>>, vector<16xi32>,
      %get3A_53 = vector.shape_cast %get3A_52 : vector<16xi32> to vector<16xi32>
      %swap3A_54 = arith.constant 0 : index
      %swap3A_55 = tpu.vector_load %arg15[%swap3A_54] {strides = array<i32>} : memref<224xi32, #tpu.memory_space<vmem>>, vector<16xi32>,
      %swap3A_56 = vector.shape_cast %swap3A_55 : vector<16xi32> to vector<16xi32>
      %swap3A_57 = vector.shape_cast %get3A_53 : vector<16xi32> to vector<16xi32>
      tpu.vector_store %arg15[%swap3A_54], %swap3A_57 {strides = array<i32>} : memref<224xi32, #tpu.memory_space<vmem>>, vector<16xi32>,
      %add3A_58 = arith.constant 16 : i32
      %add3A_59 = arith.addi %mul3A_29, %add3A_58 : i32
      %get3A_60 = arith.index_cast %add3A_59 : i32 to index
      %get3A_61 = tpu.vector_load %arg8[%get3A_60] {strides = array<i32>} : memref<3136xi32, #tpu.memory_space<vmem>>, vector<16xi32>,
      %get3A_62 = vector.shape_cast %get3A_61 : vector<16xi32> to vector<16xi32>
      %swap3A_63 = arith.constant 16 : index
      %swap3A_64 = tpu.vector_load %arg12[%swap3A_63] {strides = array<i32>} : memref<224xi32, #tpu.memory_space<vmem>>, vector<16xi32>,
      %swap3A_65 = vector.shape_cast %swap3A_64 : vector<16xi32> to vector<16xi32>
      %swap3A_66 = vector.shape_cast %get3A_62 : vector<16xi32> to vector<16xi32>
      tpu.vector_store %arg12[%swap3A_63], %swap3A_66 {strides = array<i32>} : memref<224xi32, #tpu.memory_space<vmem>>, vector<16xi32>,
      %get3A_67 = arith.index_cast %add3A_59 : i32 to index
      %get3A_68 = tpu.vector_load %arg9[%get3A_67] {strides = array<i32>} : memref<3136xi32, #tpu.memory_space<vmem>>, vector<16xi32>,
      %get3A_69 = vector.shape_cast %get3A_68 : vector<16xi32> to vector<16xi32>
      %swap3A_70 = arith.constant 16 : index
      %swap3A_71 = tpu.vector_load %arg13[%swap3A_70] {strides = array<i32>} : memref<224xi32, #tpu.memory_space<vmem>>, vector<16xi32>,
      %swap3A_72 = vector.shape_cast %swap3A_71 : vector<16xi32> to vector<16xi32>
      %swap3A_73 = vector.shape_cast %get3A_69 : vector<16xi32> to vector<16xi32>
      tpu.vector_store %arg13[%swap3A_70], %swap3A_73 {strides = array<i32>} : memref<224xi32, #tpu.memory_space<vmem>>, vector<16xi32>,
      %get3A_74 = arith.index_cast %add3A_59 : i32 to index
      %get3A_75 = tpu.vector_load %arg10[%get3A_74] {strides = array<i32>} : memref<3136xi32, #tpu.memory_space<vmem>>, vector<16xi32>,
      %get3A_76 = vector.shape_cast %get3A_75 : vector<16xi32> to vector<16xi32>
      %swap3A_77 = arith.constant 16 : index
      %swap3A_78 = tpu.vector_load %arg14[%swap3A_77] {strides = array<i32>} : memref<224xi32, #tpu.memory_space<vmem>>, vector<16xi32>,
      %swap3A_79 = vector.shape_cast %swap3A_78 : vector<16xi32> to vector<16xi32>
      %swap3A_80 = vector.shape_cast %get3A_76 : vector<16xi32> to vector<16xi32>
      tpu.vector_store %arg14[%swap3A_77], %swap3A_80 {strides = array<i32>} : memref<224xi32, #tpu.memory_space<vmem>>, vector<16xi32>,
      %get3A_81 = arith.index_cast %add3A_59 : i32 to index
      %get3A_82 = tpu.vector_load %arg11[%get3A_81] {strides = array<i32>} : memref<3136xi32, #tpu.memory_space<vmem>>, vector<16xi32>,
      %get3A_83 = vector.shape_cast %get3A_82 : vector<16xi32> to vector<16xi32>
      %swap3A_84 = arith.constant 16 : index
      %swap3A_85 = tpu.vector_load %arg15[%swap3A_84] {strides = array<i32>} : memref<224xi32, #tpu.memory_space<vmem>>, vector<16xi32>,
      %swap3A_86 = vector.shape_cast %swap3A_85 : vector<16xi32> to vector<16xi32>
      %swap3A_87 = vector.shape_cast %get3A_83 : vector<16xi32> to vector<16xi32>
      tpu.vector_store %arg15[%swap3A_84], %swap3A_87 {strides = array<i32>} : memref<224xi32, #tpu.memory_space<vmem>>, vector<16xi32>,
      %add3A_88 = arith.constant 32 : i32
      %add3A_89 = arith.addi %mul3A_29, %add3A_88 : i32
      %get3A_90 = arith.index_cast %add3A_89 : i32 to index
      %get3A_91 = tpu.vector_load %arg8[%get3A_90] {strides = array<i32>} : memref<3136xi32, #tpu.memory_space<vmem>>, vector<16xi32>,
      %get3A_92 = vector.shape_cast %get3A_91 : vector<16xi32> to vector<16xi32>
      %swap3A_93 = arith.constant 32 : index
      %swap3A_94 = tpu.vector_load %arg12[%swap3A_93] {strides = array<i32>} : memref<224xi32, #tpu.memory_space<vmem>>, vector<16xi32>,
      %swap3A_95 = vector.shape_cast %swap3A_94 : vector<16xi32> to vector<16xi32>
      %swap3A_96 = vector.shape_cast %get3A_92 : vector<16xi32> to vector<16xi32>
      tpu.vector_store %arg12[%swap3A_93], %swap3A_96 {strides = array<i32>} : memref<224xi32, #tpu.memory_space<vmem>>, vector<16xi32>,
      %get3A_97 = arith.index_cast %add3A_89 : i32 to index
      %get3A_98 = tpu.vector_load %arg9[%get3A_97] {strides = array<i32>} : memref<3136xi32, #tpu.memory_space<vmem>>, vector<16xi32>,
      %get3A_99 = vector.shape_cast %get3A_98 : vector<16xi32> to vector<16xi32>
      %swap3A_100 = arith.constant 32 : index
      %swap3A_101 = tpu.vector_load %arg13[%swap3A_100] {strides = array<i32>} : memref<224xi32, #tpu.memory_space<vmem>>, vector<16xi32>,
      %swap3A_102 = vector.shape_cast %swap3A_101 : vector<16xi32> to vector<16xi32>
      %swap3A_103 = vector.shape_cast %get3A_99 : vector<16xi32> to vector<16xi32>
      tpu.vector_store %arg13[%swap3A_100], %swap3A_103 {strides = array<i32>} : memref<224xi32, #tpu.memory_space<vmem>>, vector<16xi32>,
      %get3A_104 = arith.index_cast %add3A_89 : i32 to index
      %get3A_105 = tpu.vector_load %arg10[%get3A_104] {strides = array<i32>} : memref<3136xi32, #tpu.memory_space<vmem>>, vector<16xi32>,
      %get3A_106 = vector.shape_cast %get3A_105 : vector<16xi32> to vector<16xi32>
      %swap3A_107 = arith.constant 32 : index
      %swap3A_108 = tpu.vector_load %arg14[%swap3A_107] {strides = array<i32>} : memref<224xi32, #tpu.memory_space<vmem>>, vector<16xi32>,
      %swap3A_109 = vector.shape_cast %swap3A_108 : vector<16xi32> to vector<16xi32>
      %swap3A_110 = vector.shape_cast %get3A_106 : vector<16xi32> to vector<16xi32>
      tpu.vector_store %arg14[%swap3A_107], %swap3A_110 {strides = array<i32>} : memref<224xi32, #tpu.memory_space<vmem>>, vector<16xi32>,
      %get3A_111 = arith.index_cast %add3A_89 : i32 to index
      %get3A_112 = tpu.vector_load %arg11[%get3A_111] {strides = array<i32>} : memref<3136xi32, #tpu.memory_space<vmem>>, vector<16xi32>,
      %get3A_113 = vector.shape_cast %get3A_112 : vector<16xi32> to vector<16xi32>
      %swap3A_114 = arith.constant 32 : index
      %swap3A_115 = tpu.vector_load %arg15[%swap3A_114] {strides = array<i32>} : memref<224xi32, #tpu.memory_space<vmem>>, vector<16xi32>,
      %swap3A_116 = vector.shape_cast %swap3A_115 : vector<16xi32> to vector<16xi32>
      %swap3A_117 = vector.shape_cast %get3A_113 : vector<16xi32> to vector<16xi32>
      tpu.vector_store %arg15[%swap3A_114], %swap3A_117 {strides = array<i32>} : memref<224xi32, #tpu.memory_space<vmem>>, vector<16xi32>,
      %add3A_118 = arith.constant 48 : i32
      %add3A_119 = arith.addi %mul3A_29, %add3A_118 : i32
      %get3A_120 = arith.index_cast %add3A_119 : i32 to index
      %get3A_121 = tpu.vector_load %arg8[%get3A_120] {strides = array<i32>} : memref<3136xi32, #tpu.memory_space<vmem>>, vector<16xi32>,
      %get3A_122 = vector.shape_cast %get3A_121 : vector<16xi32> to vector<16xi32>
      %swap3A_123 = arith.constant 48 : index
      %swap3A_124 = tpu.vector_load %arg12[%swap3A_123] {strides = array<i32>} : memref<224xi32, #tpu.memory_space<vmem>>, vector<16xi32>,
      %swap3A_125 = vector.shape_cast %swap3A_124 : vector<16xi32> to vector<16xi32>
      %swap3A_126 = vector.shape_cast %get3A_122 : vector<16xi32> to vector<16xi32>
      tpu.vector_store %arg12[%swap3A_123], %swap3A_126 {strides = array<i32>} : memref<224xi32, #tpu.memory_space<vmem>>, vector<16xi32>,
      %get3A_127 = arith.index_cast %add3A_119 : i32 to index
      %get3A_128 = tpu.vector_load %arg9[%get3A_127] {strides = array<i32>} : memref<3136xi32, #tpu.memory_space<vmem>>, vector<16xi32>,
      %get3A_129 = vector.shape_cast %get3A_128 : vector<16xi32> to vector<16xi32>
      %swap3A_130 = arith.constant 48 : index
      %swap3A_131 = tpu.vector_load %arg13[%swap3A_130] {strides = array<i32>} : memref<224xi32, #tpu.memory_space<vmem>>, vector<16xi32>,
      %swap3A_132 = vector.shape_cast %swap3A_131 : vector<16xi32> to vector<16xi32>
      %swap3A_133 = vector.shape_cast %get3A_129 : vector<16xi32> to vector<16xi32>
      tpu.vector_store %arg13[%swap3A_130], %swap3A_133 {strides = array<i32>} : memref<224xi32, #tpu.memory_space<vmem>>, vector<16xi32>,
      %get3A_134 = arith.index_cast %add3A_119 : i32 to index
      %get3A_135 = tpu.vector_load %arg10[%get3A_134] {strides = array<i32>} : memref<3136xi32, #tpu.memory_space<vmem>>, vector<16xi32>,
      %get3A_136 = vector.shape_cast %get3A_135 : vector<16xi32> to vector<16xi32>
      %swap3A_137 = arith.constant 48 : index
      %swap3A_138 = tpu.vector_load %arg14[%swap3A_137] {strides = array<i32>} : memref<224xi32, #tpu.memory_space<vmem>>, vector<16xi32>,
      %swap3A_139 = vector.shape_cast %swap3A_138 : vector<16xi32> to vector<16xi32>
      %swap3A_140 = vector.shape_cast %get3A_136 : vector<16xi32> to vector<16xi32>
      tpu.vector_store %arg14[%swap3A_137], %swap3A_140 {strides = array<i32>} : memref<224xi32, #tpu.memory_space<vmem>>, vector<16xi32>,
      %get3A_141 = arith.index_cast %add3A_119 : i32 to index
      %get3A_142 = tpu.vector_load %arg11[%get3A_141] {strides = array<i32>} : memref<3136xi32, #tpu.memory_space<vmem>>, vector<16xi32>,
      %get3A_143 = vector.shape_cast %get3A_142 : vector<16xi32> to vector<16xi32>
      %swap3A_144 = arith.constant 48 : index
      %swap3A_145 = tpu.vector_load %arg15[%swap3A_144] {strides = array<i32>} : memref<224xi32, #tpu.memory_space<vmem>>, vector<16xi32>,
      %swap3A_146 = vector.shape_cast %swap3A_145 : vector<16xi32> to vector<16xi32>
      %swap3A_147 = vector.shape_cast %get3A_143 : vector<16xi32> to vector<16xi32>
      tpu.vector_store %arg15[%swap3A_144], %swap3A_147 {strides = array<i32>} : memref<224xi32, #tpu.memory_space<vmem>>, vector<16xi32>,
      %add3A_148 = arith.constant 64 : i32
      %add3A_149 = arith.addi %mul3A_29, %add3A_148 : i32
      %get3A_150 = arith.index_cast %add3A_149 : i32 to index
      %get3A_151 = tpu.vector_load %arg8[%get3A_150] {strides = array<i32>} : memref<3136xi32, #tpu.memory_space<vmem>>, vector<16xi32>,
      %get3A_152 = vector.shape_cast %get3A_151 : vector<16xi32> to vector<16xi32>
      %swap3A_153 = arith.constant 64 : index
      %swap3A_154 = tpu.vector_load %arg12[%swap3A_153] {strides = array<i32>} : memref<224xi32, #tpu.memory_space<vmem>>, vector<16xi32>,
      %swap3A_155 = vector.shape_cast %swap3A_154 : vector<16xi32> to vector<16xi32>
      %swap3A_156 = vector.shape_cast %get3A_152 : vector<16xi32> to vector<16xi32>
      tpu.vector_store %arg12[%swap3A_153], %swap3A_156 {strides = array<i32>} : memref<224xi32, #tpu.memory_space<vmem>>, vector<16xi32>,
      %get3A_157 = arith.index_cast %add3A_149 : i32 to index
      %get3A_158 = tpu.vector_load %arg9[%get3A_157] {strides = array<i32>} : memref<3136xi32, #tpu.memory_space<vmem>>, vector<16xi32>,
      %get3A_159 = vector.shape_cast %get3A_158 : vector<16xi32> to vector<16xi32>
      %swap3A_160 = arith.constant 64 : index
      %swap3A_161 = tpu.vector_load %arg13[%swap3A_160] {strides = array<i32>} : memref<224xi32, #tpu.memory_space<vmem>>, vector<16xi32>,
      %swap3A_162 = vector.shape_cast %swap3A_161 : vector<16xi32> to vector<16xi32>
      %swap3A_163 = vector.shape_cast %get3A_159 : vector<16xi32> to vector<16xi32>
      tpu.vector_store %arg13[%swap3A_160], %swap3A_163 {strides = array<i32>} : memref<224xi32, #tpu.memory_space<vmem>>, vector<16xi32>,
      %get3A_164 = arith.index_cast %add3A_149 : i32 to index
      %get3A_165 = tpu.vector_load %arg10[%get3A_164] {strides = array<i32>} : memref<3136xi32, #tpu.memory_space<vmem>>, vector<16xi32>,
      %get3A_166 = vector.shape_cast %get3A_165 : vector<16xi32> to vector<16xi32>
      %swap3A_167 = arith.constant 64 : index
      %swap3A_168 = tpu.vector_load %arg14[%swap3A_167] {strides = array<i32>} : memref<224xi32, #tpu.memory_space<vmem>>, vector<16xi32>,
      %swap3A_169 = vector.shape_cast %swap3A_168 : vector<16xi32> to vector<16xi32>
      %swap3A_170 = vector.shape_cast %get3A_166 : vector<16xi32> to vector<16xi32>
      tpu.vector_store %arg14[%swap3A_167], %swap3A_170 {strides = array<i32>} : memref<224xi32, #tpu.memory_space<vmem>>, vector<16xi32>,
      %get3A_171 = arith.index_cast %add3A_149 : i32 to index
      %get3A_172 = tpu.vector_load %arg11[%get3A_171] {strides = array<i32>} : memref<3136xi32, #tpu.memory_space<vmem>>, vector<16xi32>,
      %get3A_173 = vector.shape_cast %get3A_172 : vector<16xi32> to vector<16xi32>
      %swap3A_174 = arith.constant 64 : index
      %swap3A_175 = tpu.vector_load %arg15[%swap3A_174] {strides = array<i32>} : memref<224xi32, #tpu.memory_space<vmem>>, vector<16xi32>,
      %swap3A_176 = vector.shape_cast %swap3A_175 : vector<16xi32> to vector<16xi32>
      %swap3A_177 = vector.shape_cast %get3A_173 : vector<16xi32> to vector<16xi32>
      tpu.vector_store %arg15[%swap3A_174], %swap3A_177 {strides = array<i32>} : memref<224xi32, #tpu.memory_space<vmem>>, vector<16xi32>,
      %add3A_178 = arith.constant 80 : i32
      %add3A_179 = arith.addi %mul3A_29, %add3A_178 : i32
      %get3A_180 = arith.index_cast %add3A_179 : i32 to index
      %get3A_181 = tpu.vector_load %arg8[%get3A_180] {strides = array<i32>} : memref<3136xi32, #tpu.memory_space<vmem>>, vector<16xi32>,
      %get3A_182 = vector.shape_cast %get3A_181 : vector<16xi32> to vector<16xi32>
      %swap3A_183 = arith.constant 80 : index
      %swap3A_184 = tpu.vector_load %arg12[%swap3A_183] {strides = array<i32>} : memref<224xi32, #tpu.memory_space<vmem>>, vector<16xi32>,
      %swap3A_185 = vector.shape_cast %swap3A_184 : vector<16xi32> to vector<16xi32>
      %swap3A_186 = vector.shape_cast %get3A_182 : vector<16xi32> to vector<16xi32>
      tpu.vector_store %arg12[%swap3A_183], %swap3A_186 {strides = array<i32>} : memref<224xi32, #tpu.memory_space<vmem>>, vector<16xi32>,
      %get3A_187 = arith.index_cast %add3A_179 : i32 to index
      %get3A_188 = tpu.vector_load %arg9[%get3A_187] {strides = array<i32>} : memref<3136xi32, #tpu.memory_space<vmem>>, vector<16xi32>,
      %get3A_189 = vector.shape_cast %get3A_188 : vector<16xi32> to vector<16xi32>
      %swap3A_190 = arith.constant 80 : index
      %swap3A_191 = tpu.vector_load %arg13[%swap3A_190] {strides = array<i32>} : memref<224xi32, #tpu.memory_space<vmem>>, vector<16xi32>,
      %swap3A_192 = vector.shape_cast %swap3A_191 : vector<16xi32> to vector<16xi32>
      %swap3A_193 = vector.shape_cast %get3A_189 : vector<16xi32> to vector<16xi32>
      tpu.vector_store %arg13[%swap3A_190], %swap3A_193 {strides = array<i32>} : memref<224xi32, #tpu.memory_space<vmem>>, vector<16xi32>,
      %get3A_194 = arith.index_cast %add3A_179 : i32 to index
      %get3A_195 = tpu.vector_load %arg10[%get3A_194] {strides = array<i32>} : memref<3136xi32, #tpu.memory_space<vmem>>, vector<16xi32>,
      %get3A_196 = vector.shape_cast %get3A_195 : vector<16xi32> to vector<16xi32>
      %swap3A_197 = arith.constant 80 : index
      %swap3A_198 = tpu.vector_load %arg14[%swap3A_197] {strides = array<i32>} : memref<224xi32, #tpu.memory_space<vmem>>, vector<16xi32>,
      %swap3A_199 = vector.shape_cast %swap3A_198 : vector<16xi32> to vector<16xi32>
      %swap3A_200 = vector.shape_cast %get3A_196 : vector<16xi32> to vector<16xi32>
      tpu.vector_store %arg14[%swap3A_197], %swap3A_200 {strides = array<i32>} : memref<224xi32, #tpu.memory_space<vmem>>, vector<16xi32>,
      %get3A_201 = arith.index_cast %add3A_179 : i32 to index
      %get3A_202 = tpu.vector_load %arg11[%get3A_201] {strides = array<i32>} : memref<3136xi32, #tpu.memory_space<vmem>>, vector<16xi32>,
      %get3A_203 = vector.shape_cast %get3A_202 : vector<16xi32> to vector<16xi32>
      %swap3A_204 = arith.constant 80 : index
      %swap3A_205 = tpu.vector_load %arg15[%swap3A_204] {strides = array<i32>} : memref<224xi32, #tpu.memory_space<vmem>>, vector<16xi32>,
      %swap3A_206 = vector.shape_cast %swap3A_205 : vector<16xi32> to vector<16xi32>
      %swap3A_207 = vector.shape_cast %get3A_203 : vector<16xi32> to vector<16xi32>
      tpu.vector_store %arg15[%swap3A_204], %swap3A_207 {strides = array<i32>} : memref<224xi32, #tpu.memory_space<vmem>>, vector<16xi32>,
      %add3A_208 = arith.constant 96 : i32
      %add3A_209 = arith.addi %mul3A_29, %add3A_208 : i32
      %get3A_210 = arith.index_cast %add3A_209 : i32 to index
      %get3A_211 = tpu.vector_load %arg8[%get3A_210] {strides = array<i32>} : memref<3136xi32, #tpu.memory_space<vmem>>, vector<16xi32>,
      %get3A_212 = vector.shape_cast %get3A_211 : vector<16xi32> to vector<16xi32>
      %swap3A_213 = arith.constant 96 : index
      %swap3A_214 = tpu.vector_load %arg12[%swap3A_213] {strides = array<i32>} : memref<224xi32, #tpu.memory_space<vmem>>, vector<16xi32>,
      %swap3A_215 = vector.shape_cast %swap3A_214 : vector<16xi32> to vector<16xi32>
      %swap3A_216 = vector.shape_cast %get3A_212 : vector<16xi32> to vector<16xi32>
      tpu.vector_store %arg12[%swap3A_213], %swap3A_216 {strides = array<i32>} : memref<224xi32, #tpu.memory_space<vmem>>, vector<16xi32>,
      %get3A_217 = arith.index_cast %add3A_209 : i32 to index
      %get3A_218 = tpu.vector_load %arg9[%get3A_217] {strides = array<i32>} : memref<3136xi32, #tpu.memory_space<vmem>>, vector<16xi32>,
      %get3A_219 = vector.shape_cast %get3A_218 : vector<16xi32> to vector<16xi32>
      %swap3A_220 = arith.constant 96 : index
      %swap3A_221 = tpu.vector_load %arg13[%swap3A_220] {strides = array<i32>} : memref<224xi32, #tpu.memory_space<vmem>>, vector<16xi32>,
      %swap3A_222 = vector.shape_cast %swap3A_221 : vector<16xi32> to vector<16xi32>
      %swap3A_223 = vector.shape_cast %get3A_219 : vector<16xi32> to vector<16xi32>
      tpu.vector_store %arg13[%swap3A_220], %swap3A_223 {strides = array<i32>} : memref<224xi32, #tpu.memory_space<vmem>>, vector<16xi32>,
      %get3A_224 = arith.index_cast %add3A_209 : i32 to index
      %get3A_225 = tpu.vector_load %arg10[%get3A_224] {strides = array<i32>} : memref<3136xi32, #tpu.memory_space<vmem>>, vector<16xi32>,
      %get3A_226 = vector.shape_cast %get3A_225 : vector<16xi32> to vector<16xi32>
      %swap3A_227 = arith.constant 96 : index
      %swap3A_228 = tpu.vector_load %arg14[%swap3A_227] {strides = array<i32>} : memref<224xi32, #tpu.memory_space<vmem>>, vector<16xi32>,
      %swap3A_229 = vector.shape_cast %swap3A_228 : vector<16xi32> to vector<16xi32>
      %swap3A_230 = vector.shape_cast %get3A_226 : vector<16xi32> to vector<16xi32>
      tpu.vector_store %arg14[%swap3A_227], %swap3A_230 {strides = array<i32>} : memref<224xi32, #tpu.memory_space<vmem>>, vector<16xi32>,
      %get3A_231 = arith.index_cast %add3A_209 : i32 to index
      %get3A_232 = tpu.vector_load %arg11[%get3A_231] {strides = array<i32>} : memref<3136xi32, #tpu.memory_space<vmem>>, vector<16xi32>,
      %get3A_233 = vector.shape_cast %get3A_232 : vector<16xi32> to vector<16xi32>
      %swap3A_234 = arith.constant 96 : index
      %swap3A_235 = tpu.vector_load %arg15[%swap3A_234] {strides = array<i32>} : memref<224xi32, #tpu.memory_space<vmem>>, vector<16xi32>,
      %swap3A_236 = vector.shape_cast %swap3A_235 : vector<16xi32> to vector<16xi32>
      %swap3A_237 = vector.shape_cast %get3A_233 : vector<16xi32> to vector<16xi32>
      tpu.vector_store %arg15[%swap3A_234], %swap3A_237 {strides = array<i32>} : memref<224xi32, #tpu.memory_space<vmem>>, vector<16xi32>,
      %add3A_238 = arith.constant 112 : i32
      %add3A_239 = arith.addi %mul3A_29, %add3A_238 : i32
      %get3A_240 = arith.index_cast %add3A_239 : i32 to index
      %get3A_241 = tpu.vector_load %arg8[%get3A_240] {strides = array<i32>} : memref<3136xi32, #tpu.memory_space<vmem>>, vector<16xi32>,
      %get3A_242 = vector.shape_cast %get3A_241 : vector<16xi32> to vector<16xi32>
      %swap3A_243 = arith.constant 112 : index
      %swap3A_244 = tpu.vector_load %arg12[%swap3A_243] {strides = array<i32>} : memref<224xi32, #tpu.memory_space<vmem>>, vector<16xi32>,
      %swap3A_245 = vector.shape_cast %swap3A_244 : vector<16xi32> to vector<16xi32>
      %swap3A_246 = vector.shape_cast %get3A_242 : vector<16xi32> to vector<16xi32>
      tpu.vector_store %arg12[%swap3A_243], %swap3A_246 {strides = array<i32>} : memref<224xi32, #tpu.memory_space<vmem>>, vector<16xi32>,
      %get3A_247 = arith.index_cast %add3A_239 : i32 to index
      %get3A_248 = tpu.vector_load %arg9[%get3A_247] {strides = array<i32>} : memref<3136xi32, #tpu.memory_space<vmem>>, vector<16xi32>,
      %get3A_249 = vector.shape_cast %get3A_248 : vector<16xi32> to vector<16xi32>
      %swap3A_250 = arith.constant 112 : index
      %swap3A_251 = tpu.vector_load %arg13[%swap3A_250] {strides = array<i32>} : memref<224xi32, #tpu.memory_space<vmem>>, vector<16xi32>,
      %swap3A_252 = vector.shape_cast %swap3A_251 : vector<16xi32> to vector<16xi32>
      %swap3A_253 = vector.shape_cast %get3A_249 : vector<16xi32> to vector<16xi32>
      tpu.vector_store %arg13[%swap3A_250], %swap3A_253 {strides = array<i32>} : memref<224xi32, #tpu.memory_space<vmem>>, vector<16xi32>,
      %get3A_254 = arith.index_cast %add3A_239 : i32 to index
      %get3A_255 = tpu.vector_load %arg10[%get3A_254] {strides = array<i32>} : memref<3136xi32, #tpu.memory_space<vmem>>, vector<16xi32>,
      %get3A_256 = vector.shape_cast %get3A_255 : vector<16xi32> to vector<16xi32>
      %swap3A_257 = arith.constant 112 : index
      %swap3A_258 = tpu.vector_load %arg14[%swap3A_257] {strides = array<i32>} : memref<224xi32, #tpu.memory_space<vmem>>, vector<16xi32>,
      %swap3A_259 = vector.shape_cast %swap3A_258 : vector<16xi32> to vector<16xi32>
      %swap3A_260 = vector.shape_cast %get3A_256 : vector<16xi32> to vector<16xi32>
      tpu.vector_store %arg14[%swap3A_257], %swap3A_260 {strides = array<i32>} : memref<224xi32, #tpu.memory_space<vmem>>, vector<16xi32>,
      %get3A_261 = arith.index_cast %add3A_239 : i32 to index
      %get3A_262 = tpu.vector_load %arg11[%get3A_261] {strides = array<i32>} : memref<3136xi32, #tpu.memory_space<vmem>>, vector<16xi32>,
      %get3A_263 = vector.shape_cast %get3A_262 : vector<16xi32> to vector<16xi32>
      %swap3A_264 = arith.constant 112 : index
      %swap3A_265 = tpu.vector_load %arg15[%swap3A_264] {strides = array<i32>} : memref<224xi32, #tpu.memory_space<vmem>>, vector<16xi32>,
      %swap3A_266 = vector.shape_cast %swap3A_265 : vector<16xi32> to vector<16xi32>
      %swap3A_267 = vector.shape_cast %get3A_263 : vector<16xi32> to vector<16xi32>
      tpu.vector_store %arg15[%swap3A_264], %swap3A_267 {strides = array<i32>} : memref<224xi32, #tpu.memory_space<vmem>>, vector<16xi32>,
      %add3A_268 = arith.constant 128 : i32
      %add3A_269 = arith.addi %mul3A_29, %add3A_268 : i32
      %get3A_270 = arith.index_cast %add3A_269 : i32 to index
      %get3A_271 = tpu.vector_load %arg8[%get3A_270] {strides = array<i32>} : memref<3136xi32, #tpu.memory_space<vmem>>, vector<16xi32>,
      %get3A_272 = vector.shape_cast %get3A_271 : vector<16xi32> to vector<16xi32>
      %swap3A_273 = arith.constant 128 : index
      %swap3A_274 = tpu.vector_load %arg12[%swap3A_273] {strides = array<i32>} : memref<224xi32, #tpu.memory_space<vmem>>, vector<16xi32>,
      %swap3A_275 = vector.shape_cast %swap3A_274 : vector<16xi32> to vector<16xi32>
      %swap3A_276 = vector.shape_cast %get3A_272 : vector<16xi32> to vector<16xi32>
      tpu.vector_store %arg12[%swap3A_273], %swap3A_276 {strides = array<i32>} : memref<224xi32, #tpu.memory_space<vmem>>, vector<16xi32>,
      %get3A_277 = arith.index_cast %add3A_269 : i32 to index
      %get3A_278 = tpu.vector_load %arg9[%get3A_277] {strides = array<i32>} : memref<3136xi32, #tpu.memory_space<vmem>>, vector<16xi32>,
      %get3A_279 = vector.shape_cast %get3A_278 : vector<16xi32> to vector<16xi32>
      %swap3A_280 = arith.constant 128 : index
      %swap3A_281 = tpu.vector_load %arg13[%swap3A_280] {strides = array<i32>} : memref<224xi32, #tpu.memory_space<vmem>>, vector<16xi32>,
      %swap3A_282 = vector.shape_cast %swap3A_281 : vector<16xi32> to vector<16xi32>
      %swap3A_283 = vector.shape_cast %get3A_279 : vector<16xi32> to vector<16xi32>
      tpu.vector_store %arg13[%swap3A_280], %swap3A_283 {strides = array<i32>} : memref<224xi32, #tpu.memory_space<vmem>>, vector<16xi32>,
      %get3A_284 = arith.index_cast %add3A_269 : i32 to index
      %get3A_285 = tpu.vector_load %arg10[%get3A_284] {strides = array<i32>} : memref<3136xi32, #tpu.memory_space<vmem>>, vector<16xi32>,
      %get3A_286 = vector.shape_cast %get3A_285 : vector<16xi32> to vector<16xi32>
      %swap3A_287 = arith.constant 128 : index
      %swap3A_288 = tpu.vector_load %arg14[%swap3A_287] {strides = array<i32>} : memref<224xi32, #tpu.memory_space<vmem>>, vector<16xi32>,
      %swap3A_289 = vector.shape_cast %swap3A_288 : vector<16xi32> to vector<16xi32>
      %swap3A_290 = vector.shape_cast %get3A_286 : vector<16xi32> to vector<16xi32>
      tpu.vector_store %arg14[%swap3A_287], %swap3A_290 {strides = array<i32>} : memref<224xi32, #tpu.memory_space<vmem>>, vector<16xi32>,
      %get3A_291 = arith.index_cast %add3A_269 : i32 to index
      %get3A_292 = tpu.vector_load %arg11[%get3A_291] {strides = array<i32>} : memref<3136xi32, #tpu.memory_space<vmem>>, vector<16xi32>,
      %get3A_293 = vector.shape_cast %get3A_292 : vector<16xi32> to vector<16xi32>
      %swap3A_294 = arith.constant 128 : index
      %swap3A_295 = tpu.vector_load %arg15[%swap3A_294] {strides = array<i32>} : memref<224xi32, #tpu.memory_space<vmem>>, vector<16xi32>,
      %swap3A_296 = vector.shape_cast %swap3A_295 : vector<16xi32> to vector<16xi32>
      %swap3A_297 = vector.shape_cast %get3A_293 : vector<16xi32> to vector<16xi32>
      tpu.vector_store %arg15[%swap3A_294], %swap3A_297 {strides = array<i32>} : memref<224xi32, #tpu.memory_space<vmem>>, vector<16xi32>,
      %add3A_298 = arith.constant 144 : i32
      %add3A_299 = arith.addi %mul3A_29, %add3A_298 : i32
      %get3A_300 = arith.index_cast %add3A_299 : i32 to index
      %get3A_301 = tpu.vector_load %arg8[%get3A_300] {strides = array<i32>} : memref<3136xi32, #tpu.memory_space<vmem>>, vector<16xi32>,
      %get3A_302 = vector.shape_cast %get3A_301 : vector<16xi32> to vector<16xi32>
      %swap3A_303 = arith.constant 144 : index
      %swap3A_304 = tpu.vector_load %arg12[%swap3A_303] {strides = array<i32>} : memref<224xi32, #tpu.memory_space<vmem>>, vector<16xi32>,
      %swap3A_305 = vector.shape_cast %swap3A_304 : vector<16xi32> to vector<16xi32>
      %swap3A_306 = vector.shape_cast %get3A_302 : vector<16xi32> to vector<16xi32>
      tpu.vector_store %arg12[%swap3A_303], %swap3A_306 {strides = array<i32>} : memref<224xi32, #tpu.memory_space<vmem>>, vector<16xi32>,
      %get3A_307 = arith.index_cast %add3A_299 : i32 to index
      %get3A_308 = tpu.vector_load %arg9[%get3A_307] {strides = array<i32>} : memref<3136xi32, #tpu.memory_space<vmem>>, vector<16xi32>,
      %get3A_309 = vector.shape_cast %get3A_308 : vector<16xi32> to vector<16xi32>
      %swap3A_310 = arith.constant 144 : index
      %swap3A_311 = tpu.vector_load %arg13[%swap3A_310] {strides = array<i32>} : memref<224xi32, #tpu.memory_space<vmem>>, vector<16xi32>,
      %swap3A_312 = vector.shape_cast %swap3A_311 : vector<16xi32> to vector<16xi32>
      %swap3A_313 = vector.shape_cast %get3A_309 : vector<16xi32> to vector<16xi32>
      tpu.vector_store %arg13[%swap3A_310], %swap3A_313 {strides = array<i32>} : memref<224xi32, #tpu.memory_space<vmem>>, vector<16xi32>,
      %get3A_314 = arith.index_cast %add3A_299 : i32 to index
      %get3A_315 = tpu.vector_load %arg10[%get3A_314] {strides = array<i32>} : memref<3136xi32, #tpu.memory_space<vmem>>, vector<16xi32>,
      %get3A_316 = vector.shape_cast %get3A_315 : vector<16xi32> to vector<16xi32>
      %swap3A_317 = arith.constant 144 : index
      %swap3A_318 = tpu.vector_load %arg14[%swap3A_317] {strides = array<i32>} : memref<224xi32, #tpu.memory_space<vmem>>, vector<16xi32>,
      %swap3A_319 = vector.shape_cast %swap3A_318 : vector<16xi32> to vector<16xi32>
      %swap3A_320 = vector.shape_cast %get3A_316 : vector<16xi32> to vector<16xi32>
      tpu.vector_store %arg14[%swap3A_317], %swap3A_320 {strides = array<i32>} : memref<224xi32, #tpu.memory_space<vmem>>, vector<16xi32>,
      %get3A_321 = arith.index_cast %add3A_299 : i32 to index
      %get3A_322 = tpu.vector_load %arg11[%get3A_321] {strides = array<i32>} : memref<3136xi32, #tpu.memory_space<vmem>>, vector<16xi32>,
      %get3A_323 = vector.shape_cast %get3A_322 : vector<16xi32> to vector<16xi32>
      %swap3A_324 = arith.constant 144 : index
      %swap3A_325 = tpu.vector_load %arg15[%swap3A_324] {strides = array<i32>} : memref<224xi32, #tpu.memory_space<vmem>>, vector<16xi32>,
      %swap3A_326 = vector.shape_cast %swap3A_325 : vector<16xi32> to vector<16xi32>
      %swap3A_327 = vector.shape_cast %get3A_323 : vector<16xi32> to vector<16xi32>
      tpu.vector_store %arg15[%swap3A_324], %swap3A_327 {strides = array<i32>} : memref<224xi32, #tpu.memory_space<vmem>>, vector<16xi32>,
      %add3A_328 = arith.constant 160 : i32
      %add3A_329 = arith.addi %mul3A_29, %add3A_328 : i32
      %get3A_330 = arith.index_cast %add3A_329 : i32 to index
      %get3A_331 = tpu.vector_load %arg8[%get3A_330] {strides = array<i32>} : memref<3136xi32, #tpu.memory_space<vmem>>, vector<16xi32>,
      %get3A_332 = vector.shape_cast %get3A_331 : vector<16xi32> to vector<16xi32>
      %swap3A_333 = arith.constant 160 : index
      %swap3A_334 = tpu.vector_load %arg12[%swap3A_333] {strides = array<i32>} : memref<224xi32, #tpu.memory_space<vmem>>, vector<16xi32>,
      %swap3A_335 = vector.shape_cast %swap3A_334 : vector<16xi32> to vector<16xi32>
      %swap3A_336 = vector.shape_cast %get3A_332 : vector<16xi32> to vector<16xi32>
      tpu.vector_store %arg12[%swap3A_333], %swap3A_336 {strides = array<i32>} : memref<224xi32, #tpu.memory_space<vmem>>, vector<16xi32>,
      %get3A_337 = arith.index_cast %add3A_329 : i32 to index
      %get3A_338 = tpu.vector_load %arg9[%get3A_337] {strides = array<i32>} : memref<3136xi32, #tpu.memory_space<vmem>>, vector<16xi32>,
      %get3A_339 = vector.shape_cast %get3A_338 : vector<16xi32> to vector<16xi32>
      %swap3A_340 = arith.constant 160 : index
      %swap3A_341 = tpu.vector_load %arg13[%swap3A_340] {strides = array<i32>} : memref<224xi32, #tpu.memory_space<vmem>>, vector<16xi32>,
      %swap3A_342 = vector.shape_cast %swap3A_341 : vector<16xi32> to vector<16xi32>
      %swap3A_343 = vector.shape_cast %get3A_339 : vector<16xi32> to vector<16xi32>
      tpu.vector_store %arg13[%swap3A_340], %swap3A_343 {strides = array<i32>} : memref<224xi32, #tpu.memory_space<vmem>>, vector<16xi32>,
      %get3A_344 = arith.index_cast %add3A_329 : i32 to index
      %get3A_345 = tpu.vector_load %arg10[%get3A_344] {strides = array<i32>} : memref<3136xi32, #tpu.memory_space<vmem>>, vector<16xi32>,
      %get3A_346 = vector.shape_cast %get3A_345 : vector<16xi32> to vector<16xi32>
      %swap3A_347 = arith.constant 160 : index
      %swap3A_348 = tpu.vector_load %arg14[%swap3A_347] {strides = array<i32>} : memref<224xi32, #tpu.memory_space<vmem>>, vector<16xi32>,
      %swap3A_349 = vector.shape_cast %swap3A_348 : vector<16xi32> to vector<16xi32>
      %swap3A_350 = vector.shape_cast %get3A_346 : vector<16xi32> to vector<16xi32>
      tpu.vector_store %arg14[%swap3A_347], %swap3A_350 {strides = array<i32>} : memref<224xi32, #tpu.memory_space<vmem>>, vector<16xi32>,
      %get3A_351 = arith.index_cast %add3A_329 : i32 to index
      %get3A_352 = tpu.vector_load %arg11[%get3A_351] {strides = array<i32>} : memref<3136xi32, #tpu.memory_space<vmem>>, vector<16xi32>,
      %get3A_353 = vector.shape_cast %get3A_352 : vector<16xi32> to vector<16xi32>
      %swap3A_354 = arith.constant 160 : index
      %swap3A_355 = tpu.vector_load %arg15[%swap3A_354] {strides = array<i32>} : memref<224xi32, #tpu.memory_space<vmem>>, vector<16xi32>,
      %swap3A_356 = vector.shape_cast %swap3A_355 : vector<16xi32> to vector<16xi32>
      %swap3A_357 = vector.shape_cast %get3A_353 : vector<16xi32> to vector<16xi32>
      tpu.vector_store %arg15[%swap3A_354], %swap3A_357 {strides = array<i32>} : memref<224xi32, #tpu.memory_space<vmem>>, vector<16xi32>,
      %add3A_358 = arith.constant 176 : i32
      %add3A_359 = arith.addi %mul3A_29, %add3A_358 : i32
      %get3A_360 = arith.index_cast %add3A_359 : i32 to index
      %get3A_361 = tpu.vector_load %arg8[%get3A_360] {strides = array<i32>} : memref<3136xi32, #tpu.memory_space<vmem>>, vector<16xi32>,
      %get3A_362 = vector.shape_cast %get3A_361 : vector<16xi32> to vector<16xi32>
      %swap3A_363 = arith.constant 176 : index
      %swap3A_364 = tpu.vector_load %arg12[%swap3A_363] {strides = array<i32>} : memref<224xi32, #tpu.memory_space<vmem>>, vector<16xi32>,
      %swap3A_365 = vector.shape_cast %swap3A_364 : vector<16xi32> to vector<16xi32>
      %swap3A_366 = vector.shape_cast %get3A_362 : vector<16xi32> to vector<16xi32>
      tpu.vector_store %arg12[%swap3A_363], %swap3A_366 {strides = array<i32>} : memref<224xi32, #tpu.memory_space<vmem>>, vector<16xi32>,
      %get3A_367 = arith.index_cast %add3A_359 : i32 to index
      %get3A_368 = tpu.vector_load %arg9[%get3A_367] {strides = array<i32>} : memref<3136xi32, #tpu.memory_space<vmem>>, vector<16xi32>,
      %get3A_369 = vector.shape_cast %get3A_368 : vector<16xi32> to vector<16xi32>
      %swap3A_370 = arith.constant 176 : index
      %swap3A_371 = tpu.vector_load %arg13[%swap3A_370] {strides = array<i32>} : memref<224xi32, #tpu.memory_space<vmem>>, vector<16xi32>,
      %swap3A_372 = vector.shape_cast %swap3A_371 : vector<16xi32> to vector<16xi32>
      %swap3A_373 = vector.shape_cast %get3A_369 : vector<16xi32> to vector<16xi32>
      tpu.vector_store %arg13[%swap3A_370], %swap3A_373 {strides = array<i32>} : memref<224xi32, #tpu.memory_space<vmem>>, vector<16xi32>,
      %get3A_374 = arith.index_cast %add3A_359 : i32 to index
      %get3A_375 = tpu.vector_load %arg10[%get3A_374] {strides = array<i32>} : memref<3136xi32, #tpu.memory_space<vmem>>, vector<16xi32>,
      %get3A_376 = vector.shape_cast %get3A_375 : vector<16xi32> to vector<16xi32>
      %swap3A_377 = arith.constant 176 : index
      %swap3A_378 = tpu.vector_load %arg14[%swap3A_377] {strides = array<i32>} : memref<224xi32, #tpu.memory_space<vmem>>, vector<16xi32>,
      %swap3A_379 = vector.shape_cast %swap3A_378 : vector<16xi32> to vector<16xi32>
      %swap3A_380 = vector.shape_cast %get3A_376 : vector<16xi32> to vector<16xi32>
      tpu.vector_store %arg14[%swap3A_377], %swap3A_380 {strides = array<i32>} : memref<224xi32, #tpu.memory_space<vmem>>, vector<16xi32>,
      %get3A_381 = arith.index_cast %add3A_359 : i32 to index
      %get3A_382 = tpu.vector_load %arg11[%get3A_381] {strides = array<i32>} : memref<3136xi32, #tpu.memory_space<vmem>>, vector<16xi32>,
      %get3A_383 = vector.shape_cast %get3A_382 : vector<16xi32> to vector<16xi32>
      %swap3A_384 = arith.constant 176 : index
      %swap3A_385 = tpu.vector_load %arg15[%swap3A_384] {strides = array<i32>} : memref<224xi32, #tpu.memory_space<vmem>>, vector<16xi32>,
      %swap3A_386 = vector.shape_cast %swap3A_385 : vector<16xi32> to vector<16xi32>
      %swap3A_387 = vector.shape_cast %get3A_383 : vector<16xi32> to vector<16xi32>
      tpu.vector_store %arg15[%swap3A_384], %swap3A_387 {strides = array<i32>} : memref<224xi32, #tpu.memory_space<vmem>>, vector<16xi32>,
      %add3A_388 = arith.constant 192 : i32
      %add3A_389 = arith.addi %mul3A_29, %add3A_388 : i32
      %get3A_390 = arith.index_cast %add3A_389 : i32 to index
      %get3A_391 = tpu.vector_load %arg8[%get3A_390] {strides = array<i32>} : memref<3136xi32, #tpu.memory_space<vmem>>, vector<16xi32>,
      %get3A_392 = vector.shape_cast %get3A_391 : vector<16xi32> to vector<16xi32>
      %swap3A_393 = arith.constant 192 : index
      %swap3A_394 = tpu.vector_load %arg12[%swap3A_393] {strides = array<i32>} : memref<224xi32, #tpu.memory_space<vmem>>, vector<16xi32>,
      %swap3A_395 = vector.shape_cast %swap3A_394 : vector<16xi32> to vector<16xi32>
      %swap3A_396 = vector.shape_cast %get3A_392 : vector<16xi32> to vector<16xi32>
      tpu.vector_store %arg12[%swap3A_393], %swap3A_396 {strides = array<i32>} : memref<224xi32, #tpu.memory_space<vmem>>, vector<16xi32>,
      %get3A_397 = arith.index_cast %add3A_389 : i32 to index
      %get3A_398 = tpu.vector_load %arg9[%get3A_397] {strides = array<i32>} : memref<3136xi32, #tpu.memory_space<vmem>>, vector<16xi32>,
      %get3A_399 = vector.shape_cast %get3A_398 : vector<16xi32> to vector<16xi32>
      %swap3A_400 = arith.constant 192 : index
      %swap3A_401 = tpu.vector_load %arg13[%swap3A_400] {strides = array<i32>} : memref<224xi32, #tpu.memory_space<vmem>>, vector<16xi32>,
      %swap3A_402 = vector.shape_cast %swap3A_401 : vector<16xi32> to vector<16xi32>
      %swap3A_403 = vector.shape_cast %get3A_399 : vector<16xi32> to vector<16xi32>
      tpu.vector_store %arg13[%swap3A_400], %swap3A_403 {strides = array<i32>} : memref<224xi32, #tpu.memory_space<vmem>>, vector<16xi32>,
      %get3A_404 = arith.index_cast %add3A_389 : i32 to index
      %get3A_405 = tpu.vector_load %arg10[%get3A_404] {strides = array<i32>} : memref<3136xi32, #tpu.memory_space<vmem>>, vector<16xi32>,
      %get3A_406 = vector.shape_cast %get3A_405 : vector<16xi32> to vector<16xi32>
      %swap3A_407 = arith.constant 192 : index
      %swap3A_408 = tpu.vector_load %arg14[%swap3A_407] {strides = array<i32>} : memref<224xi32, #tpu.memory_space<vmem>>, vector<16xi32>,
      %swap3A_409 = vector.shape_cast %swap3A_408 : vector<16xi32> to vector<16xi32>
      %swap3A_410 = vector.shape_cast %get3A_406 : vector<16xi32> to vector<16xi32>
      tpu.vector_store %arg14[%swap3A_407], %swap3A_410 {strides = array<i32>} : memref<224xi32, #tpu.memory_space<vmem>>, vector<16xi32>,
      %get3A_411 = arith.index_cast %add3A_389 : i32 to index
      %get3A_412 = tpu.vector_load %arg11[%get3A_411] {strides = array<i32>} : memref<3136xi32, #tpu.memory_space<vmem>>, vector<16xi32>,
      %get3A_413 = vector.shape_cast %get3A_412 : vector<16xi32> to vector<16xi32>
      %swap3A_414 = arith.constant 192 : index
      %swap3A_415 = tpu.vector_load %arg15[%swap3A_414] {strides = array<i32>} : memref<224xi32, #tpu.memory_space<vmem>>, vector<16xi32>,
      %swap3A_416 = vector.shape_cast %swap3A_415 : vector<16xi32> to vector<16xi32>
      %swap3A_417 = vector.shape_cast %get3A_413 : vector<16xi32> to vector<16xi32>
      tpu.vector_store %arg15[%swap3A_414], %swap3A_417 {strides = array<i32>} : memref<224xi32, #tpu.memory_space<vmem>>, vector<16xi32>,
      %add3A_418 = arith.constant 208 : i32
      %add3A_419 = arith.addi %mul3A_29, %add3A_418 : i32
      %get3A_420 = arith.index_cast %add3A_419 : i32 to index
      %get3A_421 = tpu.vector_load %arg8[%get3A_420] {strides = array<i32>} : memref<3136xi32, #tpu.memory_space<vmem>>, vector<16xi32>,
      %get3A_422 = vector.shape_cast %get3A_421 : vector<16xi32> to vector<16xi32>
      %swap3A_423 = arith.constant 208 : index
      %swap3A_424 = tpu.vector_load %arg12[%swap3A_423] {strides = array<i32>} : memref<224xi32, #tpu.memory_space<vmem>>, vector<16xi32>,
      %swap3A_425 = vector.shape_cast %swap3A_424 : vector<16xi32> to vector<16xi32>
      %swap3A_426 = vector.shape_cast %get3A_422 : vector<16xi32> to vector<16xi32>
      tpu.vector_store %arg12[%swap3A_423], %swap3A_426 {strides = array<i32>} : memref<224xi32, #tpu.memory_space<vmem>>, vector<16xi32>,
      %get3A_427 = arith.index_cast %add3A_419 : i32 to index
      %get3A_428 = tpu.vector_load %arg9[%get3A_427] {strides = array<i32>} : memref<3136xi32, #tpu.memory_space<vmem>>, vector<16xi32>,
      %get3A_429 = vector.shape_cast %get3A_428 : vector<16xi32> to vector<16xi32>
      %swap3A_430 = arith.constant 208 : index
      %swap3A_431 = tpu.vector_load %arg13[%swap3A_430] {strides = array<i32>} : memref<224xi32, #tpu.memory_space<vmem>>, vector<16xi32>,
      %swap3A_432 = vector.shape_cast %swap3A_431 : vector<16xi32> to vector<16xi32>
      %swap3A_433 = vector.shape_cast %get3A_429 : vector<16xi32> to vector<16xi32>
      tpu.vector_store %arg13[%swap3A_430], %swap3A_433 {strides = array<i32>} : memref<224xi32, #tpu.memory_space<vmem>>, vector<16xi32>,
      %get3A_434 = arith.index_cast %add3A_419 : i32 to index
      %get3A_435 = tpu.vector_load %arg10[%get3A_434] {strides = array<i32>} : memref<3136xi32, #tpu.memory_space<vmem>>, vector<16xi32>,
      %get3A_436 = vector.shape_cast %get3A_435 : vector<16xi32> to vector<16xi32>
      %swap3A_437 = arith.constant 208 : index
      %swap3A_438 = tpu.vector_load %arg14[%swap3A_437] {strides = array<i32>} : memref<224xi32, #tpu.memory_space<vmem>>, vector<16xi32>,
      %swap3A_439 = vector.shape_cast %swap3A_438 : vector<16xi32> to vector<16xi32>
      %swap3A_440 = vector.shape_cast %get3A_436 : vector<16xi32> to vector<16xi32>
      tpu.vector_store %arg14[%swap3A_437], %swap3A_440 {strides = array<i32>} : memref<224xi32, #tpu.memory_space<vmem>>, vector<16xi32>,
      %get3A_441 = arith.index_cast %add3A_419 : i32 to index
      %get3A_442 = tpu.vector_load %arg11[%get3A_441] {strides = array<i32>} : memref<3136xi32, #tpu.memory_space<vmem>>, vector<16xi32>,
      %get3A_443 = vector.shape_cast %get3A_442 : vector<16xi32> to vector<16xi32>
      %swap3A_444 = arith.constant 208 : index
      %swap3A_445 = tpu.vector_load %arg15[%swap3A_444] {strides = array<i32>} : memref<224xi32, #tpu.memory_space<vmem>>, vector<16xi32>,
      %swap3A_446 = vector.shape_cast %swap3A_445 : vector<16xi32> to vector<16xi32>
      %swap3A_447 = vector.shape_cast %get3A_443 : vector<16xi32> to vector<16xi32>
      tpu.vector_store %arg15[%swap3A_444], %swap3A_447 {strides = array<i32>} : memref<224xi32, #tpu.memory_space<vmem>>, vector<16xi32>,
      "tpu.region"() ({
        %run_scoped3A = tpu.sem_alloc : memref<!tpu.dma_semaphore, #tpu.memory_space<semaphore_mem>>
        %dma_start3A = arith.constant 0 : i32
        %dma_start3A_453 = arith.constant 0 : i32
        %dma_start3A_454 = tpu.memref_slice %arg2[%dma_start3A, %dma_start3A_453] : memref<50176x64xf32, #tpu.memory_space<hbm>> -> memref<50176x64xf32, #tpu.memory_space<hbm>>
        tpu.enqueue_indirect_dma source(%dma_start3A_454 : memref<50176x64xf32, #tpu.memory_space<hbm>>) target(%arg16 : memref<224x64xf32, #tpu.memory_space<vmem>>) offsets(%arg12 : memref<224xi32, #tpu.memory_space<vmem>>) semaphore(%run_scoped3A : memref<!tpu.dma_semaphore, #tpu.memory_space<semaphore_mem>>)
        %dma_wait3A = arith.constant 0 : i32
        %dma_wait3A_455 = arith.constant 0 : i32
        %dma_wait3A_456 = tpu.memref_slice %arg2[%dma_wait3A, %dma_wait3A_455] : memref<50176x64xf32, #tpu.memory_space<hbm>> -> memref<50176x64xf32, #tpu.memory_space<hbm>>
        tpu.wait_indirect_dma semaphore(%run_scoped3A : memref<!tpu.dma_semaphore, #tpu.memory_space<semaphore_mem>>) src(%dma_wait3A_456 : memref<50176x64xf32, #tpu.memory_space<hbm>>) dst(%arg16 : memref<224x64xf32, #tpu.memory_space<vmem>>)
        tpu.yield
      }) : () -> ()
      "tpu.region"() ({
        %run_scoped3A = tpu.sem_alloc : memref<!tpu.dma_semaphore, #tpu.memory_space<semaphore_mem>>
        %dma_start3A = arith.constant 0 : i32
        %dma_start3A_453 = arith.constant 0 : i32
        %dma_start3A_454 = tpu.memref_slice %arg2[%dma_start3A, %dma_start3A_453] : memref<50176x64xf32, #tpu.memory_space<hbm>> -> memref<50176x64xf32, #tpu.memory_space<hbm>>
        tpu.enqueue_indirect_dma source(%dma_start3A_454 : memref<50176x64xf32, #tpu.memory_space<hbm>>) target(%arg17 : memref<224x64xf32, #tpu.memory_space<vmem>>) offsets(%arg13 : memref<224xi32, #tpu.memory_space<vmem>>) semaphore(%run_scoped3A : memref<!tpu.dma_semaphore, #tpu.memory_space<semaphore_mem>>)
        %dma_wait3A = arith.constant 0 : i32
        %dma_wait3A_455 = arith.constant 0 : i32
        %dma_wait3A_456 = tpu.memref_slice %arg2[%dma_wait3A, %dma_wait3A_455] : memref<50176x64xf32, #tpu.memory_space<hbm>> -> memref<50176x64xf32, #tpu.memory_space<hbm>>
        tpu.wait_indirect_dma semaphore(%run_scoped3A : memref<!tpu.dma_semaphore, #tpu.memory_space<semaphore_mem>>) src(%dma_wait3A_456 : memref<50176x64xf32, #tpu.memory_space<hbm>>) dst(%arg17 : memref<224x64xf32, #tpu.memory_space<vmem>>)
        tpu.yield
      }) : () -> ()
      "tpu.region"() ({
        %run_scoped3A = tpu.sem_alloc : memref<!tpu.dma_semaphore, #tpu.memory_space<semaphore_mem>>
        %dma_start3A = arith.constant 0 : i32
        %dma_start3A_453 = arith.constant 0 : i32
        %dma_start3A_454 = tpu.memref_slice %arg7[%dma_start3A, %dma_start3A_453] : memref<4096x64xf32, #tpu.memory_space<vmem_shared>> -> memref<4096x64xf32, #tpu.memory_space<vmem_shared>>
        tpu.enqueue_indirect_dma source(%dma_start3A_454 : memref<4096x64xf32, #tpu.memory_space<vmem_shared>>) target(%arg18 : memref<224x64xf32, #tpu.memory_space<vmem>>) offsets(%arg14 : memref<224xi32, #tpu.memory_space<vmem>>) semaphore(%run_scoped3A : memref<!tpu.dma_semaphore, #tpu.memory_space<semaphore_mem>>)
        %dma_wait3A = arith.constant 0 : i32
        %dma_wait3A_455 = arith.constant 0 : i32
        %dma_wait3A_456 = tpu.memref_slice %arg7[%dma_wait3A, %dma_wait3A_455] : memref<4096x64xf32, #tpu.memory_space<vmem_shared>> -> memref<4096x64xf32, #tpu.memory_space<vmem_shared>>
        tpu.wait_indirect_dma semaphore(%run_scoped3A : memref<!tpu.dma_semaphore, #tpu.memory_space<semaphore_mem>>) src(%dma_wait3A_456 : memref<4096x64xf32, #tpu.memory_space<vmem_shared>>) dst(%arg18 : memref<224x64xf32, #tpu.memory_space<vmem>>)
        tpu.yield
      }) : () -> ()
      "tpu.region"() ({
        %run_scoped3A = tpu.sem_alloc : memref<!tpu.dma_semaphore, #tpu.memory_space<semaphore_mem>>
        %dma_start3A = arith.constant 0 : i32
        %dma_start3A_453 = arith.constant 0 : i32
        %dma_start3A_454 = tpu.memref_slice %arg7[%dma_start3A, %dma_start3A_453] : memref<4096x64xf32, #tpu.memory_space<vmem_shared>> -> memref<4096x64xf32, #tpu.memory_space<vmem_shared>>
        tpu.enqueue_indirect_dma source(%dma_start3A_454 : memref<4096x64xf32, #tpu.memory_space<vmem_shared>>) target(%arg19 : memref<224x64xf32, #tpu.memory_space<vmem>>) offsets(%arg15 : memref<224xi32, #tpu.memory_space<vmem>>) semaphore(%run_scoped3A : memref<!tpu.dma_semaphore, #tpu.memory_space<semaphore_mem>>)
        %dma_wait3A = arith.constant 0 : i32
        %dma_wait3A_455 = arith.constant 0 : i32
        %dma_wait3A_456 = tpu.memref_slice %arg7[%dma_wait3A, %dma_wait3A_455] : memref<4096x64xf32, #tpu.memory_space<vmem_shared>> -> memref<4096x64xf32, #tpu.memory_space<vmem_shared>>
        tpu.wait_indirect_dma semaphore(%run_scoped3A : memref<!tpu.dma_semaphore, #tpu.memory_space<semaphore_mem>>) src(%dma_wait3A_456 : memref<4096x64xf32, #tpu.memory_space<vmem_shared>>) dst(%arg19 : memref<224x64xf32, #tpu.memory_space<vmem>>)
        tpu.yield
      }) : () -> ()
      %scan3A_448 = arith.constant 0 : i32
      %scan3A_449 = arith.constant 224 : i32
      %scan3A_450 = arith.addi %scan3A_448, %scan3A_449 : i32
      %scan3A_451 = arith.constant 1 : i32
      scf.for %scan3A_453 = %scan3A_448 to %scan3A_450 step %scan3A_451  : i32 {
        %mul3A_454 = arith.constant 1 : i32
        %mul3A_455 = arith.muli %scan3A_453, %mul3A_454 : i32
        %add3A_456 = arith.constant 0 : i32
        %add3A_457 = arith.addi %add3A_456, %mul3A_455 : i32
        %get3A_458 = arith.index_cast %add3A_457 : i32 to index
        %get3A_459 = arith.constant 0 : index
        %get3A_460 = tpu.vector_load %arg16[%get3A_458, %get3A_459] {strides = array<i32>} : memref<224x64xf32, #tpu.memory_space<vmem>>, vector<1x16xf32>,
        %get3A_461 = vector.shape_cast %get3A_460 : vector<1x16xf32> to vector<16xf32>
        %get3A_462 = arith.index_cast %add3A_457 : i32 to index
        %get3A_463 = arith.constant 0 : index
        %get3A_464 = tpu.vector_load %arg18[%get3A_462, %get3A_463] {strides = array<i32>} : memref<224x64xf32, #tpu.memory_space<vmem>>, vector<1x16xf32>,
        %get3A_465 = vector.shape_cast %get3A_464 : vector<1x16xf32> to vector<16xf32>
        %add3A_466 = arith.addf %get3A_461, %get3A_465 : vector<16xf32>
        %swap3A_467 = arith.index_cast %add3A_457 : i32 to index
        %swap3A_468 = arith.constant 0 : index
        %swap3A_469 = tpu.vector_load %arg16[%swap3A_467, %swap3A_468] {strides = array<i32>} : memref<224x64xf32, #tpu.memory_space<vmem>>, vector<1x16xf32>,
        %swap3A_470 = vector.shape_cast %swap3A_469 : vector<1x16xf32> to vector<16xf32>
        %swap3A_471 = vector.shape_cast %add3A_466 : vector<16xf32> to vector<1x16xf32>
        tpu.vector_store %arg16[%swap3A_467, %swap3A_468], %swap3A_471 {strides = array<i32>} : memref<224x64xf32, #tpu.memory_space<vmem>>, vector<1x16xf32>,
        %get3A_472 = arith.index_cast %add3A_457 : i32 to index
        %get3A_473 = arith.constant 0 : index
        %get3A_474 = tpu.vector_load %arg17[%get3A_472, %get3A_473] {strides = array<i32>} : memref<224x64xf32, #tpu.memory_space<vmem>>, vector<1x16xf32>,
        %get3A_475 = vector.shape_cast %get3A_474 : vector<1x16xf32> to vector<16xf32>
        %get3A_476 = arith.index_cast %add3A_457 : i32 to index
        %get3A_477 = arith.constant 0 : index
        %get3A_478 = tpu.vector_load %arg19[%get3A_476, %get3A_477] {strides = array<i32>} : memref<224x64xf32, #tpu.memory_space<vmem>>, vector<1x16xf32>,
        %get3A_479 = vector.shape_cast %get3A_478 : vector<1x16xf32> to vector<16xf32>
        %add3A_480 = arith.addf %get3A_475, %get3A_479 : vector<16xf32>
        %swap3A_481 = arith.index_cast %add3A_457 : i32 to index
        %swap3A_482 = arith.constant 0 : index
        %swap3A_483 = tpu.vector_load %arg17[%swap3A_481, %swap3A_482] {strides = array<i32>} : memref<224x64xf32, #tpu.memory_space<vmem>>, vector<1x16xf32>,
        %swap3A_484 = vector.shape_cast %swap3A_483 : vector<1x16xf32> to vector<16xf32>
        %swap3A_485 = vector.shape_cast %add3A_480 : vector<16xf32> to vector<1x16xf32>
        tpu.vector_store %arg17[%swap3A_481, %swap3A_482], %swap3A_485 {strides = array<i32>} : memref<224x64xf32, #tpu.memory_space<vmem>>, vector<1x16xf32>,
        %get3A_486 = arith.index_cast %add3A_457 : i32 to index
        %get3A_487 = arith.constant 16 : index
        %get3A_488 = tpu.vector_load %arg16[%get3A_486, %get3A_487] {strides = array<i32>} : memref<224x64xf32, #tpu.memory_space<vmem>>, vector<1x16xf32>,
        %get3A_489 = vector.shape_cast %get3A_488 : vector<1x16xf32> to vector<16xf32>
        %get3A_490 = arith.index_cast %add3A_457 : i32 to index
        %get3A_491 = arith.constant 16 : index
        %get3A_492 = tpu.vector_load %arg18[%get3A_490, %get3A_491] {strides = array<i32>} : memref<224x64xf32, #tpu.memory_space<vmem>>, vector<1x16xf32>,
        %get3A_493 = vector.shape_cast %get3A_492 : vector<1x16xf32> to vector<16xf32>
        %add3A_494 = arith.addf %get3A_489, %get3A_493 : vector<16xf32>
        %swap3A_495 = arith.index_cast %add3A_457 : i32 to index
        %swap3A_496 = arith.constant 16 : index
        %swap3A_497 = tpu.vector_load %arg16[%swap3A_495, %swap3A_496] {strides = array<i32>} : memref<224x64xf32, #tpu.memory_space<vmem>>, vector<1x16xf32>,
        %swap3A_498 = vector.shape_cast %swap3A_497 : vector<1x16xf32> to vector<16xf32>
        %swap3A_499 = vector.shape_cast %add3A_494 : vector<16xf32> to vector<1x16xf32>
        tpu.vector_store %arg16[%swap3A_495, %swap3A_496], %swap3A_499 {strides = array<i32>} : memref<224x64xf32, #tpu.memory_space<vmem>>, vector<1x16xf32>,
        %get3A_500 = arith.index_cast %add3A_457 : i32 to index
        %get3A_501 = arith.constant 16 : index
        %get3A_502 = tpu.vector_load %arg17[%get3A_500, %get3A_501] {strides = array<i32>} : memref<224x64xf32, #tpu.memory_space<vmem>>, vector<1x16xf32>,
        %get3A_503 = vector.shape_cast %get3A_502 : vector<1x16xf32> to vector<16xf32>
        %get3A_504 = arith.index_cast %add3A_457 : i32 to index
        %get3A_505 = arith.constant 16 : index
        %get3A_506 = tpu.vector_load %arg19[%get3A_504, %get3A_505] {strides = array<i32>} : memref<224x64xf32, #tpu.memory_space<vmem>>, vector<1x16xf32>,
        %get3A_507 = vector.shape_cast %get3A_506 : vector<1x16xf32> to vector<16xf32>
        %add3A_508 = arith.addf %get3A_503, %get3A_507 : vector<16xf32>
        %swap3A_509 = arith.index_cast %add3A_457 : i32 to index
        %swap3A_510 = arith.constant 16 : index
        %swap3A_511 = tpu.vector_load %arg17[%swap3A_509, %swap3A_510] {strides = array<i32>} : memref<224x64xf32, #tpu.memory_space<vmem>>, vector<1x16xf32>,
        %swap3A_512 = vector.shape_cast %swap3A_511 : vector<1x16xf32> to vector<16xf32>
        %swap3A_513 = vector.shape_cast %add3A_508 : vector<16xf32> to vector<1x16xf32>
        tpu.vector_store %arg17[%swap3A_509, %swap3A_510], %swap3A_513 {strides = array<i32>} : memref<224x64xf32, #tpu.memory_space<vmem>>, vector<1x16xf32>,
        %get3A_514 = arith.index_cast %add3A_457 : i32 to index
        %get3A_515 = arith.constant 32 : index
        %get3A_516 = tpu.vector_load %arg16[%get3A_514, %get3A_515] {strides = array<i32>} : memref<224x64xf32, #tpu.memory_space<vmem>>, vector<1x16xf32>,
        %get3A_517 = vector.shape_cast %get3A_516 : vector<1x16xf32> to vector<16xf32>
        %get3A_518 = arith.index_cast %add3A_457 : i32 to index
        %get3A_519 = arith.constant 32 : index
        %get3A_520 = tpu.vector_load %arg18[%get3A_518, %get3A_519] {strides = array<i32>} : memref<224x64xf32, #tpu.memory_space<vmem>>, vector<1x16xf32>,
        %get3A_521 = vector.shape_cast %get3A_520 : vector<1x16xf32> to vector<16xf32>
        %add3A_522 = arith.addf %get3A_517, %get3A_521 : vector<16xf32>
        %swap3A_523 = arith.index_cast %add3A_457 : i32 to index
        %swap3A_524 = arith.constant 32 : index
        %swap3A_525 = tpu.vector_load %arg16[%swap3A_523, %swap3A_524] {strides = array<i32>} : memref<224x64xf32, #tpu.memory_space<vmem>>, vector<1x16xf32>,
        %swap3A_526 = vector.shape_cast %swap3A_525 : vector<1x16xf32> to vector<16xf32>
        %swap3A_527 = vector.shape_cast %add3A_522 : vector<16xf32> to vector<1x16xf32>
        tpu.vector_store %arg16[%swap3A_523, %swap3A_524], %swap3A_527 {strides = array<i32>} : memref<224x64xf32, #tpu.memory_space<vmem>>, vector<1x16xf32>,
        %get3A_528 = arith.index_cast %add3A_457 : i32 to index
        %get3A_529 = arith.constant 32 : index
        %get3A_530 = tpu.vector_load %arg17[%get3A_528, %get3A_529] {strides = array<i32>} : memref<224x64xf32, #tpu.memory_space<vmem>>, vector<1x16xf32>,
        %get3A_531 = vector.shape_cast %get3A_530 : vector<1x16xf32> to vector<16xf32>
        %get3A_532 = arith.index_cast %add3A_457 : i32 to index
        %get3A_533 = arith.constant 32 : index
        %get3A_534 = tpu.vector_load %arg19[%get3A_532, %get3A_533] {strides = array<i32>} : memref<224x64xf32, #tpu.memory_space<vmem>>, vector<1x16xf32>,
        %get3A_535 = vector.shape_cast %get3A_534 : vector<1x16xf32> to vector<16xf32>
        %add3A_536 = arith.addf %get3A_531, %get3A_535 : vector<16xf32>
        %swap3A_537 = arith.index_cast %add3A_457 : i32 to index
        %swap3A_538 = arith.constant 32 : index
        %swap3A_539 = tpu.vector_load %arg17[%swap3A_537, %swap3A_538] {strides = array<i32>} : memref<224x64xf32, #tpu.memory_space<vmem>>, vector<1x16xf32>,
        %swap3A_540 = vector.shape_cast %swap3A_539 : vector<1x16xf32> to vector<16xf32>
        %swap3A_541 = vector.shape_cast %add3A_536 : vector<16xf32> to vector<1x16xf32>
        tpu.vector_store %arg17[%swap3A_537, %swap3A_538], %swap3A_541 {strides = array<i32>} : memref<224x64xf32, #tpu.memory_space<vmem>>, vector<1x16xf32>,
        %get3A_542 = arith.index_cast %add3A_457 : i32 to index
        %get3A_543 = arith.constant 48 : index
        %get3A_544 = tpu.vector_load %arg16[%get3A_542, %get3A_543] {strides = array<i32>} : memref<224x64xf32, #tpu.memory_space<vmem>>, vector<1x16xf32>,
        %get3A_545 = vector.shape_cast %get3A_544 : vector<1x16xf32> to vector<16xf32>
        %get3A_546 = arith.index_cast %add3A_457 : i32 to index
        %get3A_547 = arith.constant 48 : index
        %get3A_548 = tpu.vector_load %arg18[%get3A_546, %get3A_547] {strides = array<i32>} : memref<224x64xf32, #tpu.memory_space<vmem>>, vector<1x16xf32>,
        %get3A_549 = vector.shape_cast %get3A_548 : vector<1x16xf32> to vector<16xf32>
        %add3A_550 = arith.addf %get3A_545, %get3A_549 : vector<16xf32>
        %swap3A_551 = arith.index_cast %add3A_457 : i32 to index
        %swap3A_552 = arith.constant 48 : index
        %swap3A_553 = tpu.vector_load %arg16[%swap3A_551, %swap3A_552] {strides = array<i32>} : memref<224x64xf32, #tpu.memory_space<vmem>>, vector<1x16xf32>,
        %swap3A_554 = vector.shape_cast %swap3A_553 : vector<1x16xf32> to vector<16xf32>
        %swap3A_555 = vector.shape_cast %add3A_550 : vector<16xf32> to vector<1x16xf32>
        tpu.vector_store %arg16[%swap3A_551, %swap3A_552], %swap3A_555 {strides = array<i32>} : memref<224x64xf32, #tpu.memory_space<vmem>>, vector<1x16xf32>,
        %get3A_556 = arith.index_cast %add3A_457 : i32 to index
        %get3A_557 = arith.constant 48 : index
        %get3A_558 = tpu.vector_load %arg17[%get3A_556, %get3A_557] {strides = array<i32>} : memref<224x64xf32, #tpu.memory_space<vmem>>, vector<1x16xf32>,
        %get3A_559 = vector.shape_cast %get3A_558 : vector<1x16xf32> to vector<16xf32>
        %get3A_560 = arith.index_cast %add3A_457 : i32 to index
        %get3A_561 = arith.constant 48 : index
        %get3A_562 = tpu.vector_load %arg19[%get3A_560, %get3A_561] {strides = array<i32>} : memref<224x64xf32, #tpu.memory_space<vmem>>, vector<1x16xf32>,
        %get3A_563 = vector.shape_cast %get3A_562 : vector<1x16xf32> to vector<16xf32>
        %add3A_564 = arith.addf %get3A_559, %get3A_563 : vector<16xf32>
        %swap3A_565 = arith.index_cast %add3A_457 : i32 to index
        %swap3A_566 = arith.constant 48 : index
        %swap3A_567 = tpu.vector_load %arg17[%swap3A_565, %swap3A_566] {strides = array<i32>} : memref<224x64xf32, #tpu.memory_space<vmem>>, vector<1x16xf32>,
        %swap3A_568 = vector.shape_cast %swap3A_567 : vector<1x16xf32> to vector<16xf32>
        %swap3A_569 = vector.shape_cast %add3A_564 : vector<16xf32> to vector<1x16xf32>
        tpu.vector_store %arg17[%swap3A_565, %swap3A_566], %swap3A_569 {strides = array<i32>} : memref<224x64xf32, #tpu.memory_space<vmem>>, vector<1x16xf32>,
      }
      %scan3A_452 = arith.constant 224 : i32
      "tpu.region"() ({
        %run_scoped3A = tpu.sem_alloc : memref<!tpu.dma_semaphore, #tpu.memory_space<semaphore_mem>>
        %dma_start3A = arith.constant 0 : i32
        %dma_start3A_453 = tpu.memref_slice %arg6[%add3A_27, %dma_start3A] : memref<100352x128xf32, #tpu.memory_space<hbm>> -> memref<224x64xf32, #tpu.memory_space<hbm>>
        %dma_start3A_454 = arith.constant 0 : i32
        %dma_start3A_455 = tpu.memref_slice %arg6[%add3A_27, %dma_start3A_454] : memref<100352x128xf32, #tpu.memory_space<hbm>> -> memref<224x64xf32, #tpu.memory_space<hbm>>
        tpu.enqueue_dma source(%arg16 : memref<224x64xf32, #tpu.memory_space<vmem>>) target(%dma_start3A_455 : memref<224x64xf32, #tpu.memory_space<hbm>>) target_semaphore(%run_scoped3A : memref<!tpu.dma_semaphore, #tpu.memory_space<semaphore_mem>>)
        %dma_wait3A = arith.constant 0 : i32
        %dma_wait3A_456 = tpu.memref_slice %arg6[%add3A_27, %dma_wait3A] : memref<100352x128xf32, #tpu.memory_space<hbm>> -> memref<224x64xf32, #tpu.memory_space<hbm>>
        %dma_wait3A_457 = arith.constant 0 : i32
        %dma_wait3A_458 = tpu.memref_slice %arg6[%add3A_27, %dma_wait3A_457] : memref<100352x128xf32, #tpu.memory_space<hbm>> -> memref<224x64xf32, #tpu.memory_space<hbm>>
        tpu.wait_dma2 semaphore(%run_scoped3A : memref<!tpu.dma_semaphore, #tpu.memory_space<semaphore_mem>>) src(%arg16 : memref<224x64xf32, #tpu.memory_space<vmem>>) dst(%dma_wait3A_458 : memref<224x64xf32, #tpu.memory_space<hbm>>)
        tpu.yield
      }) : () -> ()
      "tpu.region"() ({
        %run_scoped3A = tpu.sem_alloc : memref<!tpu.dma_semaphore, #tpu.memory_space<semaphore_mem>>
        %dma_start3A = arith.constant 64 : i32
        %dma_start3A_453 = tpu.memref_slice %arg6[%add3A_27, %dma_start3A] : memref<100352x128xf32, #tpu.memory_space<hbm>> -> memref<224x64xf32, #tpu.memory_space<hbm>>
        %dma_start3A_454 = arith.constant 64 : i32
        %dma_start3A_455 = tpu.memref_slice %arg6[%add3A_27, %dma_start3A_454] : memref<100352x128xf32, #tpu.memory_space<hbm>> -> memref<224x64xf32, #tpu.memory_space<hbm>>
        tpu.enqueue_dma source(%arg17 : memref<224x64xf32, #tpu.memory_space<vmem>>) target(%dma_start3A_455 : memref<224x64xf32, #tpu.memory_space<hbm>>) target_semaphore(%run_scoped3A : memref<!tpu.dma_semaphore, #tpu.memory_space<semaphore_mem>>)
        %dma_wait3A = arith.constant 64 : i32
        %dma_wait3A_456 = tpu.memref_slice %arg6[%add3A_27, %dma_wait3A] : memref<100352x128xf32, #tpu.memory_space<hbm>> -> memref<224x64xf32, #tpu.memory_space<hbm>>
        %dma_wait3A_457 = arith.constant 64 : i32
        %dma_wait3A_458 = tpu.memref_slice %arg6[%add3A_27, %dma_wait3A_457] : memref<100352x128xf32, #tpu.memory_space<hbm>> -> memref<224x64xf32, #tpu.memory_space<hbm>>
        tpu.wait_dma2 semaphore(%run_scoped3A : memref<!tpu.dma_semaphore, #tpu.memory_space<semaphore_mem>>) src(%arg17 : memref<224x64xf32, #tpu.memory_space<vmem>>) dst(%dma_wait3A_458 : memref<224x64xf32, #tpu.memory_space<hbm>>)
        tpu.yield
      }) : () -> ()
    }
    %scan3A_19 = arith.constant 14 : i32
    return
  }
}

#map = affine_map<(d0, d1) -> (0, 0)>
#map1 = affine_map<(d0, d1) -> (0)>
module attributes {stable_mosaic.version = 14 : i64} {
  func.func @_sc_scatter_mesh(%arg0: i32, %arg1: i32, %arg2: memref<100352x128xf32, #tpu.memory_space<hbm>>, %arg3: memref<200704xi32, #tpu.memory_space<hbm>>, %arg4: memref<4096x128xf32, #tpu.memory_space<hbm>>, %arg5: memref<4096x64xf32, #tpu.memory_space<vmem_shared>>, %arg6: memref<448xi32, #tpu.memory_space<vmem>>, %arg7: memref<448xi32, #tpu.memory_space<vmem>>, %arg8: memref<448x64xf32, #tpu.memory_space<vmem>>, %arg9: memref<448x64xf32, #tpu.memory_space<vmem>>, %arg10: memref<256x64xf32, #tpu.memory_space<vmem>>) attributes {dimension_semantics = [#tpu.dimension_semantics<core_parallel>, #tpu.dimension_semantics<subcore_parallel>], iteration_bounds = array<i64: 2, 16>, scalar_prefetch = 0 : i64, scratch_operands = 6 : i64, tpu.core_type = #tpu.core_type<sc_vector_subcore>, window_params = [{transform_indices = #map}, {transform_indices = #map1}, {transform_indices = #map}]} {
    %broadcast_in_dim3A = arith.constant 0.000000e+00 : f32
    %broadcast_in_dim3A_0 = vector.broadcast %broadcast_in_dim3A : f32 to vector<16xf32>
    %scan3A = arith.constant 0 : i32
    %scan3A_1 = arith.constant 256 : i32
    %scan3A_2 = arith.addi %scan3A, %scan3A_1 : i32
    %scan3A_3 = arith.constant 1 : i32
    scf.for %scan3A_22 = %scan3A to %scan3A_2 step %scan3A_3  : i32 {
      %mul3A_23 = arith.constant 1 : i32
      %mul3A_24 = arith.muli %scan3A_22, %mul3A_23 : i32
      %add3A_25 = arith.constant 0 : i32
      %add3A_26 = arith.addi %add3A_25, %mul3A_24 : i32
      %swap3A = arith.index_cast %add3A_26 : i32 to index
      %swap3A_27 = arith.constant 0 : index
      %swap3A_28 = tpu.vector_load %arg10[%swap3A, %swap3A_27] {strides = array<i32>} : memref<256x64xf32, #tpu.memory_space<vmem>>, vector<1x16xf32>,
      %swap3A_29 = vector.shape_cast %swap3A_28 : vector<1x16xf32> to vector<16xf32>
      %swap3A_30 = vector.shape_cast %broadcast_in_dim3A_0 : vector<16xf32> to vector<1x16xf32>
      tpu.vector_store %arg10[%swap3A, %swap3A_27], %swap3A_30 {strides = array<i32>} : memref<256x64xf32, #tpu.memory_space<vmem>>, vector<1x16xf32>,
      %swap3A_31 = arith.index_cast %add3A_26 : i32 to index
      %swap3A_32 = arith.constant 16 : index
      %swap3A_33 = tpu.vector_load %arg10[%swap3A_31, %swap3A_32] {strides = array<i32>} : memref<256x64xf32, #tpu.memory_space<vmem>>, vector<1x16xf32>,
      %swap3A_34 = vector.shape_cast %swap3A_33 : vector<1x16xf32> to vector<16xf32>
      %swap3A_35 = vector.shape_cast %broadcast_in_dim3A_0 : vector<16xf32> to vector<1x16xf32>
      tpu.vector_store %arg10[%swap3A_31, %swap3A_32], %swap3A_35 {strides = array<i32>} : memref<256x64xf32, #tpu.memory_space<vmem>>, vector<1x16xf32>,
      %swap3A_36 = arith.index_cast %add3A_26 : i32 to index
      %swap3A_37 = arith.constant 32 : index
      %swap3A_38 = tpu.vector_load %arg10[%swap3A_36, %swap3A_37] {strides = array<i32>} : memref<256x64xf32, #tpu.memory_space<vmem>>, vector<1x16xf32>,
      %swap3A_39 = vector.shape_cast %swap3A_38 : vector<1x16xf32> to vector<16xf32>
      %swap3A_40 = vector.shape_cast %broadcast_in_dim3A_0 : vector<16xf32> to vector<1x16xf32>
      tpu.vector_store %arg10[%swap3A_36, %swap3A_37], %swap3A_40 {strides = array<i32>} : memref<256x64xf32, #tpu.memory_space<vmem>>, vector<1x16xf32>,
      %swap3A_41 = arith.index_cast %add3A_26 : i32 to index
      %swap3A_42 = arith.constant 48 : index
      %swap3A_43 = tpu.vector_load %arg10[%swap3A_41, %swap3A_42] {strides = array<i32>} : memref<256x64xf32, #tpu.memory_space<vmem>>, vector<1x16xf32>,
      %swap3A_44 = vector.shape_cast %swap3A_43 : vector<1x16xf32> to vector<16xf32>
      %swap3A_45 = vector.shape_cast %broadcast_in_dim3A_0 : vector<16xf32> to vector<1x16xf32>
      tpu.vector_store %arg10[%swap3A_41, %swap3A_42], %swap3A_45 {strides = array<i32>} : memref<256x64xf32, #tpu.memory_space<vmem>>, vector<1x16xf32>,
    }
    %scan3A_4 = arith.constant 256 : i32
    %mul3A = arith.constant 256 : i32
    %mul3A_5 = arith.muli %arg1, %mul3A : i32
    "tpu.region"() ({
      %run_scoped3A = tpu.sem_alloc : memref<!tpu.dma_semaphore, #tpu.memory_space<semaphore_mem>>
      %dma_start3A = arith.constant 0 : i32
      %dma_start3A_22 = tpu.memref_slice %arg5[%mul3A_5, %dma_start3A] : memref<4096x64xf32, #tpu.memory_space<vmem_shared>> -> memref<256x64xf32, #tpu.memory_space<vmem_shared>>
      %dma_start3A_23 = arith.constant 0 : i32
      %dma_start3A_24 = tpu.memref_slice %arg5[%mul3A_5, %dma_start3A_23] : memref<4096x64xf32, #tpu.memory_space<vmem_shared>> -> memref<256x64xf32, #tpu.memory_space<vmem_shared>>
      tpu.enqueue_dma source(%arg10 : memref<256x64xf32, #tpu.memory_space<vmem>>) target(%dma_start3A_24 : memref<256x64xf32, #tpu.memory_space<vmem_shared>>) target_semaphore(%run_scoped3A : memref<!tpu.dma_semaphore, #tpu.memory_space<semaphore_mem>>)
      %dma_wait3A = arith.constant 0 : i32
      %dma_wait3A_25 = tpu.memref_slice %arg5[%mul3A_5, %dma_wait3A] : memref<4096x64xf32, #tpu.memory_space<vmem_shared>> -> memref<256x64xf32, #tpu.memory_space<vmem_shared>>
      %dma_wait3A_26 = arith.constant 0 : i32
      %dma_wait3A_27 = tpu.memref_slice %arg5[%mul3A_5, %dma_wait3A_26] : memref<4096x64xf32, #tpu.memory_space<vmem_shared>> -> memref<256x64xf32, #tpu.memory_space<vmem_shared>>
      tpu.wait_dma2 semaphore(%run_scoped3A : memref<!tpu.dma_semaphore, #tpu.memory_space<semaphore_mem>>) src(%arg10 : memref<256x64xf32, #tpu.memory_space<vmem>>) dst(%dma_wait3A_27 : memref<256x64xf32, #tpu.memory_space<vmem_shared>>)
      tpu.yield
    }) : () -> ()
    %barrier3A = arith.constant 0 : index
    tpu.barrier barrier_id(%barrier3A)
    %mul3A_6 = arith.constant 16 : i32
    %mul3A_7 = arith.muli %arg0, %mul3A_6 : i32
    %add3A = arith.addi %mul3A_7, %arg1 : i32
    %mul3A_8 = arith.constant 3136 : i32
    %mul3A_9 = arith.muli %add3A, %mul3A_8 : i32
    %scan3A_10 = arith.constant 0 : i32
    %scan3A_11 = arith.constant 7 : i32
    %scan3A_12 = arith.addi %scan3A_10, %scan3A_11 : i32
    %scan3A_13 = arith.constant 1 : i32
    scf.for %scan3A_22 = %scan3A_10 to %scan3A_12 step %scan3A_13  : i32 {
      %mul3A_23 = arith.constant 1 : i32
      %mul3A_24 = arith.muli %scan3A_22, %mul3A_23 : i32
      %add3A_25 = arith.constant 0 : i32
      %add3A_26 = arith.addi %add3A_25, %mul3A_24 : i32
      %mul3A_27 = arith.constant 448 : i32
      %mul3A_28 = arith.muli %add3A_26, %mul3A_27 : i32
      %add3A_29 = arith.addi %mul3A_9, %mul3A_28 : i32
      "tpu.region"() ({
        %run_scoped3A = tpu.sem_alloc : memref<!tpu.dma_semaphore, #tpu.memory_space<semaphore_mem>>
        %dma_start3A = tpu.memref_slice %arg3[%add3A_29] : memref<200704xi32, #tpu.memory_space<hbm>> -> memref<448xi32, #tpu.memory_space<hbm>>
        %dma_start3A_32 = tpu.memref_slice %arg3[%add3A_29] : memref<200704xi32, #tpu.memory_space<hbm>> -> memref<448xi32, #tpu.memory_space<hbm>>
        tpu.enqueue_dma source(%dma_start3A_32 : memref<448xi32, #tpu.memory_space<hbm>>) target(%arg6 : memref<448xi32, #tpu.memory_space<vmem>>) target_semaphore(%run_scoped3A : memref<!tpu.dma_semaphore, #tpu.memory_space<semaphore_mem>>)
        %dma_wait3A = tpu.memref_slice %arg3[%add3A_29] : memref<200704xi32, #tpu.memory_space<hbm>> -> memref<448xi32, #tpu.memory_space<hbm>>
        %dma_wait3A_33 = tpu.memref_slice %arg3[%add3A_29] : memref<200704xi32, #tpu.memory_space<hbm>> -> memref<448xi32, #tpu.memory_space<hbm>>
        tpu.wait_dma2 semaphore(%run_scoped3A : memref<!tpu.dma_semaphore, #tpu.memory_space<semaphore_mem>>) src(%dma_wait3A_33 : memref<448xi32, #tpu.memory_space<hbm>>) dst(%arg6 : memref<448xi32, #tpu.memory_space<vmem>>)
        tpu.yield
      }) : () -> ()
      %add3A_30 = arith.constant 100352 : i32
      %add3A_31 = arith.addi %add3A_30, %add3A_29 : i32
      "tpu.region"() ({
        %run_scoped3A = tpu.sem_alloc : memref<!tpu.dma_semaphore, #tpu.memory_space<semaphore_mem>>
        %dma_start3A = tpu.memref_slice %arg3[%add3A_31] : memref<200704xi32, #tpu.memory_space<hbm>> -> memref<448xi32, #tpu.memory_space<hbm>>
        %dma_start3A_32 = tpu.memref_slice %arg3[%add3A_31] : memref<200704xi32, #tpu.memory_space<hbm>> -> memref<448xi32, #tpu.memory_space<hbm>>
        tpu.enqueue_dma source(%dma_start3A_32 : memref<448xi32, #tpu.memory_space<hbm>>) target(%arg7 : memref<448xi32, #tpu.memory_space<vmem>>) target_semaphore(%run_scoped3A : memref<!tpu.dma_semaphore, #tpu.memory_space<semaphore_mem>>)
        %dma_wait3A = tpu.memref_slice %arg3[%add3A_31] : memref<200704xi32, #tpu.memory_space<hbm>> -> memref<448xi32, #tpu.memory_space<hbm>>
        %dma_wait3A_33 = tpu.memref_slice %arg3[%add3A_31] : memref<200704xi32, #tpu.memory_space<hbm>> -> memref<448xi32, #tpu.memory_space<hbm>>
        tpu.wait_dma2 semaphore(%run_scoped3A : memref<!tpu.dma_semaphore, #tpu.memory_space<semaphore_mem>>) src(%dma_wait3A_33 : memref<448xi32, #tpu.memory_space<hbm>>) dst(%arg7 : memref<448xi32, #tpu.memory_space<vmem>>)
        tpu.yield
      }) : () -> ()
      "tpu.region"() ({
        %run_scoped3A = tpu.sem_alloc : memref<!tpu.dma_semaphore, #tpu.memory_space<semaphore_mem>>
        %dma_start3A = arith.constant 0 : i32
        %dma_start3A_32 = tpu.memref_slice %arg2[%add3A_29, %dma_start3A] : memref<100352x128xf32, #tpu.memory_space<hbm>> -> memref<448x64xf32, #tpu.memory_space<hbm>>
        %dma_start3A_33 = arith.constant 0 : i32
        %dma_start3A_34 = tpu.memref_slice %arg2[%add3A_29, %dma_start3A_33] : memref<100352x128xf32, #tpu.memory_space<hbm>> -> memref<448x64xf32, #tpu.memory_space<hbm>>
        tpu.enqueue_dma source(%dma_start3A_34 : memref<448x64xf32, #tpu.memory_space<hbm>>) target(%arg8 : memref<448x64xf32, #tpu.memory_space<vmem>>) target_semaphore(%run_scoped3A : memref<!tpu.dma_semaphore, #tpu.memory_space<semaphore_mem>>)
        %dma_wait3A = arith.constant 0 : i32
        %dma_wait3A_35 = tpu.memref_slice %arg2[%add3A_29, %dma_wait3A] : memref<100352x128xf32, #tpu.memory_space<hbm>> -> memref<448x64xf32, #tpu.memory_space<hbm>>
        %dma_wait3A_36 = arith.constant 0 : i32
        %dma_wait3A_37 = tpu.memref_slice %arg2[%add3A_29, %dma_wait3A_36] : memref<100352x128xf32, #tpu.memory_space<hbm>> -> memref<448x64xf32, #tpu.memory_space<hbm>>
        tpu.wait_dma2 semaphore(%run_scoped3A : memref<!tpu.dma_semaphore, #tpu.memory_space<semaphore_mem>>) src(%dma_wait3A_37 : memref<448x64xf32, #tpu.memory_space<hbm>>) dst(%arg8 : memref<448x64xf32, #tpu.memory_space<vmem>>)
        tpu.yield
      }) : () -> ()
      "tpu.region"() ({
        %run_scoped3A = tpu.sem_alloc : memref<!tpu.dma_semaphore, #tpu.memory_space<semaphore_mem>>
        %dma_start3A = arith.constant 64 : i32
        %dma_start3A_32 = tpu.memref_slice %arg2[%add3A_29, %dma_start3A] : memref<100352x128xf32, #tpu.memory_space<hbm>> -> memref<448x64xf32, #tpu.memory_space<hbm>>
        %dma_start3A_33 = arith.constant 64 : i32
        %dma_start3A_34 = tpu.memref_slice %arg2[%add3A_29, %dma_start3A_33] : memref<100352x128xf32, #tpu.memory_space<hbm>> -> memref<448x64xf32, #tpu.memory_space<hbm>>
        tpu.enqueue_dma source(%dma_start3A_34 : memref<448x64xf32, #tpu.memory_space<hbm>>) target(%arg9 : memref<448x64xf32, #tpu.memory_space<vmem>>) target_semaphore(%run_scoped3A : memref<!tpu.dma_semaphore, #tpu.memory_space<semaphore_mem>>)
        %dma_wait3A = arith.constant 64 : i32
        %dma_wait3A_35 = tpu.memref_slice %arg2[%add3A_29, %dma_wait3A] : memref<100352x128xf32, #tpu.memory_space<hbm>> -> memref<448x64xf32, #tpu.memory_space<hbm>>
        %dma_wait3A_36 = arith.constant 64 : i32
        %dma_wait3A_37 = tpu.memref_slice %arg2[%add3A_29, %dma_wait3A_36] : memref<100352x128xf32, #tpu.memory_space<hbm>> -> memref<448x64xf32, #tpu.memory_space<hbm>>
        tpu.wait_dma2 semaphore(%run_scoped3A : memref<!tpu.dma_semaphore, #tpu.memory_space<semaphore_mem>>) src(%dma_wait3A_37 : memref<448x64xf32, #tpu.memory_space<hbm>>) dst(%arg9 : memref<448x64xf32, #tpu.memory_space<vmem>>)
        tpu.yield
      }) : () -> ()
      "tpu.region"() ({
        %run_scoped3A = tpu.sem_alloc : memref<!tpu.dma_semaphore, #tpu.memory_space<semaphore_mem>>
        %dma_start3A = arith.constant 0 : i32
        %dma_start3A_32 = arith.constant 0 : i32
        %dma_start3A_33 = tpu.memref_slice %arg5[%dma_start3A, %dma_start3A_32] : memref<4096x64xf32, #tpu.memory_space<vmem_shared>> -> memref<4096x64xf32, #tpu.memory_space<vmem_shared>>
        tpu.enqueue_indirect_dma source(%arg8 : memref<448x64xf32, #tpu.memory_space<vmem>>) target(%dma_start3A_33 : memref<4096x64xf32, #tpu.memory_space<vmem_shared>>) offsets(%arg6 : memref<448xi32, #tpu.memory_space<vmem>>) semaphore(%run_scoped3A : memref<!tpu.dma_semaphore, #tpu.memory_space<semaphore_mem>>) {add = true}
        %dma_wait3A = arith.constant 0 : i32
        %dma_wait3A_34 = arith.constant 0 : i32
        %dma_wait3A_35 = tpu.memref_slice %arg5[%dma_wait3A, %dma_wait3A_34] : memref<4096x64xf32, #tpu.memory_space<vmem_shared>> -> memref<4096x64xf32, #tpu.memory_space<vmem_shared>>
        tpu.wait_indirect_dma semaphore(%run_scoped3A : memref<!tpu.dma_semaphore, #tpu.memory_space<semaphore_mem>>) src(%arg8 : memref<448x64xf32, #tpu.memory_space<vmem>>) dst(%dma_wait3A_35 : memref<4096x64xf32, #tpu.memory_space<vmem_shared>>)
        tpu.yield
      }) : () -> ()
      "tpu.region"() ({
        %run_scoped3A = tpu.sem_alloc : memref<!tpu.dma_semaphore, #tpu.memory_space<semaphore_mem>>
        %dma_start3A = arith.constant 0 : i32
        %dma_start3A_32 = arith.constant 0 : i32
        %dma_start3A_33 = tpu.memref_slice %arg5[%dma_start3A, %dma_start3A_32] : memref<4096x64xf32, #tpu.memory_space<vmem_shared>> -> memref<4096x64xf32, #tpu.memory_space<vmem_shared>>
        tpu.enqueue_indirect_dma source(%arg9 : memref<448x64xf32, #tpu.memory_space<vmem>>) target(%dma_start3A_33 : memref<4096x64xf32, #tpu.memory_space<vmem_shared>>) offsets(%arg7 : memref<448xi32, #tpu.memory_space<vmem>>) semaphore(%run_scoped3A : memref<!tpu.dma_semaphore, #tpu.memory_space<semaphore_mem>>) {add = true}
        %dma_wait3A = arith.constant 0 : i32
        %dma_wait3A_34 = arith.constant 0 : i32
        %dma_wait3A_35 = tpu.memref_slice %arg5[%dma_wait3A, %dma_wait3A_34] : memref<4096x64xf32, #tpu.memory_space<vmem_shared>> -> memref<4096x64xf32, #tpu.memory_space<vmem_shared>>
        tpu.wait_indirect_dma semaphore(%run_scoped3A : memref<!tpu.dma_semaphore, #tpu.memory_space<semaphore_mem>>) src(%arg9 : memref<448x64xf32, #tpu.memory_space<vmem>>) dst(%dma_wait3A_35 : memref<4096x64xf32, #tpu.memory_space<vmem_shared>>)
        tpu.yield
      }) : () -> ()
    }
    %scan3A_14 = arith.constant 7 : i32
    %barrier3A_15 = arith.constant 0 : index
    tpu.barrier barrier_id(%barrier3A_15)
    %mul3A_16 = arith.constant 256 : i32
    %mul3A_17 = arith.muli %arg1, %mul3A_16 : i32
    "tpu.region"() ({
      %run_scoped3A = tpu.sem_alloc : memref<!tpu.dma_semaphore, #tpu.memory_space<semaphore_mem>>
      %dma_start3A = arith.constant 0 : i32
      %dma_start3A_22 = tpu.memref_slice %arg5[%mul3A_17, %dma_start3A] : memref<4096x64xf32, #tpu.memory_space<vmem_shared>> -> memref<256x64xf32, #tpu.memory_space<vmem_shared>>
      %dma_start3A_23 = arith.constant 0 : i32
      %dma_start3A_24 = tpu.memref_slice %arg5[%mul3A_17, %dma_start3A_23] : memref<4096x64xf32, #tpu.memory_space<vmem_shared>> -> memref<256x64xf32, #tpu.memory_space<vmem_shared>>
      tpu.enqueue_dma source(%dma_start3A_24 : memref<256x64xf32, #tpu.memory_space<vmem_shared>>) target(%arg10 : memref<256x64xf32, #tpu.memory_space<vmem>>) target_semaphore(%run_scoped3A : memref<!tpu.dma_semaphore, #tpu.memory_space<semaphore_mem>>)
      %dma_wait3A = arith.constant 0 : i32
      %dma_wait3A_25 = tpu.memref_slice %arg5[%mul3A_17, %dma_wait3A] : memref<4096x64xf32, #tpu.memory_space<vmem_shared>> -> memref<256x64xf32, #tpu.memory_space<vmem_shared>>
      %dma_wait3A_26 = arith.constant 0 : i32
      %dma_wait3A_27 = tpu.memref_slice %arg5[%mul3A_17, %dma_wait3A_26] : memref<4096x64xf32, #tpu.memory_space<vmem_shared>> -> memref<256x64xf32, #tpu.memory_space<vmem_shared>>
      tpu.wait_dma2 semaphore(%run_scoped3A : memref<!tpu.dma_semaphore, #tpu.memory_space<semaphore_mem>>) src(%dma_wait3A_27 : memref<256x64xf32, #tpu.memory_space<vmem_shared>>) dst(%arg10 : memref<256x64xf32, #tpu.memory_space<vmem>>)
      tpu.yield
    }) : () -> ()
    %mul3A_18 = arith.constant 256 : i32
    %mul3A_19 = arith.muli %arg1, %mul3A_18 : i32
    %mul3A_20 = arith.constant 64 : i32
    %mul3A_21 = arith.muli %arg0, %mul3A_20 : i32
    "tpu.region"() ({
      %run_scoped3A = tpu.sem_alloc : memref<!tpu.dma_semaphore, #tpu.memory_space<semaphore_mem>>
      %dma_start3A = tpu.memref_slice %arg4[%mul3A_19, %mul3A_21] : memref<4096x128xf32, #tpu.memory_space<hbm>> -> memref<256x64xf32, #tpu.memory_space<hbm>>
      %dma_start3A_22 = tpu.memref_slice %arg4[%mul3A_19, %mul3A_21] : memref<4096x128xf32, #tpu.memory_space<hbm>> -> memref<256x64xf32, #tpu.memory_space<hbm>>
      tpu.enqueue_dma source(%arg10 : memref<256x64xf32, #tpu.memory_space<vmem>>) target(%dma_start3A_22 : memref<256x64xf32, #tpu.memory_space<hbm>>) target_semaphore(%run_scoped3A : memref<!tpu.dma_semaphore, #tpu.memory_space<semaphore_mem>>)
      %dma_wait3A = tpu.memref_slice %arg4[%mul3A_19, %mul3A_21] : memref<4096x128xf32, #tpu.memory_space<hbm>> -> memref<256x64xf32, #tpu.memory_space<hbm>>
      %dma_wait3A_23 = tpu.memref_slice %arg4[%mul3A_19, %mul3A_21] : memref<4096x128xf32, #tpu.memory_space<hbm>> -> memref<256x64xf32, #tpu.memory_space<hbm>>
      tpu.wait_dma2 semaphore(%run_scoped3A : memref<!tpu.dma_semaphore, #tpu.memory_space<semaphore_mem>>) src(%arg10 : memref<256x64xf32, #tpu.memory_space<vmem>>) dst(%dma_wait3A_23 : memref<256x64xf32, #tpu.memory_space<hbm>>)
      tpu.yield
    }) : () -> ()
    return
  }
}

#map = affine_map<(d0, d1) -> (0, 0)>
#map1 = affine_map<(d0, d1) -> (0)>
module attributes {stable_mosaic.version = 14 : i64} {
  func.func @_sc_gather_sum(%arg0: i32, %arg1: i32, %arg2: memref<50176x64xf32, #tpu.memory_space<hbm>>, %arg3: memref<4096x64xf32, #tpu.memory_space<hbm>>, %arg4: memref<200704xi32, #tpu.memory_space<hbm>>, %arg5: memref<200704xi32, #tpu.memory_space<hbm>>, %arg6: memref<100352x128xf32, #tpu.memory_space<hbm>>, %arg7: memref<4096x64xf32, #tpu.memory_space<vmem_shared>>, %arg8: memref<3136xi32, #tpu.memory_space<vmem>>, %arg9: memref<3136xi32, #tpu.memory_space<vmem>>, %arg10: memref<3136xi32, #tpu.memory_space<vmem>>, %arg11: memref<3136xi32, #tpu.memory_space<vmem>>, %arg12: memref<224xi32, #tpu.memory_space<vmem>>, %arg13: memref<224xi32, #tpu.memory_space<vmem>>, %arg14: memref<224xi32, #tpu.memory_space<vmem>>, %arg15: memref<224xi32, #tpu.memory_space<vmem>>, %arg16: memref<224x64xf32, #tpu.memory_space<vmem>>, %arg17: memref<224x64xf32, #tpu.memory_space<vmem>>, %arg18: memref<224x64xf32, #tpu.memory_space<vmem>>, %arg19: memref<224x64xf32, #tpu.memory_space<vmem>>) attributes {dimension_semantics = [#tpu.dimension_semantics<core_parallel>, #tpu.dimension_semantics<subcore_parallel>], iteration_bounds = array<i64: 2, 16>, scalar_prefetch = 0 : i64, scratch_operands = 13 : i64, tpu.core_type = #tpu.core_type<sc_vector_subcore>, window_params = [{transform_indices = #map}, {transform_indices = #map}, {transform_indices = #map1}, {transform_indices = #map1}, {transform_indices = #map}]} {
    %mul3A = arith.constant 2 : i32
    %mul3A_0 = arith.muli %arg1, %mul3A : i32
    %add3A = arith.addi %mul3A_0, %arg0 : i32
    %mul3A_1 = arith.constant 3136 : i32
    %mul3A_2 = arith.muli %add3A, %mul3A_1 : i32
    %mul3A_3 = arith.constant 256 : i32
    %mul3A_4 = arith.muli %arg1, %mul3A_3 : i32
    %mul3A_5 = arith.constant 256 : i32
    %mul3A_6 = arith.muli %arg1, %mul3A_5 : i32
    "tpu.region"() ({
      %run_scoped3A = tpu.sem_alloc : memref<!tpu.dma_semaphore, #tpu.memory_space<semaphore_mem>>
      %dma_start3A = arith.constant 0 : i32
      %dma_start3A_20 = tpu.memref_slice %arg7[%mul3A_6, %dma_start3A] : memref<4096x64xf32, #tpu.memory_space<vmem_shared>> -> memref<256x64xf32, #tpu.memory_space<vmem_shared>>
      %dma_start3A_21 = arith.constant 0 : i32
      %dma_start3A_22 = tpu.memref_slice %arg3[%mul3A_4, %dma_start3A_21] : memref<4096x64xf32, #tpu.memory_space<hbm>> -> memref<256x64xf32, #tpu.memory_space<hbm>>
      tpu.enqueue_dma source(%dma_start3A_22 : memref<256x64xf32, #tpu.memory_space<hbm>>) target(%dma_start3A_20 : memref<256x64xf32, #tpu.memory_space<vmem_shared>>) target_semaphore(%run_scoped3A : memref<!tpu.dma_semaphore, #tpu.memory_space<semaphore_mem>>)
      %dma_wait3A = arith.constant 0 : i32
      %dma_wait3A_23 = tpu.memref_slice %arg7[%mul3A_6, %dma_wait3A] : memref<4096x64xf32, #tpu.memory_space<vmem_shared>> -> memref<256x64xf32, #tpu.memory_space<vmem_shared>>
      %dma_wait3A_24 = arith.constant 0 : i32
      %dma_wait3A_25 = tpu.memref_slice %arg3[%mul3A_4, %dma_wait3A_24] : memref<4096x64xf32, #tpu.memory_space<hbm>> -> memref<256x64xf32, #tpu.memory_space<hbm>>
      tpu.wait_dma2 semaphore(%run_scoped3A : memref<!tpu.dma_semaphore, #tpu.memory_space<semaphore_mem>>) src(%dma_wait3A_25 : memref<256x64xf32, #tpu.memory_space<hbm>>) dst(%dma_wait3A_23 : memref<256x64xf32, #tpu.memory_space<vmem_shared>>)
      tpu.yield
    }) : () -> ()
    "tpu.region"() ({
      %run_scoped3A = tpu.sem_alloc : memref<!tpu.dma_semaphore, #tpu.memory_space<semaphore_mem>>
      %dma_start3A = tpu.memref_slice %arg4[%mul3A_2] : memref<200704xi32, #tpu.memory_space<hbm>> -> memref<3136xi32, #tpu.memory_space<hbm>>
      %dma_start3A_20 = tpu.memref_slice %arg4[%mul3A_2] : memref<200704xi32, #tpu.memory_space<hbm>> -> memref<3136xi32, #tpu.memory_space<hbm>>
      tpu.enqueue_dma source(%dma_start3A_20 : memref<3136xi32, #tpu.memory_space<hbm>>) target(%arg8 : memref<3136xi32, #tpu.memory_space<vmem>>) target_semaphore(%run_scoped3A : memref<!tpu.dma_semaphore, #tpu.memory_space<semaphore_mem>>)
      %dma_wait3A = tpu.memref_slice %arg4[%mul3A_2] : memref<200704xi32, #tpu.memory_space<hbm>> -> memref<3136xi32, #tpu.memory_space<hbm>>
      %dma_wait3A_21 = tpu.memref_slice %arg4[%mul3A_2] : memref<200704xi32, #tpu.memory_space<hbm>> -> memref<3136xi32, #tpu.memory_space<hbm>>
      tpu.wait_dma2 semaphore(%run_scoped3A : memref<!tpu.dma_semaphore, #tpu.memory_space<semaphore_mem>>) src(%dma_wait3A_21 : memref<3136xi32, #tpu.memory_space<hbm>>) dst(%arg8 : memref<3136xi32, #tpu.memory_space<vmem>>)
      tpu.yield
    }) : () -> ()
    %add3A_7 = arith.constant 100352 : i32
    %add3A_8 = arith.addi %add3A_7, %mul3A_2 : i32
    "tpu.region"() ({
      %run_scoped3A = tpu.sem_alloc : memref<!tpu.dma_semaphore, #tpu.memory_space<semaphore_mem>>
      %dma_start3A = tpu.memref_slice %arg4[%add3A_8] : memref<200704xi32, #tpu.memory_space<hbm>> -> memref<3136xi32, #tpu.memory_space<hbm>>
      %dma_start3A_20 = tpu.memref_slice %arg4[%add3A_8] : memref<200704xi32, #tpu.memory_space<hbm>> -> memref<3136xi32, #tpu.memory_space<hbm>>
      tpu.enqueue_dma source(%dma_start3A_20 : memref<3136xi32, #tpu.memory_space<hbm>>) target(%arg9 : memref<3136xi32, #tpu.memory_space<vmem>>) target_semaphore(%run_scoped3A : memref<!tpu.dma_semaphore, #tpu.memory_space<semaphore_mem>>)
      %dma_wait3A = tpu.memref_slice %arg4[%add3A_8] : memref<200704xi32, #tpu.memory_space<hbm>> -> memref<3136xi32, #tpu.memory_space<hbm>>
      %dma_wait3A_21 = tpu.memref_slice %arg4[%add3A_8] : memref<200704xi32, #tpu.memory_space<hbm>> -> memref<3136xi32, #tpu.memory_space<hbm>>
      tpu.wait_dma2 semaphore(%run_scoped3A : memref<!tpu.dma_semaphore, #tpu.memory_space<semaphore_mem>>) src(%dma_wait3A_21 : memref<3136xi32, #tpu.memory_space<hbm>>) dst(%arg9 : memref<3136xi32, #tpu.memory_space<vmem>>)
      tpu.yield
    }) : () -> ()
    "tpu.region"() ({
      %run_scoped3A = tpu.sem_alloc : memref<!tpu.dma_semaphore, #tpu.memory_space<semaphore_mem>>
      %dma_start3A = tpu.memref_slice %arg5[%mul3A_2] : memref<200704xi32, #tpu.memory_space<hbm>> -> memref<3136xi32, #tpu.memory_space<hbm>>
      %dma_start3A_20 = tpu.memref_slice %arg5[%mul3A_2] : memref<200704xi32, #tpu.memory_space<hbm>> -> memref<3136xi32, #tpu.memory_space<hbm>>
      tpu.enqueue_dma source(%dma_start3A_20 : memref<3136xi32, #tpu.memory_space<hbm>>) target(%arg10 : memref<3136xi32, #tpu.memory_space<vmem>>) target_semaphore(%run_scoped3A : memref<!tpu.dma_semaphore, #tpu.memory_space<semaphore_mem>>)
      %dma_wait3A = tpu.memref_slice %arg5[%mul3A_2] : memref<200704xi32, #tpu.memory_space<hbm>> -> memref<3136xi32, #tpu.memory_space<hbm>>
      %dma_wait3A_21 = tpu.memref_slice %arg5[%mul3A_2] : memref<200704xi32, #tpu.memory_space<hbm>> -> memref<3136xi32, #tpu.memory_space<hbm>>
      tpu.wait_dma2 semaphore(%run_scoped3A : memref<!tpu.dma_semaphore, #tpu.memory_space<semaphore_mem>>) src(%dma_wait3A_21 : memref<3136xi32, #tpu.memory_space<hbm>>) dst(%arg10 : memref<3136xi32, #tpu.memory_space<vmem>>)
      tpu.yield
    }) : () -> ()
    %add3A_9 = arith.constant 100352 : i32
    %add3A_10 = arith.addi %add3A_9, %mul3A_2 : i32
    "tpu.region"() ({
      %run_scoped3A = tpu.sem_alloc : memref<!tpu.dma_semaphore, #tpu.memory_space<semaphore_mem>>
      %dma_start3A = tpu.memref_slice %arg5[%add3A_10] : memref<200704xi32, #tpu.memory_space<hbm>> -> memref<3136xi32, #tpu.memory_space<hbm>>
      %dma_start3A_20 = tpu.memref_slice %arg5[%add3A_10] : memref<200704xi32, #tpu.memory_space<hbm>> -> memref<3136xi32, #tpu.memory_space<hbm>>
      tpu.enqueue_dma source(%dma_start3A_20 : memref<3136xi32, #tpu.memory_space<hbm>>) target(%arg11 : memref<3136xi32, #tpu.memory_space<vmem>>) target_semaphore(%run_scoped3A : memref<!tpu.dma_semaphore, #tpu.memory_space<semaphore_mem>>)
      %dma_wait3A = tpu.memref_slice %arg5[%add3A_10] : memref<200704xi32, #tpu.memory_space<hbm>> -> memref<3136xi32, #tpu.memory_space<hbm>>
      %dma_wait3A_21 = tpu.memref_slice %arg5[%add3A_10] : memref<200704xi32, #tpu.memory_space<hbm>> -> memref<3136xi32, #tpu.memory_space<hbm>>
      tpu.wait_dma2 semaphore(%run_scoped3A : memref<!tpu.dma_semaphore, #tpu.memory_space<semaphore_mem>>) src(%dma_wait3A_21 : memref<3136xi32, #tpu.memory_space<hbm>>) dst(%arg11 : memref<3136xi32, #tpu.memory_space<vmem>>)
      tpu.yield
    }) : () -> ()
    %scan3A = arith.constant 0 : i32
    %scan3A_11 = arith.constant 196 : i32
    %scan3A_12 = arith.addi %scan3A, %scan3A_11 : i32
    %scan3A_13 = arith.constant 1 : i32
    scf.for %scan3A_20 = %scan3A to %scan3A_12 step %scan3A_13  : i32 {
      %mul3A_21 = arith.constant 1 : i32
      %mul3A_22 = arith.muli %scan3A_20, %mul3A_21 : i32
      %add3A_23 = arith.constant 0 : i32
      %add3A_24 = arith.addi %add3A_23, %mul3A_22 : i32
      %mul3A_25 = arith.constant 16 : i32
      %mul3A_26 = arith.muli %add3A_24, %mul3A_25 : i32
      %get3A = arith.index_cast %mul3A_26 : i32 to index
      %get3A_27 = tpu.vector_load %arg8[%get3A] {strides = array<i32>} : memref<3136xi32, #tpu.memory_space<vmem>>, vector<16xi32>,
      %get3A_28 = vector.shape_cast %get3A_27 : vector<16xi32> to vector<16xi32>
      %ge3A = arith.constant 25088 : i32
      %ge3A_29 = vector.broadcast %ge3A : i32 to vector<16xi32>
      %ge3A_30 = arith.cmpi sge, %get3A_28, %ge3A_29 : vector<16xi32>
      %sub3A = arith.constant 25088 : i32
      %sub3A_31 = vector.broadcast %sub3A : i32 to vector<16xi32>
      %sub3A_32 = arith.subi %get3A_28, %sub3A_31 : vector<16xi32>
      %mul3A_33 = arith.constant 2 : i32
      %mul3A_34 = vector.broadcast %mul3A_33 : i32 to vector<16xi32>
      %mul3A_35 = arith.muli %mul3A_34, %sub3A_32 : vector<16xi32>
      %add3A_36 = arith.constant 1 : i32
      %add3A_37 = vector.broadcast %add3A_36 : i32 to vector<16xi32>
      %add3A_38 = arith.addi %mul3A_35, %add3A_37 : vector<16xi32>
      %mul3A_39 = arith.constant 2 : i32
      %mul3A_40 = vector.broadcast %mul3A_39 : i32 to vector<16xi32>
      %mul3A_41 = arith.muli %mul3A_40, %get3A_28 : vector<16xi32>
      %select_n3A = arith.select %ge3A_30, %add3A_38, %mul3A_41 : vector<16xi1>, vector<16xi32>
      %swap3A = arith.index_cast %mul3A_26 : i32 to index
      %swap3A_42 = tpu.vector_load %arg8[%swap3A] {strides = array<i32>} : memref<3136xi32, #tpu.memory_space<vmem>>, vector<16xi32>,
      %swap3A_43 = vector.shape_cast %swap3A_42 : vector<16xi32> to vector<16xi32>
      %swap3A_44 = vector.shape_cast %select_n3A : vector<16xi32> to vector<16xi32>
      tpu.vector_store %arg8[%swap3A], %swap3A_44 {strides = array<i32>} : memref<3136xi32, #tpu.memory_space<vmem>>, vector<16xi32>,
      %get3A_45 = arith.index_cast %mul3A_26 : i32 to index
      %get3A_46 = tpu.vector_load %arg9[%get3A_45] {strides = array<i32>} : memref<3136xi32, #tpu.memory_space<vmem>>, vector<16xi32>,
      %get3A_47 = vector.shape_cast %get3A_46 : vector<16xi32> to vector<16xi32>
      %ge3A_48 = arith.constant 25088 : i32
      %ge3A_49 = vector.broadcast %ge3A_48 : i32 to vector<16xi32>
      %ge3A_50 = arith.cmpi sge, %get3A_47, %ge3A_49 : vector<16xi32>
      %sub3A_51 = arith.constant 25088 : i32
      %sub3A_52 = vector.broadcast %sub3A_51 : i32 to vector<16xi32>
      %sub3A_53 = arith.subi %get3A_47, %sub3A_52 : vector<16xi32>
      %mul3A_54 = arith.constant 2 : i32
      %mul3A_55 = vector.broadcast %mul3A_54 : i32 to vector<16xi32>
      %mul3A_56 = arith.muli %mul3A_55, %sub3A_53 : vector<16xi32>
      %add3A_57 = arith.constant 1 : i32
      %add3A_58 = vector.broadcast %add3A_57 : i32 to vector<16xi32>
      %add3A_59 = arith.addi %mul3A_56, %add3A_58 : vector<16xi32>
      %mul3A_60 = arith.constant 2 : i32
      %mul3A_61 = vector.broadcast %mul3A_60 : i32 to vector<16xi32>
      %mul3A_62 = arith.muli %mul3A_61, %get3A_47 : vector<16xi32>
      %select_n3A_63 = arith.select %ge3A_50, %add3A_59, %mul3A_62 : vector<16xi1>, vector<16xi32>
      %swap3A_64 = arith.index_cast %mul3A_26 : i32 to index
      %swap3A_65 = tpu.vector_load %arg9[%swap3A_64] {strides = array<i32>} : memref<3136xi32, #tpu.memory_space<vmem>>, vector<16xi32>,
      %swap3A_66 = vector.shape_cast %swap3A_65 : vector<16xi32> to vector<16xi32>
      %swap3A_67 = vector.shape_cast %select_n3A_63 : vector<16xi32> to vector<16xi32>
      tpu.vector_store %arg9[%swap3A_64], %swap3A_67 {strides = array<i32>} : memref<3136xi32, #tpu.memory_space<vmem>>, vector<16xi32>,
    }
    %scan3A_14 = arith.constant 196 : i32
    %barrier3A = arith.constant 0 : index
    tpu.barrier barrier_id(%barrier3A)
    %scan3A_15 = arith.constant 0 : i32
    %scan3A_16 = arith.constant 14 : i32
    %scan3A_17 = arith.addi %scan3A_15, %scan3A_16 : i32
    %scan3A_18 = arith.constant 1 : i32
    scf.for %scan3A_20 = %scan3A_15 to %scan3A_17 step %scan3A_18  : i32 {
      %mul3A_21 = arith.constant 1 : i32
      %mul3A_22 = arith.muli %scan3A_20, %mul3A_21 : i32
      %add3A_23 = arith.constant 0 : i32
      %add3A_24 = arith.addi %add3A_23, %mul3A_22 : i32
      %mul3A_25 = arith.constant 224 : i32
      %mul3A_26 = arith.muli %add3A_24, %mul3A_25 : i32
      %add3A_27 = arith.addi %mul3A_2, %mul3A_26 : i32
      %mul3A_28 = arith.constant 224 : i32
      %mul3A_29 = arith.muli %add3A_24, %mul3A_28 : i32
      %add3A_30 = arith.constant 0 : i32
      %add3A_31 = arith.addi %mul3A_29, %add3A_30 : i32
      %get3A = arith.index_cast %add3A_31 : i32 to index
      %get3A_32 = tpu.vector_load %arg8[%get3A] {strides = array<i32>} : memref<3136xi32, #tpu.memory_space<vmem>>, vector<16xi32>,
      %get3A_33 = vector.shape_cast %get3A_32 : vector<16xi32> to vector<16xi32>
      %swap3A = arith.constant 0 : index
      %swap3A_34 = tpu.vector_load %arg12[%swap3A] {strides = array<i32>} : memref<224xi32, #tpu.memory_space<vmem>>, vector<16xi32>,
      %swap3A_35 = vector.shape_cast %swap3A_34 : vector<16xi32> to vector<16xi32>
      %swap3A_36 = vector.shape_cast %get3A_33 : vector<16xi32> to vector<16xi32>
      tpu.vector_store %arg12[%swap3A], %swap3A_36 {strides = array<i32>} : memref<224xi32, #tpu.memory_space<vmem>>, vector<16xi32>,
      %get3A_37 = arith.index_cast %add3A_31 : i32 to index
      %get3A_38 = tpu.vector_load %arg9[%get3A_37] {strides = array<i32>} : memref<3136xi32, #tpu.memory_space<vmem>>, vector<16xi32>,
      %get3A_39 = vector.shape_cast %get3A_38 : vector<16xi32> to vector<16xi32>
      %swap3A_40 = arith.constant 0 : index
      %swap3A_41 = tpu.vector_load %arg13[%swap3A_40] {strides = array<i32>} : memref<224xi32, #tpu.memory_space<vmem>>, vector<16xi32>,
      %swap3A_42 = vector.shape_cast %swap3A_41 : vector<16xi32> to vector<16xi32>
      %swap3A_43 = vector.shape_cast %get3A_39 : vector<16xi32> to vector<16xi32>
      tpu.vector_store %arg13[%swap3A_40], %swap3A_43 {strides = array<i32>} : memref<224xi32, #tpu.memory_space<vmem>>, vector<16xi32>,
      %get3A_44 = arith.index_cast %add3A_31 : i32 to index
      %get3A_45 = tpu.vector_load %arg10[%get3A_44] {strides = array<i32>} : memref<3136xi32, #tpu.memory_space<vmem>>, vector<16xi32>,
      %get3A_46 = vector.shape_cast %get3A_45 : vector<16xi32> to vector<16xi32>
      %swap3A_47 = arith.constant 0 : index
      %swap3A_48 = tpu.vector_load %arg14[%swap3A_47] {strides = array<i32>} : memref<224xi32, #tpu.memory_space<vmem>>, vector<16xi32>,
      %swap3A_49 = vector.shape_cast %swap3A_48 : vector<16xi32> to vector<16xi32>
      %swap3A_50 = vector.shape_cast %get3A_46 : vector<16xi32> to vector<16xi32>
      tpu.vector_store %arg14[%swap3A_47], %swap3A_50 {strides = array<i32>} : memref<224xi32, #tpu.memory_space<vmem>>, vector<16xi32>,
      %get3A_51 = arith.index_cast %add3A_31 : i32 to index
      %get3A_52 = tpu.vector_load %arg11[%get3A_51] {strides = array<i32>} : memref<3136xi32, #tpu.memory_space<vmem>>, vector<16xi32>,
      %get3A_53 = vector.shape_cast %get3A_52 : vector<16xi32> to vector<16xi32>
      %swap3A_54 = arith.constant 0 : index
      %swap3A_55 = tpu.vector_load %arg15[%swap3A_54] {strides = array<i32>} : memref<224xi32, #tpu.memory_space<vmem>>, vector<16xi32>,
      %swap3A_56 = vector.shape_cast %swap3A_55 : vector<16xi32> to vector<16xi32>
      %swap3A_57 = vector.shape_cast %get3A_53 : vector<16xi32> to vector<16xi32>
      tpu.vector_store %arg15[%swap3A_54], %swap3A_57 {strides = array<i32>} : memref<224xi32, #tpu.memory_space<vmem>>, vector<16xi32>,
      %add3A_58 = arith.constant 16 : i32
      %add3A_59 = arith.addi %mul3A_29, %add3A_58 : i32
      %get3A_60 = arith.index_cast %add3A_59 : i32 to index
      %get3A_61 = tpu.vector_load %arg8[%get3A_60] {strides = array<i32>} : memref<3136xi32, #tpu.memory_space<vmem>>, vector<16xi32>,
      %get3A_62 = vector.shape_cast %get3A_61 : vector<16xi32> to vector<16xi32>
      %swap3A_63 = arith.constant 16 : index
      %swap3A_64 = tpu.vector_load %arg12[%swap3A_63] {strides = array<i32>} : memref<224xi32, #tpu.memory_space<vmem>>, vector<16xi32>,
      %swap3A_65 = vector.shape_cast %swap3A_64 : vector<16xi32> to vector<16xi32>
      %swap3A_66 = vector.shape_cast %get3A_62 : vector<16xi32> to vector<16xi32>
      tpu.vector_store %arg12[%swap3A_63], %swap3A_66 {strides = array<i32>} : memref<224xi32, #tpu.memory_space<vmem>>, vector<16xi32>,
      %get3A_67 = arith.index_cast %add3A_59 : i32 to index
      %get3A_68 = tpu.vector_load %arg9[%get3A_67] {strides = array<i32>} : memref<3136xi32, #tpu.memory_space<vmem>>, vector<16xi32>,
      %get3A_69 = vector.shape_cast %get3A_68 : vector<16xi32> to vector<16xi32>
      %swap3A_70 = arith.constant 16 : index
      %swap3A_71 = tpu.vector_load %arg13[%swap3A_70] {strides = array<i32>} : memref<224xi32, #tpu.memory_space<vmem>>, vector<16xi32>,
      %swap3A_72 = vector.shape_cast %swap3A_71 : vector<16xi32> to vector<16xi32>
      %swap3A_73 = vector.shape_cast %get3A_69 : vector<16xi32> to vector<16xi32>
      tpu.vector_store %arg13[%swap3A_70], %swap3A_73 {strides = array<i32>} : memref<224xi32, #tpu.memory_space<vmem>>, vector<16xi32>,
      %get3A_74 = arith.index_cast %add3A_59 : i32 to index
      %get3A_75 = tpu.vector_load %arg10[%get3A_74] {strides = array<i32>} : memref<3136xi32, #tpu.memory_space<vmem>>, vector<16xi32>,
      %get3A_76 = vector.shape_cast %get3A_75 : vector<16xi32> to vector<16xi32>
      %swap3A_77 = arith.constant 16 : index
      %swap3A_78 = tpu.vector_load %arg14[%swap3A_77] {strides = array<i32>} : memref<224xi32, #tpu.memory_space<vmem>>, vector<16xi32>,
      %swap3A_79 = vector.shape_cast %swap3A_78 : vector<16xi32> to vector<16xi32>
      %swap3A_80 = vector.shape_cast %get3A_76 : vector<16xi32> to vector<16xi32>
      tpu.vector_store %arg14[%swap3A_77], %swap3A_80 {strides = array<i32>} : memref<224xi32, #tpu.memory_space<vmem>>, vector<16xi32>,
      %get3A_81 = arith.index_cast %add3A_59 : i32 to index
      %get3A_82 = tpu.vector_load %arg11[%get3A_81] {strides = array<i32>} : memref<3136xi32, #tpu.memory_space<vmem>>, vector<16xi32>,
      %get3A_83 = vector.shape_cast %get3A_82 : vector<16xi32> to vector<16xi32>
      %swap3A_84 = arith.constant 16 : index
      %swap3A_85 = tpu.vector_load %arg15[%swap3A_84] {strides = array<i32>} : memref<224xi32, #tpu.memory_space<vmem>>, vector<16xi32>,
      %swap3A_86 = vector.shape_cast %swap3A_85 : vector<16xi32> to vector<16xi32>
      %swap3A_87 = vector.shape_cast %get3A_83 : vector<16xi32> to vector<16xi32>
      tpu.vector_store %arg15[%swap3A_84], %swap3A_87 {strides = array<i32>} : memref<224xi32, #tpu.memory_space<vmem>>, vector<16xi32>,
      %add3A_88 = arith.constant 32 : i32
      %add3A_89 = arith.addi %mul3A_29, %add3A_88 : i32
      %get3A_90 = arith.index_cast %add3A_89 : i32 to index
      %get3A_91 = tpu.vector_load %arg8[%get3A_90] {strides = array<i32>} : memref<3136xi32, #tpu.memory_space<vmem>>, vector<16xi32>,
      %get3A_92 = vector.shape_cast %get3A_91 : vector<16xi32> to vector<16xi32>
      %swap3A_93 = arith.constant 32 : index
      %swap3A_94 = tpu.vector_load %arg12[%swap3A_93] {strides = array<i32>} : memref<224xi32, #tpu.memory_space<vmem>>, vector<16xi32>,
      %swap3A_95 = vector.shape_cast %swap3A_94 : vector<16xi32> to vector<16xi32>
      %swap3A_96 = vector.shape_cast %get3A_92 : vector<16xi32> to vector<16xi32>
      tpu.vector_store %arg12[%swap3A_93], %swap3A_96 {strides = array<i32>} : memref<224xi32, #tpu.memory_space<vmem>>, vector<16xi32>,
      %get3A_97 = arith.index_cast %add3A_89 : i32 to index
      %get3A_98 = tpu.vector_load %arg9[%get3A_97] {strides = array<i32>} : memref<3136xi32, #tpu.memory_space<vmem>>, vector<16xi32>,
      %get3A_99 = vector.shape_cast %get3A_98 : vector<16xi32> to vector<16xi32>
      %swap3A_100 = arith.constant 32 : index
      %swap3A_101 = tpu.vector_load %arg13[%swap3A_100] {strides = array<i32>} : memref<224xi32, #tpu.memory_space<vmem>>, vector<16xi32>,
      %swap3A_102 = vector.shape_cast %swap3A_101 : vector<16xi32> to vector<16xi32>
      %swap3A_103 = vector.shape_cast %get3A_99 : vector<16xi32> to vector<16xi32>
      tpu.vector_store %arg13[%swap3A_100], %swap3A_103 {strides = array<i32>} : memref<224xi32, #tpu.memory_space<vmem>>, vector<16xi32>,
      %get3A_104 = arith.index_cast %add3A_89 : i32 to index
      %get3A_105 = tpu.vector_load %arg10[%get3A_104] {strides = array<i32>} : memref<3136xi32, #tpu.memory_space<vmem>>, vector<16xi32>,
      %get3A_106 = vector.shape_cast %get3A_105 : vector<16xi32> to vector<16xi32>
      %swap3A_107 = arith.constant 32 : index
      %swap3A_108 = tpu.vector_load %arg14[%swap3A_107] {strides = array<i32>} : memref<224xi32, #tpu.memory_space<vmem>>, vector<16xi32>,
      %swap3A_109 = vector.shape_cast %swap3A_108 : vector<16xi32> to vector<16xi32>
      %swap3A_110 = vector.shape_cast %get3A_106 : vector<16xi32> to vector<16xi32>
      tpu.vector_store %arg14[%swap3A_107], %swap3A_110 {strides = array<i32>} : memref<224xi32, #tpu.memory_space<vmem>>, vector<16xi32>,
      %get3A_111 = arith.index_cast %add3A_89 : i32 to index
      %get3A_112 = tpu.vector_load %arg11[%get3A_111] {strides = array<i32>} : memref<3136xi32, #tpu.memory_space<vmem>>, vector<16xi32>,
      %get3A_113 = vector.shape_cast %get3A_112 : vector<16xi32> to vector<16xi32>
      %swap3A_114 = arith.constant 32 : index
      %swap3A_115 = tpu.vector_load %arg15[%swap3A_114] {strides = array<i32>} : memref<224xi32, #tpu.memory_space<vmem>>, vector<16xi32>,
      %swap3A_116 = vector.shape_cast %swap3A_115 : vector<16xi32> to vector<16xi32>
      %swap3A_117 = vector.shape_cast %get3A_113 : vector<16xi32> to vector<16xi32>
      tpu.vector_store %arg15[%swap3A_114], %swap3A_117 {strides = array<i32>} : memref<224xi32, #tpu.memory_space<vmem>>, vector<16xi32>,
      %add3A_118 = arith.constant 48 : i32
      %add3A_119 = arith.addi %mul3A_29, %add3A_118 : i32
      %get3A_120 = arith.index_cast %add3A_119 : i32 to index
      %get3A_121 = tpu.vector_load %arg8[%get3A_120] {strides = array<i32>} : memref<3136xi32, #tpu.memory_space<vmem>>, vector<16xi32>,
      %get3A_122 = vector.shape_cast %get3A_121 : vector<16xi32> to vector<16xi32>
      %swap3A_123 = arith.constant 48 : index
      %swap3A_124 = tpu.vector_load %arg12[%swap3A_123] {strides = array<i32>} : memref<224xi32, #tpu.memory_space<vmem>>, vector<16xi32>,
      %swap3A_125 = vector.shape_cast %swap3A_124 : vector<16xi32> to vector<16xi32>
      %swap3A_126 = vector.shape_cast %get3A_122 : vector<16xi32> to vector<16xi32>
      tpu.vector_store %arg12[%swap3A_123], %swap3A_126 {strides = array<i32>} : memref<224xi32, #tpu.memory_space<vmem>>, vector<16xi32>,
      %get3A_127 = arith.index_cast %add3A_119 : i32 to index
      %get3A_128 = tpu.vector_load %arg9[%get3A_127] {strides = array<i32>} : memref<3136xi32, #tpu.memory_space<vmem>>, vector<16xi32>,
      %get3A_129 = vector.shape_cast %get3A_128 : vector<16xi32> to vector<16xi32>
      %swap3A_130 = arith.constant 48 : index
      %swap3A_131 = tpu.vector_load %arg13[%swap3A_130] {strides = array<i32>} : memref<224xi32, #tpu.memory_space<vmem>>, vector<16xi32>,
      %swap3A_132 = vector.shape_cast %swap3A_131 : vector<16xi32> to vector<16xi32>
      %swap3A_133 = vector.shape_cast %get3A_129 : vector<16xi32> to vector<16xi32>
      tpu.vector_store %arg13[%swap3A_130], %swap3A_133 {strides = array<i32>} : memref<224xi32, #tpu.memory_space<vmem>>, vector<16xi32>,
      %get3A_134 = arith.index_cast %add3A_119 : i32 to index
      %get3A_135 = tpu.vector_load %arg10[%get3A_134] {strides = array<i32>} : memref<3136xi32, #tpu.memory_space<vmem>>, vector<16xi32>,
      %get3A_136 = vector.shape_cast %get3A_135 : vector<16xi32> to vector<16xi32>
      %swap3A_137 = arith.constant 48 : index
      %swap3A_138 = tpu.vector_load %arg14[%swap3A_137] {strides = array<i32>} : memref<224xi32, #tpu.memory_space<vmem>>, vector<16xi32>,
      %swap3A_139 = vector.shape_cast %swap3A_138 : vector<16xi32> to vector<16xi32>
      %swap3A_140 = vector.shape_cast %get3A_136 : vector<16xi32> to vector<16xi32>
      tpu.vector_store %arg14[%swap3A_137], %swap3A_140 {strides = array<i32>} : memref<224xi32, #tpu.memory_space<vmem>>, vector<16xi32>,
      %get3A_141 = arith.index_cast %add3A_119 : i32 to index
      %get3A_142 = tpu.vector_load %arg11[%get3A_141] {strides = array<i32>} : memref<3136xi32, #tpu.memory_space<vmem>>, vector<16xi32>,
      %get3A_143 = vector.shape_cast %get3A_142 : vector<16xi32> to vector<16xi32>
      %swap3A_144 = arith.constant 48 : index
      %swap3A_145 = tpu.vector_load %arg15[%swap3A_144] {strides = array<i32>} : memref<224xi32, #tpu.memory_space<vmem>>, vector<16xi32>,
      %swap3A_146 = vector.shape_cast %swap3A_145 : vector<16xi32> to vector<16xi32>
      %swap3A_147 = vector.shape_cast %get3A_143 : vector<16xi32> to vector<16xi32>
      tpu.vector_store %arg15[%swap3A_144], %swap3A_147 {strides = array<i32>} : memref<224xi32, #tpu.memory_space<vmem>>, vector<16xi32>,
      %add3A_148 = arith.constant 64 : i32
      %add3A_149 = arith.addi %mul3A_29, %add3A_148 : i32
      %get3A_150 = arith.index_cast %add3A_149 : i32 to index
      %get3A_151 = tpu.vector_load %arg8[%get3A_150] {strides = array<i32>} : memref<3136xi32, #tpu.memory_space<vmem>>, vector<16xi32>,
      %get3A_152 = vector.shape_cast %get3A_151 : vector<16xi32> to vector<16xi32>
      %swap3A_153 = arith.constant 64 : index
      %swap3A_154 = tpu.vector_load %arg12[%swap3A_153] {strides = array<i32>} : memref<224xi32, #tpu.memory_space<vmem>>, vector<16xi32>,
      %swap3A_155 = vector.shape_cast %swap3A_154 : vector<16xi32> to vector<16xi32>
      %swap3A_156 = vector.shape_cast %get3A_152 : vector<16xi32> to vector<16xi32>
      tpu.vector_store %arg12[%swap3A_153], %swap3A_156 {strides = array<i32>} : memref<224xi32, #tpu.memory_space<vmem>>, vector<16xi32>,
      %get3A_157 = arith.index_cast %add3A_149 : i32 to index
      %get3A_158 = tpu.vector_load %arg9[%get3A_157] {strides = array<i32>} : memref<3136xi32, #tpu.memory_space<vmem>>, vector<16xi32>,
      %get3A_159 = vector.shape_cast %get3A_158 : vector<16xi32> to vector<16xi32>
      %swap3A_160 = arith.constant 64 : index
      %swap3A_161 = tpu.vector_load %arg13[%swap3A_160] {strides = array<i32>} : memref<224xi32, #tpu.memory_space<vmem>>, vector<16xi32>,
      %swap3A_162 = vector.shape_cast %swap3A_161 : vector<16xi32> to vector<16xi32>
      %swap3A_163 = vector.shape_cast %get3A_159 : vector<16xi32> to vector<16xi32>
      tpu.vector_store %arg13[%swap3A_160], %swap3A_163 {strides = array<i32>} : memref<224xi32, #tpu.memory_space<vmem>>, vector<16xi32>,
      %get3A_164 = arith.index_cast %add3A_149 : i32 to index
      %get3A_165 = tpu.vector_load %arg10[%get3A_164] {strides = array<i32>} : memref<3136xi32, #tpu.memory_space<vmem>>, vector<16xi32>,
      %get3A_166 = vector.shape_cast %get3A_165 : vector<16xi32> to vector<16xi32>
      %swap3A_167 = arith.constant 64 : index
      %swap3A_168 = tpu.vector_load %arg14[%swap3A_167] {strides = array<i32>} : memref<224xi32, #tpu.memory_space<vmem>>, vector<16xi32>,
      %swap3A_169 = vector.shape_cast %swap3A_168 : vector<16xi32> to vector<16xi32>
      %swap3A_170 = vector.shape_cast %get3A_166 : vector<16xi32> to vector<16xi32>
      tpu.vector_store %arg14[%swap3A_167], %swap3A_170 {strides = array<i32>} : memref<224xi32, #tpu.memory_space<vmem>>, vector<16xi32>,
      %get3A_171 = arith.index_cast %add3A_149 : i32 to index
      %get3A_172 = tpu.vector_load %arg11[%get3A_171] {strides = array<i32>} : memref<3136xi32, #tpu.memory_space<vmem>>, vector<16xi32>,
      %get3A_173 = vector.shape_cast %get3A_172 : vector<16xi32> to vector<16xi32>
      %swap3A_174 = arith.constant 64 : index
      %swap3A_175 = tpu.vector_load %arg15[%swap3A_174] {strides = array<i32>} : memref<224xi32, #tpu.memory_space<vmem>>, vector<16xi32>,
      %swap3A_176 = vector.shape_cast %swap3A_175 : vector<16xi32> to vector<16xi32>
      %swap3A_177 = vector.shape_cast %get3A_173 : vector<16xi32> to vector<16xi32>
      tpu.vector_store %arg15[%swap3A_174], %swap3A_177 {strides = array<i32>} : memref<224xi32, #tpu.memory_space<vmem>>, vector<16xi32>,
      %add3A_178 = arith.constant 80 : i32
      %add3A_179 = arith.addi %mul3A_29, %add3A_178 : i32
      %get3A_180 = arith.index_cast %add3A_179 : i32 to index
      %get3A_181 = tpu.vector_load %arg8[%get3A_180] {strides = array<i32>} : memref<3136xi32, #tpu.memory_space<vmem>>, vector<16xi32>,
      %get3A_182 = vector.shape_cast %get3A_181 : vector<16xi32> to vector<16xi32>
      %swap3A_183 = arith.constant 80 : index
      %swap3A_184 = tpu.vector_load %arg12[%swap3A_183] {strides = array<i32>} : memref<224xi32, #tpu.memory_space<vmem>>, vector<16xi32>,
      %swap3A_185 = vector.shape_cast %swap3A_184 : vector<16xi32> to vector<16xi32>
      %swap3A_186 = vector.shape_cast %get3A_182 : vector<16xi32> to vector<16xi32>
      tpu.vector_store %arg12[%swap3A_183], %swap3A_186 {strides = array<i32>} : memref<224xi32, #tpu.memory_space<vmem>>, vector<16xi32>,
      %get3A_187 = arith.index_cast %add3A_179 : i32 to index
      %get3A_188 = tpu.vector_load %arg9[%get3A_187] {strides = array<i32>} : memref<3136xi32, #tpu.memory_space<vmem>>, vector<16xi32>,
      %get3A_189 = vector.shape_cast %get3A_188 : vector<16xi32> to vector<16xi32>
      %swap3A_190 = arith.constant 80 : index
      %swap3A_191 = tpu.vector_load %arg13[%swap3A_190] {strides = array<i32>} : memref<224xi32, #tpu.memory_space<vmem>>, vector<16xi32>,
      %swap3A_192 = vector.shape_cast %swap3A_191 : vector<16xi32> to vector<16xi32>
      %swap3A_193 = vector.shape_cast %get3A_189 : vector<16xi32> to vector<16xi32>
      tpu.vector_store %arg13[%swap3A_190], %swap3A_193 {strides = array<i32>} : memref<224xi32, #tpu.memory_space<vmem>>, vector<16xi32>,
      %get3A_194 = arith.index_cast %add3A_179 : i32 to index
      %get3A_195 = tpu.vector_load %arg10[%get3A_194] {strides = array<i32>} : memref<3136xi32, #tpu.memory_space<vmem>>, vector<16xi32>,
      %get3A_196 = vector.shape_cast %get3A_195 : vector<16xi32> to vector<16xi32>
      %swap3A_197 = arith.constant 80 : index
      %swap3A_198 = tpu.vector_load %arg14[%swap3A_197] {strides = array<i32>} : memref<224xi32, #tpu.memory_space<vmem>>, vector<16xi32>,
      %swap3A_199 = vector.shape_cast %swap3A_198 : vector<16xi32> to vector<16xi32>
      %swap3A_200 = vector.shape_cast %get3A_196 : vector<16xi32> to vector<16xi32>
      tpu.vector_store %arg14[%swap3A_197], %swap3A_200 {strides = array<i32>} : memref<224xi32, #tpu.memory_space<vmem>>, vector<16xi32>,
      %get3A_201 = arith.index_cast %add3A_179 : i32 to index
      %get3A_202 = tpu.vector_load %arg11[%get3A_201] {strides = array<i32>} : memref<3136xi32, #tpu.memory_space<vmem>>, vector<16xi32>,
      %get3A_203 = vector.shape_cast %get3A_202 : vector<16xi32> to vector<16xi32>
      %swap3A_204 = arith.constant 80 : index
      %swap3A_205 = tpu.vector_load %arg15[%swap3A_204] {strides = array<i32>} : memref<224xi32, #tpu.memory_space<vmem>>, vector<16xi32>,
      %swap3A_206 = vector.shape_cast %swap3A_205 : vector<16xi32> to vector<16xi32>
      %swap3A_207 = vector.shape_cast %get3A_203 : vector<16xi32> to vector<16xi32>
      tpu.vector_store %arg15[%swap3A_204], %swap3A_207 {strides = array<i32>} : memref<224xi32, #tpu.memory_space<vmem>>, vector<16xi32>,
      %add3A_208 = arith.constant 96 : i32
      %add3A_209 = arith.addi %mul3A_29, %add3A_208 : i32
      %get3A_210 = arith.index_cast %add3A_209 : i32 to index
      %get3A_211 = tpu.vector_load %arg8[%get3A_210] {strides = array<i32>} : memref<3136xi32, #tpu.memory_space<vmem>>, vector<16xi32>,
      %get3A_212 = vector.shape_cast %get3A_211 : vector<16xi32> to vector<16xi32>
      %swap3A_213 = arith.constant 96 : index
      %swap3A_214 = tpu.vector_load %arg12[%swap3A_213] {strides = array<i32>} : memref<224xi32, #tpu.memory_space<vmem>>, vector<16xi32>,
      %swap3A_215 = vector.shape_cast %swap3A_214 : vector<16xi32> to vector<16xi32>
      %swap3A_216 = vector.shape_cast %get3A_212 : vector<16xi32> to vector<16xi32>
      tpu.vector_store %arg12[%swap3A_213], %swap3A_216 {strides = array<i32>} : memref<224xi32, #tpu.memory_space<vmem>>, vector<16xi32>,
      %get3A_217 = arith.index_cast %add3A_209 : i32 to index
      %get3A_218 = tpu.vector_load %arg9[%get3A_217] {strides = array<i32>} : memref<3136xi32, #tpu.memory_space<vmem>>, vector<16xi32>,
      %get3A_219 = vector.shape_cast %get3A_218 : vector<16xi32> to vector<16xi32>
      %swap3A_220 = arith.constant 96 : index
      %swap3A_221 = tpu.vector_load %arg13[%swap3A_220] {strides = array<i32>} : memref<224xi32, #tpu.memory_space<vmem>>, vector<16xi32>,
      %swap3A_222 = vector.shape_cast %swap3A_221 : vector<16xi32> to vector<16xi32>
      %swap3A_223 = vector.shape_cast %get3A_219 : vector<16xi32> to vector<16xi32>
      tpu.vector_store %arg13[%swap3A_220], %swap3A_223 {strides = array<i32>} : memref<224xi32, #tpu.memory_space<vmem>>, vector<16xi32>,
      %get3A_224 = arith.index_cast %add3A_209 : i32 to index
      %get3A_225 = tpu.vector_load %arg10[%get3A_224] {strides = array<i32>} : memref<3136xi32, #tpu.memory_space<vmem>>, vector<16xi32>,
      %get3A_226 = vector.shape_cast %get3A_225 : vector<16xi32> to vector<16xi32>
      %swap3A_227 = arith.constant 96 : index
      %swap3A_228 = tpu.vector_load %arg14[%swap3A_227] {strides = array<i32>} : memref<224xi32, #tpu.memory_space<vmem>>, vector<16xi32>,
      %swap3A_229 = vector.shape_cast %swap3A_228 : vector<16xi32> to vector<16xi32>
      %swap3A_230 = vector.shape_cast %get3A_226 : vector<16xi32> to vector<16xi32>
      tpu.vector_store %arg14[%swap3A_227], %swap3A_230 {strides = array<i32>} : memref<224xi32, #tpu.memory_space<vmem>>, vector<16xi32>,
      %get3A_231 = arith.index_cast %add3A_209 : i32 to index
      %get3A_232 = tpu.vector_load %arg11[%get3A_231] {strides = array<i32>} : memref<3136xi32, #tpu.memory_space<vmem>>, vector<16xi32>,
      %get3A_233 = vector.shape_cast %get3A_232 : vector<16xi32> to vector<16xi32>
      %swap3A_234 = arith.constant 96 : index
      %swap3A_235 = tpu.vector_load %arg15[%swap3A_234] {strides = array<i32>} : memref<224xi32, #tpu.memory_space<vmem>>, vector<16xi32>,
      %swap3A_236 = vector.shape_cast %swap3A_235 : vector<16xi32> to vector<16xi32>
      %swap3A_237 = vector.shape_cast %get3A_233 : vector<16xi32> to vector<16xi32>
      tpu.vector_store %arg15[%swap3A_234], %swap3A_237 {strides = array<i32>} : memref<224xi32, #tpu.memory_space<vmem>>, vector<16xi32>,
      %add3A_238 = arith.constant 112 : i32
      %add3A_239 = arith.addi %mul3A_29, %add3A_238 : i32
      %get3A_240 = arith.index_cast %add3A_239 : i32 to index
      %get3A_241 = tpu.vector_load %arg8[%get3A_240] {strides = array<i32>} : memref<3136xi32, #tpu.memory_space<vmem>>, vector<16xi32>,
      %get3A_242 = vector.shape_cast %get3A_241 : vector<16xi32> to vector<16xi32>
      %swap3A_243 = arith.constant 112 : index
      %swap3A_244 = tpu.vector_load %arg12[%swap3A_243] {strides = array<i32>} : memref<224xi32, #tpu.memory_space<vmem>>, vector<16xi32>,
      %swap3A_245 = vector.shape_cast %swap3A_244 : vector<16xi32> to vector<16xi32>
      %swap3A_246 = vector.shape_cast %get3A_242 : vector<16xi32> to vector<16xi32>
      tpu.vector_store %arg12[%swap3A_243], %swap3A_246 {strides = array<i32>} : memref<224xi32, #tpu.memory_space<vmem>>, vector<16xi32>,
      %get3A_247 = arith.index_cast %add3A_239 : i32 to index
      %get3A_248 = tpu.vector_load %arg9[%get3A_247] {strides = array<i32>} : memref<3136xi32, #tpu.memory_space<vmem>>, vector<16xi32>,
      %get3A_249 = vector.shape_cast %get3A_248 : vector<16xi32> to vector<16xi32>
      %swap3A_250 = arith.constant 112 : index
      %swap3A_251 = tpu.vector_load %arg13[%swap3A_250] {strides = array<i32>} : memref<224xi32, #tpu.memory_space<vmem>>, vector<16xi32>,
      %swap3A_252 = vector.shape_cast %swap3A_251 : vector<16xi32> to vector<16xi32>
      %swap3A_253 = vector.shape_cast %get3A_249 : vector<16xi32> to vector<16xi32>
      tpu.vector_store %arg13[%swap3A_250], %swap3A_253 {strides = array<i32>} : memref<224xi32, #tpu.memory_space<vmem>>, vector<16xi32>,
      %get3A_254 = arith.index_cast %add3A_239 : i32 to index
      %get3A_255 = tpu.vector_load %arg10[%get3A_254] {strides = array<i32>} : memref<3136xi32, #tpu.memory_space<vmem>>, vector<16xi32>,
      %get3A_256 = vector.shape_cast %get3A_255 : vector<16xi32> to vector<16xi32>
      %swap3A_257 = arith.constant 112 : index
      %swap3A_258 = tpu.vector_load %arg14[%swap3A_257] {strides = array<i32>} : memref<224xi32, #tpu.memory_space<vmem>>, vector<16xi32>,
      %swap3A_259 = vector.shape_cast %swap3A_258 : vector<16xi32> to vector<16xi32>
      %swap3A_260 = vector.shape_cast %get3A_256 : vector<16xi32> to vector<16xi32>
      tpu.vector_store %arg14[%swap3A_257], %swap3A_260 {strides = array<i32>} : memref<224xi32, #tpu.memory_space<vmem>>, vector<16xi32>,
      %get3A_261 = arith.index_cast %add3A_239 : i32 to index
      %get3A_262 = tpu.vector_load %arg11[%get3A_261] {strides = array<i32>} : memref<3136xi32, #tpu.memory_space<vmem>>, vector<16xi32>,
      %get3A_263 = vector.shape_cast %get3A_262 : vector<16xi32> to vector<16xi32>
      %swap3A_264 = arith.constant 112 : index
      %swap3A_265 = tpu.vector_load %arg15[%swap3A_264] {strides = array<i32>} : memref<224xi32, #tpu.memory_space<vmem>>, vector<16xi32>,
      %swap3A_266 = vector.shape_cast %swap3A_265 : vector<16xi32> to vector<16xi32>
      %swap3A_267 = vector.shape_cast %get3A_263 : vector<16xi32> to vector<16xi32>
      tpu.vector_store %arg15[%swap3A_264], %swap3A_267 {strides = array<i32>} : memref<224xi32, #tpu.memory_space<vmem>>, vector<16xi32>,
      %add3A_268 = arith.constant 128 : i32
      %add3A_269 = arith.addi %mul3A_29, %add3A_268 : i32
      %get3A_270 = arith.index_cast %add3A_269 : i32 to index
      %get3A_271 = tpu.vector_load %arg8[%get3A_270] {strides = array<i32>} : memref<3136xi32, #tpu.memory_space<vmem>>, vector<16xi32>,
      %get3A_272 = vector.shape_cast %get3A_271 : vector<16xi32> to vector<16xi32>
      %swap3A_273 = arith.constant 128 : index
      %swap3A_274 = tpu.vector_load %arg12[%swap3A_273] {strides = array<i32>} : memref<224xi32, #tpu.memory_space<vmem>>, vector<16xi32>,
      %swap3A_275 = vector.shape_cast %swap3A_274 : vector<16xi32> to vector<16xi32>
      %swap3A_276 = vector.shape_cast %get3A_272 : vector<16xi32> to vector<16xi32>
      tpu.vector_store %arg12[%swap3A_273], %swap3A_276 {strides = array<i32>} : memref<224xi32, #tpu.memory_space<vmem>>, vector<16xi32>,
      %get3A_277 = arith.index_cast %add3A_269 : i32 to index
      %get3A_278 = tpu.vector_load %arg9[%get3A_277] {strides = array<i32>} : memref<3136xi32, #tpu.memory_space<vmem>>, vector<16xi32>,
      %get3A_279 = vector.shape_cast %get3A_278 : vector<16xi32> to vector<16xi32>
      %swap3A_280 = arith.constant 128 : index
      %swap3A_281 = tpu.vector_load %arg13[%swap3A_280] {strides = array<i32>} : memref<224xi32, #tpu.memory_space<vmem>>, vector<16xi32>,
      %swap3A_282 = vector.shape_cast %swap3A_281 : vector<16xi32> to vector<16xi32>
      %swap3A_283 = vector.shape_cast %get3A_279 : vector<16xi32> to vector<16xi32>
      tpu.vector_store %arg13[%swap3A_280], %swap3A_283 {strides = array<i32>} : memref<224xi32, #tpu.memory_space<vmem>>, vector<16xi32>,
      %get3A_284 = arith.index_cast %add3A_269 : i32 to index
      %get3A_285 = tpu.vector_load %arg10[%get3A_284] {strides = array<i32>} : memref<3136xi32, #tpu.memory_space<vmem>>, vector<16xi32>,
      %get3A_286 = vector.shape_cast %get3A_285 : vector<16xi32> to vector<16xi32>
      %swap3A_287 = arith.constant 128 : index
      %swap3A_288 = tpu.vector_load %arg14[%swap3A_287] {strides = array<i32>} : memref<224xi32, #tpu.memory_space<vmem>>, vector<16xi32>,
      %swap3A_289 = vector.shape_cast %swap3A_288 : vector<16xi32> to vector<16xi32>
      %swap3A_290 = vector.shape_cast %get3A_286 : vector<16xi32> to vector<16xi32>
      tpu.vector_store %arg14[%swap3A_287], %swap3A_290 {strides = array<i32>} : memref<224xi32, #tpu.memory_space<vmem>>, vector<16xi32>,
      %get3A_291 = arith.index_cast %add3A_269 : i32 to index
      %get3A_292 = tpu.vector_load %arg11[%get3A_291] {strides = array<i32>} : memref<3136xi32, #tpu.memory_space<vmem>>, vector<16xi32>,
      %get3A_293 = vector.shape_cast %get3A_292 : vector<16xi32> to vector<16xi32>
      %swap3A_294 = arith.constant 128 : index
      %swap3A_295 = tpu.vector_load %arg15[%swap3A_294] {strides = array<i32>} : memref<224xi32, #tpu.memory_space<vmem>>, vector<16xi32>,
      %swap3A_296 = vector.shape_cast %swap3A_295 : vector<16xi32> to vector<16xi32>
      %swap3A_297 = vector.shape_cast %get3A_293 : vector<16xi32> to vector<16xi32>
      tpu.vector_store %arg15[%swap3A_294], %swap3A_297 {strides = array<i32>} : memref<224xi32, #tpu.memory_space<vmem>>, vector<16xi32>,
      %add3A_298 = arith.constant 144 : i32
      %add3A_299 = arith.addi %mul3A_29, %add3A_298 : i32
      %get3A_300 = arith.index_cast %add3A_299 : i32 to index
      %get3A_301 = tpu.vector_load %arg8[%get3A_300] {strides = array<i32>} : memref<3136xi32, #tpu.memory_space<vmem>>, vector<16xi32>,
      %get3A_302 = vector.shape_cast %get3A_301 : vector<16xi32> to vector<16xi32>
      %swap3A_303 = arith.constant 144 : index
      %swap3A_304 = tpu.vector_load %arg12[%swap3A_303] {strides = array<i32>} : memref<224xi32, #tpu.memory_space<vmem>>, vector<16xi32>,
      %swap3A_305 = vector.shape_cast %swap3A_304 : vector<16xi32> to vector<16xi32>
      %swap3A_306 = vector.shape_cast %get3A_302 : vector<16xi32> to vector<16xi32>
      tpu.vector_store %arg12[%swap3A_303], %swap3A_306 {strides = array<i32>} : memref<224xi32, #tpu.memory_space<vmem>>, vector<16xi32>,
      %get3A_307 = arith.index_cast %add3A_299 : i32 to index
      %get3A_308 = tpu.vector_load %arg9[%get3A_307] {strides = array<i32>} : memref<3136xi32, #tpu.memory_space<vmem>>, vector<16xi32>,
      %get3A_309 = vector.shape_cast %get3A_308 : vector<16xi32> to vector<16xi32>
      %swap3A_310 = arith.constant 144 : index
      %swap3A_311 = tpu.vector_load %arg13[%swap3A_310] {strides = array<i32>} : memref<224xi32, #tpu.memory_space<vmem>>, vector<16xi32>,
      %swap3A_312 = vector.shape_cast %swap3A_311 : vector<16xi32> to vector<16xi32>
      %swap3A_313 = vector.shape_cast %get3A_309 : vector<16xi32> to vector<16xi32>
      tpu.vector_store %arg13[%swap3A_310], %swap3A_313 {strides = array<i32>} : memref<224xi32, #tpu.memory_space<vmem>>, vector<16xi32>,
      %get3A_314 = arith.index_cast %add3A_299 : i32 to index
      %get3A_315 = tpu.vector_load %arg10[%get3A_314] {strides = array<i32>} : memref<3136xi32, #tpu.memory_space<vmem>>, vector<16xi32>,
      %get3A_316 = vector.shape_cast %get3A_315 : vector<16xi32> to vector<16xi32>
      %swap3A_317 = arith.constant 144 : index
      %swap3A_318 = tpu.vector_load %arg14[%swap3A_317] {strides = array<i32>} : memref<224xi32, #tpu.memory_space<vmem>>, vector<16xi32>,
      %swap3A_319 = vector.shape_cast %swap3A_318 : vector<16xi32> to vector<16xi32>
      %swap3A_320 = vector.shape_cast %get3A_316 : vector<16xi32> to vector<16xi32>
      tpu.vector_store %arg14[%swap3A_317], %swap3A_320 {strides = array<i32>} : memref<224xi32, #tpu.memory_space<vmem>>, vector<16xi32>,
      %get3A_321 = arith.index_cast %add3A_299 : i32 to index
      %get3A_322 = tpu.vector_load %arg11[%get3A_321] {strides = array<i32>} : memref<3136xi32, #tpu.memory_space<vmem>>, vector<16xi32>,
      %get3A_323 = vector.shape_cast %get3A_322 : vector<16xi32> to vector<16xi32>
      %swap3A_324 = arith.constant 144 : index
      %swap3A_325 = tpu.vector_load %arg15[%swap3A_324] {strides = array<i32>} : memref<224xi32, #tpu.memory_space<vmem>>, vector<16xi32>,
      %swap3A_326 = vector.shape_cast %swap3A_325 : vector<16xi32> to vector<16xi32>
      %swap3A_327 = vector.shape_cast %get3A_323 : vector<16xi32> to vector<16xi32>
      tpu.vector_store %arg15[%swap3A_324], %swap3A_327 {strides = array<i32>} : memref<224xi32, #tpu.memory_space<vmem>>, vector<16xi32>,
      %add3A_328 = arith.constant 160 : i32
      %add3A_329 = arith.addi %mul3A_29, %add3A_328 : i32
      %get3A_330 = arith.index_cast %add3A_329 : i32 to index
      %get3A_331 = tpu.vector_load %arg8[%get3A_330] {strides = array<i32>} : memref<3136xi32, #tpu.memory_space<vmem>>, vector<16xi32>,
      %get3A_332 = vector.shape_cast %get3A_331 : vector<16xi32> to vector<16xi32>
      %swap3A_333 = arith.constant 160 : index
      %swap3A_334 = tpu.vector_load %arg12[%swap3A_333] {strides = array<i32>} : memref<224xi32, #tpu.memory_space<vmem>>, vector<16xi32>,
      %swap3A_335 = vector.shape_cast %swap3A_334 : vector<16xi32> to vector<16xi32>
      %swap3A_336 = vector.shape_cast %get3A_332 : vector<16xi32> to vector<16xi32>
      tpu.vector_store %arg12[%swap3A_333], %swap3A_336 {strides = array<i32>} : memref<224xi32, #tpu.memory_space<vmem>>, vector<16xi32>,
      %get3A_337 = arith.index_cast %add3A_329 : i32 to index
      %get3A_338 = tpu.vector_load %arg9[%get3A_337] {strides = array<i32>} : memref<3136xi32, #tpu.memory_space<vmem>>, vector<16xi32>,
      %get3A_339 = vector.shape_cast %get3A_338 : vector<16xi32> to vector<16xi32>
      %swap3A_340 = arith.constant 160 : index
      %swap3A_341 = tpu.vector_load %arg13[%swap3A_340] {strides = array<i32>} : memref<224xi32, #tpu.memory_space<vmem>>, vector<16xi32>,
      %swap3A_342 = vector.shape_cast %swap3A_341 : vector<16xi32> to vector<16xi32>
      %swap3A_343 = vector.shape_cast %get3A_339 : vector<16xi32> to vector<16xi32>
      tpu.vector_store %arg13[%swap3A_340], %swap3A_343 {strides = array<i32>} : memref<224xi32, #tpu.memory_space<vmem>>, vector<16xi32>,
      %get3A_344 = arith.index_cast %add3A_329 : i32 to index
      %get3A_345 = tpu.vector_load %arg10[%get3A_344] {strides = array<i32>} : memref<3136xi32, #tpu.memory_space<vmem>>, vector<16xi32>,
      %get3A_346 = vector.shape_cast %get3A_345 : vector<16xi32> to vector<16xi32>
      %swap3A_347 = arith.constant 160 : index
      %swap3A_348 = tpu.vector_load %arg14[%swap3A_347] {strides = array<i32>} : memref<224xi32, #tpu.memory_space<vmem>>, vector<16xi32>,
      %swap3A_349 = vector.shape_cast %swap3A_348 : vector<16xi32> to vector<16xi32>
      %swap3A_350 = vector.shape_cast %get3A_346 : vector<16xi32> to vector<16xi32>
      tpu.vector_store %arg14[%swap3A_347], %swap3A_350 {strides = array<i32>} : memref<224xi32, #tpu.memory_space<vmem>>, vector<16xi32>,
      %get3A_351 = arith.index_cast %add3A_329 : i32 to index
      %get3A_352 = tpu.vector_load %arg11[%get3A_351] {strides = array<i32>} : memref<3136xi32, #tpu.memory_space<vmem>>, vector<16xi32>,
      %get3A_353 = vector.shape_cast %get3A_352 : vector<16xi32> to vector<16xi32>
      %swap3A_354 = arith.constant 160 : index
      %swap3A_355 = tpu.vector_load %arg15[%swap3A_354] {strides = array<i32>} : memref<224xi32, #tpu.memory_space<vmem>>, vector<16xi32>,
      %swap3A_356 = vector.shape_cast %swap3A_355 : vector<16xi32> to vector<16xi32>
      %swap3A_357 = vector.shape_cast %get3A_353 : vector<16xi32> to vector<16xi32>
      tpu.vector_store %arg15[%swap3A_354], %swap3A_357 {strides = array<i32>} : memref<224xi32, #tpu.memory_space<vmem>>, vector<16xi32>,
      %add3A_358 = arith.constant 176 : i32
      %add3A_359 = arith.addi %mul3A_29, %add3A_358 : i32
      %get3A_360 = arith.index_cast %add3A_359 : i32 to index
      %get3A_361 = tpu.vector_load %arg8[%get3A_360] {strides = array<i32>} : memref<3136xi32, #tpu.memory_space<vmem>>, vector<16xi32>,
      %get3A_362 = vector.shape_cast %get3A_361 : vector<16xi32> to vector<16xi32>
      %swap3A_363 = arith.constant 176 : index
      %swap3A_364 = tpu.vector_load %arg12[%swap3A_363] {strides = array<i32>} : memref<224xi32, #tpu.memory_space<vmem>>, vector<16xi32>,
      %swap3A_365 = vector.shape_cast %swap3A_364 : vector<16xi32> to vector<16xi32>
      %swap3A_366 = vector.shape_cast %get3A_362 : vector<16xi32> to vector<16xi32>
      tpu.vector_store %arg12[%swap3A_363], %swap3A_366 {strides = array<i32>} : memref<224xi32, #tpu.memory_space<vmem>>, vector<16xi32>,
      %get3A_367 = arith.index_cast %add3A_359 : i32 to index
      %get3A_368 = tpu.vector_load %arg9[%get3A_367] {strides = array<i32>} : memref<3136xi32, #tpu.memory_space<vmem>>, vector<16xi32>,
      %get3A_369 = vector.shape_cast %get3A_368 : vector<16xi32> to vector<16xi32>
      %swap3A_370 = arith.constant 176 : index
      %swap3A_371 = tpu.vector_load %arg13[%swap3A_370] {strides = array<i32>} : memref<224xi32, #tpu.memory_space<vmem>>, vector<16xi32>,
      %swap3A_372 = vector.shape_cast %swap3A_371 : vector<16xi32> to vector<16xi32>
      %swap3A_373 = vector.shape_cast %get3A_369 : vector<16xi32> to vector<16xi32>
      tpu.vector_store %arg13[%swap3A_370], %swap3A_373 {strides = array<i32>} : memref<224xi32, #tpu.memory_space<vmem>>, vector<16xi32>,
      %get3A_374 = arith.index_cast %add3A_359 : i32 to index
      %get3A_375 = tpu.vector_load %arg10[%get3A_374] {strides = array<i32>} : memref<3136xi32, #tpu.memory_space<vmem>>, vector<16xi32>,
      %get3A_376 = vector.shape_cast %get3A_375 : vector<16xi32> to vector<16xi32>
      %swap3A_377 = arith.constant 176 : index
      %swap3A_378 = tpu.vector_load %arg14[%swap3A_377] {strides = array<i32>} : memref<224xi32, #tpu.memory_space<vmem>>, vector<16xi32>,
      %swap3A_379 = vector.shape_cast %swap3A_378 : vector<16xi32> to vector<16xi32>
      %swap3A_380 = vector.shape_cast %get3A_376 : vector<16xi32> to vector<16xi32>
      tpu.vector_store %arg14[%swap3A_377], %swap3A_380 {strides = array<i32>} : memref<224xi32, #tpu.memory_space<vmem>>, vector<16xi32>,
      %get3A_381 = arith.index_cast %add3A_359 : i32 to index
      %get3A_382 = tpu.vector_load %arg11[%get3A_381] {strides = array<i32>} : memref<3136xi32, #tpu.memory_space<vmem>>, vector<16xi32>,
      %get3A_383 = vector.shape_cast %get3A_382 : vector<16xi32> to vector<16xi32>
      %swap3A_384 = arith.constant 176 : index
      %swap3A_385 = tpu.vector_load %arg15[%swap3A_384] {strides = array<i32>} : memref<224xi32, #tpu.memory_space<vmem>>, vector<16xi32>,
      %swap3A_386 = vector.shape_cast %swap3A_385 : vector<16xi32> to vector<16xi32>
      %swap3A_387 = vector.shape_cast %get3A_383 : vector<16xi32> to vector<16xi32>
      tpu.vector_store %arg15[%swap3A_384], %swap3A_387 {strides = array<i32>} : memref<224xi32, #tpu.memory_space<vmem>>, vector<16xi32>,
      %add3A_388 = arith.constant 192 : i32
      %add3A_389 = arith.addi %mul3A_29, %add3A_388 : i32
      %get3A_390 = arith.index_cast %add3A_389 : i32 to index
      %get3A_391 = tpu.vector_load %arg8[%get3A_390] {strides = array<i32>} : memref<3136xi32, #tpu.memory_space<vmem>>, vector<16xi32>,
      %get3A_392 = vector.shape_cast %get3A_391 : vector<16xi32> to vector<16xi32>
      %swap3A_393 = arith.constant 192 : index
      %swap3A_394 = tpu.vector_load %arg12[%swap3A_393] {strides = array<i32>} : memref<224xi32, #tpu.memory_space<vmem>>, vector<16xi32>,
      %swap3A_395 = vector.shape_cast %swap3A_394 : vector<16xi32> to vector<16xi32>
      %swap3A_396 = vector.shape_cast %get3A_392 : vector<16xi32> to vector<16xi32>
      tpu.vector_store %arg12[%swap3A_393], %swap3A_396 {strides = array<i32>} : memref<224xi32, #tpu.memory_space<vmem>>, vector<16xi32>,
      %get3A_397 = arith.index_cast %add3A_389 : i32 to index
      %get3A_398 = tpu.vector_load %arg9[%get3A_397] {strides = array<i32>} : memref<3136xi32, #tpu.memory_space<vmem>>, vector<16xi32>,
      %get3A_399 = vector.shape_cast %get3A_398 : vector<16xi32> to vector<16xi32>
      %swap3A_400 = arith.constant 192 : index
      %swap3A_401 = tpu.vector_load %arg13[%swap3A_400] {strides = array<i32>} : memref<224xi32, #tpu.memory_space<vmem>>, vector<16xi32>,
      %swap3A_402 = vector.shape_cast %swap3A_401 : vector<16xi32> to vector<16xi32>
      %swap3A_403 = vector.shape_cast %get3A_399 : vector<16xi32> to vector<16xi32>
      tpu.vector_store %arg13[%swap3A_400], %swap3A_403 {strides = array<i32>} : memref<224xi32, #tpu.memory_space<vmem>>, vector<16xi32>,
      %get3A_404 = arith.index_cast %add3A_389 : i32 to index
      %get3A_405 = tpu.vector_load %arg10[%get3A_404] {strides = array<i32>} : memref<3136xi32, #tpu.memory_space<vmem>>, vector<16xi32>,
      %get3A_406 = vector.shape_cast %get3A_405 : vector<16xi32> to vector<16xi32>
      %swap3A_407 = arith.constant 192 : index
      %swap3A_408 = tpu.vector_load %arg14[%swap3A_407] {strides = array<i32>} : memref<224xi32, #tpu.memory_space<vmem>>, vector<16xi32>,
      %swap3A_409 = vector.shape_cast %swap3A_408 : vector<16xi32> to vector<16xi32>
      %swap3A_410 = vector.shape_cast %get3A_406 : vector<16xi32> to vector<16xi32>
      tpu.vector_store %arg14[%swap3A_407], %swap3A_410 {strides = array<i32>} : memref<224xi32, #tpu.memory_space<vmem>>, vector<16xi32>,
      %get3A_411 = arith.index_cast %add3A_389 : i32 to index
      %get3A_412 = tpu.vector_load %arg11[%get3A_411] {strides = array<i32>} : memref<3136xi32, #tpu.memory_space<vmem>>, vector<16xi32>,
      %get3A_413 = vector.shape_cast %get3A_412 : vector<16xi32> to vector<16xi32>
      %swap3A_414 = arith.constant 192 : index
      %swap3A_415 = tpu.vector_load %arg15[%swap3A_414] {strides = array<i32>} : memref<224xi32, #tpu.memory_space<vmem>>, vector<16xi32>,
      %swap3A_416 = vector.shape_cast %swap3A_415 : vector<16xi32> to vector<16xi32>
      %swap3A_417 = vector.shape_cast %get3A_413 : vector<16xi32> to vector<16xi32>
      tpu.vector_store %arg15[%swap3A_414], %swap3A_417 {strides = array<i32>} : memref<224xi32, #tpu.memory_space<vmem>>, vector<16xi32>,
      %add3A_418 = arith.constant 208 : i32
      %add3A_419 = arith.addi %mul3A_29, %add3A_418 : i32
      %get3A_420 = arith.index_cast %add3A_419 : i32 to index
      %get3A_421 = tpu.vector_load %arg8[%get3A_420] {strides = array<i32>} : memref<3136xi32, #tpu.memory_space<vmem>>, vector<16xi32>,
      %get3A_422 = vector.shape_cast %get3A_421 : vector<16xi32> to vector<16xi32>
      %swap3A_423 = arith.constant 208 : index
      %swap3A_424 = tpu.vector_load %arg12[%swap3A_423] {strides = array<i32>} : memref<224xi32, #tpu.memory_space<vmem>>, vector<16xi32>,
      %swap3A_425 = vector.shape_cast %swap3A_424 : vector<16xi32> to vector<16xi32>
      %swap3A_426 = vector.shape_cast %get3A_422 : vector<16xi32> to vector<16xi32>
      tpu.vector_store %arg12[%swap3A_423], %swap3A_426 {strides = array<i32>} : memref<224xi32, #tpu.memory_space<vmem>>, vector<16xi32>,
      %get3A_427 = arith.index_cast %add3A_419 : i32 to index
      %get3A_428 = tpu.vector_load %arg9[%get3A_427] {strides = array<i32>} : memref<3136xi32, #tpu.memory_space<vmem>>, vector<16xi32>,
      %get3A_429 = vector.shape_cast %get3A_428 : vector<16xi32> to vector<16xi32>
      %swap3A_430 = arith.constant 208 : index
      %swap3A_431 = tpu.vector_load %arg13[%swap3A_430] {strides = array<i32>} : memref<224xi32, #tpu.memory_space<vmem>>, vector<16xi32>,
      %swap3A_432 = vector.shape_cast %swap3A_431 : vector<16xi32> to vector<16xi32>
      %swap3A_433 = vector.shape_cast %get3A_429 : vector<16xi32> to vector<16xi32>
      tpu.vector_store %arg13[%swap3A_430], %swap3A_433 {strides = array<i32>} : memref<224xi32, #tpu.memory_space<vmem>>, vector<16xi32>,
      %get3A_434 = arith.index_cast %add3A_419 : i32 to index
      %get3A_435 = tpu.vector_load %arg10[%get3A_434] {strides = array<i32>} : memref<3136xi32, #tpu.memory_space<vmem>>, vector<16xi32>,
      %get3A_436 = vector.shape_cast %get3A_435 : vector<16xi32> to vector<16xi32>
      %swap3A_437 = arith.constant 208 : index
      %swap3A_438 = tpu.vector_load %arg14[%swap3A_437] {strides = array<i32>} : memref<224xi32, #tpu.memory_space<vmem>>, vector<16xi32>,
      %swap3A_439 = vector.shape_cast %swap3A_438 : vector<16xi32> to vector<16xi32>
      %swap3A_440 = vector.shape_cast %get3A_436 : vector<16xi32> to vector<16xi32>
      tpu.vector_store %arg14[%swap3A_437], %swap3A_440 {strides = array<i32>} : memref<224xi32, #tpu.memory_space<vmem>>, vector<16xi32>,
      %get3A_441 = arith.index_cast %add3A_419 : i32 to index
      %get3A_442 = tpu.vector_load %arg11[%get3A_441] {strides = array<i32>} : memref<3136xi32, #tpu.memory_space<vmem>>, vector<16xi32>,
      %get3A_443 = vector.shape_cast %get3A_442 : vector<16xi32> to vector<16xi32>
      %swap3A_444 = arith.constant 208 : index
      %swap3A_445 = tpu.vector_load %arg15[%swap3A_444] {strides = array<i32>} : memref<224xi32, #tpu.memory_space<vmem>>, vector<16xi32>,
      %swap3A_446 = vector.shape_cast %swap3A_445 : vector<16xi32> to vector<16xi32>
      %swap3A_447 = vector.shape_cast %get3A_443 : vector<16xi32> to vector<16xi32>
      tpu.vector_store %arg15[%swap3A_444], %swap3A_447 {strides = array<i32>} : memref<224xi32, #tpu.memory_space<vmem>>, vector<16xi32>,
      "tpu.region"() ({
        %run_scoped3A = tpu.sem_alloc : memref<!tpu.dma_semaphore, #tpu.memory_space<semaphore_mem>>
        %dma_start3A = arith.constant 0 : i32
        %dma_start3A_453 = arith.constant 0 : i32
        %dma_start3A_454 = tpu.memref_slice %arg2[%dma_start3A, %dma_start3A_453] : memref<50176x64xf32, #tpu.memory_space<hbm>> -> memref<50176x64xf32, #tpu.memory_space<hbm>>
        tpu.enqueue_indirect_dma source(%dma_start3A_454 : memref<50176x64xf32, #tpu.memory_space<hbm>>) target(%arg16 : memref<224x64xf32, #tpu.memory_space<vmem>>) offsets(%arg12 : memref<224xi32, #tpu.memory_space<vmem>>) semaphore(%run_scoped3A : memref<!tpu.dma_semaphore, #tpu.memory_space<semaphore_mem>>)
        %dma_wait3A = arith.constant 0 : i32
        %dma_wait3A_455 = arith.constant 0 : i32
        %dma_wait3A_456 = tpu.memref_slice %arg2[%dma_wait3A, %dma_wait3A_455] : memref<50176x64xf32, #tpu.memory_space<hbm>> -> memref<50176x64xf32, #tpu.memory_space<hbm>>
        tpu.wait_indirect_dma semaphore(%run_scoped3A : memref<!tpu.dma_semaphore, #tpu.memory_space<semaphore_mem>>) src(%dma_wait3A_456 : memref<50176x64xf32, #tpu.memory_space<hbm>>) dst(%arg16 : memref<224x64xf32, #tpu.memory_space<vmem>>)
        tpu.yield
      }) : () -> ()
      "tpu.region"() ({
        %run_scoped3A = tpu.sem_alloc : memref<!tpu.dma_semaphore, #tpu.memory_space<semaphore_mem>>
        %dma_start3A = arith.constant 0 : i32
        %dma_start3A_453 = arith.constant 0 : i32
        %dma_start3A_454 = tpu.memref_slice %arg2[%dma_start3A, %dma_start3A_453] : memref<50176x64xf32, #tpu.memory_space<hbm>> -> memref<50176x64xf32, #tpu.memory_space<hbm>>
        tpu.enqueue_indirect_dma source(%dma_start3A_454 : memref<50176x64xf32, #tpu.memory_space<hbm>>) target(%arg17 : memref<224x64xf32, #tpu.memory_space<vmem>>) offsets(%arg13 : memref<224xi32, #tpu.memory_space<vmem>>) semaphore(%run_scoped3A : memref<!tpu.dma_semaphore, #tpu.memory_space<semaphore_mem>>)
        %dma_wait3A = arith.constant 0 : i32
        %dma_wait3A_455 = arith.constant 0 : i32
        %dma_wait3A_456 = tpu.memref_slice %arg2[%dma_wait3A, %dma_wait3A_455] : memref<50176x64xf32, #tpu.memory_space<hbm>> -> memref<50176x64xf32, #tpu.memory_space<hbm>>
        tpu.wait_indirect_dma semaphore(%run_scoped3A : memref<!tpu.dma_semaphore, #tpu.memory_space<semaphore_mem>>) src(%dma_wait3A_456 : memref<50176x64xf32, #tpu.memory_space<hbm>>) dst(%arg17 : memref<224x64xf32, #tpu.memory_space<vmem>>)
        tpu.yield
      }) : () -> ()
      "tpu.region"() ({
        %run_scoped3A = tpu.sem_alloc : memref<!tpu.dma_semaphore, #tpu.memory_space<semaphore_mem>>
        %dma_start3A = arith.constant 0 : i32
        %dma_start3A_453 = arith.constant 0 : i32
        %dma_start3A_454 = tpu.memref_slice %arg7[%dma_start3A, %dma_start3A_453] : memref<4096x64xf32, #tpu.memory_space<vmem_shared>> -> memref<4096x64xf32, #tpu.memory_space<vmem_shared>>
        tpu.enqueue_indirect_dma source(%dma_start3A_454 : memref<4096x64xf32, #tpu.memory_space<vmem_shared>>) target(%arg18 : memref<224x64xf32, #tpu.memory_space<vmem>>) offsets(%arg14 : memref<224xi32, #tpu.memory_space<vmem>>) semaphore(%run_scoped3A : memref<!tpu.dma_semaphore, #tpu.memory_space<semaphore_mem>>)
        %dma_wait3A = arith.constant 0 : i32
        %dma_wait3A_455 = arith.constant 0 : i32
        %dma_wait3A_456 = tpu.memref_slice %arg7[%dma_wait3A, %dma_wait3A_455] : memref<4096x64xf32, #tpu.memory_space<vmem_shared>> -> memref<4096x64xf32, #tpu.memory_space<vmem_shared>>
        tpu.wait_indirect_dma semaphore(%run_scoped3A : memref<!tpu.dma_semaphore, #tpu.memory_space<semaphore_mem>>) src(%dma_wait3A_456 : memref<4096x64xf32, #tpu.memory_space<vmem_shared>>) dst(%arg18 : memref<224x64xf32, #tpu.memory_space<vmem>>)
        tpu.yield
      }) : () -> ()
      "tpu.region"() ({
        %run_scoped3A = tpu.sem_alloc : memref<!tpu.dma_semaphore, #tpu.memory_space<semaphore_mem>>
        %dma_start3A = arith.constant 0 : i32
        %dma_start3A_453 = arith.constant 0 : i32
        %dma_start3A_454 = tpu.memref_slice %arg7[%dma_start3A, %dma_start3A_453] : memref<4096x64xf32, #tpu.memory_space<vmem_shared>> -> memref<4096x64xf32, #tpu.memory_space<vmem_shared>>
        tpu.enqueue_indirect_dma source(%dma_start3A_454 : memref<4096x64xf32, #tpu.memory_space<vmem_shared>>) target(%arg19 : memref<224x64xf32, #tpu.memory_space<vmem>>) offsets(%arg15 : memref<224xi32, #tpu.memory_space<vmem>>) semaphore(%run_scoped3A : memref<!tpu.dma_semaphore, #tpu.memory_space<semaphore_mem>>)
        %dma_wait3A = arith.constant 0 : i32
        %dma_wait3A_455 = arith.constant 0 : i32
        %dma_wait3A_456 = tpu.memref_slice %arg7[%dma_wait3A, %dma_wait3A_455] : memref<4096x64xf32, #tpu.memory_space<vmem_shared>> -> memref<4096x64xf32, #tpu.memory_space<vmem_shared>>
        tpu.wait_indirect_dma semaphore(%run_scoped3A : memref<!tpu.dma_semaphore, #tpu.memory_space<semaphore_mem>>) src(%dma_wait3A_456 : memref<4096x64xf32, #tpu.memory_space<vmem_shared>>) dst(%arg19 : memref<224x64xf32, #tpu.memory_space<vmem>>)
        tpu.yield
      }) : () -> ()
      %scan3A_448 = arith.constant 0 : i32
      %scan3A_449 = arith.constant 224 : i32
      %scan3A_450 = arith.addi %scan3A_448, %scan3A_449 : i32
      %scan3A_451 = arith.constant 1 : i32
      scf.for %scan3A_453 = %scan3A_448 to %scan3A_450 step %scan3A_451  : i32 {
        %mul3A_454 = arith.constant 1 : i32
        %mul3A_455 = arith.muli %scan3A_453, %mul3A_454 : i32
        %add3A_456 = arith.constant 0 : i32
        %add3A_457 = arith.addi %add3A_456, %mul3A_455 : i32
        %get3A_458 = arith.index_cast %add3A_457 : i32 to index
        %get3A_459 = arith.constant 0 : index
        %get3A_460 = tpu.vector_load %arg16[%get3A_458, %get3A_459] {strides = array<i32>} : memref<224x64xf32, #tpu.memory_space<vmem>>, vector<1x16xf32>,
        %get3A_461 = vector.shape_cast %get3A_460 : vector<1x16xf32> to vector<16xf32>
        %get3A_462 = arith.index_cast %add3A_457 : i32 to index
        %get3A_463 = arith.constant 0 : index
        %get3A_464 = tpu.vector_load %arg18[%get3A_462, %get3A_463] {strides = array<i32>} : memref<224x64xf32, #tpu.memory_space<vmem>>, vector<1x16xf32>,
        %get3A_465 = vector.shape_cast %get3A_464 : vector<1x16xf32> to vector<16xf32>
        %add3A_466 = arith.addf %get3A_461, %get3A_465 : vector<16xf32>
        %swap3A_467 = arith.index_cast %add3A_457 : i32 to index
        %swap3A_468 = arith.constant 0 : index
        %swap3A_469 = tpu.vector_load %arg16[%swap3A_467, %swap3A_468] {strides = array<i32>} : memref<224x64xf32, #tpu.memory_space<vmem>>, vector<1x16xf32>,
        %swap3A_470 = vector.shape_cast %swap3A_469 : vector<1x16xf32> to vector<16xf32>
        %swap3A_471 = vector.shape_cast %add3A_466 : vector<16xf32> to vector<1x16xf32>
        tpu.vector_store %arg16[%swap3A_467, %swap3A_468], %swap3A_471 {strides = array<i32>} : memref<224x64xf32, #tpu.memory_space<vmem>>, vector<1x16xf32>,
        %get3A_472 = arith.index_cast %add3A_457 : i32 to index
        %get3A_473 = arith.constant 0 : index
        %get3A_474 = tpu.vector_load %arg17[%get3A_472, %get3A_473] {strides = array<i32>} : memref<224x64xf32, #tpu.memory_space<vmem>>, vector<1x16xf32>,
        %get3A_475 = vector.shape_cast %get3A_474 : vector<1x16xf32> to vector<16xf32>
        %get3A_476 = arith.index_cast %add3A_457 : i32 to index
        %get3A_477 = arith.constant 0 : index
        %get3A_478 = tpu.vector_load %arg19[%get3A_476, %get3A_477] {strides = array<i32>} : memref<224x64xf32, #tpu.memory_space<vmem>>, vector<1x16xf32>,
        %get3A_479 = vector.shape_cast %get3A_478 : vector<1x16xf32> to vector<16xf32>
        %add3A_480 = arith.addf %get3A_475, %get3A_479 : vector<16xf32>
        %swap3A_481 = arith.index_cast %add3A_457 : i32 to index
        %swap3A_482 = arith.constant 0 : index
        %swap3A_483 = tpu.vector_load %arg17[%swap3A_481, %swap3A_482] {strides = array<i32>} : memref<224x64xf32, #tpu.memory_space<vmem>>, vector<1x16xf32>,
        %swap3A_484 = vector.shape_cast %swap3A_483 : vector<1x16xf32> to vector<16xf32>
        %swap3A_485 = vector.shape_cast %add3A_480 : vector<16xf32> to vector<1x16xf32>
        tpu.vector_store %arg17[%swap3A_481, %swap3A_482], %swap3A_485 {strides = array<i32>} : memref<224x64xf32, #tpu.memory_space<vmem>>, vector<1x16xf32>,
        %get3A_486 = arith.index_cast %add3A_457 : i32 to index
        %get3A_487 = arith.constant 16 : index
        %get3A_488 = tpu.vector_load %arg16[%get3A_486, %get3A_487] {strides = array<i32>} : memref<224x64xf32, #tpu.memory_space<vmem>>, vector<1x16xf32>,
        %get3A_489 = vector.shape_cast %get3A_488 : vector<1x16xf32> to vector<16xf32>
        %get3A_490 = arith.index_cast %add3A_457 : i32 to index
        %get3A_491 = arith.constant 16 : index
        %get3A_492 = tpu.vector_load %arg18[%get3A_490, %get3A_491] {strides = array<i32>} : memref<224x64xf32, #tpu.memory_space<vmem>>, vector<1x16xf32>,
        %get3A_493 = vector.shape_cast %get3A_492 : vector<1x16xf32> to vector<16xf32>
        %add3A_494 = arith.addf %get3A_489, %get3A_493 : vector<16xf32>
        %swap3A_495 = arith.index_cast %add3A_457 : i32 to index
        %swap3A_496 = arith.constant 16 : index
        %swap3A_497 = tpu.vector_load %arg16[%swap3A_495, %swap3A_496] {strides = array<i32>} : memref<224x64xf32, #tpu.memory_space<vmem>>, vector<1x16xf32>,
        %swap3A_498 = vector.shape_cast %swap3A_497 : vector<1x16xf32> to vector<16xf32>
        %swap3A_499 = vector.shape_cast %add3A_494 : vector<16xf32> to vector<1x16xf32>
        tpu.vector_store %arg16[%swap3A_495, %swap3A_496], %swap3A_499 {strides = array<i32>} : memref<224x64xf32, #tpu.memory_space<vmem>>, vector<1x16xf32>,
        %get3A_500 = arith.index_cast %add3A_457 : i32 to index
        %get3A_501 = arith.constant 16 : index
        %get3A_502 = tpu.vector_load %arg17[%get3A_500, %get3A_501] {strides = array<i32>} : memref<224x64xf32, #tpu.memory_space<vmem>>, vector<1x16xf32>,
        %get3A_503 = vector.shape_cast %get3A_502 : vector<1x16xf32> to vector<16xf32>
        %get3A_504 = arith.index_cast %add3A_457 : i32 to index
        %get3A_505 = arith.constant 16 : index
        %get3A_506 = tpu.vector_load %arg19[%get3A_504, %get3A_505] {strides = array<i32>} : memref<224x64xf32, #tpu.memory_space<vmem>>, vector<1x16xf32>,
        %get3A_507 = vector.shape_cast %get3A_506 : vector<1x16xf32> to vector<16xf32>
        %add3A_508 = arith.addf %get3A_503, %get3A_507 : vector<16xf32>
        %swap3A_509 = arith.index_cast %add3A_457 : i32 to index
        %swap3A_510 = arith.constant 16 : index
        %swap3A_511 = tpu.vector_load %arg17[%swap3A_509, %swap3A_510] {strides = array<i32>} : memref<224x64xf32, #tpu.memory_space<vmem>>, vector<1x16xf32>,
        %swap3A_512 = vector.shape_cast %swap3A_511 : vector<1x16xf32> to vector<16xf32>
        %swap3A_513 = vector.shape_cast %add3A_508 : vector<16xf32> to vector<1x16xf32>
        tpu.vector_store %arg17[%swap3A_509, %swap3A_510], %swap3A_513 {strides = array<i32>} : memref<224x64xf32, #tpu.memory_space<vmem>>, vector<1x16xf32>,
        %get3A_514 = arith.index_cast %add3A_457 : i32 to index
        %get3A_515 = arith.constant 32 : index
        %get3A_516 = tpu.vector_load %arg16[%get3A_514, %get3A_515] {strides = array<i32>} : memref<224x64xf32, #tpu.memory_space<vmem>>, vector<1x16xf32>,
        %get3A_517 = vector.shape_cast %get3A_516 : vector<1x16xf32> to vector<16xf32>
        %get3A_518 = arith.index_cast %add3A_457 : i32 to index
        %get3A_519 = arith.constant 32 : index
        %get3A_520 = tpu.vector_load %arg18[%get3A_518, %get3A_519] {strides = array<i32>} : memref<224x64xf32, #tpu.memory_space<vmem>>, vector<1x16xf32>,
        %get3A_521 = vector.shape_cast %get3A_520 : vector<1x16xf32> to vector<16xf32>
        %add3A_522 = arith.addf %get3A_517, %get3A_521 : vector<16xf32>
        %swap3A_523 = arith.index_cast %add3A_457 : i32 to index
        %swap3A_524 = arith.constant 32 : index
        %swap3A_525 = tpu.vector_load %arg16[%swap3A_523, %swap3A_524] {strides = array<i32>} : memref<224x64xf32, #tpu.memory_space<vmem>>, vector<1x16xf32>,
        %swap3A_526 = vector.shape_cast %swap3A_525 : vector<1x16xf32> to vector<16xf32>
        %swap3A_527 = vector.shape_cast %add3A_522 : vector<16xf32> to vector<1x16xf32>
        tpu.vector_store %arg16[%swap3A_523, %swap3A_524], %swap3A_527 {strides = array<i32>} : memref<224x64xf32, #tpu.memory_space<vmem>>, vector<1x16xf32>,
        %get3A_528 = arith.index_cast %add3A_457 : i32 to index
        %get3A_529 = arith.constant 32 : index
        %get3A_530 = tpu.vector_load %arg17[%get3A_528, %get3A_529] {strides = array<i32>} : memref<224x64xf32, #tpu.memory_space<vmem>>, vector<1x16xf32>,
        %get3A_531 = vector.shape_cast %get3A_530 : vector<1x16xf32> to vector<16xf32>
        %get3A_532 = arith.index_cast %add3A_457 : i32 to index
        %get3A_533 = arith.constant 32 : index
        %get3A_534 = tpu.vector_load %arg19[%get3A_532, %get3A_533] {strides = array<i32>} : memref<224x64xf32, #tpu.memory_space<vmem>>, vector<1x16xf32>,
        %get3A_535 = vector.shape_cast %get3A_534 : vector<1x16xf32> to vector<16xf32>
        %add3A_536 = arith.addf %get3A_531, %get3A_535 : vector<16xf32>
        %swap3A_537 = arith.index_cast %add3A_457 : i32 to index
        %swap3A_538 = arith.constant 32 : index
        %swap3A_539 = tpu.vector_load %arg17[%swap3A_537, %swap3A_538] {strides = array<i32>} : memref<224x64xf32, #tpu.memory_space<vmem>>, vector<1x16xf32>,
        %swap3A_540 = vector.shape_cast %swap3A_539 : vector<1x16xf32> to vector<16xf32>
        %swap3A_541 = vector.shape_cast %add3A_536 : vector<16xf32> to vector<1x16xf32>
        tpu.vector_store %arg17[%swap3A_537, %swap3A_538], %swap3A_541 {strides = array<i32>} : memref<224x64xf32, #tpu.memory_space<vmem>>, vector<1x16xf32>,
        %get3A_542 = arith.index_cast %add3A_457 : i32 to index
        %get3A_543 = arith.constant 48 : index
        %get3A_544 = tpu.vector_load %arg16[%get3A_542, %get3A_543] {strides = array<i32>} : memref<224x64xf32, #tpu.memory_space<vmem>>, vector<1x16xf32>,
        %get3A_545 = vector.shape_cast %get3A_544 : vector<1x16xf32> to vector<16xf32>
        %get3A_546 = arith.index_cast %add3A_457 : i32 to index
        %get3A_547 = arith.constant 48 : index
        %get3A_548 = tpu.vector_load %arg18[%get3A_546, %get3A_547] {strides = array<i32>} : memref<224x64xf32, #tpu.memory_space<vmem>>, vector<1x16xf32>,
        %get3A_549 = vector.shape_cast %get3A_548 : vector<1x16xf32> to vector<16xf32>
        %add3A_550 = arith.addf %get3A_545, %get3A_549 : vector<16xf32>
        %swap3A_551 = arith.index_cast %add3A_457 : i32 to index
        %swap3A_552 = arith.constant 48 : index
        %swap3A_553 = tpu.vector_load %arg16[%swap3A_551, %swap3A_552] {strides = array<i32>} : memref<224x64xf32, #tpu.memory_space<vmem>>, vector<1x16xf32>,
        %swap3A_554 = vector.shape_cast %swap3A_553 : vector<1x16xf32> to vector<16xf32>
        %swap3A_555 = vector.shape_cast %add3A_550 : vector<16xf32> to vector<1x16xf32>
        tpu.vector_store %arg16[%swap3A_551, %swap3A_552], %swap3A_555 {strides = array<i32>} : memref<224x64xf32, #tpu.memory_space<vmem>>, vector<1x16xf32>,
        %get3A_556 = arith.index_cast %add3A_457 : i32 to index
        %get3A_557 = arith.constant 48 : index
        %get3A_558 = tpu.vector_load %arg17[%get3A_556, %get3A_557] {strides = array<i32>} : memref<224x64xf32, #tpu.memory_space<vmem>>, vector<1x16xf32>,
        %get3A_559 = vector.shape_cast %get3A_558 : vector<1x16xf32> to vector<16xf32>
        %get3A_560 = arith.index_cast %add3A_457 : i32 to index
        %get3A_561 = arith.constant 48 : index
        %get3A_562 = tpu.vector_load %arg19[%get3A_560, %get3A_561] {strides = array<i32>} : memref<224x64xf32, #tpu.memory_space<vmem>>, vector<1x16xf32>,
        %get3A_563 = vector.shape_cast %get3A_562 : vector<1x16xf32> to vector<16xf32>
        %add3A_564 = arith.addf %get3A_559, %get3A_563 : vector<16xf32>
        %swap3A_565 = arith.index_cast %add3A_457 : i32 to index
        %swap3A_566 = arith.constant 48 : index
        %swap3A_567 = tpu.vector_load %arg17[%swap3A_565, %swap3A_566] {strides = array<i32>} : memref<224x64xf32, #tpu.memory_space<vmem>>, vector<1x16xf32>,
        %swap3A_568 = vector.shape_cast %swap3A_567 : vector<1x16xf32> to vector<16xf32>
        %swap3A_569 = vector.shape_cast %add3A_564 : vector<16xf32> to vector<1x16xf32>
        tpu.vector_store %arg17[%swap3A_565, %swap3A_566], %swap3A_569 {strides = array<i32>} : memref<224x64xf32, #tpu.memory_space<vmem>>, vector<1x16xf32>,
      }
      %scan3A_452 = arith.constant 224 : i32
      "tpu.region"() ({
        %run_scoped3A = tpu.sem_alloc : memref<!tpu.dma_semaphore, #tpu.memory_space<semaphore_mem>>
        %dma_start3A = arith.constant 0 : i32
        %dma_start3A_453 = tpu.memref_slice %arg6[%add3A_27, %dma_start3A] : memref<100352x128xf32, #tpu.memory_space<hbm>> -> memref<224x64xf32, #tpu.memory_space<hbm>>
        %dma_start3A_454 = arith.constant 0 : i32
        %dma_start3A_455 = tpu.memref_slice %arg6[%add3A_27, %dma_start3A_454] : memref<100352x128xf32, #tpu.memory_space<hbm>> -> memref<224x64xf32, #tpu.memory_space<hbm>>
        tpu.enqueue_dma source(%arg16 : memref<224x64xf32, #tpu.memory_space<vmem>>) target(%dma_start3A_455 : memref<224x64xf32, #tpu.memory_space<hbm>>) target_semaphore(%run_scoped3A : memref<!tpu.dma_semaphore, #tpu.memory_space<semaphore_mem>>)
        %dma_wait3A = arith.constant 0 : i32
        %dma_wait3A_456 = tpu.memref_slice %arg6[%add3A_27, %dma_wait3A] : memref<100352x128xf32, #tpu.memory_space<hbm>> -> memref<224x64xf32, #tpu.memory_space<hbm>>
        %dma_wait3A_457 = arith.constant 0 : i32
        %dma_wait3A_458 = tpu.memref_slice %arg6[%add3A_27, %dma_wait3A_457] : memref<100352x128xf32, #tpu.memory_space<hbm>> -> memref<224x64xf32, #tpu.memory_space<hbm>>
        tpu.wait_dma2 semaphore(%run_scoped3A : memref<!tpu.dma_semaphore, #tpu.memory_space<semaphore_mem>>) src(%arg16 : memref<224x64xf32, #tpu.memory_space<vmem>>) dst(%dma_wait3A_458 : memref<224x64xf32, #tpu.memory_space<hbm>>)
        tpu.yield
      }) : () -> ()
      "tpu.region"() ({
        %run_scoped3A = tpu.sem_alloc : memref<!tpu.dma_semaphore, #tpu.memory_space<semaphore_mem>>
        %dma_start3A = arith.constant 64 : i32
        %dma_start3A_453 = tpu.memref_slice %arg6[%add3A_27, %dma_start3A] : memref<100352x128xf32, #tpu.memory_space<hbm>> -> memref<224x64xf32, #tpu.memory_space<hbm>>
        %dma_start3A_454 = arith.constant 64 : i32
        %dma_start3A_455 = tpu.memref_slice %arg6[%add3A_27, %dma_start3A_454] : memref<100352x128xf32, #tpu.memory_space<hbm>> -> memref<224x64xf32, #tpu.memory_space<hbm>>
        tpu.enqueue_dma source(%arg17 : memref<224x64xf32, #tpu.memory_space<vmem>>) target(%dma_start3A_455 : memref<224x64xf32, #tpu.memory_space<hbm>>) target_semaphore(%run_scoped3A : memref<!tpu.dma_semaphore, #tpu.memory_space<semaphore_mem>>)
        %dma_wait3A = arith.constant 64 : i32
        %dma_wait3A_456 = tpu.memref_slice %arg6[%add3A_27, %dma_wait3A] : memref<100352x128xf32, #tpu.memory_space<hbm>> -> memref<224x64xf32, #tpu.memory_space<hbm>>
        %dma_wait3A_457 = arith.constant 64 : i32
        %dma_wait3A_458 = tpu.memref_slice %arg6[%add3A_27, %dma_wait3A_457] : memref<100352x128xf32, #tpu.memory_space<hbm>> -> memref<224x64xf32, #tpu.memory_space<hbm>>
        tpu.wait_dma2 semaphore(%run_scoped3A : memref<!tpu.dma_semaphore, #tpu.memory_space<semaphore_mem>>) src(%arg17 : memref<224x64xf32, #tpu.memory_space<vmem>>) dst(%dma_wait3A_458 : memref<224x64xf32, #tpu.memory_space<hbm>>)
        tpu.yield
      }) : () -> ()
    }
    %scan3A_19 = arith.constant 14 : i32
    return
  }
}

#map = affine_map<(d0, d1) -> (0, 0)>
#map1 = affine_map<(d0, d1) -> (0)>
module attributes {stable_mosaic.version = 14 : i64} {
  func.func @_sc_scatter_grid(%arg0: i32, %arg1: i32, %arg2: memref<100352x128xf32, #tpu.memory_space<hbm>>, %arg3: memref<200704xi32, #tpu.memory_space<hbm>>, %arg4: memref<25088x128xf32, #tpu.memory_space<hbm>>, %arg5: memref<25312x64xf32, #tpu.memory_space<vmem_shared>>, %arg6: memref<112xi32, #tpu.memory_space<vmem>>, %arg7: memref<112xi32, #tpu.memory_space<vmem>>, %arg8: memref<112x64xf32, #tpu.memory_space<vmem>>, %arg9: memref<112x64xf32, #tpu.memory_space<vmem>>, %arg10: memref<224x64xf32, #tpu.memory_space<vmem>>) attributes {dimension_semantics = [#tpu.dimension_semantics<core_parallel>, #tpu.dimension_semantics<subcore_parallel>], iteration_bounds = array<i64: 2, 16>, scalar_prefetch = 0 : i64, scratch_operands = 6 : i64, tpu.core_type = #tpu.core_type<sc_vector_subcore>, window_params = [{transform_indices = #map}, {transform_indices = #map1}, {transform_indices = #map}]} {
    %mul3A = arith.constant 25088 : i32
    %mul3A_0 = arith.muli %arg0, %mul3A : i32
    %broadcast_in_dim3A = arith.constant 0.000000e+00 : f32
    %broadcast_in_dim3A_1 = vector.broadcast %broadcast_in_dim3A : f32 to vector<16xf32>
    %scan3A = arith.constant 0 : i32
    %scan3A_2 = arith.constant 224 : i32
    %scan3A_3 = arith.addi %scan3A, %scan3A_2 : i32
    %scan3A_4 = arith.constant 1 : i32
    scf.for %scan3A_33 = %scan3A to %scan3A_3 step %scan3A_4  : i32 {
      %mul3A_34 = arith.constant 1 : i32
      %mul3A_35 = arith.muli %scan3A_33, %mul3A_34 : i32
      %add3A_36 = arith.constant 0 : i32
      %add3A_37 = arith.addi %add3A_36, %mul3A_35 : i32
      %swap3A = arith.index_cast %add3A_37 : i32 to index
      %swap3A_38 = arith.constant 0 : index
      %swap3A_39 = tpu.vector_load %arg10[%swap3A, %swap3A_38] {strides = array<i32>} : memref<224x64xf32, #tpu.memory_space<vmem>>, vector<1x16xf32>,
      %swap3A_40 = vector.shape_cast %swap3A_39 : vector<1x16xf32> to vector<16xf32>
      %swap3A_41 = vector.shape_cast %broadcast_in_dim3A_1 : vector<16xf32> to vector<1x16xf32>
      tpu.vector_store %arg10[%swap3A, %swap3A_38], %swap3A_41 {strides = array<i32>} : memref<224x64xf32, #tpu.memory_space<vmem>>, vector<1x16xf32>,
      %swap3A_42 = arith.index_cast %add3A_37 : i32 to index
      %swap3A_43 = arith.constant 16 : index
      %swap3A_44 = tpu.vector_load %arg10[%swap3A_42, %swap3A_43] {strides = array<i32>} : memref<224x64xf32, #tpu.memory_space<vmem>>, vector<1x16xf32>,
      %swap3A_45 = vector.shape_cast %swap3A_44 : vector<1x16xf32> to vector<16xf32>
      %swap3A_46 = vector.shape_cast %broadcast_in_dim3A_1 : vector<16xf32> to vector<1x16xf32>
      tpu.vector_store %arg10[%swap3A_42, %swap3A_43], %swap3A_46 {strides = array<i32>} : memref<224x64xf32, #tpu.memory_space<vmem>>, vector<1x16xf32>,
      %swap3A_47 = arith.index_cast %add3A_37 : i32 to index
      %swap3A_48 = arith.constant 32 : index
      %swap3A_49 = tpu.vector_load %arg10[%swap3A_47, %swap3A_48] {strides = array<i32>} : memref<224x64xf32, #tpu.memory_space<vmem>>, vector<1x16xf32>,
      %swap3A_50 = vector.shape_cast %swap3A_49 : vector<1x16xf32> to vector<16xf32>
      %swap3A_51 = vector.shape_cast %broadcast_in_dim3A_1 : vector<16xf32> to vector<1x16xf32>
      tpu.vector_store %arg10[%swap3A_47, %swap3A_48], %swap3A_51 {strides = array<i32>} : memref<224x64xf32, #tpu.memory_space<vmem>>, vector<1x16xf32>,
      %swap3A_52 = arith.index_cast %add3A_37 : i32 to index
      %swap3A_53 = arith.constant 48 : index
      %swap3A_54 = tpu.vector_load %arg10[%swap3A_52, %swap3A_53] {strides = array<i32>} : memref<224x64xf32, #tpu.memory_space<vmem>>, vector<1x16xf32>,
      %swap3A_55 = vector.shape_cast %swap3A_54 : vector<1x16xf32> to vector<16xf32>
      %swap3A_56 = vector.shape_cast %broadcast_in_dim3A_1 : vector<16xf32> to vector<1x16xf32>
      tpu.vector_store %arg10[%swap3A_52, %swap3A_53], %swap3A_56 {strides = array<i32>} : memref<224x64xf32, #tpu.memory_space<vmem>>, vector<1x16xf32>,
    }
    %scan3A_5 = arith.constant 224 : i32
    %sub3A = arith.constant 113 : i32
    %sub3A_6 = arith.subi %sub3A, %arg1 : i32
    %sub3A_7 = arith.constant 16 : i32
    %sub3A_8 = arith.constant 1 : i32
    %sub3A_9 = arith.subi %sub3A_7, %sub3A_8 : i32
    %add3A = arith.addi %sub3A_6, %sub3A_9 : i32
    %div3A = arith.constant 16 : i32
    %div3A_10 = arith.divsi %add3A, %div3A : i32
    %while3A = arith.constant 16 : i32
    %while3A_11 = arith.constant 0 : i32
    %while3A_12 = arith.subi %div3A_10, %while3A_11 : i32
    %while3A_13 = arith.addi %while3A_11, %while3A_12 : i32
    %while3A_14 = arith.constant 1 : i32
    %while3A_15 = arith.divsi %while3A_12, %while3A_14 : i32
    %while3A_16 = arith.muli %while3A_15, %while3A_14 : i32
    %while3A_17 = arith.addi %while3A_11, %while3A_16 : i32
    %while3A_18 = arith.constant 1 : i32
    scf.for %while3A_33 = %while3A_11 to %while3A_17 step %while3A_18  : i32 {
      %mul3A_34 = arith.muli %while3A_33, %while3A : i32
      %add3A_35 = arith.addi %arg1, %mul3A_34 : i32
      %mul3A_36 = arith.constant 224 : i32
      %mul3A_37 = arith.muli %add3A_35, %mul3A_36 : i32
      "tpu.region"() ({
        %run_scoped3A = tpu.sem_alloc : memref<!tpu.dma_semaphore, #tpu.memory_space<semaphore_mem>>
        %dma_start3A = arith.constant 0 : i32
        %dma_start3A_38 = tpu.memref_slice %arg5[%mul3A_37, %dma_start3A] : memref<25312x64xf32, #tpu.memory_space<vmem_shared>> -> memref<224x64xf32, #tpu.memory_space<vmem_shared>>
        %dma_start3A_39 = arith.constant 0 : i32
        %dma_start3A_40 = tpu.memref_slice %arg5[%mul3A_37, %dma_start3A_39] : memref<25312x64xf32, #tpu.memory_space<vmem_shared>> -> memref<224x64xf32, #tpu.memory_space<vmem_shared>>
        tpu.enqueue_dma source(%arg10 : memref<224x64xf32, #tpu.memory_space<vmem>>) target(%dma_start3A_40 : memref<224x64xf32, #tpu.memory_space<vmem_shared>>) target_semaphore(%run_scoped3A : memref<!tpu.dma_semaphore, #tpu.memory_space<semaphore_mem>>)
        %dma_wait3A = arith.constant 0 : i32
        %dma_wait3A_41 = tpu.memref_slice %arg5[%mul3A_37, %dma_wait3A] : memref<25312x64xf32, #tpu.memory_space<vmem_shared>> -> memref<224x64xf32, #tpu.memory_space<vmem_shared>>
        %dma_wait3A_42 = arith.constant 0 : i32
        %dma_wait3A_43 = tpu.memref_slice %arg5[%mul3A_37, %dma_wait3A_42] : memref<25312x64xf32, #tpu.memory_space<vmem_shared>> -> memref<224x64xf32, #tpu.memory_space<vmem_shared>>
        tpu.wait_dma2 semaphore(%run_scoped3A : memref<!tpu.dma_semaphore, #tpu.memory_space<semaphore_mem>>) src(%arg10 : memref<224x64xf32, #tpu.memory_space<vmem>>) dst(%dma_wait3A_43 : memref<224x64xf32, #tpu.memory_space<vmem_shared>>)
        tpu.yield
      }) : () -> ()
    }
    %while3A_19 = arith.constant 1 : i32
    scf.for %while3A_33 = %while3A_17 to %while3A_13 step %while3A_19  : i32 {
      %mul3A_34 = arith.muli %while3A_33, %while3A : i32
      %add3A_35 = arith.addi %arg1, %mul3A_34 : i32
      %mul3A_36 = arith.constant 224 : i32
      %mul3A_37 = arith.muli %add3A_35, %mul3A_36 : i32
      "tpu.region"() ({
        %run_scoped3A = tpu.sem_alloc : memref<!tpu.dma_semaphore, #tpu.memory_space<semaphore_mem>>
        %dma_start3A = arith.constant 0 : i32
        %dma_start3A_38 = tpu.memref_slice %arg5[%mul3A_37, %dma_start3A] : memref<25312x64xf32, #tpu.memory_space<vmem_shared>> -> memref<224x64xf32, #tpu.memory_space<vmem_shared>>
        %dma_start3A_39 = arith.constant 0 : i32
        %dma_start3A_40 = tpu.memref_slice %arg5[%mul3A_37, %dma_start3A_39] : memref<25312x64xf32, #tpu.memory_space<vmem_shared>> -> memref<224x64xf32, #tpu.memory_space<vmem_shared>>
        tpu.enqueue_dma source(%arg10 : memref<224x64xf32, #tpu.memory_space<vmem>>) target(%dma_start3A_40 : memref<224x64xf32, #tpu.memory_space<vmem_shared>>) target_semaphore(%run_scoped3A : memref<!tpu.dma_semaphore, #tpu.memory_space<semaphore_mem>>)
        %dma_wait3A = arith.constant 0 : i32
        %dma_wait3A_41 = tpu.memref_slice %arg5[%mul3A_37, %dma_wait3A] : memref<25312x64xf32, #tpu.memory_space<vmem_shared>> -> memref<224x64xf32, #tpu.memory_space<vmem_shared>>
        %dma_wait3A_42 = arith.constant 0 : i32
        %dma_wait3A_43 = tpu.memref_slice %arg5[%mul3A_37, %dma_wait3A_42] : memref<25312x64xf32, #tpu.memory_space<vmem_shared>> -> memref<224x64xf32, #tpu.memory_space<vmem_shared>>
        tpu.wait_dma2 semaphore(%run_scoped3A : memref<!tpu.dma_semaphore, #tpu.memory_space<semaphore_mem>>) src(%arg10 : memref<224x64xf32, #tpu.memory_space<vmem>>) dst(%dma_wait3A_43 : memref<224x64xf32, #tpu.memory_space<vmem_shared>>)
        tpu.yield
      }) : () -> ()
    }
    %barrier3A = arith.constant 0 : index
    tpu.barrier barrier_id(%barrier3A)
    %mul3A_20 = arith.constant 6272 : i32
    %mul3A_21 = arith.muli %arg1, %mul3A_20 : i32
    %scan3A_22 = arith.constant 0 : i32
    %scan3A_23 = arith.constant 56 : i32
    %scan3A_24 = arith.addi %scan3A_22, %scan3A_23 : i32
    %scan3A_25 = arith.constant 1 : i32
    scf.for %scan3A_33 = %scan3A_22 to %scan3A_24 step %scan3A_25  : i32 {
      %mul3A_34 = arith.constant 1 : i32
      %mul3A_35 = arith.muli %scan3A_33, %mul3A_34 : i32
      %add3A_36 = arith.constant 0 : i32
      %add3A_37 = arith.addi %add3A_36, %mul3A_35 : i32
      %mul3A_38 = arith.constant 112 : i32
      %mul3A_39 = arith.muli %add3A_37, %mul3A_38 : i32
      %add3A_40 = arith.addi %mul3A_21, %mul3A_39 : i32
      "tpu.region"() ({
        %run_scoped3A = tpu.sem_alloc : memref<!tpu.dma_semaphore, #tpu.memory_space<semaphore_mem>>
        %dma_start3A = tpu.memref_slice %arg3[%add3A_40] : memref<200704xi32, #tpu.memory_space<hbm>> -> memref<112xi32, #tpu.memory_space<hbm>>
        %dma_start3A_302 = tpu.memref_slice %arg3[%add3A_40] : memref<200704xi32, #tpu.memory_space<hbm>> -> memref<112xi32, #tpu.memory_space<hbm>>
        tpu.enqueue_dma source(%dma_start3A_302 : memref<112xi32, #tpu.memory_space<hbm>>) target(%arg6 : memref<112xi32, #tpu.memory_space<vmem>>) target_semaphore(%run_scoped3A : memref<!tpu.dma_semaphore, #tpu.memory_space<semaphore_mem>>)
        %dma_wait3A = tpu.memref_slice %arg3[%add3A_40] : memref<200704xi32, #tpu.memory_space<hbm>> -> memref<112xi32, #tpu.memory_space<hbm>>
        %dma_wait3A_303 = tpu.memref_slice %arg3[%add3A_40] : memref<200704xi32, #tpu.memory_space<hbm>> -> memref<112xi32, #tpu.memory_space<hbm>>
        tpu.wait_dma2 semaphore(%run_scoped3A : memref<!tpu.dma_semaphore, #tpu.memory_space<semaphore_mem>>) src(%dma_wait3A_303 : memref<112xi32, #tpu.memory_space<hbm>>) dst(%arg6 : memref<112xi32, #tpu.memory_space<vmem>>)
        tpu.yield
      }) : () -> ()
      %add3A_41 = arith.constant 100352 : i32
      %add3A_42 = arith.addi %add3A_41, %add3A_40 : i32
      "tpu.region"() ({
        %run_scoped3A = tpu.sem_alloc : memref<!tpu.dma_semaphore, #tpu.memory_space<semaphore_mem>>
        %dma_start3A = tpu.memref_slice %arg3[%add3A_42] : memref<200704xi32, #tpu.memory_space<hbm>> -> memref<112xi32, #tpu.memory_space<hbm>>
        %dma_start3A_302 = tpu.memref_slice %arg3[%add3A_42] : memref<200704xi32, #tpu.memory_space<hbm>> -> memref<112xi32, #tpu.memory_space<hbm>>
        tpu.enqueue_dma source(%dma_start3A_302 : memref<112xi32, #tpu.memory_space<hbm>>) target(%arg7 : memref<112xi32, #tpu.memory_space<vmem>>) target_semaphore(%run_scoped3A : memref<!tpu.dma_semaphore, #tpu.memory_space<semaphore_mem>>)
        %dma_wait3A = tpu.memref_slice %arg3[%add3A_42] : memref<200704xi32, #tpu.memory_space<hbm>> -> memref<112xi32, #tpu.memory_space<hbm>>
        %dma_wait3A_303 = tpu.memref_slice %arg3[%add3A_42] : memref<200704xi32, #tpu.memory_space<hbm>> -> memref<112xi32, #tpu.memory_space<hbm>>
        tpu.wait_dma2 semaphore(%run_scoped3A : memref<!tpu.dma_semaphore, #tpu.memory_space<semaphore_mem>>) src(%dma_wait3A_303 : memref<112xi32, #tpu.memory_space<hbm>>) dst(%arg7 : memref<112xi32, #tpu.memory_space<vmem>>)
        tpu.yield
      }) : () -> ()
      %get3A = arith.constant 0 : index
      %get3A_43 = tpu.vector_load %arg6[%get3A] {strides = array<i32>} : memref<112xi32, #tpu.memory_space<vmem>>, vector<16xi32>,
      %get3A_44 = vector.shape_cast %get3A_43 : vector<16xi32> to vector<16xi32>
      %sub3A_45 = vector.broadcast %mul3A_0 : i32 to vector<16xi32>
      %sub3A_46 = arith.subi %get3A_44, %sub3A_45 : vector<16xi32>
      %ge3A = arith.constant 0 : i32
      %ge3A_47 = vector.broadcast %ge3A : i32 to vector<16xi32>
      %ge3A_48 = arith.cmpi sge, %sub3A_46, %ge3A_47 : vector<16xi32>
      %lt3A = arith.constant 25088 : i32
      %lt3A_49 = vector.broadcast %lt3A : i32 to vector<16xi32>
      %lt3A_50 = arith.cmpi slt, %sub3A_46, %lt3A_49 : vector<16xi32>
      %and3A = arith.andi %ge3A_48, %lt3A_50 : vector<16xi1>
      %jit3A = arith.constant 25088 : i32
      %broadcast_in_dim3A_51 = vector.broadcast %jit3A : i32 to vector<16xi32>
      %select_n3A = arith.select %and3A, %sub3A_46, %broadcast_in_dim3A_51 : vector<16xi1>, vector<16xi32>
      %swap3A = arith.constant 0 : index
      %swap3A_52 = tpu.vector_load %arg6[%swap3A] {strides = array<i32>} : memref<112xi32, #tpu.memory_space<vmem>>, vector<16xi32>,
      %swap3A_53 = vector.shape_cast %swap3A_52 : vector<16xi32> to vector<16xi32>
      %swap3A_54 = vector.shape_cast %select_n3A : vector<16xi32> to vector<16xi32>
      tpu.vector_store %arg6[%swap3A], %swap3A_54 {strides = array<i32>} : memref<112xi32, #tpu.memory_space<vmem>>, vector<16xi32>,
      %get3A_55 = arith.constant 0 : index
      %get3A_56 = tpu.vector_load %arg7[%get3A_55] {strides = array<i32>} : memref<112xi32, #tpu.memory_space<vmem>>, vector<16xi32>,
      %get3A_57 = vector.shape_cast %get3A_56 : vector<16xi32> to vector<16xi32>
      %sub3A_58 = vector.broadcast %mul3A_0 : i32 to vector<16xi32>
      %sub3A_59 = arith.subi %get3A_57, %sub3A_58 : vector<16xi32>
      %ge3A_60 = arith.constant 0 : i32
      %ge3A_61 = vector.broadcast %ge3A_60 : i32 to vector<16xi32>
      %ge3A_62 = arith.cmpi sge, %sub3A_59, %ge3A_61 : vector<16xi32>
      %lt3A_63 = arith.constant 25088 : i32
      %lt3A_64 = vector.broadcast %lt3A_63 : i32 to vector<16xi32>
      %lt3A_65 = arith.cmpi slt, %sub3A_59, %lt3A_64 : vector<16xi32>
      %and3A_66 = arith.andi %ge3A_62, %lt3A_65 : vector<16xi1>
      %jit3A_67 = arith.constant 25088 : i32
      %broadcast_in_dim3A_68 = vector.broadcast %jit3A_67 : i32 to vector<16xi32>
      %select_n3A_69 = arith.select %and3A_66, %sub3A_59, %broadcast_in_dim3A_68 : vector<16xi1>, vector<16xi32>
      %swap3A_70 = arith.constant 0 : index
      %swap3A_71 = tpu.vector_load %arg7[%swap3A_70] {strides = array<i32>} : memref<112xi32, #tpu.memory_space<vmem>>, vector<16xi32>,
      %swap3A_72 = vector.shape_cast %swap3A_71 : vector<16xi32> to vector<16xi32>
      %swap3A_73 = vector.shape_cast %select_n3A_69 : vector<16xi32> to vector<16xi32>
      tpu.vector_store %arg7[%swap3A_70], %swap3A_73 {strides = array<i32>} : memref<112xi32, #tpu.memory_space<vmem>>, vector<16xi32>,
      %get3A_74 = arith.constant 16 : index
      %get3A_75 = tpu.vector_load %arg6[%get3A_74] {strides = array<i32>} : memref<112xi32, #tpu.memory_space<vmem>>, vector<16xi32>,
      %get3A_76 = vector.shape_cast %get3A_75 : vector<16xi32> to vector<16xi32>
      %sub3A_77 = vector.broadcast %mul3A_0 : i32 to vector<16xi32>
      %sub3A_78 = arith.subi %get3A_76, %sub3A_77 : vector<16xi32>
      %ge3A_79 = arith.constant 0 : i32
      %ge3A_80 = vector.broadcast %ge3A_79 : i32 to vector<16xi32>
      %ge3A_81 = arith.cmpi sge, %sub3A_78, %ge3A_80 : vector<16xi32>
      %lt3A_82 = arith.constant 25088 : i32
      %lt3A_83 = vector.broadcast %lt3A_82 : i32 to vector<16xi32>
      %lt3A_84 = arith.cmpi slt, %sub3A_78, %lt3A_83 : vector<16xi32>
      %and3A_85 = arith.andi %ge3A_81, %lt3A_84 : vector<16xi1>
      %jit3A_86 = arith.constant 25088 : i32
      %broadcast_in_dim3A_87 = vector.broadcast %jit3A_86 : i32 to vector<16xi32>
      %select_n3A_88 = arith.select %and3A_85, %sub3A_78, %broadcast_in_dim3A_87 : vector<16xi1>, vector<16xi32>
      %swap3A_89 = arith.constant 16 : index
      %swap3A_90 = tpu.vector_load %arg6[%swap3A_89] {strides = array<i32>} : memref<112xi32, #tpu.memory_space<vmem>>, vector<16xi32>,
      %swap3A_91 = vector.shape_cast %swap3A_90 : vector<16xi32> to vector<16xi32>
      %swap3A_92 = vector.shape_cast %select_n3A_88 : vector<16xi32> to vector<16xi32>
      tpu.vector_store %arg6[%swap3A_89], %swap3A_92 {strides = array<i32>} : memref<112xi32, #tpu.memory_space<vmem>>, vector<16xi32>,
      %get3A_93 = arith.constant 16 : index
      %get3A_94 = tpu.vector_load %arg7[%get3A_93] {strides = array<i32>} : memref<112xi32, #tpu.memory_space<vmem>>, vector<16xi32>,
      %get3A_95 = vector.shape_cast %get3A_94 : vector<16xi32> to vector<16xi32>
      %sub3A_96 = vector.broadcast %mul3A_0 : i32 to vector<16xi32>
      %sub3A_97 = arith.subi %get3A_95, %sub3A_96 : vector<16xi32>
      %ge3A_98 = arith.constant 0 : i32
      %ge3A_99 = vector.broadcast %ge3A_98 : i32 to vector<16xi32>
      %ge3A_100 = arith.cmpi sge, %sub3A_97, %ge3A_99 : vector<16xi32>
      %lt3A_101 = arith.constant 25088 : i32
      %lt3A_102 = vector.broadcast %lt3A_101 : i32 to vector<16xi32>
      %lt3A_103 = arith.cmpi slt, %sub3A_97, %lt3A_102 : vector<16xi32>
      %and3A_104 = arith.andi %ge3A_100, %lt3A_103 : vector<16xi1>
      %jit3A_105 = arith.constant 25088 : i32
      %broadcast_in_dim3A_106 = vector.broadcast %jit3A_105 : i32 to vector<16xi32>
      %select_n3A_107 = arith.select %and3A_104, %sub3A_97, %broadcast_in_dim3A_106 : vector<16xi1>, vector<16xi32>
      %swap3A_108 = arith.constant 16 : index
      %swap3A_109 = tpu.vector_load %arg7[%swap3A_108] {strides = array<i32>} : memref<112xi32, #tpu.memory_space<vmem>>, vector<16xi32>,
      %swap3A_110 = vector.shape_cast %swap3A_109 : vector<16xi32> to vector<16xi32>
      %swap3A_111 = vector.shape_cast %select_n3A_107 : vector<16xi32> to vector<16xi32>
      tpu.vector_store %arg7[%swap3A_108], %swap3A_111 {strides = array<i32>} : memref<112xi32, #tpu.memory_space<vmem>>, vector<16xi32>,
      %get3A_112 = arith.constant 32 : index
      %get3A_113 = tpu.vector_load %arg6[%get3A_112] {strides = array<i32>} : memref<112xi32, #tpu.memory_space<vmem>>, vector<16xi32>,
      %get3A_114 = vector.shape_cast %get3A_113 : vector<16xi32> to vector<16xi32>
      %sub3A_115 = vector.broadcast %mul3A_0 : i32 to vector<16xi32>
      %sub3A_116 = arith.subi %get3A_114, %sub3A_115 : vector<16xi32>
      %ge3A_117 = arith.constant 0 : i32
      %ge3A_118 = vector.broadcast %ge3A_117 : i32 to vector<16xi32>
      %ge3A_119 = arith.cmpi sge, %sub3A_116, %ge3A_118 : vector<16xi32>
      %lt3A_120 = arith.constant 25088 : i32
      %lt3A_121 = vector.broadcast %lt3A_120 : i32 to vector<16xi32>
      %lt3A_122 = arith.cmpi slt, %sub3A_116, %lt3A_121 : vector<16xi32>
      %and3A_123 = arith.andi %ge3A_119, %lt3A_122 : vector<16xi1>
      %jit3A_124 = arith.constant 25088 : i32
      %broadcast_in_dim3A_125 = vector.broadcast %jit3A_124 : i32 to vector<16xi32>
      %select_n3A_126 = arith.select %and3A_123, %sub3A_116, %broadcast_in_dim3A_125 : vector<16xi1>, vector<16xi32>
      %swap3A_127 = arith.constant 32 : index
      %swap3A_128 = tpu.vector_load %arg6[%swap3A_127] {strides = array<i32>} : memref<112xi32, #tpu.memory_space<vmem>>, vector<16xi32>,
      %swap3A_129 = vector.shape_cast %swap3A_128 : vector<16xi32> to vector<16xi32>
      %swap3A_130 = vector.shape_cast %select_n3A_126 : vector<16xi32> to vector<16xi32>
      tpu.vector_store %arg6[%swap3A_127], %swap3A_130 {strides = array<i32>} : memref<112xi32, #tpu.memory_space<vmem>>, vector<16xi32>,
      %get3A_131 = arith.constant 32 : index
      %get3A_132 = tpu.vector_load %arg7[%get3A_131] {strides = array<i32>} : memref<112xi32, #tpu.memory_space<vmem>>, vector<16xi32>,
      %get3A_133 = vector.shape_cast %get3A_132 : vector<16xi32> to vector<16xi32>
      %sub3A_134 = vector.broadcast %mul3A_0 : i32 to vector<16xi32>
      %sub3A_135 = arith.subi %get3A_133, %sub3A_134 : vector<16xi32>
      %ge3A_136 = arith.constant 0 : i32
      %ge3A_137 = vector.broadcast %ge3A_136 : i32 to vector<16xi32>
      %ge3A_138 = arith.cmpi sge, %sub3A_135, %ge3A_137 : vector<16xi32>
      %lt3A_139 = arith.constant 25088 : i32
      %lt3A_140 = vector.broadcast %lt3A_139 : i32 to vector<16xi32>
      %lt3A_141 = arith.cmpi slt, %sub3A_135, %lt3A_140 : vector<16xi32>
      %and3A_142 = arith.andi %ge3A_138, %lt3A_141 : vector<16xi1>
      %jit3A_143 = arith.constant 25088 : i32
      %broadcast_in_dim3A_144 = vector.broadcast %jit3A_143 : i32 to vector<16xi32>
      %select_n3A_145 = arith.select %and3A_142, %sub3A_135, %broadcast_in_dim3A_144 : vector<16xi1>, vector<16xi32>
      %swap3A_146 = arith.constant 32 : index
      %swap3A_147 = tpu.vector_load %arg7[%swap3A_146] {strides = array<i32>} : memref<112xi32, #tpu.memory_space<vmem>>, vector<16xi32>,
      %swap3A_148 = vector.shape_cast %swap3A_147 : vector<16xi32> to vector<16xi32>
      %swap3A_149 = vector.shape_cast %select_n3A_145 : vector<16xi32> to vector<16xi32>
      tpu.vector_store %arg7[%swap3A_146], %swap3A_149 {strides = array<i32>} : memref<112xi32, #tpu.memory_space<vmem>>, vector<16xi32>,
      %get3A_150 = arith.constant 48 : index
      %get3A_151 = tpu.vector_load %arg6[%get3A_150] {strides = array<i32>} : memref<112xi32, #tpu.memory_space<vmem>>, vector<16xi32>,
      %get3A_152 = vector.shape_cast %get3A_151 : vector<16xi32> to vector<16xi32>
      %sub3A_153 = vector.broadcast %mul3A_0 : i32 to vector<16xi32>
      %sub3A_154 = arith.subi %get3A_152, %sub3A_153 : vector<16xi32>
      %ge3A_155 = arith.constant 0 : i32
      %ge3A_156 = vector.broadcast %ge3A_155 : i32 to vector<16xi32>
      %ge3A_157 = arith.cmpi sge, %sub3A_154, %ge3A_156 : vector<16xi32>
      %lt3A_158 = arith.constant 25088 : i32
      %lt3A_159 = vector.broadcast %lt3A_158 : i32 to vector<16xi32>
      %lt3A_160 = arith.cmpi slt, %sub3A_154, %lt3A_159 : vector<16xi32>
      %and3A_161 = arith.andi %ge3A_157, %lt3A_160 : vector<16xi1>
      %jit3A_162 = arith.constant 25088 : i32
      %broadcast_in_dim3A_163 = vector.broadcast %jit3A_162 : i32 to vector<16xi32>
      %select_n3A_164 = arith.select %and3A_161, %sub3A_154, %broadcast_in_dim3A_163 : vector<16xi1>, vector<16xi32>
      %swap3A_165 = arith.constant 48 : index
      %swap3A_166 = tpu.vector_load %arg6[%swap3A_165] {strides = array<i32>} : memref<112xi32, #tpu.memory_space<vmem>>, vector<16xi32>,
      %swap3A_167 = vector.shape_cast %swap3A_166 : vector<16xi32> to vector<16xi32>
      %swap3A_168 = vector.shape_cast %select_n3A_164 : vector<16xi32> to vector<16xi32>
      tpu.vector_store %arg6[%swap3A_165], %swap3A_168 {strides = array<i32>} : memref<112xi32, #tpu.memory_space<vmem>>, vector<16xi32>,
      %get3A_169 = arith.constant 48 : index
      %get3A_170 = tpu.vector_load %arg7[%get3A_169] {strides = array<i32>} : memref<112xi32, #tpu.memory_space<vmem>>, vector<16xi32>,
      %get3A_171 = vector.shape_cast %get3A_170 : vector<16xi32> to vector<16xi32>
      %sub3A_172 = vector.broadcast %mul3A_0 : i32 to vector<16xi32>
      %sub3A_173 = arith.subi %get3A_171, %sub3A_172 : vector<16xi32>
      %ge3A_174 = arith.constant 0 : i32
      %ge3A_175 = vector.broadcast %ge3A_174 : i32 to vector<16xi32>
      %ge3A_176 = arith.cmpi sge, %sub3A_173, %ge3A_175 : vector<16xi32>
      %lt3A_177 = arith.constant 25088 : i32
      %lt3A_178 = vector.broadcast %lt3A_177 : i32 to vector<16xi32>
      %lt3A_179 = arith.cmpi slt, %sub3A_173, %lt3A_178 : vector<16xi32>
      %and3A_180 = arith.andi %ge3A_176, %lt3A_179 : vector<16xi1>
      %jit3A_181 = arith.constant 25088 : i32
      %broadcast_in_dim3A_182 = vector.broadcast %jit3A_181 : i32 to vector<16xi32>
      %select_n3A_183 = arith.select %and3A_180, %sub3A_173, %broadcast_in_dim3A_182 : vector<16xi1>, vector<16xi32>
      %swap3A_184 = arith.constant 48 : index
      %swap3A_185 = tpu.vector_load %arg7[%swap3A_184] {strides = array<i32>} : memref<112xi32, #tpu.memory_space<vmem>>, vector<16xi32>,
      %swap3A_186 = vector.shape_cast %swap3A_185 : vector<16xi32> to vector<16xi32>
      %swap3A_187 = vector.shape_cast %select_n3A_183 : vector<16xi32> to vector<16xi32>
      tpu.vector_store %arg7[%swap3A_184], %swap3A_187 {strides = array<i32>} : memref<112xi32, #tpu.memory_space<vmem>>, vector<16xi32>,
      %get3A_188 = arith.constant 64 : index
      %get3A_189 = tpu.vector_load %arg6[%get3A_188] {strides = array<i32>} : memref<112xi32, #tpu.memory_space<vmem>>, vector<16xi32>,
      %get3A_190 = vector.shape_cast %get3A_189 : vector<16xi32> to vector<16xi32>
      %sub3A_191 = vector.broadcast %mul3A_0 : i32 to vector<16xi32>
      %sub3A_192 = arith.subi %get3A_190, %sub3A_191 : vector<16xi32>
      %ge3A_193 = arith.constant 0 : i32
      %ge3A_194 = vector.broadcast %ge3A_193 : i32 to vector<16xi32>
      %ge3A_195 = arith.cmpi sge, %sub3A_192, %ge3A_194 : vector<16xi32>
      %lt3A_196 = arith.constant 25088 : i32
      %lt3A_197 = vector.broadcast %lt3A_196 : i32 to vector<16xi32>
      %lt3A_198 = arith.cmpi slt, %sub3A_192, %lt3A_197 : vector<16xi32>
      %and3A_199 = arith.andi %ge3A_195, %lt3A_198 : vector<16xi1>
      %jit3A_200 = arith.constant 25088 : i32
      %broadcast_in_dim3A_201 = vector.broadcast %jit3A_200 : i32 to vector<16xi32>
      %select_n3A_202 = arith.select %and3A_199, %sub3A_192, %broadcast_in_dim3A_201 : vector<16xi1>, vector<16xi32>
      %swap3A_203 = arith.constant 64 : index
      %swap3A_204 = tpu.vector_load %arg6[%swap3A_203] {strides = array<i32>} : memref<112xi32, #tpu.memory_space<vmem>>, vector<16xi32>,
      %swap3A_205 = vector.shape_cast %swap3A_204 : vector<16xi32> to vector<16xi32>
      %swap3A_206 = vector.shape_cast %select_n3A_202 : vector<16xi32> to vector<16xi32>
      tpu.vector_store %arg6[%swap3A_203], %swap3A_206 {strides = array<i32>} : memref<112xi32, #tpu.memory_space<vmem>>, vector<16xi32>,
      %get3A_207 = arith.constant 64 : index
      %get3A_208 = tpu.vector_load %arg7[%get3A_207] {strides = array<i32>} : memref<112xi32, #tpu.memory_space<vmem>>, vector<16xi32>,
      %get3A_209 = vector.shape_cast %get3A_208 : vector<16xi32> to vector<16xi32>
      %sub3A_210 = vector.broadcast %mul3A_0 : i32 to vector<16xi32>
      %sub3A_211 = arith.subi %get3A_209, %sub3A_210 : vector<16xi32>
      %ge3A_212 = arith.constant 0 : i32
      %ge3A_213 = vector.broadcast %ge3A_212 : i32 to vector<16xi32>
      %ge3A_214 = arith.cmpi sge, %sub3A_211, %ge3A_213 : vector<16xi32>
      %lt3A_215 = arith.constant 25088 : i32
      %lt3A_216 = vector.broadcast %lt3A_215 : i32 to vector<16xi32>
      %lt3A_217 = arith.cmpi slt, %sub3A_211, %lt3A_216 : vector<16xi32>
      %and3A_218 = arith.andi %ge3A_214, %lt3A_217 : vector<16xi1>
      %jit3A_219 = arith.constant 25088 : i32
      %broadcast_in_dim3A_220 = vector.broadcast %jit3A_219 : i32 to vector<16xi32>
      %select_n3A_221 = arith.select %and3A_218, %sub3A_211, %broadcast_in_dim3A_220 : vector<16xi1>, vector<16xi32>
      %swap3A_222 = arith.constant 64 : index
      %swap3A_223 = tpu.vector_load %arg7[%swap3A_222] {strides = array<i32>} : memref<112xi32, #tpu.memory_space<vmem>>, vector<16xi32>,
      %swap3A_224 = vector.shape_cast %swap3A_223 : vector<16xi32> to vector<16xi32>
      %swap3A_225 = vector.shape_cast %select_n3A_221 : vector<16xi32> to vector<16xi32>
      tpu.vector_store %arg7[%swap3A_222], %swap3A_225 {strides = array<i32>} : memref<112xi32, #tpu.memory_space<vmem>>, vector<16xi32>,
      %get3A_226 = arith.constant 80 : index
      %get3A_227 = tpu.vector_load %arg6[%get3A_226] {strides = array<i32>} : memref<112xi32, #tpu.memory_space<vmem>>, vector<16xi32>,
      %get3A_228 = vector.shape_cast %get3A_227 : vector<16xi32> to vector<16xi32>
      %sub3A_229 = vector.broadcast %mul3A_0 : i32 to vector<16xi32>
      %sub3A_230 = arith.subi %get3A_228, %sub3A_229 : vector<16xi32>
      %ge3A_231 = arith.constant 0 : i32
      %ge3A_232 = vector.broadcast %ge3A_231 : i32 to vector<16xi32>
      %ge3A_233 = arith.cmpi sge, %sub3A_230, %ge3A_232 : vector<16xi32>
      %lt3A_234 = arith.constant 25088 : i32
      %lt3A_235 = vector.broadcast %lt3A_234 : i32 to vector<16xi32>
      %lt3A_236 = arith.cmpi slt, %sub3A_230, %lt3A_235 : vector<16xi32>
      %and3A_237 = arith.andi %ge3A_233, %lt3A_236 : vector<16xi1>
      %jit3A_238 = arith.constant 25088 : i32
      %broadcast_in_dim3A_239 = vector.broadcast %jit3A_238 : i32 to vector<16xi32>
      %select_n3A_240 = arith.select %and3A_237, %sub3A_230, %broadcast_in_dim3A_239 : vector<16xi1>, vector<16xi32>
      %swap3A_241 = arith.constant 80 : index
      %swap3A_242 = tpu.vector_load %arg6[%swap3A_241] {strides = array<i32>} : memref<112xi32, #tpu.memory_space<vmem>>, vector<16xi32>,
      %swap3A_243 = vector.shape_cast %swap3A_242 : vector<16xi32> to vector<16xi32>
      %swap3A_244 = vector.shape_cast %select_n3A_240 : vector<16xi32> to vector<16xi32>
      tpu.vector_store %arg6[%swap3A_241], %swap3A_244 {strides = array<i32>} : memref<112xi32, #tpu.memory_space<vmem>>, vector<16xi32>,
      %get3A_245 = arith.constant 80 : index
      %get3A_246 = tpu.vector_load %arg7[%get3A_245] {strides = array<i32>} : memref<112xi32, #tpu.memory_space<vmem>>, vector<16xi32>,
      %get3A_247 = vector.shape_cast %get3A_246 : vector<16xi32> to vector<16xi32>
      %sub3A_248 = vector.broadcast %mul3A_0 : i32 to vector<16xi32>
      %sub3A_249 = arith.subi %get3A_247, %sub3A_248 : vector<16xi32>
      %ge3A_250 = arith.constant 0 : i32
      %ge3A_251 = vector.broadcast %ge3A_250 : i32 to vector<16xi32>
      %ge3A_252 = arith.cmpi sge, %sub3A_249, %ge3A_251 : vector<16xi32>
      %lt3A_253 = arith.constant 25088 : i32
      %lt3A_254 = vector.broadcast %lt3A_253 : i32 to vector<16xi32>
      %lt3A_255 = arith.cmpi slt, %sub3A_249, %lt3A_254 : vector<16xi32>
      %and3A_256 = arith.andi %ge3A_252, %lt3A_255 : vector<16xi1>
      %jit3A_257 = arith.constant 25088 : i32
      %broadcast_in_dim3A_258 = vector.broadcast %jit3A_257 : i32 to vector<16xi32>
      %select_n3A_259 = arith.select %and3A_256, %sub3A_249, %broadcast_in_dim3A_258 : vector<16xi1>, vector<16xi32>
      %swap3A_260 = arith.constant 80 : index
      %swap3A_261 = tpu.vector_load %arg7[%swap3A_260] {strides = array<i32>} : memref<112xi32, #tpu.memory_space<vmem>>, vector<16xi32>,
      %swap3A_262 = vector.shape_cast %swap3A_261 : vector<16xi32> to vector<16xi32>
      %swap3A_263 = vector.shape_cast %select_n3A_259 : vector<16xi32> to vector<16xi32>
      tpu.vector_store %arg7[%swap3A_260], %swap3A_263 {strides = array<i32>} : memref<112xi32, #tpu.memory_space<vmem>>, vector<16xi32>,
      %get3A_264 = arith.constant 96 : index
      %get3A_265 = tpu.vector_load %arg6[%get3A_264] {strides = array<i32>} : memref<112xi32, #tpu.memory_space<vmem>>, vector<16xi32>,
      %get3A_266 = vector.shape_cast %get3A_265 : vector<16xi32> to vector<16xi32>
      %sub3A_267 = vector.broadcast %mul3A_0 : i32 to vector<16xi32>
      %sub3A_268 = arith.subi %get3A_266, %sub3A_267 : vector<16xi32>
      %ge3A_269 = arith.constant 0 : i32
      %ge3A_270 = vector.broadcast %ge3A_269 : i32 to vector<16xi32>
      %ge3A_271 = arith.cmpi sge, %sub3A_268, %ge3A_270 : vector<16xi32>
      %lt3A_272 = arith.constant 25088 : i32
      %lt3A_273 = vector.broadcast %lt3A_272 : i32 to vector<16xi32>
      %lt3A_274 = arith.cmpi slt, %sub3A_268, %lt3A_273 : vector<16xi32>
      %and3A_275 = arith.andi %ge3A_271, %lt3A_274 : vector<16xi1>
      %jit3A_276 = arith.constant 25088 : i32
      %broadcast_in_dim3A_277 = vector.broadcast %jit3A_276 : i32 to vector<16xi32>
      %select_n3A_278 = arith.select %and3A_275, %sub3A_268, %broadcast_in_dim3A_277 : vector<16xi1>, vector<16xi32>
      %swap3A_279 = arith.constant 96 : index
      %swap3A_280 = tpu.vector_load %arg6[%swap3A_279] {strides = array<i32>} : memref<112xi32, #tpu.memory_space<vmem>>, vector<16xi32>,
      %swap3A_281 = vector.shape_cast %swap3A_280 : vector<16xi32> to vector<16xi32>
      %swap3A_282 = vector.shape_cast %select_n3A_278 : vector<16xi32> to vector<16xi32>
      tpu.vector_store %arg6[%swap3A_279], %swap3A_282 {strides = array<i32>} : memref<112xi32, #tpu.memory_space<vmem>>, vector<16xi32>,
      %get3A_283 = arith.constant 96 : index
      %get3A_284 = tpu.vector_load %arg7[%get3A_283] {strides = array<i32>} : memref<112xi32, #tpu.memory_space<vmem>>, vector<16xi32>,
      %get3A_285 = vector.shape_cast %get3A_284 : vector<16xi32> to vector<16xi32>
      %sub3A_286 = vector.broadcast %mul3A_0 : i32 to vector<16xi32>
      %sub3A_287 = arith.subi %get3A_285, %sub3A_286 : vector<16xi32>
      %ge3A_288 = arith.constant 0 : i32
      %ge3A_289 = vector.broadcast %ge3A_288 : i32 to vector<16xi32>
      %ge3A_290 = arith.cmpi sge, %sub3A_287, %ge3A_289 : vector<16xi32>
      %lt3A_291 = arith.constant 25088 : i32
      %lt3A_292 = vector.broadcast %lt3A_291 : i32 to vector<16xi32>
      %lt3A_293 = arith.cmpi slt, %sub3A_287, %lt3A_292 : vector<16xi32>
      %and3A_294 = arith.andi %ge3A_290, %lt3A_293 : vector<16xi1>
      %jit3A_295 = arith.constant 25088 : i32
      %broadcast_in_dim3A_296 = vector.broadcast %jit3A_295 : i32 to vector<16xi32>
      %select_n3A_297 = arith.select %and3A_294, %sub3A_287, %broadcast_in_dim3A_296 : vector<16xi1>, vector<16xi32>
      %swap3A_298 = arith.constant 96 : index
      %swap3A_299 = tpu.vector_load %arg7[%swap3A_298] {strides = array<i32>} : memref<112xi32, #tpu.memory_space<vmem>>, vector<16xi32>,
      %swap3A_300 = vector.shape_cast %swap3A_299 : vector<16xi32> to vector<16xi32>
      %swap3A_301 = vector.shape_cast %select_n3A_297 : vector<16xi32> to vector<16xi32>
      tpu.vector_store %arg7[%swap3A_298], %swap3A_301 {strides = array<i32>} : memref<112xi32, #tpu.memory_space<vmem>>, vector<16xi32>,
      "tpu.region"() ({
        %run_scoped3A = tpu.sem_alloc : memref<!tpu.dma_semaphore, #tpu.memory_space<semaphore_mem>>
        %dma_start3A = arith.constant 0 : i32
        %dma_start3A_302 = tpu.memref_slice %arg2[%add3A_40, %dma_start3A] : memref<100352x128xf32, #tpu.memory_space<hbm>> -> memref<112x64xf32, #tpu.memory_space<hbm>>
        %dma_start3A_303 = arith.constant 0 : i32
        %dma_start3A_304 = tpu.memref_slice %arg2[%add3A_40, %dma_start3A_303] : memref<100352x128xf32, #tpu.memory_space<hbm>> -> memref<112x64xf32, #tpu.memory_space<hbm>>
        tpu.enqueue_dma source(%dma_start3A_304 : memref<112x64xf32, #tpu.memory_space<hbm>>) target(%arg8 : memref<112x64xf32, #tpu.memory_space<vmem>>) target_semaphore(%run_scoped3A : memref<!tpu.dma_semaphore, #tpu.memory_space<semaphore_mem>>)
        %dma_wait3A = arith.constant 0 : i32
        %dma_wait3A_305 = tpu.memref_slice %arg2[%add3A_40, %dma_wait3A] : memref<100352x128xf32, #tpu.memory_space<hbm>> -> memref<112x64xf32, #tpu.memory_space<hbm>>
        %dma_wait3A_306 = arith.constant 0 : i32
        %dma_wait3A_307 = tpu.memref_slice %arg2[%add3A_40, %dma_wait3A_306] : memref<100352x128xf32, #tpu.memory_space<hbm>> -> memref<112x64xf32, #tpu.memory_space<hbm>>
        tpu.wait_dma2 semaphore(%run_scoped3A : memref<!tpu.dma_semaphore, #tpu.memory_space<semaphore_mem>>) src(%dma_wait3A_307 : memref<112x64xf32, #tpu.memory_space<hbm>>) dst(%arg8 : memref<112x64xf32, #tpu.memory_space<vmem>>)
        tpu.yield
      }) : () -> ()
      "tpu.region"() ({
        %run_scoped3A = tpu.sem_alloc : memref<!tpu.dma_semaphore, #tpu.memory_space<semaphore_mem>>
        %dma_start3A = arith.constant 64 : i32
        %dma_start3A_302 = tpu.memref_slice %arg2[%add3A_40, %dma_start3A] : memref<100352x128xf32, #tpu.memory_space<hbm>> -> memref<112x64xf32, #tpu.memory_space<hbm>>
        %dma_start3A_303 = arith.constant 64 : i32
        %dma_start3A_304 = tpu.memref_slice %arg2[%add3A_40, %dma_start3A_303] : memref<100352x128xf32, #tpu.memory_space<hbm>> -> memref<112x64xf32, #tpu.memory_space<hbm>>
        tpu.enqueue_dma source(%dma_start3A_304 : memref<112x64xf32, #tpu.memory_space<hbm>>) target(%arg9 : memref<112x64xf32, #tpu.memory_space<vmem>>) target_semaphore(%run_scoped3A : memref<!tpu.dma_semaphore, #tpu.memory_space<semaphore_mem>>)
        %dma_wait3A = arith.constant 64 : i32
        %dma_wait3A_305 = tpu.memref_slice %arg2[%add3A_40, %dma_wait3A] : memref<100352x128xf32, #tpu.memory_space<hbm>> -> memref<112x64xf32, #tpu.memory_space<hbm>>
        %dma_wait3A_306 = arith.constant 64 : i32
        %dma_wait3A_307 = tpu.memref_slice %arg2[%add3A_40, %dma_wait3A_306] : memref<100352x128xf32, #tpu.memory_space<hbm>> -> memref<112x64xf32, #tpu.memory_space<hbm>>
        tpu.wait_dma2 semaphore(%run_scoped3A : memref<!tpu.dma_semaphore, #tpu.memory_space<semaphore_mem>>) src(%dma_wait3A_307 : memref<112x64xf32, #tpu.memory_space<hbm>>) dst(%arg9 : memref<112x64xf32, #tpu.memory_space<vmem>>)
        tpu.yield
      }) : () -> ()
      "tpu.region"() ({
        %run_scoped3A = tpu.sem_alloc : memref<!tpu.dma_semaphore, #tpu.memory_space<semaphore_mem>>
        %dma_start3A = arith.constant 0 : i32
        %dma_start3A_302 = arith.constant 0 : i32
        %dma_start3A_303 = tpu.memref_slice %arg5[%dma_start3A, %dma_start3A_302] : memref<25312x64xf32, #tpu.memory_space<vmem_shared>> -> memref<25312x64xf32, #tpu.memory_space<vmem_shared>>
        tpu.enqueue_indirect_dma source(%arg8 : memref<112x64xf32, #tpu.memory_space<vmem>>) target(%dma_start3A_303 : memref<25312x64xf32, #tpu.memory_space<vmem_shared>>) offsets(%arg6 : memref<112xi32, #tpu.memory_space<vmem>>) semaphore(%run_scoped3A : memref<!tpu.dma_semaphore, #tpu.memory_space<semaphore_mem>>) {add = true}
        %dma_wait3A = arith.constant 0 : i32
        %dma_wait3A_304 = arith.constant 0 : i32
        %dma_wait3A_305 = tpu.memref_slice %arg5[%dma_wait3A, %dma_wait3A_304] : memref<25312x64xf32, #tpu.memory_space<vmem_shared>> -> memref<25312x64xf32, #tpu.memory_space<vmem_shared>>
        tpu.wait_indirect_dma semaphore(%run_scoped3A : memref<!tpu.dma_semaphore, #tpu.memory_space<semaphore_mem>>) src(%arg8 : memref<112x64xf32, #tpu.memory_space<vmem>>) dst(%dma_wait3A_305 : memref<25312x64xf32, #tpu.memory_space<vmem_shared>>)
        tpu.yield
      }) : () -> ()
      "tpu.region"() ({
        %run_scoped3A = tpu.sem_alloc : memref<!tpu.dma_semaphore, #tpu.memory_space<semaphore_mem>>
        %dma_start3A = arith.constant 0 : i32
        %dma_start3A_302 = arith.constant 0 : i32
        %dma_start3A_303 = tpu.memref_slice %arg5[%dma_start3A, %dma_start3A_302] : memref<25312x64xf32, #tpu.memory_space<vmem_shared>> -> memref<25312x64xf32, #tpu.memory_space<vmem_shared>>
        tpu.enqueue_indirect_dma source(%arg9 : memref<112x64xf32, #tpu.memory_space<vmem>>) target(%dma_start3A_303 : memref<25312x64xf32, #tpu.memory_space<vmem_shared>>) offsets(%arg7 : memref<112xi32, #tpu.memory_space<vmem>>) semaphore(%run_scoped3A : memref<!tpu.dma_semaphore, #tpu.memory_space<semaphore_mem>>) {add = true}
        %dma_wait3A = arith.constant 0 : i32
        %dma_wait3A_304 = arith.constant 0 : i32
        %dma_wait3A_305 = tpu.memref_slice %arg5[%dma_wait3A, %dma_wait3A_304] : memref<25312x64xf32, #tpu.memory_space<vmem_shared>> -> memref<25312x64xf32, #tpu.memory_space<vmem_shared>>
        tpu.wait_indirect_dma semaphore(%run_scoped3A : memref<!tpu.dma_semaphore, #tpu.memory_space<semaphore_mem>>) src(%arg9 : memref<112x64xf32, #tpu.memory_space<vmem>>) dst(%dma_wait3A_305 : memref<25312x64xf32, #tpu.memory_space<vmem_shared>>)
        tpu.yield
      }) : () -> ()
    }
    %scan3A_26 = arith.constant 56 : i32
    %barrier3A_27 = arith.constant 0 : index
    tpu.barrier barrier_id(%barrier3A_27)
    %scan3A_28 = arith.constant 0 : i32
    %scan3A_29 = arith.constant 7 : i32
    %scan3A_30 = arith.addi %scan3A_28, %scan3A_29 : i32
    %scan3A_31 = arith.constant 1 : i32
    scf.for %scan3A_33 = %scan3A_28 to %scan3A_30 step %scan3A_31  : i32 {
      %mul3A_34 = arith.constant 1 : i32
      %mul3A_35 = arith.muli %scan3A_33, %mul3A_34 : i32
      %add3A_36 = arith.constant 0 : i32
      %add3A_37 = arith.addi %add3A_36, %mul3A_35 : i32
      %mul3A_38 = arith.constant 1568 : i32
      %mul3A_39 = arith.muli %arg1, %mul3A_38 : i32
      %mul3A_40 = arith.constant 224 : i32
      %mul3A_41 = arith.muli %add3A_37, %mul3A_40 : i32
      %add3A_42 = arith.addi %mul3A_39, %mul3A_41 : i32
      "tpu.region"() ({
        %run_scoped3A = tpu.sem_alloc : memref<!tpu.dma_semaphore, #tpu.memory_space<semaphore_mem>>
        %dma_start3A = arith.constant 0 : i32
        %dma_start3A_45 = tpu.memref_slice %arg5[%add3A_42, %dma_start3A] : memref<25312x64xf32, #tpu.memory_space<vmem_shared>> -> memref<224x64xf32, #tpu.memory_space<vmem_shared>>
        %dma_start3A_46 = arith.constant 0 : i32
        %dma_start3A_47 = tpu.memref_slice %arg5[%add3A_42, %dma_start3A_46] : memref<25312x64xf32, #tpu.memory_space<vmem_shared>> -> memref<224x64xf32, #tpu.memory_space<vmem_shared>>
        tpu.enqueue_dma source(%dma_start3A_47 : memref<224x64xf32, #tpu.memory_space<vmem_shared>>) target(%arg10 : memref<224x64xf32, #tpu.memory_space<vmem>>) target_semaphore(%run_scoped3A : memref<!tpu.dma_semaphore, #tpu.memory_space<semaphore_mem>>)
        %dma_wait3A = arith.constant 0 : i32
        %dma_wait3A_48 = tpu.memref_slice %arg5[%add3A_42, %dma_wait3A] : memref<25312x64xf32, #tpu.memory_space<vmem_shared>> -> memref<224x64xf32, #tpu.memory_space<vmem_shared>>
        %dma_wait3A_49 = arith.constant 0 : i32
        %dma_wait3A_50 = tpu.memref_slice %arg5[%add3A_42, %dma_wait3A_49] : memref<25312x64xf32, #tpu.memory_space<vmem_shared>> -> memref<224x64xf32, #tpu.memory_space<vmem_shared>>
        tpu.wait_dma2 semaphore(%run_scoped3A : memref<!tpu.dma_semaphore, #tpu.memory_space<semaphore_mem>>) src(%dma_wait3A_50 : memref<224x64xf32, #tpu.memory_space<vmem_shared>>) dst(%arg10 : memref<224x64xf32, #tpu.memory_space<vmem>>)
        tpu.yield
      }) : () -> ()
      %mul3A_43 = arith.constant 64 : i32
      %mul3A_44 = arith.muli %arg0, %mul3A_43 : i32
      "tpu.region"() ({
        %run_scoped3A = tpu.sem_alloc : memref<!tpu.dma_semaphore, #tpu.memory_space<semaphore_mem>>
        %dma_start3A = tpu.memref_slice %arg4[%add3A_42, %mul3A_44] : memref<25088x128xf32, #tpu.memory_space<hbm>> -> memref<224x64xf32, #tpu.memory_space<hbm>>
        %dma_start3A_45 = tpu.memref_slice %arg4[%add3A_42, %mul3A_44] : memref<25088x128xf32, #tpu.memory_space<hbm>> -> memref<224x64xf32, #tpu.memory_space<hbm>>
        tpu.enqueue_dma source(%arg10 : memref<224x64xf32, #tpu.memory_space<vmem>>) target(%dma_start3A_45 : memref<224x64xf32, #tpu.memory_space<hbm>>) target_semaphore(%run_scoped3A : memref<!tpu.dma_semaphore, #tpu.memory_space<semaphore_mem>>)
        %dma_wait3A = tpu.memref_slice %arg4[%add3A_42, %mul3A_44] : memref<25088x128xf32, #tpu.memory_space<hbm>> -> memref<224x64xf32, #tpu.memory_space<hbm>>
        %dma_wait3A_46 = tpu.memref_slice %arg4[%add3A_42, %mul3A_44] : memref<25088x128xf32, #tpu.memory_space<hbm>> -> memref<224x64xf32, #tpu.memory_space<hbm>>
        tpu.wait_dma2 semaphore(%run_scoped3A : memref<!tpu.dma_semaphore, #tpu.memory_space<semaphore_mem>>) src(%arg10 : memref<224x64xf32, #tpu.memory_space<vmem>>) dst(%dma_wait3A_46 : memref<224x64xf32, #tpu.memory_space<hbm>>)
        tpu.yield
      }) : () -> ()
    }
    %scan3A_32 = arith.constant 7 : i32
    return
  }
}

module attributes {stable_mosaic.version = 14 : i64} {
  func.func @body(%arg0: memref<4096x2xf32, #tpu.memory_space<vmem>>, %arg1: memref<2x64xf32, #tpu.memory_space<vmem>>, %arg2: memref<1x64xf32, #tpu.memory_space<vmem>>, %arg3: memref<64x64xf32, #tpu.memory_space<vmem>>, %arg4: memref<1x64xf32, #tpu.memory_space<vmem>>, %arg5: memref<64x64xf32, #tpu.memory_space<vmem>>, %arg6: memref<4096x64xf32, #tpu.memory_space<vmem>>, %arg7: memref<4096x64xf32, #tpu.memory_space<vmem>>) attributes {dimension_semantics = [], scalar_prefetch = 0 : i64, scratch_operands = 0 : i64, tpu.core_type = #tpu.core_type<tc>} {
    %get3A = arith.constant 0 : index
    %get3A_0 = arith.constant 0 : index
    %get3A_1 = vector.load %arg0[%get3A, %get3A_0] : memref<4096x2xf32, #tpu.memory_space<vmem>>, vector<4096x2xf32>
    %get3A_2 = arith.constant 0 : index
    %get3A_3 = arith.constant 0 : index
    %get3A_4 = vector.load %arg1[%get3A_2, %get3A_3] : memref<2x64xf32, #tpu.memory_space<vmem>>, vector<2x64xf32>
    %dot_general3A = arith.constant dense<0.000000e+00> : vector<4096x64xf32>
    %dot_general3A_5 = tpu.matmul %get3A_1, %get3A_4, %dot_general3A {dimension_numbers = #tpu.dot_dimension_numbers<[1], [0], [0], [1], [0, 0, 1, 1], [], []>, transpose_lhs_hint = false} : vector<4096x2xf32>, vector<2x64xf32>, vector<4096x64xf32> -> vector<4096x64xf32>
    %get3A_6 = arith.constant 0 : index
    %get3A_7 = arith.constant 0 : index
    %get3A_8 = vector.load %arg2[%get3A_6, %get3A_7] : memref<1x64xf32, #tpu.memory_space<vmem>>, vector<1x64xf32>
    %add3A = vector.broadcast %get3A_8 : vector<1x64xf32> to vector<4096x64xf32>
    %add3A_9 = arith.addf %dot_general3A_5, %add3A : vector<4096x64xf32>
    %neg3A = arith.constant 0.000000e+00 : f32
    %neg3A_10 = vector.broadcast %neg3A : f32 to vector<4096x64xf32>
    %neg3A_11 = arith.subf %neg3A_10, %add3A_9 : vector<4096x64xf32>
    %exp3A = math.exp %neg3A_11 : vector<4096x64xf32>
    %add3A_12 = arith.constant 1.000000e+00 : f32
    %add3A_13 = vector.broadcast %add3A_12 : f32 to vector<4096x64xf32>
    %add3A_14 = arith.addf %add3A_13, %exp3A : vector<4096x64xf32>
    %div3A = arith.constant 1.000000e+00 : f32
    %div3A_15 = vector.broadcast %div3A : f32 to vector<4096x64xf32>
    %div3A_16 = arith.divf %div3A_15, %add3A_14 : vector<4096x64xf32>
    %mul3A = arith.mulf %add3A_9, %div3A_16 : vector<4096x64xf32>
    %get3A_17 = arith.constant 0 : index
    %get3A_18 = arith.constant 0 : index
    %get3A_19 = vector.load %arg3[%get3A_17, %get3A_18] : memref<64x64xf32, #tpu.memory_space<vmem>>, vector<64x64xf32>
    %dot_general3A_20 = arith.constant dense<0.000000e+00> : vector<4096x64xf32>
    %dot_general3A_21 = tpu.matmul %mul3A, %get3A_19, %dot_general3A_20 {dimension_numbers = #tpu.dot_dimension_numbers<[1], [0], [0], [1], [0, 0, 1, 1], [], []>, transpose_lhs_hint = false} : vector<4096x64xf32>, vector<64x64xf32>, vector<4096x64xf32> -> vector<4096x64xf32>
    %get3A_22 = arith.constant 0 : index
    %get3A_23 = arith.constant 0 : index
    %get3A_24 = vector.load %arg4[%get3A_22, %get3A_23] : memref<1x64xf32, #tpu.memory_space<vmem>>, vector<1x64xf32>
    %add3A_25 = vector.broadcast %get3A_24 : vector<1x64xf32> to vector<4096x64xf32>
    %add3A_26 = arith.addf %dot_general3A_21, %add3A_25 : vector<4096x64xf32>
    %reduce_sum3A = arith.constant dense<0.000000e+00> : vector<4096xf32>
    %reduce_sum3A_27 = vector.multi_reduction <add>, %add3A_26, %reduce_sum3A [1] : vector<4096x64xf32> to vector<4096xf32>
    %broadcast_in_dim3A = vector.shape_cast %reduce_sum3A_27 : vector<4096xf32> to vector<4096x1xf32>
    %div3A_28 = arith.constant 6.400000e+01 : f32
    %div3A_29 = vector.broadcast %div3A_28 : f32 to vector<4096x1xf32>
    %div3A_30 = arith.divf %broadcast_in_dim3A, %div3A_29 : vector<4096x1xf32>
    %sub3A = vector.broadcast %div3A_30 : vector<4096x1xf32> to vector<4096x64xf32>
    %sub3A_31 = arith.subf %add3A_26, %sub3A : vector<4096x64xf32>
    %integer_pow3A = arith.mulf %sub3A_31, %sub3A_31 : vector<4096x64xf32>
    %reduce_sum3A_32 = arith.constant dense<0.000000e+00> : vector<4096xf32>
    %reduce_sum3A_33 = vector.multi_reduction <add>, %integer_pow3A, %reduce_sum3A_32 [1] : vector<4096x64xf32> to vector<4096xf32>
    %broadcast_in_dim3A_34 = vector.shape_cast %reduce_sum3A_33 : vector<4096xf32> to vector<4096x1xf32>
    %div3A_35 = arith.constant 6.400000e+01 : f32
    %div3A_36 = vector.broadcast %div3A_35 : f32 to vector<4096x1xf32>
    %div3A_37 = arith.divf %broadcast_in_dim3A_34, %div3A_36 : vector<4096x1xf32>
    %sub3A_38 = vector.broadcast %div3A_30 : vector<4096x1xf32> to vector<4096x64xf32>
    %sub3A_39 = arith.subf %add3A_26, %sub3A_38 : vector<4096x64xf32>
    %add3A_40 = arith.constant 9.99999974E-6 : f32
    %add3A_41 = vector.broadcast %add3A_40 : f32 to vector<4096x1xf32>
    %add3A_42 = arith.addf %div3A_37, %add3A_41 : vector<4096x1xf32>
    %rsqrt3A = math.rsqrt %add3A_42 : vector<4096x1xf32>
    %mul3A_43 = vector.broadcast %rsqrt3A : vector<4096x1xf32> to vector<4096x64xf32>
    %mul3A_44 = arith.mulf %sub3A_39, %mul3A_43 : vector<4096x64xf32>
    %swap3A = arith.constant 0 : index
    %swap3A_45 = arith.constant 0 : index
    %swap3A_46 = vector.load %arg6[%swap3A, %swap3A_45] : memref<4096x64xf32, #tpu.memory_space<vmem>>, vector<4096x64xf32>
    tpu.vector_store %arg6[%swap3A, %swap3A_45], %mul3A_44 {strides = array<i32>} : memref<4096x64xf32, #tpu.memory_space<vmem>>, vector<4096x64xf32>,
    %get3A_47 = arith.constant 0 : index
    %get3A_48 = arith.constant 0 : index
    %get3A_49 = vector.load %arg5[%get3A_47, %get3A_48] : memref<64x64xf32, #tpu.memory_space<vmem>>, vector<64x64xf32>
    %dot_general3A_50 = arith.constant dense<0.000000e+00> : vector<4096x64xf32>
    %dot_general3A_51 = tpu.matmul %mul3A_44, %get3A_49, %dot_general3A_50 {dimension_numbers = #tpu.dot_dimension_numbers<[1], [0], [0], [1], [0, 0, 1, 1], [], []>, transpose_lhs_hint = false} : vector<4096x64xf32>, vector<64x64xf32>, vector<4096x64xf32> -> vector<4096x64xf32>
    %swap3A_52 = arith.constant 0 : index
    %swap3A_53 = arith.constant 0 : index
    %swap3A_54 = vector.load %arg7[%swap3A_52, %swap3A_53] : memref<4096x64xf32, #tpu.memory_space<vmem>>, vector<4096x64xf32>
    tpu.vector_store %arg7[%swap3A_52, %swap3A_53], %dot_general3A_51 {strides = array<i32>} : memref<4096x64xf32, #tpu.memory_space<vmem>>, vector<4096x64xf32>,
    return
  }
}

module attributes {stable_mosaic.version = 14 : i64} {
  func.func @body(%arg0: i32, %arg1: memref<34x3584xf32, #tpu.memory_space<vmem>>, %arg2: memref<34x3584xf32, #tpu.memory_space<vmem>>, %arg3: memref<34x64xf32, #tpu.memory_space<vmem>>, %arg4: memref<1x64xf32, #tpu.memory_space<vmem>>, %arg5: memref<64x64xf32, #tpu.memory_space<vmem>>, %arg6: memref<1x64xf32, #tpu.memory_space<vmem>>, %arg7: memref<64x64xf32, #tpu.memory_space<vmem>>, %arg8: memref<1x64xf32, #tpu.memory_space<vmem>>, %arg9: memref<64x64xf32, #tpu.memory_space<vmem>>, %arg10: memref<1x64xf32, #tpu.memory_space<vmem>>, %arg11: memref<64x64xf32, #tpu.memory_space<vmem>>, %arg12: memref<64x64xf32, #tpu.memory_space<vmem>>, %arg13: memref<3584x128xf32, #tpu.memory_space<vmem>>, %arg14: memref<3584x128xf32, #tpu.memory_space<vmem>>, %arg15: memref<3584x128xf32, #tpu.memory_space<vmem>>) attributes {dimension_semantics = [#tpu.dimension_semantics<arbitrary>], iteration_bounds = array<i64: 7>, scalar_prefetch = 0 : i64, scratch_operands = 0 : i64, tpu.core_type = #tpu.core_type<tc>, window_params = [{transform_indices = @transform_0, window_bounds = array<i64: 34, 3584>}, {transform_indices = @transform_1, window_bounds = array<i64: 34, 3584>}, {pipeline_mode = #tpu.pipeline_mode<synchronous>, transform_indices = @transform_2, window_bounds = array<i64: 34, 64>}, {pipeline_mode = #tpu.pipeline_mode<synchronous>, transform_indices = @transform_3, window_bounds = array<i64: 1, 64>}, {pipeline_mode = #tpu.pipeline_mode<synchronous>, transform_indices = @transform_4, window_bounds = array<i64: 64, 64>}, {pipeline_mode = #tpu.pipeline_mode<synchronous>, transform_indices = @transform_5, window_bounds = array<i64: 1, 64>}, {pipeline_mode = #tpu.pipeline_mode<synchronous>, transform_indices = @transform_6, window_bounds = array<i64: 64, 64>}, {pipeline_mode = #tpu.pipeline_mode<synchronous>, transform_indices = @transform_7, window_bounds = array<i64: 1, 64>}, {pipeline_mode = #tpu.pipeline_mode<synchronous>, transform_indices = @transform_8, window_bounds = array<i64: 64, 64>}, {pipeline_mode = #tpu.pipeline_mode<synchronous>, transform_indices = @transform_9, window_bounds = array<i64: 1, 64>}, {pipeline_mode = #tpu.pipeline_mode<synchronous>, transform_indices = @transform_10, window_bounds = array<i64: 64, 64>}, {pipeline_mode = #tpu.pipeline_mode<synchronous>, transform_indices = @transform_11, window_bounds = array<i64: 64, 64>}, {transform_indices = @transform_12, window_bounds = array<i64: 3584, 128>}, {transform_indices = @transform_13, window_bounds = array<i64: 3584, 128>}, {transform_indices = @transform_14, window_bounds = array<i64: 3584, 128>}]} {
    %get3A = arith.constant 0 : index
    %get3A_0 = arith.constant 0 : index
    %get3A_1 = vector.load %arg3[%get3A, %get3A_0] : memref<34x64xf32, #tpu.memory_space<vmem>>, vector<34x64xf32>
    %get3A_2 = arith.constant 0 : index
    %get3A_3 = arith.constant 0 : index
    %get3A_4 = vector.load %arg4[%get3A_2, %get3A_3] : memref<1x64xf32, #tpu.memory_space<vmem>>, vector<1x64xf32>
    %get3A_5 = arith.constant 0 : index
    %get3A_6 = arith.constant 0 : index
    %get3A_7 = vector.load %arg5[%get3A_5, %get3A_6] : memref<64x64xf32, #tpu.memory_space<vmem>>, vector<64x64xf32>
    %get3A_8 = arith.constant 0 : index
    %get3A_9 = arith.constant 0 : index
    %get3A_10 = vector.load %arg6[%get3A_8, %get3A_9] : memref<1x64xf32, #tpu.memory_space<vmem>>, vector<1x64xf32>
    %get3A_11 = arith.constant 0 : index
    %get3A_12 = arith.constant 0 : index
    %get3A_13 = vector.load %arg7[%get3A_11, %get3A_12] : memref<64x64xf32, #tpu.memory_space<vmem>>, vector<64x64xf32>
    %get3A_14 = arith.constant 0 : index
    %get3A_15 = arith.constant 0 : index
    %get3A_16 = vector.load %arg8[%get3A_14, %get3A_15] : memref<1x64xf32, #tpu.memory_space<vmem>>, vector<1x64xf32>
    %get3A_17 = arith.constant 0 : index
    %get3A_18 = arith.constant 0 : index
    %get3A_19 = vector.load %arg9[%get3A_17, %get3A_18] : memref<64x64xf32, #tpu.memory_space<vmem>>, vector<64x64xf32>
    %get3A_20 = arith.constant 0 : index
    %get3A_21 = arith.constant 0 : index
    %get3A_22 = vector.load %arg10[%get3A_20, %get3A_21] : memref<1x64xf32, #tpu.memory_space<vmem>>, vector<1x64xf32>
    %get3A_23 = arith.constant 0 : index
    %get3A_24 = arith.constant 0 : index
    %get3A_25 = vector.load %arg11[%get3A_23, %get3A_24] : memref<64x64xf32, #tpu.memory_space<vmem>>, vector<64x64xf32>
    %get3A_26 = arith.constant 0 : index
    %get3A_27 = arith.constant 0 : index
    %get3A_28 = vector.load %arg12[%get3A_26, %get3A_27] : memref<64x64xf32, #tpu.memory_space<vmem>>, vector<64x64xf32>
    %get3A_29 = arith.constant 0 : index
    %get3A_30 = arith.constant 0 : index
    %get3A_31 = vector.load %arg1[%get3A_29, %get3A_30] : memref<34x3584xf32, #tpu.memory_space<vmem>>, vector<34x3584xf32>
    %dot_general3A = arith.constant dense<0.000000e+00> : vector<3584x64xf32>
    %dot_general3A_32 = tpu.matmul %get3A_31, %get3A_1, %dot_general3A {dimension_numbers = #tpu.dot_dimension_numbers<[0], [0], [1], [1], [0, 1, 1, 1], [], []>, transpose_lhs_hint = false} : vector<34x3584xf32>, vector<34x64xf32>, vector<3584x64xf32> -> vector<3584x64xf32>
    %add3A = vector.broadcast %get3A_4 : vector<1x64xf32> to vector<3584x64xf32>
    %add3A_33 = arith.addf %dot_general3A_32, %add3A : vector<3584x64xf32>
    %neg3A = arith.constant 0.000000e+00 : f32
    %neg3A_34 = vector.broadcast %neg3A : f32 to vector<3584x64xf32>
    %neg3A_35 = arith.subf %neg3A_34, %add3A_33 : vector<3584x64xf32>
    %exp3A = math.exp %neg3A_35 : vector<3584x64xf32>
    %add3A_36 = arith.constant 1.000000e+00 : f32
    %add3A_37 = vector.broadcast %add3A_36 : f32 to vector<3584x64xf32>
    %add3A_38 = arith.addf %add3A_37, %exp3A : vector<3584x64xf32>
    %div3A = arith.constant 1.000000e+00 : f32
    %div3A_39 = vector.broadcast %div3A : f32 to vector<3584x64xf32>
    %div3A_40 = arith.divf %div3A_39, %add3A_38 : vector<3584x64xf32>
    %mul3A = arith.mulf %add3A_33, %div3A_40 : vector<3584x64xf32>
    %dot_general3A_41 = arith.constant dense<0.000000e+00> : vector<3584x64xf32>
    %dot_general3A_42 = tpu.matmul %mul3A, %get3A_7, %dot_general3A_41 {dimension_numbers = #tpu.dot_dimension_numbers<[1], [0], [0], [1], [0, 0, 1, 1], [], []>, transpose_lhs_hint = false} : vector<3584x64xf32>, vector<64x64xf32>, vector<3584x64xf32> -> vector<3584x64xf32>
    %add3A_43 = vector.broadcast %get3A_10 : vector<1x64xf32> to vector<3584x64xf32>
    %add3A_44 = arith.addf %dot_general3A_42, %add3A_43 : vector<3584x64xf32>
    %reduce_sum3A = arith.constant dense<0.000000e+00> : vector<3584xf32>
    %reduce_sum3A_45 = vector.multi_reduction <add>, %add3A_44, %reduce_sum3A [1] : vector<3584x64xf32> to vector<3584xf32>
    %broadcast_in_dim3A = vector.shape_cast %reduce_sum3A_45 : vector<3584xf32> to vector<3584x1xf32>
    %div3A_46 = arith.constant 6.400000e+01 : f32
    %div3A_47 = vector.broadcast %div3A_46 : f32 to vector<3584x1xf32>
    %div3A_48 = arith.divf %broadcast_in_dim3A, %div3A_47 : vector<3584x1xf32>
    %sub3A = vector.broadcast %div3A_48 : vector<3584x1xf32> to vector<3584x64xf32>
    %sub3A_49 = arith.subf %add3A_44, %sub3A : vector<3584x64xf32>
    %integer_pow3A = arith.mulf %sub3A_49, %sub3A_49 : vector<3584x64xf32>
    %reduce_sum3A_50 = arith.constant dense<0.000000e+00> : vector<3584xf32>
    %reduce_sum3A_51 = vector.multi_reduction <add>, %integer_pow3A, %reduce_sum3A_50 [1] : vector<3584x64xf32> to vector<3584xf32>
    %broadcast_in_dim3A_52 = vector.shape_cast %reduce_sum3A_51 : vector<3584xf32> to vector<3584x1xf32>
    %div3A_53 = arith.constant 6.400000e+01 : f32
    %div3A_54 = vector.broadcast %div3A_53 : f32 to vector<3584x1xf32>
    %div3A_55 = arith.divf %broadcast_in_dim3A_52, %div3A_54 : vector<3584x1xf32>
    %sub3A_56 = vector.broadcast %div3A_48 : vector<3584x1xf32> to vector<3584x64xf32>
    %sub3A_57 = arith.subf %add3A_44, %sub3A_56 : vector<3584x64xf32>
    %add3A_58 = arith.constant 9.99999974E-6 : f32
    %add3A_59 = vector.broadcast %add3A_58 : f32 to vector<3584x1xf32>
    %add3A_60 = arith.addf %div3A_55, %add3A_59 : vector<3584x1xf32>
    %rsqrt3A = math.rsqrt %add3A_60 : vector<3584x1xf32>
    %mul3A_61 = vector.broadcast %rsqrt3A : vector<3584x1xf32> to vector<3584x64xf32>
    %mul3A_62 = arith.mulf %sub3A_57, %mul3A_61 : vector<3584x64xf32>
    %dot_general3A_63 = arith.constant dense<0.000000e+00> : vector<3584x64xf32>
    %dot_general3A_64 = tpu.matmul %mul3A_62, %get3A_25, %dot_general3A_63 {dimension_numbers = #tpu.dot_dimension_numbers<[1], [0], [0], [1], [0, 0, 1, 1], [], []>, transpose_lhs_hint = false} : vector<3584x64xf32>, vector<64x64xf32>, vector<3584x64xf32> -> vector<3584x64xf32>
    %dot_general3A_65 = arith.constant dense<0.000000e+00> : vector<3584x64xf32>
    %dot_general3A_66 = tpu.matmul %mul3A_62, %get3A_13, %dot_general3A_65 {dimension_numbers = #tpu.dot_dimension_numbers<[1], [0], [0], [1], [0, 0, 1, 1], [], []>, transpose_lhs_hint = false} : vector<3584x64xf32>, vector<64x64xf32>, vector<3584x64xf32> -> vector<3584x64xf32>
    %add3A_67 = vector.broadcast %get3A_16 : vector<1x64xf32> to vector<3584x64xf32>
    %add3A_68 = arith.addf %dot_general3A_66, %add3A_67 : vector<3584x64xf32>
    %neg3A_69 = arith.constant 0.000000e+00 : f32
    %neg3A_70 = vector.broadcast %neg3A_69 : f32 to vector<3584x64xf32>
    %neg3A_71 = arith.subf %neg3A_70, %add3A_68 : vector<3584x64xf32>
    %exp3A_72 = math.exp %neg3A_71 : vector<3584x64xf32>
    %add3A_73 = arith.constant 1.000000e+00 : f32
    %add3A_74 = vector.broadcast %add3A_73 : f32 to vector<3584x64xf32>
    %add3A_75 = arith.addf %add3A_74, %exp3A_72 : vector<3584x64xf32>
    %div3A_76 = arith.constant 1.000000e+00 : f32
    %div3A_77 = vector.broadcast %div3A_76 : f32 to vector<3584x64xf32>
    %div3A_78 = arith.divf %div3A_77, %add3A_75 : vector<3584x64xf32>
    %mul3A_79 = arith.mulf %add3A_68, %div3A_78 : vector<3584x64xf32>
    %dot_general3A_80 = arith.constant dense<0.000000e+00> : vector<3584x64xf32>
    %dot_general3A_81 = tpu.matmul %mul3A_79, %get3A_19, %dot_general3A_80 {dimension_numbers = #tpu.dot_dimension_numbers<[1], [0], [0], [1], [0, 0, 1, 1], [], []>, transpose_lhs_hint = false} : vector<3584x64xf32>, vector<64x64xf32>, vector<3584x64xf32> -> vector<3584x64xf32>
    %add3A_82 = vector.broadcast %get3A_22 : vector<1x64xf32> to vector<3584x64xf32>
    %add3A_83 = arith.addf %dot_general3A_81, %add3A_82 : vector<3584x64xf32>
    %reduce_sum3A_84 = arith.constant dense<0.000000e+00> : vector<3584xf32>
    %reduce_sum3A_85 = vector.multi_reduction <add>, %add3A_83, %reduce_sum3A_84 [1] : vector<3584x64xf32> to vector<3584xf32>
    %broadcast_in_dim3A_86 = vector.shape_cast %reduce_sum3A_85 : vector<3584xf32> to vector<3584x1xf32>
    %div3A_87 = arith.constant 6.400000e+01 : f32
    %div3A_88 = vector.broadcast %div3A_87 : f32 to vector<3584x1xf32>
    %div3A_89 = arith.divf %broadcast_in_dim3A_86, %div3A_88 : vector<3584x1xf32>
    %sub3A_90 = vector.broadcast %div3A_89 : vector<3584x1xf32> to vector<3584x64xf32>
    %sub3A_91 = arith.subf %add3A_83, %sub3A_90 : vector<3584x64xf32>
    %integer_pow3A_92 = arith.mulf %sub3A_91, %sub3A_91 : vector<3584x64xf32>
    %reduce_sum3A_93 = arith.constant dense<0.000000e+00> : vector<3584xf32>
    %reduce_sum3A_94 = vector.multi_reduction <add>, %integer_pow3A_92, %reduce_sum3A_93 [1] : vector<3584x64xf32> to vector<3584xf32>
    %broadcast_in_dim3A_95 = vector.shape_cast %reduce_sum3A_94 : vector<3584xf32> to vector<3584x1xf32>
    %div3A_96 = arith.constant 6.400000e+01 : f32
    %div3A_97 = vector.broadcast %div3A_96 : f32 to vector<3584x1xf32>
    %div3A_98 = arith.divf %broadcast_in_dim3A_95, %div3A_97 : vector<3584x1xf32>
    %sub3A_99 = vector.broadcast %div3A_89 : vector<3584x1xf32> to vector<3584x64xf32>
    %sub3A_100 = arith.subf %add3A_83, %sub3A_99 : vector<3584x64xf32>
    %add3A_101 = arith.constant 9.99999974E-6 : f32
    %add3A_102 = vector.broadcast %add3A_101 : f32 to vector<3584x1xf32>
    %add3A_103 = arith.addf %div3A_98, %add3A_102 : vector<3584x1xf32>
    %rsqrt3A_104 = math.rsqrt %add3A_103 : vector<3584x1xf32>
    %mul3A_105 = vector.broadcast %rsqrt3A_104 : vector<3584x1xf32> to vector<3584x64xf32>
    %mul3A_106 = arith.mulf %sub3A_100, %mul3A_105 : vector<3584x64xf32>
    %add3A_107 = arith.addf %mul3A_62, %mul3A_106 : vector<3584x64xf32>
    %dot_general3A_108 = arith.constant dense<0.000000e+00> : vector<3584x64xf32>
    %dot_general3A_109 = tpu.matmul %add3A_107, %get3A_28, %dot_general3A_108 {dimension_numbers = #tpu.dot_dimension_numbers<[1], [0], [0], [1], [0, 0, 1, 1], [], []>, transpose_lhs_hint = false} : vector<3584x64xf32>, vector<64x64xf32>, vector<3584x64xf32> -> vector<3584x64xf32>
    %swap3A = arith.constant 0 : index
    %swap3A_110 = arith.constant 0 : index
    %swap3A_111 = vector.load %arg13[%swap3A, %swap3A_110] : memref<3584x128xf32, #tpu.memory_space<vmem>>, vector<3584x64xf32>
    tpu.vector_store %arg13[%swap3A, %swap3A_110], %dot_general3A_64 {strides = array<i32>} : memref<3584x128xf32, #tpu.memory_space<vmem>>, vector<3584x64xf32>,
    %swap3A_112 = arith.constant 0 : index
    %swap3A_113 = arith.constant 0 : index
    %swap3A_114 = vector.load %arg14[%swap3A_112, %swap3A_113] : memref<3584x128xf32, #tpu.memory_space<vmem>>, vector<3584x64xf32>
    tpu.vector_store %arg14[%swap3A_112, %swap3A_113], %add3A_107 {strides = array<i32>} : memref<3584x128xf32, #tpu.memory_space<vmem>>, vector<3584x64xf32>,
    %swap3A_115 = arith.constant 0 : index
    %swap3A_116 = arith.constant 0 : index
    %swap3A_117 = vector.load %arg15[%swap3A_115, %swap3A_116] : memref<3584x128xf32, #tpu.memory_space<vmem>>, vector<3584x64xf32>
    tpu.vector_store %arg15[%swap3A_115, %swap3A_116], %dot_general3A_109 {strides = array<i32>} : memref<3584x128xf32, #tpu.memory_space<vmem>>, vector<3584x64xf32>,
    %get3A_118 = arith.constant 0 : index
    %get3A_119 = arith.constant 0 : index
    %get3A_120 = vector.load %arg2[%get3A_118, %get3A_119] : memref<34x3584xf32, #tpu.memory_space<vmem>>, vector<34x3584xf32>
    %dot_general3A_121 = arith.constant dense<0.000000e+00> : vector<3584x64xf32>
    %dot_general3A_122 = tpu.matmul %get3A_120, %get3A_1, %dot_general3A_121 {dimension_numbers = #tpu.dot_dimension_numbers<[0], [0], [1], [1], [0, 1, 1, 1], [], []>, transpose_lhs_hint = false} : vector<34x3584xf32>, vector<34x64xf32>, vector<3584x64xf32> -> vector<3584x64xf32>
    %add3A_123 = vector.broadcast %get3A_4 : vector<1x64xf32> to vector<3584x64xf32>
    %add3A_124 = arith.addf %dot_general3A_122, %add3A_123 : vector<3584x64xf32>
    %neg3A_125 = arith.constant 0.000000e+00 : f32
    %neg3A_126 = vector.broadcast %neg3A_125 : f32 to vector<3584x64xf32>
    %neg3A_127 = arith.subf %neg3A_126, %add3A_124 : vector<3584x64xf32>
    %exp3A_128 = math.exp %neg3A_127 : vector<3584x64xf32>
    %add3A_129 = arith.constant 1.000000e+00 : f32
    %add3A_130 = vector.broadcast %add3A_129 : f32 to vector<3584x64xf32>
    %add3A_131 = arith.addf %add3A_130, %exp3A_128 : vector<3584x64xf32>
    %div3A_132 = arith.constant 1.000000e+00 : f32
    %div3A_133 = vector.broadcast %div3A_132 : f32 to vector<3584x64xf32>
    %div3A_134 = arith.divf %div3A_133, %add3A_131 : vector<3584x64xf32>
    %mul3A_135 = arith.mulf %add3A_124, %div3A_134 : vector<3584x64xf32>
    %dot_general3A_136 = arith.constant dense<0.000000e+00> : vector<3584x64xf32>
    %dot_general3A_137 = tpu.matmul %mul3A_135, %get3A_7, %dot_general3A_136 {dimension_numbers = #tpu.dot_dimension_numbers<[1], [0], [0], [1], [0, 0, 1, 1], [], []>, transpose_lhs_hint = false} : vector<3584x64xf32>, vector<64x64xf32>, vector<3584x64xf32> -> vector<3584x64xf32>
    %add3A_138 = vector.broadcast %get3A_10 : vector<1x64xf32> to vector<3584x64xf32>
    %add3A_139 = arith.addf %dot_general3A_137, %add3A_138 : vector<3584x64xf32>
    %reduce_sum3A_140 = arith.constant dense<0.000000e+00> : vector<3584xf32>
    %reduce_sum3A_141 = vector.multi_reduction <add>, %add3A_139, %reduce_sum3A_140 [1] : vector<3584x64xf32> to vector<3584xf32>
    %broadcast_in_dim3A_142 = vector.shape_cast %reduce_sum3A_141 : vector<3584xf32> to vector<3584x1xf32>
    %div3A_143 = arith.constant 6.400000e+01 : f32
    %div3A_144 = vector.broadcast %div3A_143 : f32 to vector<3584x1xf32>
    %div3A_145 = arith.divf %broadcast_in_dim3A_142, %div3A_144 : vector<3584x1xf32>
    %sub3A_146 = vector.broadcast %div3A_145 : vector<3584x1xf32> to vector<3584x64xf32>
    %sub3A_147 = arith.subf %add3A_139, %sub3A_146 : vector<3584x64xf32>
    %integer_pow3A_148 = arith.mulf %sub3A_147, %sub3A_147 : vector<3584x64xf32>
    %reduce_sum3A_149 = arith.constant dense<0.000000e+00> : vector<3584xf32>
    %reduce_sum3A_150 = vector.multi_reduction <add>, %integer_pow3A_148, %reduce_sum3A_149 [1] : vector<3584x64xf32> to vector<3584xf32>
    %broadcast_in_dim3A_151 = vector.shape_cast %reduce_sum3A_150 : vector<3584xf32> to vector<3584x1xf32>
    %div3A_152 = arith.constant 6.400000e+01 : f32
    %div3A_153 = vector.broadcast %div3A_152 : f32 to vector<3584x1xf32>
    %div3A_154 = arith.divf %broadcast_in_dim3A_151, %div3A_153 : vector<3584x1xf32>
    %sub3A_155 = vector.broadcast %div3A_145 : vector<3584x1xf32> to vector<3584x64xf32>
    %sub3A_156 = arith.subf %add3A_139, %sub3A_155 : vector<3584x64xf32>
    %add3A_157 = arith.constant 9.99999974E-6 : f32
    %add3A_158 = vector.broadcast %add3A_157 : f32 to vector<3584x1xf32>
    %add3A_159 = arith.addf %div3A_154, %add3A_158 : vector<3584x1xf32>
    %rsqrt3A_160 = math.rsqrt %add3A_159 : vector<3584x1xf32>
    %mul3A_161 = vector.broadcast %rsqrt3A_160 : vector<3584x1xf32> to vector<3584x64xf32>
    %mul3A_162 = arith.mulf %sub3A_156, %mul3A_161 : vector<3584x64xf32>
    %dot_general3A_163 = arith.constant dense<0.000000e+00> : vector<3584x64xf32>
    %dot_general3A_164 = tpu.matmul %mul3A_162, %get3A_25, %dot_general3A_163 {dimension_numbers = #tpu.dot_dimension_numbers<[1], [0], [0], [1], [0, 0, 1, 1], [], []>, transpose_lhs_hint = false} : vector<3584x64xf32>, vector<64x64xf32>, vector<3584x64xf32> -> vector<3584x64xf32>
    %dot_general3A_165 = arith.constant dense<0.000000e+00> : vector<3584x64xf32>
    %dot_general3A_166 = tpu.matmul %mul3A_162, %get3A_13, %dot_general3A_165 {dimension_numbers = #tpu.dot_dimension_numbers<[1], [0], [0], [1], [0, 0, 1, 1], [], []>, transpose_lhs_hint = false} : vector<3584x64xf32>, vector<64x64xf32>, vector<3584x64xf32> -> vector<3584x64xf32>
    %add3A_167 = vector.broadcast %get3A_16 : vector<1x64xf32> to vector<3584x64xf32>
    %add3A_168 = arith.addf %dot_general3A_166, %add3A_167 : vector<3584x64xf32>
    %neg3A_169 = arith.constant 0.000000e+00 : f32
    %neg3A_170 = vector.broadcast %neg3A_169 : f32 to vector<3584x64xf32>
    %neg3A_171 = arith.subf %neg3A_170, %add3A_168 : vector<3584x64xf32>
    %exp3A_172 = math.exp %neg3A_171 : vector<3584x64xf32>
    %add3A_173 = arith.constant 1.000000e+00 : f32
    %add3A_174 = vector.broadcast %add3A_173 : f32 to vector<3584x64xf32>
    %add3A_175 = arith.addf %add3A_174, %exp3A_172 : vector<3584x64xf32>
    %div3A_176 = arith.constant 1.000000e+00 : f32
    %div3A_177 = vector.broadcast %div3A_176 : f32 to vector<3584x64xf32>
    %div3A_178 = arith.divf %div3A_177, %add3A_175 : vector<3584x64xf32>
    %mul3A_179 = arith.mulf %add3A_168, %div3A_178 : vector<3584x64xf32>
    %dot_general3A_180 = arith.constant dense<0.000000e+00> : vector<3584x64xf32>
    %dot_general3A_181 = tpu.matmul %mul3A_179, %get3A_19, %dot_general3A_180 {dimension_numbers = #tpu.dot_dimension_numbers<[1], [0], [0], [1], [0, 0, 1, 1], [], []>, transpose_lhs_hint = false} : vector<3584x64xf32>, vector<64x64xf32>, vector<3584x64xf32> -> vector<3584x64xf32>
    %add3A_182 = vector.broadcast %get3A_22 : vector<1x64xf32> to vector<3584x64xf32>
    %add3A_183 = arith.addf %dot_general3A_181, %add3A_182 : vector<3584x64xf32>
    %reduce_sum3A_184 = arith.constant dense<0.000000e+00> : vector<3584xf32>
    %reduce_sum3A_185 = vector.multi_reduction <add>, %add3A_183, %reduce_sum3A_184 [1] : vector<3584x64xf32> to vector<3584xf32>
    %broadcast_in_dim3A_186 = vector.shape_cast %reduce_sum3A_185 : vector<3584xf32> to vector<3584x1xf32>
    %div3A_187 = arith.constant 6.400000e+01 : f32
    %div3A_188 = vector.broadcast %div3A_187 : f32 to vector<3584x1xf32>
    %div3A_189 = arith.divf %broadcast_in_dim3A_186, %div3A_188 : vector<3584x1xf32>
    %sub3A_190 = vector.broadcast %div3A_189 : vector<3584x1xf32> to vector<3584x64xf32>
    %sub3A_191 = arith.subf %add3A_183, %sub3A_190 : vector<3584x64xf32>
    %integer_pow3A_192 = arith.mulf %sub3A_191, %sub3A_191 : vector<3584x64xf32>
    %reduce_sum3A_193 = arith.constant dense<0.000000e+00> : vector<3584xf32>
    %reduce_sum3A_194 = vector.multi_reduction <add>, %integer_pow3A_192, %reduce_sum3A_193 [1] : vector<3584x64xf32> to vector<3584xf32>
    %broadcast_in_dim3A_195 = vector.shape_cast %reduce_sum3A_194 : vector<3584xf32> to vector<3584x1xf32>
    %div3A_196 = arith.constant 6.400000e+01 : f32
    %div3A_197 = vector.broadcast %div3A_196 : f32 to vector<3584x1xf32>
    %div3A_198 = arith.divf %broadcast_in_dim3A_195, %div3A_197 : vector<3584x1xf32>
    %sub3A_199 = vector.broadcast %div3A_189 : vector<3584x1xf32> to vector<3584x64xf32>
    %sub3A_200 = arith.subf %add3A_183, %sub3A_199 : vector<3584x64xf32>
    %add3A_201 = arith.constant 9.99999974E-6 : f32
    %add3A_202 = vector.broadcast %add3A_201 : f32 to vector<3584x1xf32>
    %add3A_203 = arith.addf %div3A_198, %add3A_202 : vector<3584x1xf32>
    %rsqrt3A_204 = math.rsqrt %add3A_203 : vector<3584x1xf32>
    %mul3A_205 = vector.broadcast %rsqrt3A_204 : vector<3584x1xf32> to vector<3584x64xf32>
    %mul3A_206 = arith.mulf %sub3A_200, %mul3A_205 : vector<3584x64xf32>
    %add3A_207 = arith.addf %mul3A_162, %mul3A_206 : vector<3584x64xf32>
    %dot_general3A_208 = arith.constant dense<0.000000e+00> : vector<3584x64xf32>
    %dot_general3A_209 = tpu.matmul %add3A_207, %get3A_28, %dot_general3A_208 {dimension_numbers = #tpu.dot_dimension_numbers<[1], [0], [0], [1], [0, 0, 1, 1], [], []>, transpose_lhs_hint = false} : vector<3584x64xf32>, vector<64x64xf32>, vector<3584x64xf32> -> vector<3584x64xf32>
    %swap3A_210 = arith.constant 0 : index
    %swap3A_211 = arith.constant 64 : index
    %swap3A_212 = vector.load %arg13[%swap3A_210, %swap3A_211] : memref<3584x128xf32, #tpu.memory_space<vmem>>, vector<3584x64xf32>
    tpu.vector_store %arg13[%swap3A_210, %swap3A_211], %dot_general3A_164 {strides = array<i32>} : memref<3584x128xf32, #tpu.memory_space<vmem>>, vector<3584x64xf32>,
    %swap3A_213 = arith.constant 0 : index
    %swap3A_214 = arith.constant 64 : index
    %swap3A_215 = vector.load %arg14[%swap3A_213, %swap3A_214] : memref<3584x128xf32, #tpu.memory_space<vmem>>, vector<3584x64xf32>
    tpu.vector_store %arg14[%swap3A_213, %swap3A_214], %add3A_207 {strides = array<i32>} : memref<3584x128xf32, #tpu.memory_space<vmem>>, vector<3584x64xf32>,
    %swap3A_216 = arith.constant 0 : index
    %swap3A_217 = arith.constant 64 : index
    %swap3A_218 = vector.load %arg15[%swap3A_216, %swap3A_217] : memref<3584x128xf32, #tpu.memory_space<vmem>>, vector<3584x64xf32>
    tpu.vector_store %arg15[%swap3A_216, %swap3A_217], %dot_general3A_209 {strides = array<i32>} : memref<3584x128xf32, #tpu.memory_space<vmem>>, vector<3584x64xf32>,
    return
  }
  func.func @transform_0(%arg0: i32) -> (i32, i32) {
    %c0_i32 = arith.constant 0 : i32
    %c0_i32_0 = arith.constant 0 : i32
    return %c0_i32, %arg0 : i32, i32
  }
  func.func @transform_1(%arg0: i32) -> (i32, i32) {
    %add3A = arith.constant 7 : i32
    %add3A_0 = arith.addi %arg0, %add3A : i32
    %c0_i32 = arith.constant 0 : i32
    %c0_i32_1 = arith.constant 0 : i32
    return %c0_i32, %add3A_0 : i32, i32
  }
  func.func @transform_2(%arg0: i32) -> (i32, i32) {
    %c0_i32 = arith.constant 0 : i32
    %c0_i32_0 = arith.constant 0 : i32
    %c0_i32_1 = arith.constant 0 : i32
    return %c0_i32, %c0_i32_0 : i32, i32
  }
  func.func @transform_3(%arg0: i32) -> (i32, i32) {
    %c0_i32 = arith.constant 0 : i32
    %c0_i32_0 = arith.constant 0 : i32
    %c0_i32_1 = arith.constant 0 : i32
    return %c0_i32, %c0_i32_0 : i32, i32
  }
  func.func @transform_4(%arg0: i32) -> (i32, i32) {
    %c0_i32 = arith.constant 0 : i32
    %c0_i32_0 = arith.constant 0 : i32
    %c0_i32_1 = arith.constant 0 : i32
    return %c0_i32, %c0_i32_0 : i32, i32
  }
  func.func @transform_5(%arg0: i32) -> (i32, i32) {
    %c0_i32 = arith.constant 0 : i32
    %c0_i32_0 = arith.constant 0 : i32
    %c0_i32_1 = arith.constant 0 : i32
    return %c0_i32, %c0_i32_0 : i32, i32
  }
  func.func @transform_6(%arg0: i32) -> (i32, i32) {
    %c0_i32 = arith.constant 0 : i32
    %c0_i32_0 = arith.constant 0 : i32
    %c0_i32_1 = arith.constant 0 : i32
    return %c0_i32, %c0_i32_0 : i32, i32
  }
  func.func @transform_7(%arg0: i32) -> (i32, i32) {
    %c0_i32 = arith.constant 0 : i32
    %c0_i32_0 = arith.constant 0 : i32
    %c0_i32_1 = arith.constant 0 : i32
    return %c0_i32, %c0_i32_0 : i32, i32
  }
  func.func @transform_8(%arg0: i32) -> (i32, i32) {
    %c0_i32 = arith.constant 0 : i32
    %c0_i32_0 = arith.constant 0 : i32
    %c0_i32_1 = arith.constant 0 : i32
    return %c0_i32, %c0_i32_0 : i32, i32
  }
  func.func @transform_9(%arg0: i32) -> (i32, i32) {
    %c0_i32 = arith.constant 0 : i32
    %c0_i32_0 = arith.constant 0 : i32
    %c0_i32_1 = arith.constant 0 : i32
    return %c0_i32, %c0_i32_0 : i32, i32
  }
  func.func @transform_10(%arg0: i32) -> (i32, i32) {
    %c0_i32 = arith.constant 0 : i32
    %c0_i32_0 = arith.constant 0 : i32
    %c0_i32_1 = arith.constant 0 : i32
    return %c0_i32, %c0_i32_0 : i32, i32
  }
  func.func @transform_11(%arg0: i32) -> (i32, i32) {
    %c0_i32 = arith.constant 0 : i32
    %c0_i32_0 = arith.constant 0 : i32
    %c0_i32_1 = arith.constant 0 : i32
    return %c0_i32, %c0_i32_0 : i32, i32
  }
  func.func @transform_12(%arg0: i32) -> (i32, i32) {
    %c0_i32 = arith.constant 0 : i32
    %c0_i32_0 = arith.constant 0 : i32
    return %arg0, %c0_i32 : i32, i32
  }
  func.func @transform_13(%arg0: i32) -> (i32, i32) {
    %c0_i32 = arith.constant 0 : i32
    %c0_i32_0 = arith.constant 0 : i32
    return %arg0, %c0_i32 : i32, i32
  }
  func.func @transform_14(%arg0: i32) -> (i32, i32) {
    %c0_i32 = arith.constant 0 : i32
    %c0_i32_0 = arith.constant 0 : i32
    return %arg0, %c0_i32 : i32, i32
  }
}

module attributes {stable_mosaic.version = 14 : i64} {
  func.func @body(%arg0: i32, %arg1: memref<3x1024xf32, #tpu.memory_space<vmem>>, %arg2: memref<3x1024xf32, #tpu.memory_space<vmem>>, %arg3: memref<1024x128xf32, #tpu.memory_space<vmem>>, %arg4: memref<3x128xf32, #tpu.memory_space<vmem>>, %arg5: memref<3x128xf32, #tpu.memory_space<vmem>>, %arg6: memref<1x128xf32, #tpu.memory_space<vmem>>, %arg7: memref<128x128xf32, #tpu.memory_space<vmem>>, %arg8: memref<1x128xf32, #tpu.memory_space<vmem>>, %arg9: memref<128x128xf32, #tpu.memory_space<vmem>>, %arg10: memref<1x128xf32, #tpu.memory_space<vmem>>, %arg11: memref<128x128xf32, #tpu.memory_space<vmem>>, %arg12: memref<1x128xf32, #tpu.memory_space<vmem>>, %arg13: memref<128x128xf32, #tpu.memory_space<vmem>>, %arg14: memref<1024x128xf32, #tpu.memory_space<vmem>>) attributes {dimension_semantics = [#tpu.dimension_semantics<arbitrary>], iteration_bounds = array<i64: 98>, scalar_prefetch = 0 : i64, scratch_operands = 0 : i64, tpu.core_type = #tpu.core_type<tc>, window_params = [{transform_indices = @transform_0, window_bounds = array<i64: 3, 1024>}, {transform_indices = @transform_1, window_bounds = array<i64: 3, 1024>}, {transform_indices = @transform_2, window_bounds = array<i64: 1024, 128>}, {pipeline_mode = #tpu.pipeline_mode<synchronous>, transform_indices = @transform_3, window_bounds = array<i64: 3, 128>}, {pipeline_mode = #tpu.pipeline_mode<synchronous>, transform_indices = @transform_4, window_bounds = array<i64: 3, 128>}, {pipeline_mode = #tpu.pipeline_mode<synchronous>, transform_indices = @transform_5, window_bounds = array<i64: 1, 128>}, {pipeline_mode = #tpu.pipeline_mode<synchronous>, transform_indices = @transform_6, window_bounds = array<i64: 128, 128>}, {pipeline_mode = #tpu.pipeline_mode<synchronous>, transform_indices = @transform_7, window_bounds = array<i64: 1, 128>}, {pipeline_mode = #tpu.pipeline_mode<synchronous>, transform_indices = @transform_8, window_bounds = array<i64: 128, 128>}, {pipeline_mode = #tpu.pipeline_mode<synchronous>, transform_indices = @transform_9, window_bounds = array<i64: 1, 128>}, {pipeline_mode = #tpu.pipeline_mode<synchronous>, transform_indices = @transform_10, window_bounds = array<i64: 128, 128>}, {pipeline_mode = #tpu.pipeline_mode<synchronous>, transform_indices = @transform_11, window_bounds = array<i64: 1, 128>}, {pipeline_mode = #tpu.pipeline_mode<synchronous>, transform_indices = @transform_12, window_bounds = array<i64: 128, 128>}, {transform_indices = @transform_13, window_bounds = array<i64: 1024, 128>}]} {
    %get3A = arith.constant 0 : index
    %get3A_0 = arith.constant 0 : index
    %get3A_1 = vector.load %arg1[%get3A, %get3A_0] : memref<3x1024xf32, #tpu.memory_space<vmem>>, vector<3x1024xf32>
    %get3A_2 = arith.constant 0 : index
    %get3A_3 = arith.constant 0 : index
    %get3A_4 = vector.load %arg4[%get3A_2, %get3A_3] : memref<3x128xf32, #tpu.memory_space<vmem>>, vector<3x128xf32>
    %dot_general3A = arith.constant dense<0.000000e+00> : vector<1024x128xf32>
    %dot_general3A_5 = tpu.matmul %get3A_1, %get3A_4, %dot_general3A {dimension_numbers = #tpu.dot_dimension_numbers<[0], [0], [1], [1], [0, 1, 1, 1], [], []>, transpose_lhs_hint = false} : vector<3x1024xf32>, vector<3x128xf32>, vector<1024x128xf32> -> vector<1024x128xf32>
    %get3A_6 = arith.constant 0 : index
    %get3A_7 = arith.constant 0 : index
    %get3A_8 = vector.load %arg2[%get3A_6, %get3A_7] : memref<3x1024xf32, #tpu.memory_space<vmem>>, vector<3x1024xf32>
    %get3A_9 = arith.constant 0 : index
    %get3A_10 = arith.constant 0 : index
    %get3A_11 = vector.load %arg5[%get3A_9, %get3A_10] : memref<3x128xf32, #tpu.memory_space<vmem>>, vector<3x128xf32>
    %dot_general3A_12 = arith.constant dense<0.000000e+00> : vector<1024x128xf32>
    %dot_general3A_13 = tpu.matmul %get3A_8, %get3A_11, %dot_general3A_12 {dimension_numbers = #tpu.dot_dimension_numbers<[0], [0], [1], [1], [0, 1, 1, 1], [], []>, transpose_lhs_hint = false} : vector<3x1024xf32>, vector<3x128xf32>, vector<1024x128xf32> -> vector<1024x128xf32>
    %add3A = arith.addf %dot_general3A_5, %dot_general3A_13 : vector<1024x128xf32>
    %get3A_14 = arith.constant 0 : index
    %get3A_15 = arith.constant 0 : index
    %get3A_16 = vector.load %arg6[%get3A_14, %get3A_15] : memref<1x128xf32, #tpu.memory_space<vmem>>, vector<1x128xf32>
    %add3A_17 = vector.broadcast %get3A_16 : vector<1x128xf32> to vector<1024x128xf32>
    %add3A_18 = arith.addf %add3A, %add3A_17 : vector<1024x128xf32>
    %neg3A = arith.constant 0.000000e+00 : f32
    %neg3A_19 = vector.broadcast %neg3A : f32 to vector<1024x128xf32>
    %neg3A_20 = arith.subf %neg3A_19, %add3A_18 : vector<1024x128xf32>
    %exp3A = math.exp %neg3A_20 : vector<1024x128xf32>
    %add3A_21 = arith.constant 1.000000e+00 : f32
    %add3A_22 = vector.broadcast %add3A_21 : f32 to vector<1024x128xf32>
    %add3A_23 = arith.addf %add3A_22, %exp3A : vector<1024x128xf32>
    %div3A = arith.constant 1.000000e+00 : f32
    %div3A_24 = vector.broadcast %div3A : f32 to vector<1024x128xf32>
    %div3A_25 = arith.divf %div3A_24, %add3A_23 : vector<1024x128xf32>
    %mul3A = arith.mulf %add3A_18, %div3A_25 : vector<1024x128xf32>
    %get3A_26 = arith.constant 0 : index
    %get3A_27 = arith.constant 0 : index
    %get3A_28 = vector.load %arg7[%get3A_26, %get3A_27] : memref<128x128xf32, #tpu.memory_space<vmem>>, vector<128x128xf32>
    %dot_general3A_29 = arith.constant dense<0.000000e+00> : vector<1024x128xf32>
    %dot_general3A_30 = tpu.matmul %mul3A, %get3A_28, %dot_general3A_29 {dimension_numbers = #tpu.dot_dimension_numbers<[1], [0], [0], [1], [0, 0, 1, 1], [], []>, transpose_lhs_hint = false} : vector<1024x128xf32>, vector<128x128xf32>, vector<1024x128xf32> -> vector<1024x128xf32>
    %get3A_31 = arith.constant 0 : index
    %get3A_32 = arith.constant 0 : index
    %get3A_33 = vector.load %arg8[%get3A_31, %get3A_32] : memref<1x128xf32, #tpu.memory_space<vmem>>, vector<1x128xf32>
    %add3A_34 = vector.broadcast %get3A_33 : vector<1x128xf32> to vector<1024x128xf32>
    %add3A_35 = arith.addf %dot_general3A_30, %add3A_34 : vector<1024x128xf32>
    %get3A_36 = arith.constant 0 : index
    %get3A_37 = arith.constant 0 : index
    %get3A_38 = vector.load %arg13[%get3A_36, %get3A_37] : memref<128x128xf32, #tpu.memory_space<vmem>>, vector<128x128xf32>
    %dot_general3A_39 = arith.constant dense<0.000000e+00> : vector<1024x128xf32>
    %dot_general3A_40 = tpu.matmul %add3A_35, %get3A_38, %dot_general3A_39 {dimension_numbers = #tpu.dot_dimension_numbers<[1], [0], [0], [1], [0, 0, 1, 1], [], []>, transpose_lhs_hint = false} : vector<1024x128xf32>, vector<128x128xf32>, vector<1024x128xf32> -> vector<1024x128xf32>
    %sub3A = arith.subf %add3A_35, %dot_general3A_40 : vector<1024x128xf32>
    %mul3A_41 = arith.mulf %sub3A, %sub3A : vector<1024x128xf32>
    %dot_general3A_42 = arith.constant dense<0.000000e+00> : vector<1024x128xf32>
    %dot_general3A_43 = tpu.matmul %mul3A_41, %get3A_38, %dot_general3A_42 {dimension_numbers = #tpu.dot_dimension_numbers<[1], [0], [0], [1], [0, 0, 1, 1], [], []>, transpose_lhs_hint = false} : vector<1024x128xf32>, vector<128x128xf32>, vector<1024x128xf32> -> vector<1024x128xf32>
    %add3A_44 = arith.constant 9.99999974E-6 : f32
    %add3A_45 = vector.broadcast %add3A_44 : f32 to vector<1024x128xf32>
    %add3A_46 = arith.addf %dot_general3A_43, %add3A_45 : vector<1024x128xf32>
    %rsqrt3A = math.rsqrt %add3A_46 : vector<1024x128xf32>
    %mul3A_47 = arith.mulf %sub3A, %rsqrt3A : vector<1024x128xf32>
    %get3A_48 = arith.constant 0 : index
    %get3A_49 = arith.constant 0 : index
    %get3A_50 = vector.load %arg9[%get3A_48, %get3A_49] : memref<128x128xf32, #tpu.memory_space<vmem>>, vector<128x128xf32>
    %dot_general3A_51 = arith.constant dense<0.000000e+00> : vector<1024x128xf32>
    %dot_general3A_52 = tpu.matmul %mul3A_47, %get3A_50, %dot_general3A_51 {dimension_numbers = #tpu.dot_dimension_numbers<[1], [0], [0], [1], [0, 0, 1, 1], [], []>, transpose_lhs_hint = false} : vector<1024x128xf32>, vector<128x128xf32>, vector<1024x128xf32> -> vector<1024x128xf32>
    %get3A_53 = arith.constant 0 : index
    %get3A_54 = arith.constant 0 : index
    %get3A_55 = vector.load %arg10[%get3A_53, %get3A_54] : memref<1x128xf32, #tpu.memory_space<vmem>>, vector<1x128xf32>
    %add3A_56 = vector.broadcast %get3A_55 : vector<1x128xf32> to vector<1024x128xf32>
    %add3A_57 = arith.addf %dot_general3A_52, %add3A_56 : vector<1024x128xf32>
    %get3A_58 = arith.constant 0 : index
    %get3A_59 = arith.constant 0 : index
    %get3A_60 = vector.load %arg3[%get3A_58, %get3A_59] : memref<1024x128xf32, #tpu.memory_space<vmem>>, vector<1024x128xf32>
    %add3A_61 = arith.addf %add3A_57, %get3A_60 : vector<1024x128xf32>
    %neg3A_62 = arith.constant 0.000000e+00 : f32
    %neg3A_63 = vector.broadcast %neg3A_62 : f32 to vector<1024x128xf32>
    %neg3A_64 = arith.subf %neg3A_63, %add3A_61 : vector<1024x128xf32>
    %exp3A_65 = math.exp %neg3A_64 : vector<1024x128xf32>
    %add3A_66 = arith.constant 1.000000e+00 : f32
    %add3A_67 = vector.broadcast %add3A_66 : f32 to vector<1024x128xf32>
    %add3A_68 = arith.addf %add3A_67, %exp3A_65 : vector<1024x128xf32>
    %div3A_69 = arith.constant 1.000000e+00 : f32
    %div3A_70 = vector.broadcast %div3A_69 : f32 to vector<1024x128xf32>
    %div3A_71 = arith.divf %div3A_70, %add3A_68 : vector<1024x128xf32>
    %mul3A_72 = arith.mulf %add3A_61, %div3A_71 : vector<1024x128xf32>
    %get3A_73 = arith.constant 0 : index
    %get3A_74 = arith.constant 0 : index
    %get3A_75 = vector.load %arg11[%get3A_73, %get3A_74] : memref<128x128xf32, #tpu.memory_space<vmem>>, vector<128x128xf32>
    %dot_general3A_76 = arith.constant dense<0.000000e+00> : vector<1024x128xf32>
    %dot_general3A_77 = tpu.matmul %mul3A_72, %get3A_75, %dot_general3A_76 {dimension_numbers = #tpu.dot_dimension_numbers<[1], [0], [0], [1], [0, 0, 1, 1], [], []>, transpose_lhs_hint = false} : vector<1024x128xf32>, vector<128x128xf32>, vector<1024x128xf32> -> vector<1024x128xf32>
    %get3A_78 = arith.constant 0 : index
    %get3A_79 = arith.constant 0 : index
    %get3A_80 = vector.load %arg12[%get3A_78, %get3A_79] : memref<1x128xf32, #tpu.memory_space<vmem>>, vector<1x128xf32>
    %add3A_81 = vector.broadcast %get3A_80 : vector<1x128xf32> to vector<1024x128xf32>
    %add3A_82 = arith.addf %dot_general3A_77, %add3A_81 : vector<1024x128xf32>
    %get3A_83 = arith.constant 0 : index
    %get3A_84 = arith.constant 0 : index
    %get3A_85 = vector.load %arg13[%get3A_83, %get3A_84] : memref<128x128xf32, #tpu.memory_space<vmem>>, vector<128x128xf32>
    %dot_general3A_86 = arith.constant dense<0.000000e+00> : vector<1024x128xf32>
    %dot_general3A_87 = tpu.matmul %add3A_82, %get3A_85, %dot_general3A_86 {dimension_numbers = #tpu.dot_dimension_numbers<[1], [0], [0], [1], [0, 0, 1, 1], [], []>, transpose_lhs_hint = false} : vector<1024x128xf32>, vector<128x128xf32>, vector<1024x128xf32> -> vector<1024x128xf32>
    %sub3A_88 = arith.subf %add3A_82, %dot_general3A_87 : vector<1024x128xf32>
    %mul3A_89 = arith.mulf %sub3A_88, %sub3A_88 : vector<1024x128xf32>
    %dot_general3A_90 = arith.constant dense<0.000000e+00> : vector<1024x128xf32>
    %dot_general3A_91 = tpu.matmul %mul3A_89, %get3A_85, %dot_general3A_90 {dimension_numbers = #tpu.dot_dimension_numbers<[1], [0], [0], [1], [0, 0, 1, 1], [], []>, transpose_lhs_hint = false} : vector<1024x128xf32>, vector<128x128xf32>, vector<1024x128xf32> -> vector<1024x128xf32>
    %add3A_92 = arith.constant 9.99999974E-6 : f32
    %add3A_93 = vector.broadcast %add3A_92 : f32 to vector<1024x128xf32>
    %add3A_94 = arith.addf %dot_general3A_91, %add3A_93 : vector<1024x128xf32>
    %rsqrt3A_95 = math.rsqrt %add3A_94 : vector<1024x128xf32>
    %mul3A_96 = arith.mulf %sub3A_88, %rsqrt3A_95 : vector<1024x128xf32>
    %swap3A = arith.constant 0 : index
    %swap3A_97 = arith.constant 0 : index
    %swap3A_98 = vector.load %arg14[%swap3A, %swap3A_97] : memref<1024x128xf32, #tpu.memory_space<vmem>>, vector<1024x128xf32>
    tpu.vector_store %arg14[%swap3A, %swap3A_97], %mul3A_96 {strides = array<i32>} : memref<1024x128xf32, #tpu.memory_space<vmem>>, vector<1024x128xf32>,
    return
  }
  func.func @transform_0(%arg0: i32) -> (i32, i32) {
    %c0_i32 = arith.constant 0 : i32
    %c0_i32_0 = arith.constant 0 : i32
    return %c0_i32, %arg0 : i32, i32
  }
  func.func @transform_1(%arg0: i32) -> (i32, i32) {
    %add3A = arith.constant 98 : i32
    %add3A_0 = arith.addi %arg0, %add3A : i32
    %c0_i32 = arith.constant 0 : i32
    %c0_i32_1 = arith.constant 0 : i32
    return %c0_i32, %add3A_0 : i32, i32
  }
  func.func @transform_2(%arg0: i32) -> (i32, i32) {
    %c0_i32 = arith.constant 0 : i32
    %c0_i32_0 = arith.constant 0 : i32
    return %arg0, %c0_i32 : i32, i32
  }
  func.func @transform_3(%arg0: i32) -> (i32, i32) {
    %c0_i32 = arith.constant 0 : i32
    %c0_i32_0 = arith.constant 0 : i32
    %c0_i32_1 = arith.constant 0 : i32
    return %c0_i32, %c0_i32_0 : i32, i32
  }
  func.func @transform_4(%arg0: i32) -> (i32, i32) {
    %c0_i32 = arith.constant 0 : i32
    %c0_i32_0 = arith.constant 0 : i32
    %c0_i32_1 = arith.constant 0 : i32
    return %c0_i32, %c0_i32_0 : i32, i32
  }
  func.func @transform_5(%arg0: i32) -> (i32, i32) {
    %c0_i32 = arith.constant 0 : i32
    %c0_i32_0 = arith.constant 0 : i32
    %c0_i32_1 = arith.constant 0 : i32
    return %c0_i32, %c0_i32_0 : i32, i32
  }
  func.func @transform_6(%arg0: i32) -> (i32, i32) {
    %c0_i32 = arith.constant 0 : i32
    %c0_i32_0 = arith.constant 0 : i32
    %c0_i32_1 = arith.constant 0 : i32
    return %c0_i32, %c0_i32_0 : i32, i32
  }
  func.func @transform_7(%arg0: i32) -> (i32, i32) {
    %c0_i32 = arith.constant 0 : i32
    %c0_i32_0 = arith.constant 0 : i32
    %c0_i32_1 = arith.constant 0 : i32
    return %c0_i32, %c0_i32_0 : i32, i32
  }
  func.func @transform_8(%arg0: i32) -> (i32, i32) {
    %c0_i32 = arith.constant 0 : i32
    %c0_i32_0 = arith.constant 0 : i32
    %c0_i32_1 = arith.constant 0 : i32
    return %c0_i32, %c0_i32_0 : i32, i32
  }
  func.func @transform_9(%arg0: i32) -> (i32, i32) {
    %c0_i32 = arith.constant 0 : i32
    %c0_i32_0 = arith.constant 0 : i32
    %c0_i32_1 = arith.constant 0 : i32
    return %c0_i32, %c0_i32_0 : i32, i32
  }
  func.func @transform_10(%arg0: i32) -> (i32, i32) {
    %c0_i32 = arith.constant 0 : i32
    %c0_i32_0 = arith.constant 0 : i32
    %c0_i32_1 = arith.constant 0 : i32
    return %c0_i32, %c0_i32_0 : i32, i32
  }
  func.func @transform_11(%arg0: i32) -> (i32, i32) {
    %c0_i32 = arith.constant 0 : i32
    %c0_i32_0 = arith.constant 0 : i32
    %c0_i32_1 = arith.constant 0 : i32
    return %c0_i32, %c0_i32_0 : i32, i32
  }
  func.func @transform_12(%arg0: i32) -> (i32, i32) {
    %c0_i32 = arith.constant 0 : i32
    %c0_i32_0 = arith.constant 0 : i32
    %c0_i32_1 = arith.constant 0 : i32
    return %c0_i32, %c0_i32_0 : i32, i32
  }
  func.func @transform_13(%arg0: i32) -> (i32, i32) {
    %c0_i32 = arith.constant 0 : i32
    %c0_i32_0 = arith.constant 0 : i32
    return %arg0, %c0_i32 : i32, i32
  }
}

module attributes {stable_mosaic.version = 14 : i64} {
  func.func @body(%arg0: memref<4096x64xf32, #tpu.memory_space<vmem>>, %arg1: memref<4096x128xf32, #tpu.memory_space<vmem>>, %arg2: memref<64x64xf32, #tpu.memory_space<vmem>>, %arg3: memref<64x64xf32, #tpu.memory_space<vmem>>, %arg4: memref<1x64xf32, #tpu.memory_space<vmem>>, %arg5: memref<64x64xf32, #tpu.memory_space<vmem>>, %arg6: memref<1x64xf32, #tpu.memory_space<vmem>>, %arg7: memref<64x64xf32, #tpu.memory_space<vmem>>, %arg8: memref<4096x64xf32, #tpu.memory_space<vmem>>) attributes {dimension_semantics = [], scalar_prefetch = 0 : i64, scratch_operands = 0 : i64, tpu.core_type = #tpu.core_type<tc>} {
    %get3A = arith.constant 0 : index
    %get3A_0 = arith.constant 0 : index
    %get3A_1 = vector.load %arg1[%get3A, %get3A_0] : memref<4096x128xf32, #tpu.memory_space<vmem>>, vector<4096x64xf32>
    %get3A_2 = arith.constant 0 : index
    %get3A_3 = arith.constant 64 : index
    %get3A_4 = vector.load %arg1[%get3A_2, %get3A_3] : memref<4096x128xf32, #tpu.memory_space<vmem>>, vector<4096x64xf32>
    %add3A = arith.addf %get3A_1, %get3A_4 : vector<4096x64xf32>
    %get3A_5 = arith.constant 0 : index
    %get3A_6 = arith.constant 0 : index
    %get3A_7 = vector.load %arg0[%get3A_5, %get3A_6] : memref<4096x64xf32, #tpu.memory_space<vmem>>, vector<4096x64xf32>
    %get3A_8 = arith.constant 0 : index
    %get3A_9 = arith.constant 0 : index
    %get3A_10 = vector.load %arg2[%get3A_8, %get3A_9] : memref<64x64xf32, #tpu.memory_space<vmem>>, vector<64x64xf32>
    %dot_general3A = arith.constant dense<0.000000e+00> : vector<4096x64xf32>
    %dot_general3A_11 = tpu.matmul %get3A_7, %get3A_10, %dot_general3A {dimension_numbers = #tpu.dot_dimension_numbers<[1], [0], [0], [1], [0, 0, 1, 1], [], []>, transpose_lhs_hint = false} : vector<4096x64xf32>, vector<64x64xf32>, vector<4096x64xf32> -> vector<4096x64xf32>
    %get3A_12 = arith.constant 0 : index
    %get3A_13 = arith.constant 0 : index
    %get3A_14 = vector.load %arg3[%get3A_12, %get3A_13] : memref<64x64xf32, #tpu.memory_space<vmem>>, vector<64x64xf32>
    %dot_general3A_15 = arith.constant dense<0.000000e+00> : vector<4096x64xf32>
    %dot_general3A_16 = tpu.matmul %add3A, %get3A_14, %dot_general3A_15 {dimension_numbers = #tpu.dot_dimension_numbers<[1], [0], [0], [1], [0, 0, 1, 1], [], []>, transpose_lhs_hint = false} : vector<4096x64xf32>, vector<64x64xf32>, vector<4096x64xf32> -> vector<4096x64xf32>
    %add3A_17 = arith.addf %dot_general3A_11, %dot_general3A_16 : vector<4096x64xf32>
    %get3A_18 = arith.constant 0 : index
    %get3A_19 = arith.constant 0 : index
    %get3A_20 = vector.load %arg4[%get3A_18, %get3A_19] : memref<1x64xf32, #tpu.memory_space<vmem>>, vector<1x64xf32>
    %add3A_21 = vector.broadcast %get3A_20 : vector<1x64xf32> to vector<4096x64xf32>
    %add3A_22 = arith.addf %add3A_17, %add3A_21 : vector<4096x64xf32>
    %neg3A = arith.constant 0.000000e+00 : f32
    %neg3A_23 = vector.broadcast %neg3A : f32 to vector<4096x64xf32>
    %neg3A_24 = arith.subf %neg3A_23, %add3A_22 : vector<4096x64xf32>
    %exp3A = math.exp %neg3A_24 : vector<4096x64xf32>
    %add3A_25 = arith.constant 1.000000e+00 : f32
    %add3A_26 = vector.broadcast %add3A_25 : f32 to vector<4096x64xf32>
    %add3A_27 = arith.addf %add3A_26, %exp3A : vector<4096x64xf32>
    %div3A = arith.constant 1.000000e+00 : f32
    %div3A_28 = vector.broadcast %div3A : f32 to vector<4096x64xf32>
    %div3A_29 = arith.divf %div3A_28, %add3A_27 : vector<4096x64xf32>
    %mul3A = arith.mulf %add3A_22, %div3A_29 : vector<4096x64xf32>
    %get3A_30 = arith.constant 0 : index
    %get3A_31 = arith.constant 0 : index
    %get3A_32 = vector.load %arg5[%get3A_30, %get3A_31] : memref<64x64xf32, #tpu.memory_space<vmem>>, vector<64x64xf32>
    %dot_general3A_33 = arith.constant dense<0.000000e+00> : vector<4096x64xf32>
    %dot_general3A_34 = tpu.matmul %mul3A, %get3A_32, %dot_general3A_33 {dimension_numbers = #tpu.dot_dimension_numbers<[1], [0], [0], [1], [0, 0, 1, 1], [], []>, transpose_lhs_hint = false} : vector<4096x64xf32>, vector<64x64xf32>, vector<4096x64xf32> -> vector<4096x64xf32>
    %get3A_35 = arith.constant 0 : index
    %get3A_36 = arith.constant 0 : index
    %get3A_37 = vector.load %arg6[%get3A_35, %get3A_36] : memref<1x64xf32, #tpu.memory_space<vmem>>, vector<1x64xf32>
    %add3A_38 = vector.broadcast %get3A_37 : vector<1x64xf32> to vector<4096x64xf32>
    %add3A_39 = arith.addf %dot_general3A_34, %add3A_38 : vector<4096x64xf32>
    %reduce_sum3A = arith.constant dense<0.000000e+00> : vector<4096xf32>
    %reduce_sum3A_40 = vector.multi_reduction <add>, %add3A_39, %reduce_sum3A [1] : vector<4096x64xf32> to vector<4096xf32>
    %broadcast_in_dim3A = vector.shape_cast %reduce_sum3A_40 : vector<4096xf32> to vector<4096x1xf32>
    %div3A_41 = arith.constant 6.400000e+01 : f32
    %div3A_42 = vector.broadcast %div3A_41 : f32 to vector<4096x1xf32>
    %div3A_43 = arith.divf %broadcast_in_dim3A, %div3A_42 : vector<4096x1xf32>
    %sub3A = vector.broadcast %div3A_43 : vector<4096x1xf32> to vector<4096x64xf32>
    %sub3A_44 = arith.subf %add3A_39, %sub3A : vector<4096x64xf32>
    %integer_pow3A = arith.mulf %sub3A_44, %sub3A_44 : vector<4096x64xf32>
    %reduce_sum3A_45 = arith.constant dense<0.000000e+00> : vector<4096xf32>
    %reduce_sum3A_46 = vector.multi_reduction <add>, %integer_pow3A, %reduce_sum3A_45 [1] : vector<4096x64xf32> to vector<4096xf32>
    %broadcast_in_dim3A_47 = vector.shape_cast %reduce_sum3A_46 : vector<4096xf32> to vector<4096x1xf32>
    %div3A_48 = arith.constant 6.400000e+01 : f32
    %div3A_49 = vector.broadcast %div3A_48 : f32 to vector<4096x1xf32>
    %div3A_50 = arith.divf %broadcast_in_dim3A_47, %div3A_49 : vector<4096x1xf32>
    %sub3A_51 = vector.broadcast %div3A_43 : vector<4096x1xf32> to vector<4096x64xf32>
    %sub3A_52 = arith.subf %add3A_39, %sub3A_51 : vector<4096x64xf32>
    %add3A_53 = arith.constant 9.99999974E-6 : f32
    %add3A_54 = vector.broadcast %add3A_53 : f32 to vector<4096x1xf32>
    %add3A_55 = arith.addf %div3A_50, %add3A_54 : vector<4096x1xf32>
    %rsqrt3A = math.rsqrt %add3A_55 : vector<4096x1xf32>
    %mul3A_56 = vector.broadcast %rsqrt3A : vector<4096x1xf32> to vector<4096x64xf32>
    %mul3A_57 = arith.mulf %sub3A_52, %mul3A_56 : vector<4096x64xf32>
    %add3A_58 = arith.addf %get3A_7, %mul3A_57 : vector<4096x64xf32>
    %get3A_59 = arith.constant 0 : index
    %get3A_60 = arith.constant 0 : index
    %get3A_61 = vector.load %arg7[%get3A_59, %get3A_60] : memref<64x64xf32, #tpu.memory_space<vmem>>, vector<64x64xf32>
    %dot_general3A_62 = arith.constant dense<0.000000e+00> : vector<4096x64xf32>
    %dot_general3A_63 = tpu.matmul %add3A_58, %get3A_61, %dot_general3A_62 {dimension_numbers = #tpu.dot_dimension_numbers<[1], [0], [0], [1], [0, 0, 1, 1], [], []>, transpose_lhs_hint = false} : vector<4096x64xf32>, vector<64x64xf32>, vector<4096x64xf32> -> vector<4096x64xf32>
    %swap3A = arith.constant 0 : index
    %swap3A_64 = arith.constant 0 : index
    %swap3A_65 = vector.load %arg8[%swap3A, %swap3A_64] : memref<4096x64xf32, #tpu.memory_space<vmem>>, vector<4096x64xf32>
    tpu.vector_store %arg8[%swap3A, %swap3A_64], %dot_general3A_63 {strides = array<i32>} : memref<4096x64xf32, #tpu.memory_space<vmem>>, vector<4096x64xf32>,
    return
  }
}

module attributes {stable_mosaic.version = 14 : i64} {
  func.func @body(%arg0: i32, %arg1: memref<3584x128xf32, #tpu.memory_space<vmem>>, %arg2: memref<3584x128xf32, #tpu.memory_space<vmem>>, %arg3: memref<64x64xf32, #tpu.memory_space<vmem>>, %arg4: memref<64x64xf32, #tpu.memory_space<vmem>>, %arg5: memref<1x64xf32, #tpu.memory_space<vmem>>, %arg6: memref<64x64xf32, #tpu.memory_space<vmem>>, %arg7: memref<1x64xf32, #tpu.memory_space<vmem>>, %arg8: memref<64x64xf32, #tpu.memory_space<vmem>>, %arg9: memref<1x64xf32, #tpu.memory_space<vmem>>, %arg10: memref<64x17xf32, #tpu.memory_space<vmem>>, %arg11: memref<1x17xf32, #tpu.memory_space<vmem>>, %arg12: memref<3584x34xf32, #tpu.memory_space<vmem>>) attributes {dimension_semantics = [#tpu.dimension_semantics<arbitrary>], iteration_bounds = array<i64: 7>, scalar_prefetch = 0 : i64, scratch_operands = 0 : i64, tpu.core_type = #tpu.core_type<tc>, window_params = [{transform_indices = @transform_0, window_bounds = array<i64: 3584, 128>}, {transform_indices = @transform_1, window_bounds = array<i64: 3584, 128>}, {pipeline_mode = #tpu.pipeline_mode<synchronous>, transform_indices = @transform_2, window_bounds = array<i64: 64, 64>}, {pipeline_mode = #tpu.pipeline_mode<synchronous>, transform_indices = @transform_3, window_bounds = array<i64: 64, 64>}, {pipeline_mode = #tpu.pipeline_mode<synchronous>, transform_indices = @transform_4, window_bounds = array<i64: 1, 64>}, {pipeline_mode = #tpu.pipeline_mode<synchronous>, transform_indices = @transform_5, window_bounds = array<i64: 64, 64>}, {pipeline_mode = #tpu.pipeline_mode<synchronous>, transform_indices = @transform_6, window_bounds = array<i64: 1, 64>}, {pipeline_mode = #tpu.pipeline_mode<synchronous>, transform_indices = @transform_7, window_bounds = array<i64: 64, 64>}, {pipeline_mode = #tpu.pipeline_mode<synchronous>, transform_indices = @transform_8, window_bounds = array<i64: 1, 64>}, {pipeline_mode = #tpu.pipeline_mode<synchronous>, transform_indices = @transform_9, window_bounds = array<i64: 64, 17>}, {pipeline_mode = #tpu.pipeline_mode<synchronous>, transform_indices = @transform_10, window_bounds = array<i64: 1, 17>}, {transform_indices = @transform_11, window_bounds = array<i64: 3584, 34>}]} {
    %get3A = arith.constant 0 : index
    %get3A_0 = arith.constant 0 : index
    %get3A_1 = vector.load %arg3[%get3A, %get3A_0] : memref<64x64xf32, #tpu.memory_space<vmem>>, vector<64x64xf32>
    %get3A_2 = arith.constant 0 : index
    %get3A_3 = arith.constant 0 : index
    %get3A_4 = vector.load %arg4[%get3A_2, %get3A_3] : memref<64x64xf32, #tpu.memory_space<vmem>>, vector<64x64xf32>
    %get3A_5 = arith.constant 0 : index
    %get3A_6 = arith.constant 0 : index
    %get3A_7 = vector.load %arg5[%get3A_5, %get3A_6] : memref<1x64xf32, #tpu.memory_space<vmem>>, vector<1x64xf32>
    %get3A_8 = arith.constant 0 : index
    %get3A_9 = arith.constant 0 : index
    %get3A_10 = vector.load %arg6[%get3A_8, %get3A_9] : memref<64x64xf32, #tpu.memory_space<vmem>>, vector<64x64xf32>
    %get3A_11 = arith.constant 0 : index
    %get3A_12 = arith.constant 0 : index
    %get3A_13 = vector.load %arg7[%get3A_11, %get3A_12] : memref<1x64xf32, #tpu.memory_space<vmem>>, vector<1x64xf32>
    %get3A_14 = arith.constant 0 : index
    %get3A_15 = arith.constant 0 : index
    %get3A_16 = vector.load %arg8[%get3A_14, %get3A_15] : memref<64x64xf32, #tpu.memory_space<vmem>>, vector<64x64xf32>
    %get3A_17 = arith.constant 0 : index
    %get3A_18 = arith.constant 0 : index
    %get3A_19 = vector.load %arg9[%get3A_17, %get3A_18] : memref<1x64xf32, #tpu.memory_space<vmem>>, vector<1x64xf32>
    %get3A_20 = arith.constant 0 : index
    %get3A_21 = arith.constant 0 : index
    %get3A_22 = vector.load %arg10[%get3A_20, %get3A_21] : memref<64x17xf32, #tpu.memory_space<vmem>>, vector<64x17xf32>
    %get3A_23 = arith.constant 0 : index
    %get3A_24 = arith.constant 0 : index
    %get3A_25 = vector.load %arg11[%get3A_23, %get3A_24] : memref<1x17xf32, #tpu.memory_space<vmem>>, vector<1x17xf32>
    %get3A_26 = arith.constant 0 : index
    %get3A_27 = arith.constant 0 : index
    %get3A_28 = vector.load %arg1[%get3A_26, %get3A_27] : memref<3584x128xf32, #tpu.memory_space<vmem>>, vector<3584x64xf32>
    %get3A_29 = arith.constant 0 : index
    %get3A_30 = arith.constant 0 : index
    %get3A_31 = vector.load %arg2[%get3A_29, %get3A_30] : memref<3584x128xf32, #tpu.memory_space<vmem>>, vector<3584x64xf32>
    %dot_general3A = arith.constant dense<0.000000e+00> : vector<3584x64xf32>
    %dot_general3A_32 = tpu.matmul %get3A_28, %get3A_1, %dot_general3A {dimension_numbers = #tpu.dot_dimension_numbers<[1], [0], [0], [1], [0, 0, 1, 1], [], []>, transpose_lhs_hint = false} : vector<3584x64xf32>, vector<64x64xf32>, vector<3584x64xf32> -> vector<3584x64xf32>
    %dot_general3A_33 = arith.constant dense<0.000000e+00> : vector<3584x64xf32>
    %dot_general3A_34 = tpu.matmul %get3A_31, %get3A_4, %dot_general3A_33 {dimension_numbers = #tpu.dot_dimension_numbers<[1], [0], [0], [1], [0, 0, 1, 1], [], []>, transpose_lhs_hint = false} : vector<3584x64xf32>, vector<64x64xf32>, vector<3584x64xf32> -> vector<3584x64xf32>
    %add3A = arith.addf %dot_general3A_32, %dot_general3A_34 : vector<3584x64xf32>
    %add3A_35 = vector.broadcast %get3A_7 : vector<1x64xf32> to vector<3584x64xf32>
    %add3A_36 = arith.addf %add3A, %add3A_35 : vector<3584x64xf32>
    %neg3A = arith.constant 0.000000e+00 : f32
    %neg3A_37 = vector.broadcast %neg3A : f32 to vector<3584x64xf32>
    %neg3A_38 = arith.subf %neg3A_37, %add3A_36 : vector<3584x64xf32>
    %exp3A = math.exp %neg3A_38 : vector<3584x64xf32>
    %add3A_39 = arith.constant 1.000000e+00 : f32
    %add3A_40 = vector.broadcast %add3A_39 : f32 to vector<3584x64xf32>
    %add3A_41 = arith.addf %add3A_40, %exp3A : vector<3584x64xf32>
    %div3A = arith.constant 1.000000e+00 : f32
    %div3A_42 = vector.broadcast %div3A : f32 to vector<3584x64xf32>
    %div3A_43 = arith.divf %div3A_42, %add3A_41 : vector<3584x64xf32>
    %mul3A = arith.mulf %add3A_36, %div3A_43 : vector<3584x64xf32>
    %dot_general3A_44 = arith.constant dense<0.000000e+00> : vector<3584x64xf32>
    %dot_general3A_45 = tpu.matmul %mul3A, %get3A_10, %dot_general3A_44 {dimension_numbers = #tpu.dot_dimension_numbers<[1], [0], [0], [1], [0, 0, 1, 1], [], []>, transpose_lhs_hint = false} : vector<3584x64xf32>, vector<64x64xf32>, vector<3584x64xf32> -> vector<3584x64xf32>
    %add3A_46 = vector.broadcast %get3A_13 : vector<1x64xf32> to vector<3584x64xf32>
    %add3A_47 = arith.addf %dot_general3A_45, %add3A_46 : vector<3584x64xf32>
    %reduce_sum3A = arith.constant dense<0.000000e+00> : vector<3584xf32>
    %reduce_sum3A_48 = vector.multi_reduction <add>, %add3A_47, %reduce_sum3A [1] : vector<3584x64xf32> to vector<3584xf32>
    %broadcast_in_dim3A = vector.shape_cast %reduce_sum3A_48 : vector<3584xf32> to vector<3584x1xf32>
    %div3A_49 = arith.constant 6.400000e+01 : f32
    %div3A_50 = vector.broadcast %div3A_49 : f32 to vector<3584x1xf32>
    %div3A_51 = arith.divf %broadcast_in_dim3A, %div3A_50 : vector<3584x1xf32>
    %sub3A = vector.broadcast %div3A_51 : vector<3584x1xf32> to vector<3584x64xf32>
    %sub3A_52 = arith.subf %add3A_47, %sub3A : vector<3584x64xf32>
    %integer_pow3A = arith.mulf %sub3A_52, %sub3A_52 : vector<3584x64xf32>
    %reduce_sum3A_53 = arith.constant dense<0.000000e+00> : vector<3584xf32>
    %reduce_sum3A_54 = vector.multi_reduction <add>, %integer_pow3A, %reduce_sum3A_53 [1] : vector<3584x64xf32> to vector<3584xf32>
    %broadcast_in_dim3A_55 = vector.shape_cast %reduce_sum3A_54 : vector<3584xf32> to vector<3584x1xf32>
    %div3A_56 = arith.constant 6.400000e+01 : f32
    %div3A_57 = vector.broadcast %div3A_56 : f32 to vector<3584x1xf32>
    %div3A_58 = arith.divf %broadcast_in_dim3A_55, %div3A_57 : vector<3584x1xf32>
    %sub3A_59 = vector.broadcast %div3A_51 : vector<3584x1xf32> to vector<3584x64xf32>
    %sub3A_60 = arith.subf %add3A_47, %sub3A_59 : vector<3584x64xf32>
    %add3A_61 = arith.constant 9.99999974E-6 : f32
    %add3A_62 = vector.broadcast %add3A_61 : f32 to vector<3584x1xf32>
    %add3A_63 = arith.addf %div3A_58, %add3A_62 : vector<3584x1xf32>
    %rsqrt3A = math.rsqrt %add3A_63 : vector<3584x1xf32>
    %mul3A_64 = vector.broadcast %rsqrt3A : vector<3584x1xf32> to vector<3584x64xf32>
    %mul3A_65 = arith.mulf %sub3A_60, %mul3A_64 : vector<3584x64xf32>
    %add3A_66 = arith.addf %get3A_28, %mul3A_65 : vector<3584x64xf32>
    %dot_general3A_67 = arith.constant dense<0.000000e+00> : vector<3584x64xf32>
    %dot_general3A_68 = tpu.matmul %add3A_66, %get3A_16, %dot_general3A_67 {dimension_numbers = #tpu.dot_dimension_numbers<[1], [0], [0], [1], [0, 0, 1, 1], [], []>, transpose_lhs_hint = false} : vector<3584x64xf32>, vector<64x64xf32>, vector<3584x64xf32> -> vector<3584x64xf32>
    %add3A_69 = vector.broadcast %get3A_19 : vector<1x64xf32> to vector<3584x64xf32>
    %add3A_70 = arith.addf %dot_general3A_68, %add3A_69 : vector<3584x64xf32>
    %neg3A_71 = arith.constant 0.000000e+00 : f32
    %neg3A_72 = vector.broadcast %neg3A_71 : f32 to vector<3584x64xf32>
    %neg3A_73 = arith.subf %neg3A_72, %add3A_70 : vector<3584x64xf32>
    %exp3A_74 = math.exp %neg3A_73 : vector<3584x64xf32>
    %add3A_75 = arith.constant 1.000000e+00 : f32
    %add3A_76 = vector.broadcast %add3A_75 : f32 to vector<3584x64xf32>
    %add3A_77 = arith.addf %add3A_76, %exp3A_74 : vector<3584x64xf32>
    %div3A_78 = arith.constant 1.000000e+00 : f32
    %div3A_79 = vector.broadcast %div3A_78 : f32 to vector<3584x64xf32>
    %div3A_80 = arith.divf %div3A_79, %add3A_77 : vector<3584x64xf32>
    %mul3A_81 = arith.mulf %add3A_70, %div3A_80 : vector<3584x64xf32>
    %dot_general3A_82 = arith.constant dense<0.000000e+00> : vector<3584x17xf32>
    %dot_general3A_83 = tpu.matmul %mul3A_81, %get3A_22, %dot_general3A_82 {dimension_numbers = #tpu.dot_dimension_numbers<[1], [0], [0], [1], [0, 0, 1, 1], [], []>, transpose_lhs_hint = false} : vector<3584x64xf32>, vector<64x17xf32>, vector<3584x17xf32> -> vector<3584x17xf32>
    %add3A_84 = vector.broadcast %get3A_25 : vector<1x17xf32> to vector<3584x17xf32>
    %add3A_85 = arith.addf %dot_general3A_83, %add3A_84 : vector<3584x17xf32>
    %swap3A = arith.constant 0 : index
    %swap3A_86 = arith.constant 0 : index
    %swap3A_87 = vector.load %arg12[%swap3A, %swap3A_86] : memref<3584x34xf32, #tpu.memory_space<vmem>>, vector<3584x17xf32>
    tpu.vector_store %arg12[%swap3A, %swap3A_86], %add3A_85 {strides = array<i32>} : memref<3584x34xf32, #tpu.memory_space<vmem>>, vector<3584x17xf32>,
    %get3A_88 = arith.constant 0 : index
    %get3A_89 = arith.constant 64 : index
    %get3A_90 = vector.load %arg1[%get3A_88, %get3A_89] : memref<3584x128xf32, #tpu.memory_space<vmem>>, vector<3584x64xf32>
    %get3A_91 = arith.constant 0 : index
    %get3A_92 = arith.constant 64 : index
    %get3A_93 = vector.load %arg2[%get3A_91, %get3A_92] : memref<3584x128xf32, #tpu.memory_space<vmem>>, vector<3584x64xf32>
    %dot_general3A_94 = arith.constant dense<0.000000e+00> : vector<3584x64xf32>
    %dot_general3A_95 = tpu.matmul %get3A_90, %get3A_1, %dot_general3A_94 {dimension_numbers = #tpu.dot_dimension_numbers<[1], [0], [0], [1], [0, 0, 1, 1], [], []>, transpose_lhs_hint = false} : vector<3584x64xf32>, vector<64x64xf32>, vector<3584x64xf32> -> vector<3584x64xf32>
    %dot_general3A_96 = arith.constant dense<0.000000e+00> : vector<3584x64xf32>
    %dot_general3A_97 = tpu.matmul %get3A_93, %get3A_4, %dot_general3A_96 {dimension_numbers = #tpu.dot_dimension_numbers<[1], [0], [0], [1], [0, 0, 1, 1], [], []>, transpose_lhs_hint = false} : vector<3584x64xf32>, vector<64x64xf32>, vector<3584x64xf32> -> vector<3584x64xf32>
    %add3A_98 = arith.addf %dot_general3A_95, %dot_general3A_97 : vector<3584x64xf32>
    %add3A_99 = vector.broadcast %get3A_7 : vector<1x64xf32> to vector<3584x64xf32>
    %add3A_100 = arith.addf %add3A_98, %add3A_99 : vector<3584x64xf32>
    %neg3A_101 = arith.constant 0.000000e+00 : f32
    %neg3A_102 = vector.broadcast %neg3A_101 : f32 to vector<3584x64xf32>
    %neg3A_103 = arith.subf %neg3A_102, %add3A_100 : vector<3584x64xf32>
    %exp3A_104 = math.exp %neg3A_103 : vector<3584x64xf32>
    %add3A_105 = arith.constant 1.000000e+00 : f32
    %add3A_106 = vector.broadcast %add3A_105 : f32 to vector<3584x64xf32>
    %add3A_107 = arith.addf %add3A_106, %exp3A_104 : vector<3584x64xf32>
    %div3A_108 = arith.constant 1.000000e+00 : f32
    %div3A_109 = vector.broadcast %div3A_108 : f32 to vector<3584x64xf32>
    %div3A_110 = arith.divf %div3A_109, %add3A_107 : vector<3584x64xf32>
    %mul3A_111 = arith.mulf %add3A_100, %div3A_110 : vector<3584x64xf32>
    %dot_general3A_112 = arith.constant dense<0.000000e+00> : vector<3584x64xf32>
    %dot_general3A_113 = tpu.matmul %mul3A_111, %get3A_10, %dot_general3A_112 {dimension_numbers = #tpu.dot_dimension_numbers<[1], [0], [0], [1], [0, 0, 1, 1], [], []>, transpose_lhs_hint = false} : vector<3584x64xf32>, vector<64x64xf32>, vector<3584x64xf32> -> vector<3584x64xf32>
    %add3A_114 = vector.broadcast %get3A_13 : vector<1x64xf32> to vector<3584x64xf32>
    %add3A_115 = arith.addf %dot_general3A_113, %add3A_114 : vector<3584x64xf32>
    %reduce_sum3A_116 = arith.constant dense<0.000000e+00> : vector<3584xf32>
    %reduce_sum3A_117 = vector.multi_reduction <add>, %add3A_115, %reduce_sum3A_116 [1] : vector<3584x64xf32> to vector<3584xf32>
    %broadcast_in_dim3A_118 = vector.shape_cast %reduce_sum3A_117 : vector<3584xf32> to vector<3584x1xf32>
    %div3A_119 = arith.constant 6.400000e+01 : f32
    %div3A_120 = vector.broadcast %div3A_119 : f32 to vector<3584x1xf32>
    %div3A_121 = arith.divf %broadcast_in_dim3A_118, %div3A_120 : vector<3584x1xf32>
    %sub3A_122 = vector.broadcast %div3A_121 : vector<3584x1xf32> to vector<3584x64xf32>
    %sub3A_123 = arith.subf %add3A_115, %sub3A_122 : vector<3584x64xf32>
    %integer_pow3A_124 = arith.mulf %sub3A_123, %sub3A_123 : vector<3584x64xf32>
    %reduce_sum3A_125 = arith.constant dense<0.000000e+00> : vector<3584xf32>
    %reduce_sum3A_126 = vector.multi_reduction <add>, %integer_pow3A_124, %reduce_sum3A_125 [1] : vector<3584x64xf32> to vector<3584xf32>
    %broadcast_in_dim3A_127 = vector.shape_cast %reduce_sum3A_126 : vector<3584xf32> to vector<3584x1xf32>
    %div3A_128 = arith.constant 6.400000e+01 : f32
    %div3A_129 = vector.broadcast %div3A_128 : f32 to vector<3584x1xf32>
    %div3A_130 = arith.divf %broadcast_in_dim3A_127, %div3A_129 : vector<3584x1xf32>
    %sub3A_131 = vector.broadcast %div3A_121 : vector<3584x1xf32> to vector<3584x64xf32>
    %sub3A_132 = arith.subf %add3A_115, %sub3A_131 : vector<3584x64xf32>
    %add3A_133 = arith.constant 9.99999974E-6 : f32
    %add3A_134 = vector.broadcast %add3A_133 : f32 to vector<3584x1xf32>
    %add3A_135 = arith.addf %div3A_130, %add3A_134 : vector<3584x1xf32>
    %rsqrt3A_136 = math.rsqrt %add3A_135 : vector<3584x1xf32>
    %mul3A_137 = vector.broadcast %rsqrt3A_136 : vector<3584x1xf32> to vector<3584x64xf32>
    %mul3A_138 = arith.mulf %sub3A_132, %mul3A_137 : vector<3584x64xf32>
    %add3A_139 = arith.addf %get3A_90, %mul3A_138 : vector<3584x64xf32>
    %dot_general3A_140 = arith.constant dense<0.000000e+00> : vector<3584x64xf32>
    %dot_general3A_141 = tpu.matmul %add3A_139, %get3A_16, %dot_general3A_140 {dimension_numbers = #tpu.dot_dimension_numbers<[1], [0], [0], [1], [0, 0, 1, 1], [], []>, transpose_lhs_hint = false} : vector<3584x64xf32>, vector<64x64xf32>, vector<3584x64xf32> -> vector<3584x64xf32>
    %add3A_142 = vector.broadcast %get3A_19 : vector<1x64xf32> to vector<3584x64xf32>
    %add3A_143 = arith.addf %dot_general3A_141, %add3A_142 : vector<3584x64xf32>
    %neg3A_144 = arith.constant 0.000000e+00 : f32
    %neg3A_145 = vector.broadcast %neg3A_144 : f32 to vector<3584x64xf32>
    %neg3A_146 = arith.subf %neg3A_145, %add3A_143 : vector<3584x64xf32>
    %exp3A_147 = math.exp %neg3A_146 : vector<3584x64xf32>
    %add3A_148 = arith.constant 1.000000e+00 : f32
    %add3A_149 = vector.broadcast %add3A_148 : f32 to vector<3584x64xf32>
    %add3A_150 = arith.addf %add3A_149, %exp3A_147 : vector<3584x64xf32>
    %div3A_151 = arith.constant 1.000000e+00 : f32
    %div3A_152 = vector.broadcast %div3A_151 : f32 to vector<3584x64xf32>
    %div3A_153 = arith.divf %div3A_152, %add3A_150 : vector<3584x64xf32>
    %mul3A_154 = arith.mulf %add3A_143, %div3A_153 : vector<3584x64xf32>
    %dot_general3A_155 = arith.constant dense<0.000000e+00> : vector<3584x17xf32>
    %dot_general3A_156 = tpu.matmul %mul3A_154, %get3A_22, %dot_general3A_155 {dimension_numbers = #tpu.dot_dimension_numbers<[1], [0], [0], [1], [0, 0, 1, 1], [], []>, transpose_lhs_hint = false} : vector<3584x64xf32>, vector<64x17xf32>, vector<3584x17xf32> -> vector<3584x17xf32>
    %add3A_157 = vector.broadcast %get3A_25 : vector<1x17xf32> to vector<3584x17xf32>
    %add3A_158 = arith.addf %dot_general3A_156, %add3A_157 : vector<3584x17xf32>
    %swap3A_159 = arith.constant 0 : index
    %swap3A_160 = arith.constant 17 : index
    %swap3A_161 = vector.load %arg12[%swap3A_159, %swap3A_160] : memref<3584x34xf32, #tpu.memory_space<vmem>>, vector<3584x17xf32>
    tpu.vector_store %arg12[%swap3A_159, %swap3A_160], %add3A_158 {strides = array<i32>} : memref<3584x34xf32, #tpu.memory_space<vmem>>, vector<3584x17xf32>,
    return
  }
  func.func @transform_0(%arg0: i32) -> (i32, i32) {
    %c0_i32 = arith.constant 0 : i32
    %c0_i32_0 = arith.constant 0 : i32
    return %arg0, %c0_i32 : i32, i32
  }
  func.func @transform_1(%arg0: i32) -> (i32, i32) {
    %c0_i32 = arith.constant 0 : i32
    %c0_i32_0 = arith.constant 0 : i32
    return %arg0, %c0_i32 : i32, i32
  }
  func.func @transform_2(%arg0: i32) -> (i32, i32) {
    %c0_i32 = arith.constant 0 : i32
    %c0_i32_0 = arith.constant 0 : i32
    %c0_i32_1 = arith.constant 0 : i32
    return %c0_i32, %c0_i32_0 : i32, i32
  }
  func.func @transform_3(%arg0: i32) -> (i32, i32) {
    %c0_i32 = arith.constant 0 : i32
    %c0_i32_0 = arith.constant 0 : i32
    %c0_i32_1 = arith.constant 0 : i32
    return %c0_i32, %c0_i32_0 : i32, i32
  }
  func.func @transform_4(%arg0: i32) -> (i32, i32) {
    %c0_i32 = arith.constant 0 : i32
    %c0_i32_0 = arith.constant 0 : i32
    %c0_i32_1 = arith.constant 0 : i32
    return %c0_i32, %c0_i32_0 : i32, i32
  }
  func.func @transform_5(%arg0: i32) -> (i32, i32) {
    %c0_i32 = arith.constant 0 : i32
    %c0_i32_0 = arith.constant 0 : i32
    %c0_i32_1 = arith.constant 0 : i32
    return %c0_i32, %c0_i32_0 : i32, i32
  }
  func.func @transform_6(%arg0: i32) -> (i32, i32) {
    %c0_i32 = arith.constant 0 : i32
    %c0_i32_0 = arith.constant 0 : i32
    %c0_i32_1 = arith.constant 0 : i32
    return %c0_i32, %c0_i32_0 : i32, i32
  }
  func.func @transform_7(%arg0: i32) -> (i32, i32) {
    %c0_i32 = arith.constant 0 : i32
    %c0_i32_0 = arith.constant 0 : i32
    %c0_i32_1 = arith.constant 0 : i32
    return %c0_i32, %c0_i32_0 : i32, i32
  }
  func.func @transform_8(%arg0: i32) -> (i32, i32) {
    %c0_i32 = arith.constant 0 : i32
    %c0_i32_0 = arith.constant 0 : i32
    %c0_i32_1 = arith.constant 0 : i32
    return %c0_i32, %c0_i32_0 : i32, i32
  }
  func.func @transform_9(%arg0: i32) -> (i32, i32) {
    %c0_i32 = arith.constant 0 : i32
    %c0_i32_0 = arith.constant 0 : i32
    %c0_i32_1 = arith.constant 0 : i32
    return %c0_i32, %c0_i32_0 : i32, i32
  }
  func.func @transform_10(%arg0: i32) -> (i32, i32) {
    %c0_i32 = arith.constant 0 : i32
    %c0_i32_0 = arith.constant 0 : i32
    %c0_i32_1 = arith.constant 0 : i32
    return %c0_i32, %c0_i32_0 : i32, i32
  }
  func.func @transform_11(%arg0: i32) -> (i32, i32) {
    %c0_i32 = arith.constant 0 : i32
    %c0_i32_0 = arith.constant 0 : i32
    return %arg0, %c0_i32 : i32, i32
  }
}

</mosaic_0001>

<sc_bundles>
// kernel: kernel.12.cloned.1.call-start
scs
__scs_entry_jumppad:
0x0: {  	(pc) =	sbr.rel $0x88, $3  }
0x1: {  	(tag) =	ssettag $0x0;
	lr =	simm.s32 $0x1  }
0x2: {  	[smem:$0x3F73] =	sst lr;
	_ =	strace $0xD0000000  }
0x3: {  	_ = 	snop  }
0x4: {  	_ = 	snop  }
0x5: {  	_ = 	snop  }
0x6: {  	_ = 	snop  }
0x7: {  	_ = 	snop  }
__scs_overlays_trampoline_lowered:
0x8: {  	[smem:$0x3F82] =	sst s0  }
0x9: {  	[smem:$0x3F83] =	sst s1  }
0xa: {  	[smem:$0x3F84] =	sst s2  }
0xb: {  	[smem:$0x3F85] =	sst s3  }
0xc: {  	[smem:$0x3F86] =	sst s4  }
0xd: {  	[smem:$0x3F87] =	sst s5  }
0xe: {  	[smem:$0x3F88] =	sst s6  }
0xf: {  	[smem:$0x3F89] =	sst s7  }
0x10: {  	[smem:$0x3F8A] =	sst s8  }
0x11: {  	[smem:$0x3F8B] =	sst s9;
	s0 =	simm.s32 @!p0 $0x0  }
0x12: {  	s1 =	sld [smem:$0x3F71];
	s0 =	simm.s32 @p0 $0x1  }
0x13: {  	[smem:$0x3F8C] =	sst s0;
	s0 =	simm.s32 @!p1 $0x0  }
0x14: {  	s2 =	sld [smem:$0x3F70];
	s0 =	simm.s32 @p1 $0x1  }
0x15: {  	[smem:$0x3F8D] =	sst s0;
	s0 =	simm.s32 @!p2 $0x0  }
0x16: {  	s3 =	sld [smem:$0x3FDB];
	s0 =	simm.s32 @p2 $0x1  }
0x17: {  	s4 =	simm.s32 $0x1BF5;
	[smem:$0x3F8F] =	sst s0  }
0x18: {  	s0 =	sld [smem:$0x3F72];
	_ =	swait.ge [sflag:s4], $0x0  }
0x19: {  	s7 =	sld [smem:$0x3F73]  }
0x1a: {  	s8 =	sadd.s32 $0xFFFFE003, lr  }
0x1b: {  	s9 =	sadd.s32 $0xFFFFFEF7, lr;
	s5 =	simm.s32 $0xFFFFFFFF;
	p2 =	slt.u32 s8, $0xFFFFF086  }
0x1c: {  	p1 =	slt.u32 s9, $0xF7A;
	s5 =	simm.s32 @!p2 $0x0  }
0x1d: {  	s5 =	simm.s32 @p1 $0x1;
	p0 =	seq.s32 s7, s2  }
0x1e: {  	s7 =	smul.u32 @!p0 $0xF7A, s2;
	p2 =	seq.s32 @!p0 s5, $0x0  }
0x1f: {  	s9 =	smul.u32 $0xF7A, s1;
	s8 =	simm.s32 @!p0 $0x1BF5;
	p2 =	por !p2, p0  }
0x20: {  	[sflag:s8] =	ssyncset.s32 @!p0 $0xFFFFF086;
	s6 =	sadd.s32 @!p0 s3, s7;
	s7 =	simm.s32 @!p0 $0x108  }
0x21: {  	s3 =	sadd.s32 s3, s9;
	s6 =	sadd.s32 @!p0 $0x88, s6;
	s7 =	simm.s32 @p2 $0x1082  }
0x22: {  	[simem:s7], [sflag:s8] =	dma.local @!p0 [hbm:s6], $0xF7A  }
0x23: {  	s9 =	sor.u32 $0xD0000000, s2;
	s6 =	simm.s32 $0x108;
	_ =	swait.ge @!p0 [sflag:s8], $0x0  }
0x24: {  	s3 =	sadd.s32 $0x88, s3;
	s6 =	simm.s32 @!p1 $0x1082;
	[sflag:s4] =	ssyncset.s32 $0xFFFFF086  }
0x25: {  	[simem:s6], [sflag:s4] =	dma.local [hbm:s3], $0xF7A  }
0x26: {  	[smem:$0x3F73] =	sst s1;
	(tag) =	ssettag s2;
	_ =	strace s9  }
0x27: {  	s1 =	sld [smem:$0x3F83]  }
0x28: {  	s2 =	sld [smem:$0x3F84]  }
0x29: {  	s4 =	sld [smem:$0x3F86]  }
0x2a: {  	p0 =	seq.s32 s5, $0x0;
	s5 =	sld [smem:$0x3F87]  }
0x2b: {  	s6 =	sld [smem:$0x3F88]  }
0x2c: {  	s7 =	sld [smem:$0x3F89]  }
0x2d: {  	s3 =	simm.s32 $0x108;
	s8 =	sld [smem:$0x3F8A]  }
0x2e: {  	s3 =	simm.s32 @!p0 $0x1082;
	s9 =	sld [smem:$0x3F8B]  }
0x2f: {  	lr =	sadd.s32 s0, s3;
	s0 =	sld [smem:$0x3F82]  }
0x30: {  	s3 =	sld [smem:$0x3F85]  }
0x31: {  	[smem:$0x3F8E] =	sst s10  }
0x32: {  	s10 =	sld [smem:$0x3F8C];
	_ =	sdelay $0x3  }
0x33: {  	p0 =	seq.s32 s10, $0x1;
	s10 =	sld [smem:$0x3F8E];
	_ =	sdelay $0x3  }
0x34: {  	[smem:$0x3F8E] =	sst s10  }
0x35: {  	s10 =	sld [smem:$0x3F8D];
	_ =	sdelay $0x3  }
0x36: {  	p1 =	seq.s32 s10, $0x1;
	s10 =	sld [smem:$0x3F8E];
	_ =	sdelay $0x3  }
0x37: {  	[smem:$0x3F8E] =	sst s10  }
0x38: {  	s10 =	sld [smem:$0x3F8F]  }
0x39: {  	_ = 	snop;
	(pc) =	sbr.ind lr, $3  }
0x3a: {  	_ = 	snop  }
0x3b: {  	_ = 	snop  }
0x3c: {  	p2 =	seq.s32 s10, $0x1;
	s10 =	sld [smem:$0x3F8E]  }
0x3d: {  	_ =	shalt  }
0x3e: {  	_ =	shalt  }
0x3f: {  	_ =	shalt  }
0x40: {  	_ =	shalt  }
0x41: {  	_ =	shalt  }
0x42: {  	_ =	shalt  }
0x43: {  	_ =	shalt  }
0x44: {  	_ =	shalt  }
0x45: {  	_ =	shalt  }
0x46: {  	_ =	shalt  }
0x47: {  	_ =	shalt  }
0x48: {  	_ =	shalt  }
0x49: {  	_ =	shalt  }
0x4a: {  	_ =	shalt  }
0x4b: {  	_ =	shalt  }
0x4c: {  	_ =	shalt  }
0x4d: {  	_ =	shalt  }
0x4e: {  	_ =	shalt  }
0x4f: {  	_ =	shalt  }
0x50: {  	_ =	shalt  }
0x51: {  	_ =	shalt  }
0x52: {  	_ =	shalt  }
0x53: {  	_ =	shalt  }
0x54: {  	_ =	shalt  }
0x55: {  	_ =	shalt  }
0x56: {  	_ =	shalt  }
0x57: {  	_ =	shalt  }
0x58: {  	_ =	shalt  }
0x59: {  	_ =	shalt  }
0x5a: {  	_ =	shalt  }
0x5b: {  	_ =	shalt  }
0x5c: {  	_ =	shalt  }
0x5d: {  	_ =	shalt  }
0x5e: {  	_ =	shalt  }
0x5f: {  	_ =	shalt  }
0x60: {  	_ =	shalt  }
0x61: {  	_ =	shalt  }
0x62: {  	_ =	shalt  }
0x63: {  	_ =	shalt  }
0x64: {  	_ =	shalt  }
0x65: {  	_ =	shalt  }
0x66: {  	_ =	shalt  }
0x67: {  	_ =	shalt  }
0x68: {  	_ =	shalt  }
0x69: {  	_ =	shalt  }
0x6a: {  	_ =	shalt  }
0x6b: {  	_ =	shalt  }
0x6c: {  	_ =	shalt  }
0x6d: {  	_ =	shalt  }
0x6e: {  	_ =	shalt  }
0x6f: {  	_ =	shalt  }
0x70: {  	_ =	shalt  }
0x71: {  	_ =	shalt  }
0x72: {  	_ =	shalt  }
0x73: {  	_ =	shalt  }
0x74: {  	_ =	shalt  }
0x75: {  	_ =	shalt  }
0x76: {  	_ =	shalt  }
0x77: {  	_ =	shalt  }
0x78: {  	_ =	shalt  }
0x79: {  	_ =	shalt  }
0x7a: {  	_ =	shalt  }
0x7b: {  	_ =	shalt  }
0x7c: {  	_ =	shalt  }
0x7d: {  	_ =	shalt  }
0x7e: {  	_ =	shalt  }
0x7f: {  	_ =	shalt  }
0x80: {  	_ =	shalt  }
0x81: {  	_ =	shalt  }
0x82: {  	_ =	shalt  }
0x83: {  	_ =	shalt  }
0x84: {  	_ =	shalt  }
0x85: {  	_ =	shalt  }
0x86: {  	_ =	shalt  }
0x87: {  	_ =	shalt  }
.Lfunc_end0:
.L_simem_size_0:
called_computation_lowered:
.L_overlay_start_0:
0x88: {  	s2 =	sld [smem:$0x3FD9]  }
0x89: {  	s3 =	sld [smem:$0x3FFE];
	_ =	sdelay $0x1  }
0x8a: {  	s1 =	srdreg.scid  }
0x8b: {  	s0 =	sand.u32 $0x1, s1  }
0x8c: {  	s16 =	sshll.u32 s0, $0xA;
	s2 =	sadd.s32 s3, s2  }
0x8d: {  	s2 =	sadd.s32 s2, s16  }
0x8e: {  	[smem:$0x3F9A] =	sst s2  }
0x8f: {  	_ = 	snop  }
0x90: {  	(tm) =	ssettm $0x1  }
0x91: {  	s17 =	sld [smem:$0x3FFB];
	_ =	sdelay $0x3  }
0x92: {  	_ =	strace s17  }
0x93: {  	s2 =	sld [smem:$0x3FFC];
	_ =	sdelay $0x3  }
0x94: {  	_ =	strace s2  }
0x95: {  	s2 =	sld [smem:$0x3FFD];
	_ =	sdelay $0x3  }
0x96: {  	_ =	strace s2  }
0x97: {  	_ =	strace $0x8FFFFFFF  }
0x98: {  	s18 =	sld [smem:$0x3FDB];
	_ =	sdelay $0x1  }
0x99: {  	s19 =	simm.s32 $_scs_section_size  }
0x9a: {  	s4 =	simm.s32 $_size__tile_overlayer_lowered;
	s5 =	simm.s32 $_tile_overlayer_lowered  }
0x9b: {  	s22 =	simm.s32 $0x1BFF;
	s21 =	sshll.u32 s5, $0x1;
	s2 =	sadd.s32 s19, s18  }
0x9c: {  	s6 =	simm.s32 $0x0;
	s20 =	sshll.u32 s4, $0x1;
	s4 =	sadd.s32 s21, s2  }
0x9d: {  	[timem:s6], [sflag:s22] =	dma.local [hbm:s4], s20  }
0x9e: {  	_ =	swait.ge [sflag:s22], s20  }
0x9f: {  	s3 =	ssub.s32 $0x0, s20;
	[sflag:s22] =	ssyncset.done $0x0  }
0xa0: {  	[sflag:s22] =	ssyncadd.s32 s3;
	_ =	sdelay $0x1  }
0xa1: {  	s23 =	simm.s32 $0x1B8B  }
0xa2: {  	_ =	swait.ge [sflag:s23], $0x1  }
0xa3: {  	[sflag:s23] =	ssyncset.done $0x0  }
0xa4: {  	s25 =	simm.s32 $0x1B8E;
	s24 =	sld [smem:$0x3FFE];
	[sflag:s23] =	ssyncadd.s32 $0xFFFFFFFF  }
0xa5: {  	s26 =	simm.s32 $execute0_lowered;
	[smem:$0x3FD2] =	sst s25  }
0xa6: {  	s4 =	sshll.u32 s26, $0x1;
	_ =	strace $0x80000046;
	[dreg:$0x1] =	wrdreg $0xFFFFFFFF  }
0xa7: {  	s28 =	simm.s32 $_size_execute0_lowered;
	s2 =	sadd.s32 s2, s4;
	[dreg:$0x0] =	wrdreg $0x0  }
0xa8: {  	s4 =	sshll.u32 s28, $0x1;
	[dreg:$0x2] =	wrdreg s2  }
0xa9: {  	[dreg:$0x3] =	wrdreg s4  }
0xaa: {  	[dreg:$0x4] =	wrdreg $0xC0  }
0xab: {  	_ =	task [dreg:s6], $0x5FFFF  }
0xac: {  	[dreg:$0x1] =	wrdreg $0xFFFFFFFF  }
0xad: {  	[dreg:$0x0] =	wrdreg $0x60  }
0xae: {  	[dreg:$0x2] =	wrdreg s24  }
0xaf: {  	[dreg:$0x3] =	wrdreg $0x0  }
0xb0: {  	[dreg:$0x4] =	wrdreg $0x9  }
0xb1: {  	_ =	task.clear_ibuf [dreg:s6], $0x5FFFF;
	_ =	strace $0x90000046  }
0xb2: {  	s29 =	simm.s32 $0x9;
	_ =	strace $0x80000048  }
0xb3: {  	_ =	swait.ge [sflag:s29], $0x1  }
0xb4: {  	[sflag:s29] =	ssyncadd.s32 $0xFFFFFFFF  }
0xb5: {  	_ =	strace $0x90000048  }
0xb6: {  	_ =	sfence  }
0xb7: {  	s30 =	sld [smem:$0x0];
	_ =	sdelay $0x2  }
0xb8: {  	s31 =	sshll.u32 s1, $0xD;
	s1 =	sshrl.u32 s1, $0x2  }
0xb9: {  	s3 =	sand.u32 $0x4000, s31;
	s1 =	sadd.s32 s1, s30  }
0xba: {  	s0 =	sor.u32 s3, s0;
	s1 =	sshll.u32 s1, $0x11  }
0xbb: {  	s0 =	sor.u32 s1, s0  }
0xbc: {  	s0 =	sadd.s32 $0x8F2B, s0  }
0xbd: {  	[sflag:s0] =	ssyncadd.remote.s32 $0x1  }
0xbe: {  	_ =	sfence.sel $0xFFFF  }
0xbf: {  	[dreg:$0x0] =	wrdreg $0xFFFFFFFF;
	(pc) =	sbr.abs _section_cstart, $3  }
0xc0: {  	[dreg:$0x1] =	wrdreg $0xFFFFFFFF  }
0xc1: {  	_ =	task.clear_ibuf [dreg:s6], $0x2FFFF;
	_ =	strace $0x9FFFFFFF  }
0xc2: {  	(tm) =	ssettm $0x7FFFFFFF  }
0xc3: {  	_ =	shalt  }
tec
execute0_lowered:
.L_overlay_start_1:
0x0: {  	(tag) =	ssettag $0x1  }
0x1: {  	s0 =	rddreg [dreg:$0x0]  }
0x2: {  	s1 =	rddreg [dreg:$0x1];
	s3 =	simm.s32 $0x0  }
0x3: {  	s9 =	stileid.u32;
	s5 =	srdreg.scid;
	s16 =	simm.s32 $0x1  }
0x4: {  	s21 =	simm.s32 $0xE0;
	s22 =	simm.s32 $0x7100;
	s23 =	simm.s32 $0x7480  }
0x5: {  	s28 =	simm.s32 $0xE480;
	s29 =	simm.s32 $0x73A0;
	s30 =	simm.s32 $0x11C80  }
0x6: {  	s31 =	simm.s32 $0x40;
	[smem:$0x7FF] =	sst s3;
	s4 =	sadd.s32 $0xE2800, s0  }
0x7: {  	s2 =	sshll.u32 s9, $0xB;
	s5 =	sand.u32 $0x1, s5;
	s6 =	sshll.u32 s9, $0x1  }
0x8: {  	s10 =	sadd.s32 $0x12400, s0;
	s12 =	sadd.s32 $0x18600, s0;
	s24 =	sshll.u32 s9, $0xE  }
0x9: {  	s25 =	sshll.u32 s9, $0x6;
	s13 =	sadd.s32 $0x144808, s0;
	_ =	strace $0x80000047  }
0xa: {  	s2 =	sadd.s32 s2, s0;
	s7 =	ssub.s32 $0x2, s5;
	s5 =	sor.u32 s5, s6  }
0xb: {  	s6 =	sadd.s32 $0x144800, s0;
	s15 =	sadd.s32 s24, s1;
	s24 =	simm.s32 $0x71E0  }
0xc: {  	s0 =	simm.s32 $0x80;
	s8 =	sshrl.u32 s7, $0x1;
	s5 =	smul.u32 $0xC40, s5  }
0xd: {  	s2 =	sadd.s32 $0xA400, s2;
	s15 =	sshrl.u32 s15, $0x3;
	s14 =	ssub.s32 s7, s8  }
0xe: {  	[dreg:$0x3] =	wrdreg s2;
	s8 =	sor.u32 $0x1C01, s25;
	s25 =	simm.s32 $0xAC80  }
0xf: {  	s2 =	simm.s32 $0x0;
	s11 =	sshrl.u32 s5, $0x3;
	s14 =	smax.u32 s14, $0x1  }
0x10: {  	s26 =	sadd.s32 $0x3100, s11;
	s9 =	sadd.s32 s10, s11;
	s11 =	sadd.s32 s12, s11  }
0x11: {  	s10 =	sadd.s32 s10, s26;
	s12 =	sadd.s32 s12, s26;
	s26 =	simm.s32 $0x72C0  }
.LBB2_1:
0x12: {  	s7 =	rddreg [dreg:$0x3]  }
0x13: {  	[spmem:s15], [sflag:s8] =	dma.local [hbm:s7], $0x800  }
0x14: {  	_ =	swait.ge [sflag:s16], $0x800  }
0x15: {  	[sflag:s16] =	ssyncset.done $0x0  }
0x16: {  	s17 =	simm.s32 $0x4000;
	[sflag:s16] =	ssyncadd.s32 $0xFFFFF800  }
0x17: {  	[tilespmem:s17], [sflag:$0x1] =	stream.linear.gather [hbm4b:s9+s3], $0xC40, $0x38;
	[tilespmem:$0x15480] =	vst v63  }
0x18: {  	_ =	swait.ge [sflag:s16], $0xC40  }
0x19: {  	[sflag:s16] =	ssyncset.done $0x0  }
0x1a: {  	s18 =	simm.s32 $0x4C40;
	[sflag:s16] =	ssyncadd.s32 $0xFFFFF3C0  }
0x1b: {  	[tilespmem:s18], [sflag:$0x1] =	stream.linear.gather [hbm4b:s10+s3], $0xC40, $0x38;
	[tilespmem:$0x15480] =	vst v63  }
0x1c: {  	_ =	swait.ge [sflag:s16], $0xC40  }
0x1d: {  	[sflag:s16] =	ssyncset.done $0x0  }
0x1e: {  	s19 =	simm.s32 $0x5880;
	[sflag:s16] =	ssyncadd.s32 $0xFFFFF3C0  }
0x1f: {  	[tilespmem:s19], [sflag:$0x1] =	stream.linear.gather [hbm4b:s11+s3], $0xC40, $0x38;
	[tilespmem:$0x15480] =	vst v63  }
0x20: {  	_ =	swait.ge [sflag:s16], $0xC40  }
0x21: {  	[sflag:s16] =	ssyncset.done $0x0  }
0x22: {  	s20 =	simm.s32 $0x64C0;
	[sflag:s16] =	ssyncadd.s32 $0xFFFFF3C0  }
0x23: {  	[tilespmem:s20], [sflag:$0x1] =	stream.linear.gather [hbm4b:s12+s3], $0xC40, $0x38;
	[tilespmem:$0x15480] =	vst v63  }
0x24: {  	_ =	swait.ge [sflag:s16], $0xC40  }
0x25: {  	[sflag:s16] =	ssyncset.done $0x0  }
0x26: {  	s17 =	simm.s32 $0x0;
	[sflag:s16] =	ssyncadd.s32 $0xFFFFF3C0  }
0x27: {  	s18 =	simm.s32 $0x40;
	v0 =	vld [tilespmem:s17+$0x4000]  }
.LBB2_2:
0x28: {  	p0 =	sne.s32 s18, $0x30C0;
	v1 =	vld [tilespmem:s17+$0x4C40];
	_ =	sdelay $0x3  }
.Ltmp0:
0x29: {  	v2 =	vshll.u32 v0, $0x1;
	(pc) =	sbr.rel @p0 .LBB2_2-.Ltmp0, $4  }
0x2a: {  	vm0 =	vgt.s32 v0, $0x61FF;
	v0 =	vadd.s32 $0xFFFF3C01, v2;
	v3 =	vshll.u32 v1, $0x1  }
0x2b: {  	v0 =	vsel vm0, v0, v2;
	vm0 =	vgt.s32 v1, $0x61FF;
	v1 =	vadd.s32 $0xFFFF3C01, v3  }
0x2c: {  	s19 =	sshra.s32 s18, $0x2;
	[tilespmem:s17+$0x4000] =	vst v0;
	v1 =	vsel vm0, v1, v3  }
0x2d: {  	s18 =	sadd.s32 $0x40, s18;
	v0 =	vld [tilespmem:s19+$0x4000];
	[tilespmem:s17+$0x4C40] =	vst v1;
	s17 =	smov.u32 s19  }
0x2e: {  	v1 =	vld [tilespmem:s17+$0x4C40];
	_ =	sdelay $0x3  }
0x2f: {  	v2 =	vshll.u32 v0, $0x1  }
0x30: {  	vm0 =	vgt.s32 v0, $0x61FF;
	v61 =	vadd.s32 $0xFFFF3C01, v2;
	v3 =	vshll.u32 v1, $0x1  }
0x31: {  	vm15 =	vgt.s32 v1, $0x61FF;
	v0 =	vsel vm0, v61, v2;
	v62 =	vadd.s32 $0xFFFF3C01, v3  }
0x32: {  	[tilespmem:s17+$0x4000] =	vst v0;
	v63 =	vsel vm15, v62, v3  }
0x33: {  	[tilespmem:s17+$0x4C40] =	vst v63  }
0x34: {  	s17 =	simm.s32 $0x0;
	[bflag:$0x0] =	sbarrier.arrive $0xFFFF  }
.LBB2_4:
0x35: {  	s18 =	smul.u32 $0xE0, s17;
	_ =	sdelay $0x1  }
0x36: {  	v0 =	vld [tilespmem:s18+$0x4000];
	_ =	sdelay $0x4  }
0x37: {  	[tilespmem:$0x7100] =	vst v0  }
0x38: {  	v0 =	vld [tilespmem:s18+$0x4C40];
	_ =	sdelay $0x4  }
0x39: {  	[tilespmem:$0x71E0] =	vst v0  }
0x3a: {  	v0 =	vld [tilespmem:s18+$0x5880];
	_ =	sdelay $0x4  }
0x3b: {  	[tilespmem:$0x72C0] =	vst v0  }
0x3c: {  	v0 =	vld [tilespmem:s18+$0x64C0];
	_ =	sdelay $0x4  }
0x3d: {  	[tilespmem:$0x73A0] =	vst v0  }
0x3e: {  	v0 =	vld [tilespmem:s18+$0x4010];
	_ =	sdelay $0x4  }
0x3f: {  	[tilespmem:$0x7110] =	vst v0  }
0x40: {  	v0 =	vld [tilespmem:s18+$0x4C50];
	_ =	sdelay $0x4  }
0x41: {  	[tilespmem:$0x71F0] =	vst v0  }
0x42: {  	v0 =	vld [tilespmem:s18+$0x5890];
	_ =	sdelay $0x4  }
0x43: {  	[tilespmem:$0x72D0] =	vst v0  }
0x44: {  	v0 =	vld [tilespmem:s18+$0x64D0];
	_ =	sdelay $0x4  }
0x45: {  	[tilespmem:$0x73B0] =	vst v0  }
0x46: {  	v0 =	vld [tilespmem:s18+$0x4020];
	_ =	sdelay $0x4  }
0x47: {  	[tilespmem:$0x7120] =	vst v0  }
0x48: {  	v0 =	vld [tilespmem:s18+$0x4C60];
	_ =	sdelay $0x4  }
0x49: {  	[tilespmem:$0x7200] =	vst v0  }
0x4a: {  	v0 =	vld [tilespmem:s18+$0x58A0];
	_ =	sdelay $0x4  }
0x4b: {  	[tilespmem:$0x72E0] =	vst v0  }
0x4c: {  	v0 =	vld [tilespmem:s18+$0x64E0];
	_ =	sdelay $0x4  }
0x4d: {  	[tilespmem:$0x73C0] =	vst v0  }
0x4e: {  	v0 =	vld [tilespmem:s18+$0x4030];
	_ =	sdelay $0x4  }
0x4f: {  	[tilespmem:$0x7130] =	vst v0  }
0x50: {  	v0 =	vld [tilespmem:s18+$0x4C70];
	_ =	sdelay $0x4  }
0x51: {  	[tilespmem:$0x7210] =	vst v0  }
0x52: {  	v0 =	vld [tilespmem:s18+$0x58B0];
	_ =	sdelay $0x4  }
0x53: {  	[tilespmem:$0x72F0] =	vst v0  }
0x54: {  	v0 =	vld [tilespmem:s18+$0x64F0];
	_ =	sdelay $0x4  }
0x55: {  	[tilespmem:$0x73D0] =	vst v0  }
0x56: {  	v0 =	vld [tilespmem:s18+$0x4040];
	_ =	sdelay $0x4  }
0x57: {  	[tilespmem:$0x7140] =	vst v0  }
0x58: {  	v0 =	vld [tilespmem:s18+$0x4C80];
	_ =	sdelay $0x4  }
0x59: {  	[tilespmem:$0x7220] =	vst v0  }
0x5a: {  	v0 =	vld [tilespmem:s18+$0x58C0];
	_ =	sdelay $0x4  }
0x5b: {  	[tilespmem:$0x7300] =	vst v0  }
0x5c: {  	v0 =	vld [tilespmem:s18+$0x6500];
	_ =	sdelay $0x4  }
0x5d: {  	[tilespmem:$0x73E0] =	vst v0  }
0x5e: {  	v0 =	vld [tilespmem:s18+$0x4050];
	_ =	sdelay $0x4  }
0x5f: {  	[tilespmem:$0x7150] =	vst v0  }
0x60: {  	v0 =	vld [tilespmem:s18+$0x4C90];
	_ =	sdelay $0x4  }
0x61: {  	[tilespmem:$0x7230] =	vst v0  }
0x62: {  	v0 =	vld [tilespmem:s18+$0x58D0];
	_ =	sdelay $0x4  }
0x63: {  	[tilespmem:$0x7310] =	vst v0  }
0x64: {  	v0 =	vld [tilespmem:s18+$0x6510];
	_ =	sdelay $0x4  }
0x65: {  	[tilespmem:$0x73F0] =	vst v0  }
0x66: {  	v0 =	vld [tilespmem:s18+$0x4060];
	_ =	sdelay $0x4  }
0x67: {  	[tilespmem:$0x7160] =	vst v0  }
0x68: {  	v0 =	vld [tilespmem:s18+$0x4CA0];
	_ =	sdelay $0x4  }
0x69: {  	[tilespmem:$0x7240] =	vst v0  }
0x6a: {  	v0 =	vld [tilespmem:s18+$0x58E0];
	_ =	sdelay $0x4  }
0x6b: {  	[tilespmem:$0x7320] =	vst v0  }
0x6c: {  	v0 =	vld [tilespmem:s18+$0x6520];
	_ =	sdelay $0x4  }
0x6d: {  	[tilespmem:$0x7400] =	vst v0  }
0x6e: {  	v0 =	vld [tilespmem:s18+$0x4070];
	_ =	sdelay $0x4  }
0x6f: {  	[tilespmem:$0x7170] =	vst v0  }
0x70: {  	v0 =	vld [tilespmem:s18+$0x4CB0];
	_ =	sdelay $0x4  }
0x71: {  	[tilespmem:$0x7250] =	vst v0  }
0x72: {  	v0 =	vld [tilespmem:s18+$0x58F0];
	_ =	sdelay $0x4  }
0x73: {  	[tilespmem:$0x7330] =	vst v0  }
0x74: {  	v0 =	vld [tilespmem:s18+$0x6530];
	_ =	sdelay $0x4  }
0x75: {  	[tilespmem:$0x7410] =	vst v0  }
0x76: {  	v0 =	vld [tilespmem:s18+$0x4080];
	_ =	sdelay $0x4  }
0x77: {  	[tilespmem:$0x7180] =	vst v0  }
0x78: {  	v0 =	vld [tilespmem:s18+$0x4CC0];
	_ =	sdelay $0x4  }
0x79: {  	[tilespmem:$0x7260] =	vst v0  }
0x7a: {  	v0 =	vld [tilespmem:s18+$0x5900];
	_ =	sdelay $0x4  }
0x7b: {  	[tilespmem:$0x7340] =	vst v0  }
0x7c: {  	v0 =	vld [tilespmem:s18+$0x6540];
	_ =	sdelay $0x4  }
0x7d: {  	[tilespmem:$0x7420] =	vst v0  }
0x7e: {  	v0 =	vld [tilespmem:s18+$0x4090];
	_ =	sdelay $0x4  }
0x7f: {  	[tilespmem:$0x7190] =	vst v0  }
0x80: {  	v0 =	vld [tilespmem:s18+$0x4CD0];
	_ =	sdelay $0x4  }
0x81: {  	[tilespmem:$0x7270] =	vst v0  }
0x82: {  	v0 =	vld [tilespmem:s18+$0x5910];
	_ =	sdelay $0x4  }
0x83: {  	[tilespmem:$0x7350] =	vst v0  }
0x84: {  	v0 =	vld [tilespmem:s18+$0x6550];
	_ =	sdelay $0x4  }
0x85: {  	[tilespmem:$0x7430] =	vst v0  }
0x86: {  	v0 =	vld [tilespmem:s18+$0x40A0];
	_ =	sdelay $0x4  }
0x87: {  	[tilespmem:$0x71A0] =	vst v0  }
0x88: {  	v0 =	vld [tilespmem:s18+$0x4CE0];
	_ =	sdelay $0x4  }
0x89: {  	[tilespmem:$0x7280] =	vst v0  }
0x8a: {  	v0 =	vld [tilespmem:s18+$0x5920];
	_ =	sdelay $0x4  }
0x8b: {  	[tilespmem:$0x7360] =	vst v0  }
0x8c: {  	v0 =	vld [tilespmem:s18+$0x6560];
	_ =	sdelay $0x4  }
0x8d: {  	[tilespmem:$0x7440] =	vst v0  }
0x8e: {  	v0 =	vld [tilespmem:s18+$0x40B0];
	_ =	sdelay $0x4  }
0x8f: {  	[tilespmem:$0x71B0] =	vst v0  }
0x90: {  	v0 =	vld [tilespmem:s18+$0x4CF0];
	_ =	sdelay $0x4  }
0x91: {  	[tilespmem:$0x7290] =	vst v0  }
0x92: {  	v0 =	vld [tilespmem:s18+$0x5930];
	_ =	sdelay $0x4  }
0x93: {  	[tilespmem:$0x7370] =	vst v0  }
0x94: {  	v0 =	vld [tilespmem:s18+$0x6570];
	_ =	sdelay $0x4  }
0x95: {  	[tilespmem:$0x7450] =	vst v0  }
0x96: {  	v0 =	vld [tilespmem:s18+$0x40C0];
	_ =	sdelay $0x4  }
0x97: {  	[tilespmem:$0x71C0] =	vst v0  }
0x98: {  	v0 =	vld [tilespmem:s18+$0x4D00];
	_ =	sdelay $0x4  }
0x99: {  	[tilespmem:$0x72A0] =	vst v0  }
0x9a: {  	v0 =	vld [tilespmem:s18+$0x5940];
	_ =	sdelay $0x4  }
0x9b: {  	[tilespmem:$0x7380] =	vst v0  }
0x9c: {  	v0 =	vld [tilespmem:s18+$0x6580];
	_ =	sdelay $0x4  }
0x9d: {  	[tilespmem:$0x7460] =	vst v0  }
0x9e: {  	v0 =	vld [tilespmem:s18+$0x40D0];
	_ =	sdelay $0x4  }
0x9f: {  	[tilespmem:$0x71D0] =	vst v0  }
0xa0: {  	v0 =	vld [tilespmem:s18+$0x4D10];
	_ =	sdelay $0x4  }
0xa1: {  	[tilespmem:$0x72B0] =	vst v0  }
0xa2: {  	v0 =	vld [tilespmem:s18+$0x5950];
	_ =	sdelay $0x4  }
0xa3: {  	[tilespmem:$0x7390] =	vst v0  }
0xa4: {  	v0 =	vld [tilespmem:s18+$0x6590];
	_ =	sdelay $0x4  }
0xa5: {  	[tilespmem:$0x7470] =	vst v0  }
0xa6: {  	[tilespmem:s23], [sflag:$0x1] =	stream.indirect.gather [hbm4b:s4+s21], $0x40, s22, s21, $0xb8;
	[tilespmem:$0x15480] =	vst v63  }
0xa7: {  	_ =	swait.ge [sflag:s16], $0x3800  }
0xa8: {  	[sflag:s16] =	ssyncset.done $0x0  }
0xa9: {  	[sflag:s16] =	ssyncadd.s32 $0xFFFFC800  }
0xaa: {  	[tilespmem:s25], [sflag:$0x1] =	stream.indirect.gather [hbm4b:s4+s21], $0x40, s24, s21, $0xb8;
	[tilespmem:$0x15480] =	vst v63  }
0xab: {  	_ =	swait.ge [sflag:s16], $0x3800  }
0xac: {  	[sflag:s16] =	ssyncset.done $0x0  }
0xad: {  	[sflag:s16] =	ssyncadd.s32 $0xFFFFC800  }
0xae: {  	[tilespmem:s28], [sflag:$0x1] =	stream.indirect.gather [spmem:s1], $0x40, s26, s21, $0xb8;
	[tilespmem:$0x15480] =	vst v63  }
0xaf: {  	_ =	swait.ge [sflag:s16], $0x3800  }
0xb0: {  	[sflag:s16] =	ssyncset.done $0x0  }
0xb1: {  	[sflag:s16] =	ssyncadd.s32 $0xFFFFC800  }
0xb2: {  	[tilespmem:s30], [sflag:$0x1] =	stream.indirect.gather [spmem:s1], $0x40, s29, s21, $0xb8;
	[tilespmem:$0x15480] =	vst v63  }
0xb3: {  	_ =	swait.ge [sflag:s16], $0x3800  }
0xb4: {  	[sflag:s16] =	ssyncset.done $0x0  }
0xb5: {  	s19 =	simm.s32 $0x0;
	[sflag:s16] =	ssyncadd.s32 $0xFFFFC800  }
0xb6: {  	v7 =	vld [tilespmem:s19+$0xE480]  }
0xb7: {  	v11 =	vld [tilespmem:s19+$0x11C80]  }
0xb8: {  	v5 =	vld [tilespmem:s19+$0xE490]  }
0xb9: {  	v4 =	vld [tilespmem:s19+$0x11C90]  }
0xba: {  	v3 =	vld [tilespmem:s19+$0xE4A0]  }
0xbb: {  	v2 =	vld [tilespmem:s19+$0x11CA0]  }
0xbc: {  	v1 =	vld [tilespmem:s19+$0xE4B0]  }
0xbd: {  	v0 =	vld [tilespmem:s19+$0x11CB0]  }
0xbe: {  	v12 =	vld [tilespmem:s19+$0x7480]  }
0xbf: {  	v13 =	vld [tilespmem:s19+$0xAC80]  }
0xc0: {  	v10 =	vld [tilespmem:s19+$0x7490]  }
0xc1: {  	v9 =	vld [tilespmem:s19+$0xAC90]  }
0xc2: {  	v8 =	vld [tilespmem:s19+$0x74A0]  }
0xc3: {  	v6 =	vld [tilespmem:s19+$0xACA0];
	v12 =	vadd.f32 v7, v12  }
0xc4: {  	s20 =	simm.s32 $0x100;
	v11 =	vadd.f32 v11, v13;
	v7 =	vld [tilespmem:s19+$0x74B0]  }
.LBB2_5:
0xc5: {  	s7 =	sshra.s32 s20, $0x2;
	p0 =	sne.s32 s20, $0xDF00;
	[tilespmem:s19+$0x7480] =	vst v12;
	v5 =	vadd.f32 v5, v10;
	v10 =	vld [tilespmem:s19+$0xACB0]  }
0xc6: {  	v12 =	vld [tilespmem:s7+$0xE480];
	[tilespmem:s19+$0xAC80] =	vst v11;
	v4 =	vadd.f32 v4, v9  }
0xc7: {  	v11 =	vld [tilespmem:s7+$0x11C80];
	[tilespmem:s19+$0x7490] =	vst v5;
	v3 =	vadd.f32 v3, v8  }
0xc8: {  	v5 =	vld [tilespmem:s7+$0xE490];
	[tilespmem:s19+$0xAC90] =	vst v4;
	v2 =	vadd.f32 v2, v6  }
0xc9: {  	v4 =	vld [tilespmem:s7+$0x11C90];
	[tilespmem:s19+$0x74A0] =	vst v3;
	v1 =	vadd.f32 v1, v7  }
0xca: {  	v3 =	vld [tilespmem:s7+$0xE4A0];
	[tilespmem:s19+$0xACA0] =	vst v2;
	v0 =	vadd.f32 v0, v10  }
0xcb: {  	v2 =	vld [tilespmem:s7+$0x11CA0];
	[tilespmem:s19+$0x74B0] =	vst v1  }
0xcc: {  	v1 =	vld [tilespmem:s7+$0xE4B0];
	[tilespmem:s19+$0xACB0] =	vst v0;
	s19 =	smov.u32 s7  }
0xcd: {  	v0 =	vld [tilespmem:s19+$0x11CB0]  }
0xce: {  	v6 =	vld [tilespmem:s19+$0x7480]  }
0xcf: {  	v7 =	vld [tilespmem:s19+$0xAC80]  }
.Ltmp1:
0xd0: {  	v10 =	vld [tilespmem:s19+$0x7490];
	(pc) =	sbr.rel @p0 .LBB2_5-.Ltmp1, $4  }
0xd1: {  	v9 =	vld [tilespmem:s19+$0xAC90]  }
0xd2: {  	v8 =	vld [tilespmem:s19+$0x74A0]  }
0xd3: {  	v12 =	vadd.f32 v12, v6;
	v6 =	vld [tilespmem:s19+$0xACA0]  }
0xd4: {  	s20 =	sadd.s32 $0x100, s20;
	v11 =	vadd.f32 v11, v7;
	v7 =	vld [tilespmem:s19+$0x74B0]  }
0xd5: {  	[tilespmem:s19+$0x7480] =	vst v12;
	v5 =	vadd.f32 v5, v10;
	v63 =	vld [tilespmem:s19+$0xACB0]  }
0xd6: {  	[tilespmem:s19+$0xAC80] =	vst v11;
	v4 =	vadd.f32 v4, v9  }
0xd7: {  	[tilespmem:s19+$0x7490] =	vst v5;
	v3 =	vadd.f32 v3, v8  }
0xd8: {  	[tilespmem:s19+$0xAC90] =	vst v4;
	v2 =	vadd.f32 v2, v6  }
0xd9: {  	[tilespmem:s19+$0x74A0] =	vst v3;
	v1 =	vadd.f32 v1, v7  }
0xda: {  	s7 =	sadd.s32 s5, s18;
	[tilespmem:s19+$0xACA0] =	vst v2;
	v0 =	vadd.f32 v0, v63  }
0xdb: {  	s7 =	sshll.u32 s7, $0x4;
	[tilespmem:s19+$0x74B0] =	vst v1  }
0xdc: {  	s20 =	sadd.s32 s6, s7;
	[tilespmem:s19+$0xACB0] =	vst v0  }
0xdd: {  	[hbm4b:s20+s31] =	stream.strided.scatter [tilespmem:s23], [sflag:$0x1], $0x3800, s0, s31, $0x38;
	[tilespmem:$0x15480] =	vst v63  }
0xde: {  	s17 =	sadd.s32 $0x1, s17;
	_ =	swait.ge [sflag:s16], $0x3800  }
0xdf: {  	p0 =	sne.s32 s17, $0xE;
	[sflag:s16] =	ssyncset.done $0x0  }
.Ltmp2:
0xe0: {  	s7 =	sadd.s32 s7, s13;
	[sflag:s16] =	ssyncadd.s32 $0xFFFFC800;
	(pc) =	sbr.rel @p0 .LBB2_4-.Ltmp2, $4  }
0xe1: {  	[hbm4b:s7+s31] =	stream.strided.scatter [tilespmem:s25], [sflag:$0x1], $0x3800, s0, s31, $0x38;
	[tilespmem:$0x15480] =	vst v63  }
0xe2: {  	_ =	swait.ge [sflag:s16], $0x3800  }
0xe3: {  	[sflag:s16] =	ssyncset.done $0x0  }
0xe4: {  	[sflag:s16] =	ssyncadd.s32 $0xFFFFC800  }
0xe5: {  	s2 =	sadd.s32 $0x1, s2  }
0xe6: {  	p0 =	sne.s32 s2, s14  }
.Ltmp3:
0xe7: {  	_ = 	snop;
	(pc) =	sbr.rel @p0 .LBB2_1-.Ltmp3, $1  }
0xe8: {  	_ =	sdelay $0x3  }
0xe9: {  	_ =	sfence.sel $0x180000  }
0xea: {  	[bflag:$0x0] =	sbarrier.arrive $0xFFFF  }
0xeb: {  	_ =	strace $0x90000047  }
0xec: {  	s0 =	stileid.u32;
	[bflag:$0x2] =	sbarrier.arrive $0xFFFF  }
0xed: {  	p0 =	sne.s32 s0, $0x0;
	s0 =	rddreg [dreg:$0x2]  }
0xee: {  	s0 =	sadd.s32 @!p0 $0x100000, s0  }
0xef: {  	[sflag:s0] =	ssyncadd.tile.s32 @!p0 $0x1;
	_ =	shalt  }
.Lfunc_end2:
_tile_overlayer_lowered:
.L_overlay_start_2:
0xf0: {  	(tag) =	ssettag $0x2  }
0xf1: {  	s0 =	rddreg [dreg:$0x0];
	s2 =	stileid.u32  }
0xf2: {  	s1 =	rddreg [dreg:$0x1];
	p0 =	sne.s32 s2, $0x0  }
0xf3: {  	s3 =	rddreg [dreg:$0x2];
	[bflag:$0x3] =	sbarrier.arrive $0xFFFF;
	s2 =	simm.s32 @!p0 $0x1C01  }
0xf4: {  	[timem:s3], [sflag:s2] =	dma.local @!p0 [hbm:s0], s1  }
0xf5: {  	s0 =	simm.s32 @!p0 $0x1  }
0xf6: {  	_ =	swait.ge @!p0 [sflag:s0], s1  }
0xf7: {  	s1 =	ssub.s32 @!p0 $0x0, s1;
	[sflag:s0] =	ssyncset.done @!p0 $0x0  }
0xf8: {  	[sflag:s0] =	ssyncadd.s32 @!p0 s1  }
0xf9: {  	[bflag:$0x3] =	sbarrier.arrive $0xFFFF  }
0xfa: {  	_ =	shalt  }

// kernel: kernel.15.cloned.1.call-start
scs
__scs_entry_jumppad:
0x0: {  	(pc) =	sbr.rel $0x88, $3  }
0x1: {  	(tag) =	ssettag $0x0;
	lr =	simm.s32 $0x1  }
0x2: {  	[smem:$0x3F73] =	sst lr;
	_ =	strace $0xD0000000  }
0x3: {  	_ = 	snop  }
0x4: {  	_ = 	snop  }
0x5: {  	_ = 	snop  }
0x6: {  	_ = 	snop  }
0x7: {  	_ = 	snop  }
__scs_overlays_trampoline_lowered:
0x8: {  	[smem:$0x3F82] =	sst s0  }
0x9: {  	[smem:$0x3F83] =	sst s1  }
0xa: {  	[smem:$0x3F84] =	sst s2  }
0xb: {  	[smem:$0x3F85] =	sst s3  }
0xc: {  	[smem:$0x3F86] =	sst s4  }
0xd: {  	[smem:$0x3F87] =	sst s5  }
0xe: {  	[smem:$0x3F88] =	sst s6  }
0xf: {  	[smem:$0x3F89] =	sst s7  }
0x10: {  	[smem:$0x3F8A] =	sst s8  }
0x11: {  	[smem:$0x3F8B] =	sst s9;
	s0 =	simm.s32 @!p0 $0x0  }
0x12: {  	s1 =	sld [smem:$0x3F71];
	s0 =	simm.s32 @p0 $0x1  }
0x13: {  	[smem:$0x3F8C] =	sst s0;
	s0 =	simm.s32 @!p1 $0x0  }
0x14: {  	s2 =	sld [smem:$0x3F70];
	s0 =	simm.s32 @p1 $0x1  }
0x15: {  	[smem:$0x3F8D] =	sst s0;
	s0 =	simm.s32 @!p2 $0x0  }
0x16: {  	s3 =	sld [smem:$0x3FDB];
	s0 =	simm.s32 @p2 $0x1  }
0x17: {  	s4 =	simm.s32 $0x1BF5;
	[smem:$0x3F8F] =	sst s0  }
0x18: {  	s0 =	sld [smem:$0x3F72];
	_ =	swait.ge [sflag:s4], $0x0  }
0x19: {  	s7 =	sld [smem:$0x3F73]  }
0x1a: {  	s8 =	sadd.s32 $0xFFFFE003, lr  }
0x1b: {  	s9 =	sadd.s32 $0xFFFFFEF7, lr;
	s5 =	simm.s32 $0xFFFFFFFF;
	p2 =	slt.u32 s8, $0xFFFFF086  }
0x1c: {  	p1 =	slt.u32 s9, $0xF7A;
	s5 =	simm.s32 @!p2 $0x0  }
0x1d: {  	s5 =	simm.s32 @p1 $0x1;
	p0 =	seq.s32 s7, s2  }
0x1e: {  	s7 =	smul.u32 @!p0 $0xF7A, s2;
	p2 =	seq.s32 @!p0 s5, $0x0  }
0x1f: {  	s9 =	smul.u32 $0xF7A, s1;
	s8 =	simm.s32 @!p0 $0x1BF5;
	p2 =	por !p2, p0  }
0x20: {  	[sflag:s8] =	ssyncset.s32 @!p0 $0xFFFFF086;
	s6 =	sadd.s32 @!p0 s3, s7;
	s7 =	simm.s32 @!p0 $0x108  }
0x21: {  	s3 =	sadd.s32 s3, s9;
	s6 =	sadd.s32 @!p0 $0x88, s6;
	s7 =	simm.s32 @p2 $0x1082  }
0x22: {  	[simem:s7], [sflag:s8] =	dma.local @!p0 [hbm:s6], $0xF7A  }
0x23: {  	s9 =	sor.u32 $0xD0000000, s2;
	s6 =	simm.s32 $0x108;
	_ =	swait.ge @!p0 [sflag:s8], $0x0  }
0x24: {  	s3 =	sadd.s32 $0x88, s3;
	s6 =	simm.s32 @!p1 $0x1082;
	[sflag:s4] =	ssyncset.s32 $0xFFFFF086  }
0x25: {  	[simem:s6], [sflag:s4] =	dma.local [hbm:s3], $0xF7A  }
0x26: {  	[smem:$0x3F73] =	sst s1;
	(tag) =	ssettag s2;
	_ =	strace s9  }
0x27: {  	s1 =	sld [smem:$0x3F83]  }
0x28: {  	s2 =	sld [smem:$0x3F84]  }
0x29: {  	s4 =	sld [smem:$0x3F86]  }
0x2a: {  	p0 =	seq.s32 s5, $0x0;
	s5 =	sld [smem:$0x3F87]  }
0x2b: {  	s6 =	sld [smem:$0x3F88]  }
0x2c: {  	s7 =	sld [smem:$0x3F89]  }
0x2d: {  	s3 =	simm.s32 $0x108;
	s8 =	sld [smem:$0x3F8A]  }
0x2e: {  	s3 =	simm.s32 @!p0 $0x1082;
	s9 =	sld [smem:$0x3F8B]  }
0x2f: {  	lr =	sadd.s32 s0, s3;
	s0 =	sld [smem:$0x3F82]  }
0x30: {  	s3 =	sld [smem:$0x3F85]  }
0x31: {  	[smem:$0x3F8E] =	sst s10  }
0x32: {  	s10 =	sld [smem:$0x3F8C];
	_ =	sdelay $0x3  }
0x33: {  	p0 =	seq.s32 s10, $0x1;
	s10 =	sld [smem:$0x3F8E];
	_ =	sdelay $0x3  }
0x34: {  	[smem:$0x3F8E] =	sst s10  }
0x35: {  	s10 =	sld [smem:$0x3F8D];
	_ =	sdelay $0x3  }
0x36: {  	p1 =	seq.s32 s10, $0x1;
	s10 =	sld [smem:$0x3F8E];
	_ =	sdelay $0x3  }
0x37: {  	[smem:$0x3F8E] =	sst s10  }
0x38: {  	s10 =	sld [smem:$0x3F8F]  }
0x39: {  	_ = 	snop;
	(pc) =	sbr.ind lr, $3  }
0x3a: {  	_ = 	snop  }
0x3b: {  	_ = 	snop  }
0x3c: {  	p2 =	seq.s32 s10, $0x1;
	s10 =	sld [smem:$0x3F8E]  }
0x3d: {  	_ =	shalt  }
0x3e: {  	_ =	shalt  }
0x3f: {  	_ =	shalt  }
0x40: {  	_ =	shalt  }
0x41: {  	_ =	shalt  }
0x42: {  	_ =	shalt  }
0x43: {  	_ =	shalt  }
0x44: {  	_ =	shalt  }
0x45: {  	_ =	shalt  }
0x46: {  	_ =	shalt  }
0x47: {  	_ =	shalt  }
0x48: {  	_ =	shalt  }
0x49: {  	_ =	shalt  }
0x4a: {  	_ =	shalt  }
0x4b: {  	_ =	shalt  }
0x4c: {  	_ =	shalt  }
0x4d: {  	_ =	shalt  }
0x4e: {  	_ =	shalt  }
0x4f: {  	_ =	shalt  }
0x50: {  	_ =	shalt  }
0x51: {  	_ =	shalt  }
0x52: {  	_ =	shalt  }
0x53: {  	_ =	shalt  }
0x54: {  	_ =	shalt  }
0x55: {  	_ =	shalt  }
0x56: {  	_ =	shalt  }
0x57: {  	_ =	shalt  }
0x58: {  	_ =	shalt  }
0x59: {  	_ =	shalt  }
0x5a: {  	_ =	shalt  }
0x5b: {  	_ =	shalt  }
0x5c: {  	_ =	shalt  }
0x5d: {  	_ =	shalt  }
0x5e: {  	_ =	shalt  }
0x5f: {  	_ =	shalt  }
0x60: {  	_ =	shalt  }
0x61: {  	_ =	shalt  }
0x62: {  	_ =	shalt  }
0x63: {  	_ =	shalt  }
0x64: {  	_ =	shalt  }
0x65: {  	_ =	shalt  }
0x66: {  	_ =	shalt  }
0x67: {  	_ =	shalt  }
0x68: {  	_ =	shalt  }
0x69: {  	_ =	shalt  }
0x6a: {  	_ =	shalt  }
0x6b: {  	_ =	shalt  }
0x6c: {  	_ =	shalt  }
0x6d: {  	_ =	shalt  }
0x6e: {  	_ =	shalt  }
0x6f: {  	_ =	shalt  }
0x70: {  	_ =	shalt  }
0x71: {  	_ =	shalt  }
0x72: {  	_ =	shalt  }
0x73: {  	_ =	shalt  }
0x74: {  	_ =	shalt  }
0x75: {  	_ =	shalt  }
0x76: {  	_ =	shalt  }
0x77: {  	_ =	shalt  }
0x78: {  	_ =	shalt  }
0x79: {  	_ =	shalt  }
0x7a: {  	_ =	shalt  }
0x7b: {  	_ =	shalt  }
0x7c: {  	_ =	shalt  }
0x7d: {  	_ =	shalt  }
0x7e: {  	_ =	shalt  }
0x7f: {  	_ =	shalt  }
0x80: {  	_ =	shalt  }
0x81: {  	_ =	shalt  }
0x82: {  	_ =	shalt  }
0x83: {  	_ =	shalt  }
0x84: {  	_ =	shalt  }
0x85: {  	_ =	shalt  }
0x86: {  	_ =	shalt  }
0x87: {  	_ =	shalt  }
.Lfunc_end0:
.L_simem_size_0:
called_computation.1_lowered:
.L_overlay_start_0:
0x88: {  	s2 =	sld [smem:$0x3FD9]  }
0x89: {  	s3 =	sld [smem:$0x3FFE];
	_ =	sdelay $0x1  }
0x8a: {  	s1 =	srdreg.scid  }
0x8b: {  	s0 =	sand.u32 $0x1, s1  }
0x8c: {  	s16 =	sshll.u32 s0, $0xA;
	s2 =	sadd.s32 s3, s2  }
0x8d: {  	s2 =	sadd.s32 s2, s16  }
0x8e: {  	[smem:$0x3F9A] =	sst s2  }
0x8f: {  	_ = 	snop  }
0x90: {  	(tm) =	ssettm $0x1  }
0x91: {  	s17 =	sld [smem:$0x3FFB];
	_ =	sdelay $0x3  }
0x92: {  	_ =	strace s17  }
0x93: {  	s2 =	sld [smem:$0x3FFC];
	_ =	sdelay $0x3  }
0x94: {  	_ =	strace s2  }
0x95: {  	s2 =	sld [smem:$0x3FFD];
	_ =	sdelay $0x3  }
0x96: {  	_ =	strace s2  }
0x97: {  	_ =	strace $0x8FFFFFFF  }
0x98: {  	s18 =	sld [smem:$0x3FDB];
	_ =	sdelay $0x1  }
0x99: {  	s19 =	simm.s32 $_scs_section_size  }
0x9a: {  	s4 =	simm.s32 $_size__tile_overlayer_lowered;
	s5 =	simm.s32 $_tile_overlayer_lowered  }
0x9b: {  	s22 =	simm.s32 $0x1BFF;
	s21 =	sshll.u32 s5, $0x1;
	s2 =	sadd.s32 s19, s18  }
0x9c: {  	s6 =	simm.s32 $0x0;
	s20 =	sshll.u32 s4, $0x1;
	s4 =	sadd.s32 s21, s2  }
0x9d: {  	[timem:s6], [sflag:s22] =	dma.local [hbm:s4], s20  }
0x9e: {  	_ =	swait.ge [sflag:s22], s20  }
0x9f: {  	s3 =	ssub.s32 $0x0, s20;
	[sflag:s22] =	ssyncset.done $0x0  }
0xa0: {  	[sflag:s22] =	ssyncadd.s32 s3;
	_ =	sdelay $0x1  }
0xa1: {  	s23 =	simm.s32 $0x1B8B  }
0xa2: {  	_ =	swait.ge [sflag:s23], $0x1  }
0xa3: {  	[sflag:s23] =	ssyncset.done $0x0  }
0xa4: {  	s25 =	simm.s32 $0x1B8E;
	s24 =	sld [smem:$0x3FFE];
	[sflag:s23] =	ssyncadd.s32 $0xFFFFFFFF  }
0xa5: {  	s26 =	simm.s32 $execute0_lowered;
	[smem:$0x3FD2] =	sst s25  }
0xa6: {  	s4 =	sshll.u32 s26, $0x1;
	_ =	strace $0x80000049;
	[dreg:$0x1] =	wrdreg $0xFFFFFFFF  }
0xa7: {  	s28 =	simm.s32 $_size_execute0_lowered;
	s2 =	sadd.s32 s2, s4;
	[dreg:$0x0] =	wrdreg $0x0  }
0xa8: {  	s4 =	sshll.u32 s28, $0x1;
	[dreg:$0x2] =	wrdreg s2  }
0xa9: {  	[dreg:$0x3] =	wrdreg s4  }
0xaa: {  	[dreg:$0x4] =	wrdreg $0xC0  }
0xab: {  	_ =	task [dreg:s6], $0x5FFFF  }
0xac: {  	[dreg:$0x1] =	wrdreg $0xFFFFFFFF  }
0xad: {  	[dreg:$0x0] =	wrdreg $0x60  }
0xae: {  	[dreg:$0x2] =	wrdreg s24  }
0xaf: {  	[dreg:$0x3] =	wrdreg $0x0  }
0xb0: {  	[dreg:$0x4] =	wrdreg $0x9  }
0xb1: {  	_ =	task.clear_ibuf [dreg:s6], $0x5FFFF;
	_ =	strace $0x90000049  }
0xb2: {  	s29 =	simm.s32 $0x9;
	_ =	strace $0x8000004B  }
0xb3: {  	_ =	swait.ge [sflag:s29], $0x1  }
0xb4: {  	[sflag:s29] =	ssyncadd.s32 $0xFFFFFFFF  }
0xb5: {  	_ =	strace $0x9000004B  }
0xb6: {  	_ =	sfence  }
0xb7: {  	s30 =	sld [smem:$0x0];
	_ =	sdelay $0x2  }
0xb8: {  	s31 =	sshll.u32 s1, $0xD;
	s1 =	sshrl.u32 s1, $0x2  }
0xb9: {  	s3 =	sand.u32 $0x4000, s31;
	s1 =	sadd.s32 s1, s30  }
0xba: {  	s0 =	sor.u32 s3, s0;
	s1 =	sshll.u32 s1, $0x11  }
0xbb: {  	s0 =	sor.u32 s1, s0  }
0xbc: {  	s0 =	sadd.s32 $0x8F2B, s0  }
0xbd: {  	[sflag:s0] =	ssyncadd.remote.s32 $0x1  }
0xbe: {  	_ =	sfence.sel $0xFFFF  }
0xbf: {  	[dreg:$0x0] =	wrdreg $0xFFFFFFFF;
	(pc) =	sbr.abs _section_cstart, $3  }
0xc0: {  	[dreg:$0x1] =	wrdreg $0xFFFFFFFF  }
0xc1: {  	_ =	task.clear_ibuf [dreg:s6], $0x2FFFF;
	_ =	strace $0x9FFFFFFF  }
0xc2: {  	(tm) =	ssettm $0x7FFFFFFF  }
0xc3: {  	_ =	shalt  }
tec
execute0_lowered:
.L_overlay_start_1:
0x0: {  	(tag) =	ssettag $0x1  }
0x1: {  	s3 =	rddreg [dreg:$0x0];
	s0 =	srdreg.scid  }
0x2: {  	s1 =	rddreg [dreg:$0x1];
	s2 =	simm.s32 $0x0;
	s13 =	simm.s32 $0x41C0  }
0x3: {  	s14 =	simm.s32 $0x40;
	s15 =	simm.s32 $0x80;
	s16 =	simm.s32 $0x4380  }
0x4: {  	s17 =	simm.s32 $0xB380;
	s4 =	sand.u32 $0x1, s0;
	s0 =	rddreg [dreg:$0x2]  }
0x5: {  	s18 =	simm.s32 $0x1C0;
	s19 =	simm.s32 $0x0;
	[smem:$0x7FF] =	sst s2  }
0x6: {  	s9 =	sadd.s32 $0x18600, s3;
	s5 =	smul.u32 $0xC4000, s4;
	s6 =	ssub.s32 $0x2, s4  }
0x7: {  	s29 =	sshll.u32 s4, $0x3;
	s10 =	smul.u32 $0xC400, s4;
	s8 =	sshrl.u32 s6, $0x1  }
0x8: {  	s7 =	sadd.s32 s5, s3;
	s5 =	sadd.s32 s29, s3;
	s3 =	stileid.u32  }
0x9: {  	_ =	strace $0x8000004A;
	s6 =	ssub.s32 s6, s8;
	s31 =	smul.u32 $0xC40, s3  }
0xa: {  	s30 =	sshll.u32 s3, $0xC;
	s11 =	sshll.u32 s3, $0xE;
	s12 =	smul.u32 $0xC400, s3  }
0xb: {  	s6 =	smax.u32 s6, $0x1;
	s5 =	sadd.s32 s30, s5;
	s4 =	sadd.s32 s11, s1  }
0xc: {  	s11 =	simm.s32 $0x1;
	s5 =	sadd.s32 $0xE2800, s5;
	s8 =	sadd.s32 s31, s10  }
0xd: {  	s7 =	sadd.s32 s12, s7;
	s12 =	simm.s32 $0x4000;
	s10 =	sadd.s32 $0x18800, s8  }
0xe: {  	s7 =	sadd.s32 $0x2CCC08, s7;
	s8 =	sshrl.u32 s8, $0x3;
	s10 =	sshrl.u32 s10, $0x3  }
0xf: {  	v0 =	vimm.f32 $0.0e+00;
	s8 =	sadd.s32 s8, s9;
	s9 =	sadd.s32 s10, s9;
	s10 =	simm.s32 $0x12380  }
.LBB2_1:
0x10: {  	s21 =	simm.s32 $0x100;
	s20 =	simm.s32 $0x0  }
.LBB2_2:
0x11: {  	p0 =	sne.s32 s21, $0xFF00;
	[tilespmem:s20+$0x123B0] =	vst v0;
	s22 =	smov.u32 s21;
	s21 =	sadd.s32 $0x100, s21  }
.Ltmp0:
0x12: {  	[tilespmem:s20+$0x123A0] =	vst v0;
	(pc) =	sbr.rel @p0 .LBB2_2-.Ltmp0, $3  }
0x13: {  	[tilespmem:s20+$0x12380] =	vst v0  }
0x14: {  	[tilespmem:s20+$0x12390] =	vst v0;
	_ =	sdelay $0x1  }
0x15: {  	s20 =	sshra.s32 s22, $0x2  }
0x16: {  	[tilespmem:s20+$0x123B0] =	vst v0  }
0x17: {  	[tilespmem:s20+$0x123A0] =	vst v0  }
0x18: {  	[tilespmem:s20+$0x12380] =	vst v0  }
0x19: {  	[tilespmem:s20+$0x12390] =	vst v0  }
0x1a: {  	[spmem:s4] =	stream.linear.scatter [tilespmem:s10], [sflag:$0x1], $0x4000, $0x38;
	[tilespmem:$0x16380] =	vst v63  }
0x1b: {  	_ =	swait.ge [sflag:s11], $0x4000  }
0x1c: {  	[sflag:s11] =	ssyncset.done $0x0  }
0x1d: {  	[sflag:s11] =	ssyncadd.s32 $0xFFFFC000  }
0x1e: {  	s29 =	sadd.s32 $0x0, s8;
	[bflag:$0x0] =	sbarrier.arrive $0xFFFF  }
0x1f: {  	[tilespmem:s12], [sflag:$0x1] =	stream.linear.gather [hbm4b:s29+s2], $0x1C0, $0x38;
	[tilespmem:$0x16380] =	vst v63  }
0x20: {  	_ =	swait.ge [sflag:s11], $0x1C0  }
0x21: {  	[sflag:s11] =	ssyncset.done $0x0  }
0x22: {  	s30 =	sadd.s32 $0x0, s9;
	[sflag:s11] =	ssyncadd.s32 $0xFFFFFE40  }
0x23: {  	[tilespmem:s13], [sflag:$0x1] =	stream.linear.gather [hbm4b:s30+s2], $0x1C0, $0x38;
	[tilespmem:$0x16380] =	vst v63  }
0x24: {  	_ =	swait.ge [sflag:s11], $0x1C0  }
0x25: {  	[sflag:s11] =	ssyncset.done $0x0  }
0x26: {  	s31 =	sadd.s32 $0xFFFFFFF8, s7;
	[sflag:s11] =	ssyncadd.s32 $0xFFFFFE40  }
0x27: {  	[tilespmem:s16], [sflag:$0x1] =	stream.strided.gather [hbm4b:s31+s14], $0x7000, s15, s14, $0x38;
	[tilespmem:$0x16380] =	vst v63  }
0x28: {  	_ =	swait.ge [sflag:s11], $0x7000  }
0x29: {  	[sflag:s11] =	ssyncset.done $0x0  }
0x2a: {  	[sflag:s11] =	ssyncadd.s32 $0xFFFF9000  }
0x2b: {  	[tilespmem:s17], [sflag:$0x1] =	stream.strided.gather [hbm4b:s7+s14], $0x7000, s15, s14, $0x38;
	[tilespmem:$0x16380] =	vst v63  }
0x2c: {  	_ =	swait.ge [sflag:s11], $0x7000  }
0x2d: {  	[sflag:s11] =	ssyncset.done $0x0  }
0x2e: {  	[sflag:s11] =	ssyncadd.s32 $0xFFFF9000  }
0x2f: {  	[spmem:s1] =	stream.indirect.scatter.add.f32 [tilespmem:s16], [sflag:$0x1], $0x40, s12, s18, $0xb8;
	[tilespmem:$0x16380] =	vst v63  }
0x30: {  	_ =	swait.ge [sflag:s11], $0x7000  }
0x31: {  	[sflag:s11] =	ssyncset.done $0x0  }
0x32: {  	[sflag:s11] =	ssyncadd.s32 $0xFFFF9000  }
0x33: {  	[spmem:s1] =	stream.indirect.scatter.add.f32 [tilespmem:s17], [sflag:$0x1], $0x40, s13, s18, $0xb8;
	[tilespmem:$0x16380] =	vst v63  }
0x34: {  	s21 =	simm.s32 $0x38;
	_ =	swait.ge [sflag:s11], $0x7000  }
0x35: {  	s22 =	simm.s32 $0x70;
	s20 =	sadd.s32 $0x1C00, s7;
	[sflag:s11] =	ssyncset.done $0x0  }
.LBB2_4:
0x36: {  	s23 =	sadd.s32 s21, s8  }
0x37: {  	[sflag:s11] =	ssyncadd.s32 $0xFFFF9000;
	s24 =	smov.u32 s22;
	s25 =	sadd.s32 $0x38, s22  }
0x38: {  	[tilespmem:s12], [sflag:$0x1] =	stream.linear.gather [hbm4b:s23+s2], $0x1C0, $0x38;
	[tilespmem:$0x16380] =	vst v63  }
0x39: {  	p0 =	sne.s32 s22, $0x150;
	_ =	swait.ge [sflag:s11], $0x1C0  }
0x3a: {  	[sflag:s11] =	ssyncset.done $0x0  }
0x3b: {  	s22 =	sadd.s32 s21, s9;
	s21 =	smov.u32 s24;
	[sflag:s11] =	ssyncadd.s32 $0xFFFFFE40  }
0x3c: {  	[tilespmem:s13], [sflag:$0x1] =	stream.linear.gather [hbm4b:s22+s2], $0x1C0, $0x38;
	[tilespmem:$0x16380] =	vst v63  }
0x3d: {  	_ =	swait.ge [sflag:s11], $0x1C0  }
0x3e: {  	[sflag:s11] =	ssyncset.done $0x0  }
0x3f: {  	s22 =	sadd.s32 $0xFFFFFFF8, s20;
	[sflag:s11] =	ssyncadd.s32 $0xFFFFFE40  }
0x40: {  	[tilespmem:s16], [sflag:$0x1] =	stream.strided.gather [hbm4b:s22+s14], $0x7000, s15, s14, $0x38;
	[tilespmem:$0x16380] =	vst v63  }
0x41: {  	_ =	swait.ge [sflag:s11], $0x7000  }
0x42: {  	[sflag:s11] =	ssyncset.done $0x0  }
0x43: {  	[sflag:s11] =	ssyncadd.s32 $0xFFFF9000  }
0x44: {  	[tilespmem:s17], [sflag:$0x1] =	stream.strided.gather [hbm4b:s20+s14], $0x7000, s15, s14, $0x38;
	[tilespmem:$0x16380] =	vst v63  }
0x45: {  	_ =	swait.ge [sflag:s11], $0x7000  }
0x46: {  	[sflag:s11] =	ssyncset.done $0x0  }
0x47: {  	[sflag:s11] =	ssyncadd.s32 $0xFFFF9000  }
0x48: {  	[spmem:s1] =	stream.indirect.scatter.add.f32 [tilespmem:s16], [sflag:$0x1], $0x40, s12, s18, $0xb8;
	[tilespmem:$0x16380] =	vst v63  }
0x49: {  	_ =	swait.ge [sflag:s11], $0x7000  }
.Ltmp1:
0x4a: {  	[sflag:s11] =	ssyncset.done $0x0;
	(pc) =	sbr.rel @p0 .LBB2_4-.Ltmp1, $4  }
0x4b: {  	[sflag:s11] =	ssyncadd.s32 $0xFFFF9000  }
0x4c: {  	[spmem:s1] =	stream.indirect.scatter.add.f32 [tilespmem:s17], [sflag:$0x1], $0x40, s13, s18, $0xb8;
	[tilespmem:$0x16380] =	vst v63  }
0x4d: {  	_ =	swait.ge [sflag:s11], $0x7000  }
0x4e: {  	s22 =	smov.u32 s25;
	s20 =	sadd.s32 $0x1C00, s20;
	[sflag:s11] =	ssyncset.done $0x0  }
0x4f: {  	s22 =	sadd.s32 s21, s8;
	[sflag:s11] =	ssyncadd.s32 $0xFFFF9000  }
0x50: {  	[tilespmem:s12], [sflag:$0x1] =	stream.linear.gather [hbm4b:s22+s2], $0x1C0, $0x38;
	[tilespmem:$0x16380] =	vst v63  }
0x51: {  	_ =	swait.ge [sflag:s11], $0x1C0  }
0x52: {  	[sflag:s11] =	ssyncset.done $0x0  }
0x53: {  	s30 =	sadd.s32 s21, s9;
	[sflag:s11] =	ssyncadd.s32 $0xFFFFFE40  }
0x54: {  	[tilespmem:s13], [sflag:$0x1] =	stream.linear.gather [hbm4b:s30+s2], $0x1C0, $0x38;
	[tilespmem:$0x16380] =	vst v63  }
0x55: {  	_ =	swait.ge [sflag:s11], $0x1C0  }
0x56: {  	[sflag:s11] =	ssyncset.done $0x0  }
0x57: {  	s31 =	sadd.s32 $0xFFFFFFF8, s20;
	[sflag:s11] =	ssyncadd.s32 $0xFFFFFE40  }
0x58: {  	[tilespmem:s16], [sflag:$0x1] =	stream.strided.gather [hbm4b:s31+s14], $0x7000, s15, s14, $0x38;
	[tilespmem:$0x16380] =	vst v63  }
0x59: {  	_ =	swait.ge [sflag:s11], $0x7000  }
0x5a: {  	[sflag:s11] =	ssyncset.done $0x0  }
0x5b: {  	[sflag:s11] =	ssyncadd.s32 $0xFFFF9000  }
0x5c: {  	[tilespmem:s17], [sflag:$0x1] =	stream.strided.gather [hbm4b:s20+s14], $0x7000, s15, s14, $0x38;
	[tilespmem:$0x16380] =	vst v63  }
0x5d: {  	_ =	swait.ge [sflag:s11], $0x7000  }
0x5e: {  	[sflag:s11] =	ssyncset.done $0x0  }
0x5f: {  	[sflag:s11] =	ssyncadd.s32 $0xFFFF9000  }
0x60: {  	[spmem:s1] =	stream.indirect.scatter.add.f32 [tilespmem:s16], [sflag:$0x1], $0x40, s12, s18, $0xb8;
	[tilespmem:$0x16380] =	vst v63  }
0x61: {  	_ =	swait.ge [sflag:s11], $0x7000  }
0x62: {  	[sflag:s11] =	ssyncset.done $0x0  }
0x63: {  	[sflag:s11] =	ssyncadd.s32 $0xFFFF9000  }
0x64: {  	[spmem:s1] =	stream.indirect.scatter.add.f32 [tilespmem:s17], [sflag:$0x1], $0x40, s13, s18, $0xb8;
	[tilespmem:$0x16380] =	vst v63  }
0x65: {  	_ =	swait.ge [sflag:s11], $0x7000  }
0x66: {  	[sflag:s11] =	ssyncset.done $0x0  }
0x67: {  	[sflag:s11] =	ssyncadd.s32 $0xFFFF9000  }
0x68: {  	[bflag:$0x0] =	sbarrier.arrive $0xFFFF  }
0x69: {  	[tilespmem:s10], [sflag:$0x1] =	stream.linear.gather [spmem:s4], $0x4000, $0x38;
	[tilespmem:$0x16380] =	vst v63  }
0x6a: {  	s19 =	sadd.s32 $0x1, s19;
	_ =	swait.ge [sflag:s11], $0x4000  }
0x6b: {  	p0 =	sne.s32 s19, s6;
	[sflag:s11] =	ssyncset.done $0x0  }
.Ltmp2:
0x6c: {  	[sflag:s11] =	ssyncadd.s32 $0xFFFFC000;
	(pc) =	sbr.rel @p0 .LBB2_1-.Ltmp2, $4  }
0x6d: {  	[hbm4b:s5+s14] =	stream.strided.scatter [tilespmem:s10], [sflag:$0x1], $0x4000, s15, s14, $0x38;
	[tilespmem:$0x16380] =	vst v63  }
0x6e: {  	_ =	swait.ge [sflag:s11], $0x4000  }
0x6f: {  	[sflag:s11] =	ssyncset.done $0x0  }
0x70: {  	[sflag:s11] =	ssyncadd.s32 $0xFFFFC000  }
0x71: {  	_ =	sfence.sel $0x180000  }
0x72: {  	[bflag:$0x0] =	sbarrier.arrive $0xFFFF  }
0x73: {  	p0 =	sne.s32 s3, $0x0;
	_ =	strace $0x9000004A  }
0x74: {  	s0 =	sadd.s32 @!p0 $0x100000, s0;
	[bflag:$0x2] =	sbarrier.arrive $0xFFFF  }
0x75: {  	[sflag:s0] =	ssyncadd.tile.s32 @!p0 $0x1;
	_ =	shalt  }
.Lfunc_end2:
_tile_overlayer_lowered:
.L_overlay_start_2:
0x76: {  	(tag) =	ssettag $0x2  }
0x77: {  	s0 =	rddreg [dreg:$0x0];
	s2 =	stileid.u32  }
0x78: {  	s1 =	rddreg [dreg:$0x1];
	p0 =	sne.s32 s2, $0x0  }
0x79: {  	s3 =	rddreg [dreg:$0x2];
	[bflag:$0x3] =	sbarrier.arrive $0xFFFF;
	s2 =	simm.s32 @!p0 $0x1C01  }
0x7a: {  	[timem:s3], [sflag:s2] =	dma.local @!p0 [hbm:s0], s1  }
0x7b: {  	s0 =	simm.s32 @!p0 $0x1  }
0x7c: {  	_ =	swait.ge @!p0 [sflag:s0], s1  }
0x7d: {  	s1 =	ssub.s32 @!p0 $0x0, s1;
	[sflag:s0] =	ssyncset.done @!p0 $0x0  }
0x7e: {  	[sflag:s0] =	ssyncadd.s32 @!p0 s1  }
0x7f: {  	[bflag:$0x3] =	sbarrier.arrive $0xFFFF  }
0x80: {  	_ =	shalt  }

// kernel: kernel.18.cloned.1.call-start
scs
__scs_entry_jumppad:
0x0: {  	(pc) =	sbr.rel $0x88, $3  }
0x1: {  	(tag) =	ssettag $0x0;
	lr =	simm.s32 $0x1  }
0x2: {  	[smem:$0x3F73] =	sst lr;
	_ =	strace $0xD0000000  }
0x3: {  	_ = 	snop  }
0x4: {  	_ = 	snop  }
0x5: {  	_ = 	snop  }
0x6: {  	_ = 	snop  }
0x7: {  	_ = 	snop  }
__scs_overlays_trampoline_lowered:
0x8: {  	[smem:$0x3F82] =	sst s0  }
0x9: {  	[smem:$0x3F83] =	sst s1  }
0xa: {  	[smem:$0x3F84] =	sst s2  }
0xb: {  	[smem:$0x3F85] =	sst s3  }
0xc: {  	[smem:$0x3F86] =	sst s4  }
0xd: {  	[smem:$0x3F87] =	sst s5  }
0xe: {  	[smem:$0x3F88] =	sst s6  }
0xf: {  	[smem:$0x3F89] =	sst s7  }
0x10: {  	[smem:$0x3F8A] =	sst s8  }
0x11: {  	[smem:$0x3F8B] =	sst s9;
	s0 =	simm.s32 @!p0 $0x0  }
0x12: {  	s1 =	sld [smem:$0x3F71];
	s0 =	simm.s32 @p0 $0x1  }
0x13: {  	[smem:$0x3F8C] =	sst s0;
	s0 =	simm.s32 @!p1 $0x0  }
0x14: {  	s2 =	sld [smem:$0x3F70];
	s0 =	simm.s32 @p1 $0x1  }
0x15: {  	[smem:$0x3F8D] =	sst s0;
	s0 =	simm.s32 @!p2 $0x0  }
0x16: {  	s3 =	sld [smem:$0x3FDB];
	s0 =	simm.s32 @p2 $0x1  }
0x17: {  	s4 =	simm.s32 $0x1BF5;
	[smem:$0x3F8F] =	sst s0  }
0x18: {  	s0 =	sld [smem:$0x3F72];
	_ =	swait.ge [sflag:s4], $0x0  }
0x19: {  	s7 =	sld [smem:$0x3F73]  }
0x1a: {  	s8 =	sadd.s32 $0xFFFFE003, lr  }
0x1b: {  	s9 =	sadd.s32 $0xFFFFFEF7, lr;
	s5 =	simm.s32 $0xFFFFFFFF;
	p2 =	slt.u32 s8, $0xFFFFF086  }
0x1c: {  	p1 =	slt.u32 s9, $0xF7A;
	s5 =	simm.s32 @!p2 $0x0  }
0x1d: {  	s5 =	simm.s32 @p1 $0x1;
	p0 =	seq.s32 s7, s2  }
0x1e: {  	s7 =	smul.u32 @!p0 $0xF7A, s2;
	p2 =	seq.s32 @!p0 s5, $0x0  }
0x1f: {  	s9 =	smul.u32 $0xF7A, s1;
	s8 =	simm.s32 @!p0 $0x1BF5;
	p2 =	por !p2, p0  }
0x20: {  	[sflag:s8] =	ssyncset.s32 @!p0 $0xFFFFF086;
	s6 =	sadd.s32 @!p0 s3, s7;
	s7 =	simm.s32 @!p0 $0x108  }
0x21: {  	s3 =	sadd.s32 s3, s9;
	s6 =	sadd.s32 @!p0 $0x88, s6;
	s7 =	simm.s32 @p2 $0x1082  }
0x22: {  	[simem:s7], [sflag:s8] =	dma.local @!p0 [hbm:s6], $0xF7A  }
0x23: {  	s9 =	sor.u32 $0xD0000000, s2;
	s6 =	simm.s32 $0x108;
	_ =	swait.ge @!p0 [sflag:s8], $0x0  }
0x24: {  	s3 =	sadd.s32 $0x88, s3;
	s6 =	simm.s32 @!p1 $0x1082;
	[sflag:s4] =	ssyncset.s32 $0xFFFFF086  }
0x25: {  	[simem:s6], [sflag:s4] =	dma.local [hbm:s3], $0xF7A  }
0x26: {  	[smem:$0x3F73] =	sst s1;
	(tag) =	ssettag s2;
	_ =	strace s9  }
0x27: {  	s1 =	sld [smem:$0x3F83]  }
0x28: {  	s2 =	sld [smem:$0x3F84]  }
0x29: {  	s4 =	sld [smem:$0x3F86]  }
0x2a: {  	p0 =	seq.s32 s5, $0x0;
	s5 =	sld [smem:$0x3F87]  }
0x2b: {  	s6 =	sld [smem:$0x3F88]  }
0x2c: {  	s7 =	sld [smem:$0x3F89]  }
0x2d: {  	s3 =	simm.s32 $0x108;
	s8 =	sld [smem:$0x3F8A]  }
0x2e: {  	s3 =	simm.s32 @!p0 $0x1082;
	s9 =	sld [smem:$0x3F8B]  }
0x2f: {  	lr =	sadd.s32 s0, s3;
	s0 =	sld [smem:$0x3F82]  }
0x30: {  	s3 =	sld [smem:$0x3F85]  }
0x31: {  	[smem:$0x3F8E] =	sst s10  }
0x32: {  	s10 =	sld [smem:$0x3F8C];
	_ =	sdelay $0x3  }
0x33: {  	p0 =	seq.s32 s10, $0x1;
	s10 =	sld [smem:$0x3F8E];
	_ =	sdelay $0x3  }
0x34: {  	[smem:$0x3F8E] =	sst s10  }
0x35: {  	s10 =	sld [smem:$0x3F8D];
	_ =	sdelay $0x3  }
0x36: {  	p1 =	seq.s32 s10, $0x1;
	s10 =	sld [smem:$0x3F8E];
	_ =	sdelay $0x3  }
0x37: {  	[smem:$0x3F8E] =	sst s10  }
0x38: {  	s10 =	sld [smem:$0x3F8F]  }
0x39: {  	_ = 	snop;
	(pc) =	sbr.ind lr, $3  }
0x3a: {  	_ = 	snop  }
0x3b: {  	_ = 	snop  }
0x3c: {  	p2 =	seq.s32 s10, $0x1;
	s10 =	sld [smem:$0x3F8E]  }
0x3d: {  	_ =	shalt  }
0x3e: {  	_ =	shalt  }
0x3f: {  	_ =	shalt  }
0x40: {  	_ =	shalt  }
0x41: {  	_ =	shalt  }
0x42: {  	_ =	shalt  }
0x43: {  	_ =	shalt  }
0x44: {  	_ =	shalt  }
0x45: {  	_ =	shalt  }
0x46: {  	_ =	shalt  }
0x47: {  	_ =	shalt  }
0x48: {  	_ =	shalt  }
0x49: {  	_ =	shalt  }
0x4a: {  	_ =	shalt  }
0x4b: {  	_ =	shalt  }
0x4c: {  	_ =	shalt  }
0x4d: {  	_ =	shalt  }
0x4e: {  	_ =	shalt  }
0x4f: {  	_ =	shalt  }
0x50: {  	_ =	shalt  }
0x51: {  	_ =	shalt  }
0x52: {  	_ =	shalt  }
0x53: {  	_ =	shalt  }
0x54: {  	_ =	shalt  }
0x55: {  	_ =	shalt  }
0x56: {  	_ =	shalt  }
0x57: {  	_ =	shalt  }
0x58: {  	_ =	shalt  }
0x59: {  	_ =	shalt  }
0x5a: {  	_ =	shalt  }
0x5b: {  	_ =	shalt  }
0x5c: {  	_ =	shalt  }
0x5d: {  	_ =	shalt  }
0x5e: {  	_ =	shalt  }
0x5f: {  	_ =	shalt  }
0x60: {  	_ =	shalt  }
0x61: {  	_ =	shalt  }
0x62: {  	_ =	shalt  }
0x63: {  	_ =	shalt  }
0x64: {  	_ =	shalt  }
0x65: {  	_ =	shalt  }
0x66: {  	_ =	shalt  }
0x67: {  	_ =	shalt  }
0x68: {  	_ =	shalt  }
0x69: {  	_ =	shalt  }
0x6a: {  	_ =	shalt  }
0x6b: {  	_ =	shalt  }
0x6c: {  	_ =	shalt  }
0x6d: {  	_ =	shalt  }
0x6e: {  	_ =	shalt  }
0x6f: {  	_ =	shalt  }
0x70: {  	_ =	shalt  }
0x71: {  	_ =	shalt  }
0x72: {  	_ =	shalt  }
0x73: {  	_ =	shalt  }
0x74: {  	_ =	shalt  }
0x75: {  	_ =	shalt  }
0x76: {  	_ =	shalt  }
0x77: {  	_ =	shalt  }
0x78: {  	_ =	shalt  }
0x79: {  	_ =	shalt  }
0x7a: {  	_ =	shalt  }
0x7b: {  	_ =	shalt  }
0x7c: {  	_ =	shalt  }
0x7d: {  	_ =	shalt  }
0x7e: {  	_ =	shalt  }
0x7f: {  	_ =	shalt  }
0x80: {  	_ =	shalt  }
0x81: {  	_ =	shalt  }
0x82: {  	_ =	shalt  }
0x83: {  	_ =	shalt  }
0x84: {  	_ =	shalt  }
0x85: {  	_ =	shalt  }
0x86: {  	_ =	shalt  }
0x87: {  	_ =	shalt  }
.Lfunc_end0:
.L_simem_size_0:
called_computation.2_lowered:
.L_overlay_start_0:
0x88: {  	s2 =	sld [smem:$0x3FD9]  }
0x89: {  	s3 =	sld [smem:$0x3FFE];
	_ =	sdelay $0x1  }
0x8a: {  	s1 =	srdreg.scid  }
0x8b: {  	s0 =	sand.u32 $0x1, s1  }
0x8c: {  	s17 =	sshll.u32 s0, $0xA;
	s2 =	sadd.s32 s3, s2  }
0x8d: {  	s2 =	sadd.s32 s2, s17  }
0x8e: {  	[smem:$0x3F9A] =	sst s2  }
0x8f: {  	_ = 	snop  }
0x90: {  	s2 =	sld [smem:$0x3FD0];
	(tm) =	ssettm $0x1  }
0x91: {  	s18 =	sld [smem:$0x3FFB];
	_ =	sdelay $0x3  }
0x92: {  	_ =	strace s18  }
0x93: {  	s3 =	sld [smem:$0x3FFC];
	_ =	sdelay $0x3  }
0x94: {  	_ =	strace s3  }
0x95: {  	s3 =	sld [smem:$0x3FFD];
	_ =	sdelay $0x3  }
0x96: {  	_ =	strace s3  }
0x97: {  	_ =	strace $0x8FFFFFFF  }
0x98: {  	s19 =	sld [smem:$0x3FDB];
	_ =	sdelay $0x1  }
0x99: {  	s4 =	simm.s32 $_scs_section_size  }
0x9a: {  	s5 =	simm.s32 $_size__tile_overlayer_lowered;
	s6 =	simm.s32 $_tile_overlayer_lowered  }
0x9b: {  	s22 =	simm.s32 $0x1BFF;
	s21 =	sshll.u32 s6, $0x1;
	s3 =	sadd.s32 s4, s19  }
0x9c: {  	s7 =	simm.s32 $0x0;
	s20 =	sshll.u32 s5, $0x1;
	s5 =	sadd.s32 s21, s3  }
0x9d: {  	[timem:s7], [sflag:s22] =	dma.local [hbm:s5], s20  }
0x9e: {  	_ =	swait.ge [sflag:s22], s20  }
0x9f: {  	s4 =	ssub.s32 $0x0, s20;
	[sflag:s22] =	ssyncset.done $0x0  }
0xa0: {  	[sflag:s22] =	ssyncadd.s32 s4;
	_ =	sdelay $0x1  }
0xa1: {  	s23 =	simm.s32 $0x1B8B  }
0xa2: {  	_ =	swait.ge [sflag:s23], $0x1  }
0xa3: {  	[sflag:s23] =	ssyncset.done $0x0  }
0xa4: {  	s25 =	simm.s32 $0x1B8E;
	s24 =	sld [smem:$0x3FFE];
	[sflag:s23] =	ssyncadd.s32 $0xFFFFFFFF  }
0xa5: {  	s26 =	simm.s32 $execute0_lowered;
	[smem:$0x3FD2] =	sst s25  }
0xa6: {  	s5 =	sshll.u32 s26, $0x1;
	_ =	strace $0x8000004C;
	[dreg:$0x1] =	wrdreg $0xFFFFFFFF  }
0xa7: {  	s28 =	simm.s32 $_size_execute0_lowered;
	s3 =	sadd.s32 s3, s5;
	[dreg:$0x0] =	wrdreg $0x0  }
0xa8: {  	s5 =	sshll.u32 s28, $0x1;
	[dreg:$0x2] =	wrdreg s3  }
0xa9: {  	[dreg:$0x3] =	wrdreg s5  }
0xaa: {  	[dreg:$0x4] =	wrdreg $0xC0  }
0xab: {  	_ =	task [dreg:s7], $0x5FFFF  }
0xac: {  	[dreg:$0x1] =	wrdreg $0xFFFFFFFF  }
0xad: {  	[dreg:$0x0] =	wrdreg $0x60  }
0xae: {  	[dreg:$0x2] =	wrdreg s24  }
0xaf: {  	[dreg:$0x3] =	wrdreg s2  }
0xb0: {  	[dreg:$0x4] =	wrdreg $0x0  }
0xb1: {  	[dreg:$0x5] =	wrdreg $0x9  }
0xb2: {  	_ =	task.clear_ibuf [dreg:s7], $0x6FFFF;
	_ =	strace $0x9000004C  }
0xb3: {  	s29 =	simm.s32 $0x9;
	_ =	strace $0x8000004E  }
0xb4: {  	_ =	swait.ge [sflag:s29], $0x1  }
0xb5: {  	[sflag:s29] =	ssyncadd.s32 $0xFFFFFFFF  }
0xb6: {  	_ =	strace $0x9000004E  }
0xb7: {  	_ =	sfence  }
0xb8: {  	s30 =	sld [smem:$0x0];
	_ =	sdelay $0x2  }
0xb9: {  	s31 =	sshll.u32 s1, $0xD;
	s1 =	sshrl.u32 s1, $0x2  }
0xba: {  	s3 =	sand.u32 $0x4000, s31;
	s1 =	sadd.s32 s1, s30  }
0xbb: {  	s0 =	sor.u32 s3, s0;
	s1 =	sshll.u32 s1, $0x11  }
0xbc: {  	s0 =	sor.u32 s1, s0  }
0xbd: {  	s0 =	sadd.s32 $0x8F2B, s0  }
0xbe: {  	[sflag:s0] =	ssyncadd.remote.s32 $0x1  }
0xbf: {  	_ =	sfence.sel $0xFFFF  }
0xc0: {  	[dreg:$0x0] =	wrdreg $0xFFFFFFFF;
	(pc) =	sbr.abs _section_cstart, $3  }
0xc1: {  	[dreg:$0x1] =	wrdreg $0xFFFFFFFF  }
0xc2: {  	_ =	task.clear_ibuf [dreg:s7], $0x2FFFF;
	_ =	strace $0x9FFFFFFF  }
0xc3: {  	(tm) =	ssettm $0x7FFFFFFF  }
tec
execute0_lowered:
.L_overlay_start_1:
0x0: {  	(tag) =	ssettag $0x1  }
0x1: {  	s0 =	rddreg [dreg:$0x0]  }
0x2: {  	s3 =	rddreg [dreg:$0x1]  }
0x3: {  	s1 =	rddreg [dreg:$0x2]  }
0x4: {  	s2 =	simm.s32 $0x0;
	s5 =	srdreg.scid;
	s11 =	stileid.u32  }
0x5: {  	s16 =	simm.s32 $0x1;
	s21 =	simm.s32 $0xE0;
	s22 =	simm.s32 $0x7100  }
0x6: {  	s28 =	simm.s32 $0xE480;
	s29 =	simm.s32 $0x73A0;
	s30 =	simm.s32 $0x11C80  }
0x7: {  	s31 =	simm.s32 $0x40;
	[smem:$0x7FF] =	sst s2;
	s4 =	sadd.s32 $0x1E800, s0  }
0x8: {  	s10 =	sadd.s32 $0x10600, s0;
	s5 =	sand.u32 $0x1, s5;
	s6 =	sshll.u32 s11, $0x1  }
0x9: {  	s12 =	sadd.s32 $0xA400, s0;
	s9 =	sshll.u32 s11, $0xE;
	s23 =	sshll.u32 s11, $0xB  }
0xa: {  	s24 =	sshll.u32 s11, $0x6;
	s13 =	sadd.s32 $0xE2808, s0;
	_ =	strace $0x8000004D  }
0xb: {  	s7 =	ssub.s32 $0x2, s5;
	s5 =	sor.u32 s5, s6;
	s6 =	sadd.s32 $0xE2800, s0  }
0xc: {  	s15 =	sadd.s32 s9, s1;
	s3 =	sadd.s32 s3, s23;
	s23 =	simm.s32 $0x7480  }
0xd: {  	s0 =	simm.s32 $0x80;
	s8 =	sshrl.u32 s7, $0x1;
	s5 =	smul.u32 $0xC40, s5  }
0xe: {  	[dreg:$0x4] =	wrdreg s3;
	s15 =	sshrl.u32 s15, $0x3;
	s3 =	simm.s32 $0x0  }
0xf: {  	s14 =	ssub.s32 s7, s8;
	s8 =	sor.u32 $0x1C01, s24;
	s25 =	sshrl.u32 s5, $0x3  }
0x10: {  	s24 =	simm.s32 $0x71E0;
	s14 =	smax.u32 s14, $0x1;
	s26 =	sadd.s32 $0x3100, s25  }
0x11: {  	s9 =	sadd.s32 s10, s25;
	s11 =	sadd.s32 s12, s25;
	s25 =	simm.s32 $0xAC80  }
0x12: {  	s10 =	sadd.s32 s10, s26;
	s12 =	sadd.s32 s12, s26;
	s26 =	simm.s32 $0x72C0  }
.LBB2_1:
0x13: {  	s7 =	rddreg [dreg:$0x4]  }
0x14: {  	[spmem:s15], [sflag:s8] =	dma.local [hbm:s7], $0x800  }
0x15: {  	_ =	swait.ge [sflag:s16], $0x800  }
0x16: {  	[sflag:s16] =	ssyncset.done $0x0  }
0x17: {  	s17 =	simm.s32 $0x4000;
	[sflag:s16] =	ssyncadd.s32 $0xFFFFF800  }
0x18: {  	[tilespmem:s17], [sflag:$0x1] =	stream.linear.gather [hbm4b:s9+s2], $0xC40, $0x38;
	[tilespmem:$0x15480] =	vst v63  }
0x19: {  	_ =	swait.ge [sflag:s16], $0xC40  }
0x1a: {  	[sflag:s16] =	ssyncset.done $0x0  }
0x1b: {  	s18 =	simm.s32 $0x4C40;
	[sflag:s16] =	ssyncadd.s32 $0xFFFFF3C0  }
0x1c: {  	[tilespmem:s18], [sflag:$0x1] =	stream.linear.gather [hbm4b:s10+s2], $0xC40, $0x38;
	[tilespmem:$0x15480] =	vst v63  }
0x1d: {  	_ =	swait.ge [sflag:s16], $0xC40  }
0x1e: {  	[sflag:s16] =	ssyncset.done $0x0  }
0x1f: {  	s19 =	simm.s32 $0x5880;
	[sflag:s16] =	ssyncadd.s32 $0xFFFFF3C0  }
0x20: {  	[tilespmem:s19], [sflag:$0x1] =	stream.linear.gather [hbm4b:s11+s2], $0xC40, $0x38;
	[tilespmem:$0x15480] =	vst v63  }
0x21: {  	_ =	swait.ge [sflag:s16], $0xC40  }
0x22: {  	[sflag:s16] =	ssyncset.done $0x0  }
0x23: {  	s20 =	simm.s32 $0x64C0;
	[sflag:s16] =	ssyncadd.s32 $0xFFFFF3C0  }
0x24: {  	[tilespmem:s20], [sflag:$0x1] =	stream.linear.gather [hbm4b:s12+s2], $0xC40, $0x38;
	[tilespmem:$0x15480] =	vst v63  }
0x25: {  	_ =	swait.ge [sflag:s16], $0xC40  }
0x26: {  	[sflag:s16] =	ssyncset.done $0x0  }
0x27: {  	s17 =	simm.s32 $0x0;
	[sflag:s16] =	ssyncadd.s32 $0xFFFFF3C0  }
0x28: {  	s18 =	simm.s32 $0x40;
	v0 =	vld [tilespmem:s17+$0x4000]  }
.LBB2_2:
0x29: {  	p0 =	sne.s32 s18, $0x30C0;
	v1 =	vld [tilespmem:s17+$0x4C40];
	_ =	sdelay $0x3  }
.Ltmp0:
0x2a: {  	v2 =	vshll.u32 v0, $0x1;
	(pc) =	sbr.rel @p0 .LBB2_2-.Ltmp0, $4  }
0x2b: {  	vm0 =	vgt.s32 v0, $0x61FF;
	v0 =	vadd.s32 $0xFFFF3C01, v2;
	v3 =	vshll.u32 v1, $0x1  }
0x2c: {  	v0 =	vsel vm0, v0, v2;
	vm0 =	vgt.s32 v1, $0x61FF;
	v1 =	vadd.s32 $0xFFFF3C01, v3  }
0x2d: {  	s19 =	sshra.s32 s18, $0x2;
	[tilespmem:s17+$0x4000] =	vst v0;
	v1 =	vsel vm0, v1, v3  }
0x2e: {  	s18 =	sadd.s32 $0x40, s18;
	v0 =	vld [tilespmem:s19+$0x4000];
	[tilespmem:s17+$0x4C40] =	vst v1;
	s17 =	smov.u32 s19  }
0x2f: {  	v1 =	vld [tilespmem:s17+$0x4C40];
	_ =	sdelay $0x3  }
0x30: {  	v2 =	vshll.u32 v0, $0x1  }
0x31: {  	vm0 =	vgt.s32 v0, $0x61FF;
	v61 =	vadd.s32 $0xFFFF3C01, v2;
	v3 =	vshll.u32 v1, $0x1  }
0x32: {  	vm15 =	vgt.s32 v1, $0x61FF;
	v0 =	vsel vm0, v61, v2;
	v62 =	vadd.s32 $0xFFFF3C01, v3  }
0x33: {  	[tilespmem:s17+$0x4000] =	vst v0;
	v63 =	vsel vm15, v62, v3  }
0x34: {  	[tilespmem:s17+$0x4C40] =	vst v63  }
0x35: {  	s17 =	simm.s32 $0x0;
	[bflag:$0x0] =	sbarrier.arrive $0xFFFF  }
.LBB2_4:
0x36: {  	s18 =	smul.u32 $0xE0, s17;
	_ =	sdelay $0x1  }
0x37: {  	v0 =	vld [tilespmem:s18+$0x4000];
	_ =	sdelay $0x4  }
0x38: {  	[tilespmem:$0x7100] =	vst v0  }
0x39: {  	v0 =	vld [tilespmem:s18+$0x4C40];
	_ =	sdelay $0x4  }
0x3a: {  	[tilespmem:$0x71E0] =	vst v0  }
0x3b: {  	v0 =	vld [tilespmem:s18+$0x5880];
	_ =	sdelay $0x4  }
0x3c: {  	[tilespmem:$0x72C0] =	vst v0  }
0x3d: {  	v0 =	vld [tilespmem:s18+$0x64C0];
	_ =	sdelay $0x4  }
0x3e: {  	[tilespmem:$0x73A0] =	vst v0  }
0x3f: {  	v0 =	vld [tilespmem:s18+$0x4010];
	_ =	sdelay $0x4  }
0x40: {  	[tilespmem:$0x7110] =	vst v0  }
0x41: {  	v0 =	vld [tilespmem:s18+$0x4C50];
	_ =	sdelay $0x4  }
0x42: {  	[tilespmem:$0x71F0] =	vst v0  }
0x43: {  	v0 =	vld [tilespmem:s18+$0x5890];
	_ =	sdelay $0x4  }
0x44: {  	[tilespmem:$0x72D0] =	vst v0  }
0x45: {  	v0 =	vld [tilespmem:s18+$0x64D0];
	_ =	sdelay $0x4  }
0x46: {  	[tilespmem:$0x73B0] =	vst v0  }
0x47: {  	v0 =	vld [tilespmem:s18+$0x4020];
	_ =	sdelay $0x4  }
0x48: {  	[tilespmem:$0x7120] =	vst v0  }
0x49: {  	v0 =	vld [tilespmem:s18+$0x4C60];
	_ =	sdelay $0x4  }
0x4a: {  	[tilespmem:$0x7200] =	vst v0  }
0x4b: {  	v0 =	vld [tilespmem:s18+$0x58A0];
	_ =	sdelay $0x4  }
0x4c: {  	[tilespmem:$0x72E0] =	vst v0  }
0x4d: {  	v0 =	vld [tilespmem:s18+$0x64E0];
	_ =	sdelay $0x4  }
0x4e: {  	[tilespmem:$0x73C0] =	vst v0  }
0x4f: {  	v0 =	vld [tilespmem:s18+$0x4030];
	_ =	sdelay $0x4  }
0x50: {  	[tilespmem:$0x7130] =	vst v0  }
0x51: {  	v0 =	vld [tilespmem:s18+$0x4C70];
	_ =	sdelay $0x4  }
0x52: {  	[tilespmem:$0x7210] =	vst v0  }
0x53: {  	v0 =	vld [tilespmem:s18+$0x58B0];
	_ =	sdelay $0x4  }
0x54: {  	[tilespmem:$0x72F0] =	vst v0  }
0x55: {  	v0 =	vld [tilespmem:s18+$0x64F0];
	_ =	sdelay $0x4  }
0x56: {  	[tilespmem:$0x73D0] =	vst v0  }
0x57: {  	v0 =	vld [tilespmem:s18+$0x4040];
	_ =	sdelay $0x4  }
0x58: {  	[tilespmem:$0x7140] =	vst v0  }
0x59: {  	v0 =	vld [tilespmem:s18+$0x4C80];
	_ =	sdelay $0x4  }
0x5a: {  	[tilespmem:$0x7220] =	vst v0  }
0x5b: {  	v0 =	vld [tilespmem:s18+$0x58C0];
	_ =	sdelay $0x4  }
0x5c: {  	[tilespmem:$0x7300] =	vst v0  }
0x5d: {  	v0 =	vld [tilespmem:s18+$0x6500];
	_ =	sdelay $0x4  }
0x5e: {  	[tilespmem:$0x73E0] =	vst v0  }
0x5f: {  	v0 =	vld [tilespmem:s18+$0x4050];
	_ =	sdelay $0x4  }
0x60: {  	[tilespmem:$0x7150] =	vst v0  }
0x61: {  	v0 =	vld [tilespmem:s18+$0x4C90];
	_ =	sdelay $0x4  }
0x62: {  	[tilespmem:$0x7230] =	vst v0  }
0x63: {  	v0 =	vld [tilespmem:s18+$0x58D0];
	_ =	sdelay $0x4  }
0x64: {  	[tilespmem:$0x7310] =	vst v0  }
0x65: {  	v0 =	vld [tilespmem:s18+$0x6510];
	_ =	sdelay $0x4  }
0x66: {  	[tilespmem:$0x73F0] =	vst v0  }
0x67: {  	v0 =	vld [tilespmem:s18+$0x4060];
	_ =	sdelay $0x4  }
0x68: {  	[tilespmem:$0x7160] =	vst v0  }
0x69: {  	v0 =	vld [tilespmem:s18+$0x4CA0];
	_ =	sdelay $0x4  }
0x6a: {  	[tilespmem:$0x7240] =	vst v0  }
0x6b: {  	v0 =	vld [tilespmem:s18+$0x58E0];
	_ =	sdelay $0x4  }
0x6c: {  	[tilespmem:$0x7320] =	vst v0  }
0x6d: {  	v0 =	vld [tilespmem:s18+$0x6520];
	_ =	sdelay $0x4  }
0x6e: {  	[tilespmem:$0x7400] =	vst v0  }
0x6f: {  	v0 =	vld [tilespmem:s18+$0x4070];
	_ =	sdelay $0x4  }
0x70: {  	[tilespmem:$0x7170] =	vst v0  }
0x71: {  	v0 =	vld [tilespmem:s18+$0x4CB0];
	_ =	sdelay $0x4  }
0x72: {  	[tilespmem:$0x7250] =	vst v0  }
0x73: {  	v0 =	vld [tilespmem:s18+$0x58F0];
	_ =	sdelay $0x4  }
0x74: {  	[tilespmem:$0x7330] =	vst v0  }
0x75: {  	v0 =	vld [tilespmem:s18+$0x6530];
	_ =	sdelay $0x4  }
0x76: {  	[tilespmem:$0x7410] =	vst v0  }
0x77: {  	v0 =	vld [tilespmem:s18+$0x4080];
	_ =	sdelay $0x4  }
0x78: {  	[tilespmem:$0x7180] =	vst v0  }
0x79: {  	v0 =	vld [tilespmem:s18+$0x4CC0];
	_ =	sdelay $0x4  }
0x7a: {  	[tilespmem:$0x7260] =	vst v0  }
0x7b: {  	v0 =	vld [tilespmem:s18+$0x5900];
	_ =	sdelay $0x4  }
0x7c: {  	[tilespmem:$0x7340] =	vst v0  }
0x7d: {  	v0 =	vld [tilespmem:s18+$0x6540];
	_ =	sdelay $0x4  }
0x7e: {  	[tilespmem:$0x7420] =	vst v0  }
0x7f: {  	v0 =	vld [tilespmem:s18+$0x4090];
	_ =	sdelay $0x4  }
0x80: {  	[tilespmem:$0x7190] =	vst v0  }
0x81: {  	v0 =	vld [tilespmem:s18+$0x4CD0];
	_ =	sdelay $0x4  }
0x82: {  	[tilespmem:$0x7270] =	vst v0  }
0x83: {  	v0 =	vld [tilespmem:s18+$0x5910];
	_ =	sdelay $0x4  }
0x84: {  	[tilespmem:$0x7350] =	vst v0  }
0x85: {  	v0 =	vld [tilespmem:s18+$0x6550];
	_ =	sdelay $0x4  }
0x86: {  	[tilespmem:$0x7430] =	vst v0  }
0x87: {  	v0 =	vld [tilespmem:s18+$0x40A0];
	_ =	sdelay $0x4  }
0x88: {  	[tilespmem:$0x71A0] =	vst v0  }
0x89: {  	v0 =	vld [tilespmem:s18+$0x4CE0];
	_ =	sdelay $0x4  }
0x8a: {  	[tilespmem:$0x7280] =	vst v0  }
0x8b: {  	v0 =	vld [tilespmem:s18+$0x5920];
	_ =	sdelay $0x4  }
0x8c: {  	[tilespmem:$0x7360] =	vst v0  }
0x8d: {  	v0 =	vld [tilespmem:s18+$0x6560];
	_ =	sdelay $0x4  }
0x8e: {  	[tilespmem:$0x7440] =	vst v0  }
0x8f: {  	v0 =	vld [tilespmem:s18+$0x40B0];
	_ =	sdelay $0x4  }
0x90: {  	[tilespmem:$0x71B0] =	vst v0  }
0x91: {  	v0 =	vld [tilespmem:s18+$0x4CF0];
	_ =	sdelay $0x4  }
0x92: {  	[tilespmem:$0x7290] =	vst v0  }
0x93: {  	v0 =	vld [tilespmem:s18+$0x5930];
	_ =	sdelay $0x4  }
0x94: {  	[tilespmem:$0x7370] =	vst v0  }
0x95: {  	v0 =	vld [tilespmem:s18+$0x6570];
	_ =	sdelay $0x4  }
0x96: {  	[tilespmem:$0x7450] =	vst v0  }
0x97: {  	v0 =	vld [tilespmem:s18+$0x40C0];
	_ =	sdelay $0x4  }
0x98: {  	[tilespmem:$0x71C0] =	vst v0  }
0x99: {  	v0 =	vld [tilespmem:s18+$0x4D00];
	_ =	sdelay $0x4  }
0x9a: {  	[tilespmem:$0x72A0] =	vst v0  }
0x9b: {  	v0 =	vld [tilespmem:s18+$0x5940];
	_ =	sdelay $0x4  }
0x9c: {  	[tilespmem:$0x7380] =	vst v0  }
0x9d: {  	v0 =	vld [tilespmem:s18+$0x6580];
	_ =	sdelay $0x4  }
0x9e: {  	[tilespmem:$0x7460] =	vst v0  }
0x9f: {  	v0 =	vld [tilespmem:s18+$0x40D0];
	_ =	sdelay $0x4  }
0xa0: {  	[tilespmem:$0x71D0] =	vst v0  }
0xa1: {  	v0 =	vld [tilespmem:s18+$0x4D10];
	_ =	sdelay $0x4  }
0xa2: {  	[tilespmem:$0x72B0] =	vst v0  }
0xa3: {  	v0 =	vld [tilespmem:s18+$0x5950];
	_ =	sdelay $0x4  }
0xa4: {  	[tilespmem:$0x7390] =	vst v0  }
0xa5: {  	v0 =	vld [tilespmem:s18+$0x6590];
	_ =	sdelay $0x4  }
0xa6: {  	[tilespmem:$0x7470] =	vst v0  }
0xa7: {  	[tilespmem:s23], [sflag:$0x1] =	stream.indirect.gather [hbm4b:s4+s21], $0x40, s22, s21, $0xb8;
	[tilespmem:$0x15480] =	vst v63  }
0xa8: {  	_ =	swait.ge [sflag:s16], $0x3800  }
0xa9: {  	[sflag:s16] =	ssyncset.done $0x0  }
0xaa: {  	[sflag:s16] =	ssyncadd.s32 $0xFFFFC800  }
0xab: {  	[tilespmem:s25], [sflag:$0x1] =	stream.indirect.gather [hbm4b:s4+s21], $0x40, s24, s21, $0xb8;
	[tilespmem:$0x15480] =	vst v63  }
0xac: {  	_ =	swait.ge [sflag:s16], $0x3800  }
0xad: {  	[sflag:s16] =	ssyncset.done $0x0  }
0xae: {  	[sflag:s16] =	ssyncadd.s32 $0xFFFFC800  }
0xaf: {  	[tilespmem:s28], [sflag:$0x1] =	stream.indirect.gather [spmem:s1], $0x40, s26, s21, $0xb8;
	[tilespmem:$0x15480] =	vst v63  }
0xb0: {  	_ =	swait.ge [sflag:s16], $0x3800  }
0xb1: {  	[sflag:s16] =	ssyncset.done $0x0  }
0xb2: {  	[sflag:s16] =	ssyncadd.s32 $0xFFFFC800  }
0xb3: {  	[tilespmem:s30], [sflag:$0x1] =	stream.indirect.gather [spmem:s1], $0x40, s29, s21, $0xb8;
	[tilespmem:$0x15480] =	vst v63  }
0xb4: {  	_ =	swait.ge [sflag:s16], $0x3800  }
0xb5: {  	[sflag:s16] =	ssyncset.done $0x0  }
0xb6: {  	s19 =	simm.s32 $0x0;
	[sflag:s16] =	ssyncadd.s32 $0xFFFFC800  }
0xb7: {  	v7 =	vld [tilespmem:s19+$0xE480]  }
0xb8: {  	v11 =	vld [tilespmem:s19+$0x11C80]  }
0xb9: {  	v5 =	vld [tilespmem:s19+$0xE490]  }
0xba: {  	v4 =	vld [tilespmem:s19+$0x11C90]  }
0xbb: {  	v3 =	vld [tilespmem:s19+$0xE4A0]  }
0xbc: {  	v2 =	vld [tilespmem:s19+$0x11CA0]  }
0xbd: {  	v1 =	vld [tilespmem:s19+$0xE4B0]  }
0xbe: {  	v0 =	vld [tilespmem:s19+$0x11CB0]  }
0xbf: {  	v12 =	vld [tilespmem:s19+$0x7480]  }
0xc0: {  	v13 =	vld [tilespmem:s19+$0xAC80]  }
0xc1: {  	v10 =	vld [tilespmem:s19+$0x7490]  }
0xc2: {  	v9 =	vld [tilespmem:s19+$0xAC90]  }
0xc3: {  	v8 =	vld [tilespmem:s19+$0x74A0]  }
0xc4: {  	v6 =	vld [tilespmem:s19+$0xACA0];
	v12 =	vadd.f32 v7, v12  }
0xc5: {  	s20 =	simm.s32 $0x100;
	v11 =	vadd.f32 v11, v13;
	v7 =	vld [tilespmem:s19+$0x74B0]  }
.LBB2_5:
0xc6: {  	s7 =	sshra.s32 s20, $0x2;
	p0 =	sne.s32 s20, $0xDF00;
	[tilespmem:s19+$0x7480] =	vst v12;
	v5 =	vadd.f32 v5, v10;
	v10 =	vld [tilespmem:s19+$0xACB0]  }
0xc7: {  	v12 =	vld [tilespmem:s7+$0xE480];
	[tilespmem:s19+$0xAC80] =	vst v11;
	v4 =	vadd.f32 v4, v9  }
0xc8: {  	v11 =	vld [tilespmem:s7+$0x11C80];
	[tilespmem:s19+$0x7490] =	vst v5;
	v3 =	vadd.f32 v3, v8  }
0xc9: {  	v5 =	vld [tilespmem:s7+$0xE490];
	[tilespmem:s19+$0xAC90] =	vst v4;
	v2 =	vadd.f32 v2, v6  }
0xca: {  	v4 =	vld [tilespmem:s7+$0x11C90];
	[tilespmem:s19+$0x74A0] =	vst v3;
	v1 =	vadd.f32 v1, v7  }
0xcb: {  	v3 =	vld [tilespmem:s7+$0xE4A0];
	[tilespmem:s19+$0xACA0] =	vst v2;
	v0 =	vadd.f32 v0, v10  }
0xcc: {  	v2 =	vld [tilespmem:s7+$0x11CA0];
	[tilespmem:s19+$0x74B0] =	vst v1  }
0xcd: {  	v1 =	vld [tilespmem:s7+$0xE4B0];
	[tilespmem:s19+$0xACB0] =	vst v0;
	s19 =	smov.u32 s7  }
0xce: {  	v0 =	vld [tilespmem:s19+$0x11CB0]  }
0xcf: {  	v6 =	vld [tilespmem:s19+$0x7480]  }
0xd0: {  	v7 =	vld [tilespmem:s19+$0xAC80]  }
.Ltmp1:
0xd1: {  	v10 =	vld [tilespmem:s19+$0x7490];
	(pc) =	sbr.rel @p0 .LBB2_5-.Ltmp1, $4  }
0xd2: {  	v9 =	vld [tilespmem:s19+$0xAC90]  }
0xd3: {  	v8 =	vld [tilespmem:s19+$0x74A0]  }
0xd4: {  	v12 =	vadd.f32 v12, v6;
	v6 =	vld [tilespmem:s19+$0xACA0]  }
0xd5: {  	s20 =	sadd.s32 $0x100, s20;
	v11 =	vadd.f32 v11, v7;
	v7 =	vld [tilespmem:s19+$0x74B0]  }
0xd6: {  	[tilespmem:s19+$0x7480] =	vst v12;
	v5 =	vadd.f32 v5, v10;
	v63 =	vld [tilespmem:s19+$0xACB0]  }
0xd7: {  	[tilespmem:s19+$0xAC80] =	vst v11;
	v4 =	vadd.f32 v4, v9  }
0xd8: {  	[tilespmem:s19+$0x7490] =	vst v5;
	v3 =	vadd.f32 v3, v8  }
0xd9: {  	[tilespmem:s19+$0xAC90] =	vst v4;
	v2 =	vadd.f32 v2, v6  }
0xda: {  	[tilespmem:s19+$0x74A0] =	vst v3;
	v1 =	vadd.f32 v1, v7  }
0xdb: {  	s7 =	sadd.s32 s5, s18;
	[tilespmem:s19+$0xACA0] =	vst v2;
	v0 =	vadd.f32 v0, v63  }
0xdc: {  	s7 =	sshll.u32 s7, $0x4;
	[tilespmem:s19+$0x74B0] =	vst v1  }
0xdd: {  	s20 =	sadd.s32 s6, s7;
	[tilespmem:s19+$0xACB0] =	vst v0  }
0xde: {  	[hbm4b:s20+s31] =	stream.strided.scatter [tilespmem:s23], [sflag:$0x1], $0x3800, s0, s31, $0x38;
	[tilespmem:$0x15480] =	vst v63  }
0xdf: {  	s17 =	sadd.s32 $0x1, s17;
	_ =	swait.ge [sflag:s16], $0x3800  }
0xe0: {  	p0 =	sne.s32 s17, $0xE;
	[sflag:s16] =	ssyncset.done $0x0  }
.Ltmp2:
0xe1: {  	s7 =	sadd.s32 s7, s13;
	[sflag:s16] =	ssyncadd.s32 $0xFFFFC800;
	(pc) =	sbr.rel @p0 .LBB2_4-.Ltmp2, $4  }
0xe2: {  	[hbm4b:s7+s31] =	stream.strided.scatter [tilespmem:s25], [sflag:$0x1], $0x3800, s0, s31, $0x38;
	[tilespmem:$0x15480] =	vst v63  }
0xe3: {  	_ =	swait.ge [sflag:s16], $0x3800  }
0xe4: {  	[sflag:s16] =	ssyncset.done $0x0  }
0xe5: {  	[sflag:s16] =	ssyncadd.s32 $0xFFFFC800  }
0xe6: {  	s3 =	sadd.s32 $0x1, s3  }
0xe7: {  	p0 =	sne.s32 s3, s14  }
.Ltmp3:
0xe8: {  	_ = 	snop;
	(pc) =	sbr.rel @p0 .LBB2_1-.Ltmp3, $1  }
0xe9: {  	_ =	sdelay $0x3  }
0xea: {  	_ =	sfence.sel $0x180000  }
0xeb: {  	[bflag:$0x0] =	sbarrier.arrive $0xFFFF  }
0xec: {  	_ =	strace $0x9000004D  }
0xed: {  	s0 =	stileid.u32;
	[bflag:$0x2] =	sbarrier.arrive $0xFFFF  }
0xee: {  	p0 =	sne.s32 s0, $0x0;
	s0 =	rddreg [dreg:$0x3]  }
0xef: {  	s0 =	sadd.s32 @!p0 $0x100000, s0  }
0xf0: {  	[sflag:s0] =	ssyncadd.tile.s32 @!p0 $0x1;
	_ =	shalt  }
.Lfunc_end2:
_tile_overlayer_lowered:
.L_overlay_start_2:
0xf1: {  	(tag) =	ssettag $0x2  }
0xf2: {  	s0 =	rddreg [dreg:$0x0];
	s2 =	stileid.u32  }
0xf3: {  	s1 =	rddreg [dreg:$0x1];
	p0 =	sne.s32 s2, $0x0  }
0xf4: {  	s3 =	rddreg [dreg:$0x2];
	[bflag:$0x3] =	sbarrier.arrive $0xFFFF;
	s2 =	simm.s32 @!p0 $0x1C01  }
0xf5: {  	[timem:s3], [sflag:s2] =	dma.local @!p0 [hbm:s0], s1  }
0xf6: {  	s0 =	simm.s32 @!p0 $0x1  }
0xf7: {  	_ =	swait.ge @!p0 [sflag:s0], s1  }
0xf8: {  	s1 =	ssub.s32 @!p0 $0x0, s1;
	[sflag:s0] =	ssyncset.done @!p0 $0x0  }
0xf9: {  	[sflag:s0] =	ssyncadd.s32 @!p0 s1  }
0xfa: {  	[bflag:$0x3] =	sbarrier.arrive $0xFFFF  }
0xfb: {  	_ =	shalt  }

// kernel: kernel.21.cloned.1.call-start
scs
__scs_entry_jumppad:
0x0: {  	(pc) =	sbr.rel $0x88, $3  }
0x1: {  	(tag) =	ssettag $0x0;
	lr =	simm.s32 $0x1  }
0x2: {  	[smem:$0x3F73] =	sst lr;
	_ =	strace $0xD0000000  }
0x3: {  	_ = 	snop  }
0x4: {  	_ = 	snop  }
0x5: {  	_ = 	snop  }
0x6: {  	_ = 	snop  }
0x7: {  	_ = 	snop  }
__scs_overlays_trampoline_lowered:
0x8: {  	[smem:$0x3F82] =	sst s0  }
0x9: {  	[smem:$0x3F83] =	sst s1  }
0xa: {  	[smem:$0x3F84] =	sst s2  }
0xb: {  	[smem:$0x3F85] =	sst s3  }
0xc: {  	[smem:$0x3F86] =	sst s4  }
0xd: {  	[smem:$0x3F87] =	sst s5  }
0xe: {  	[smem:$0x3F88] =	sst s6  }
0xf: {  	[smem:$0x3F89] =	sst s7  }
0x10: {  	[smem:$0x3F8A] =	sst s8  }
0x11: {  	[smem:$0x3F8B] =	sst s9;
	s0 =	simm.s32 @!p0 $0x0  }
0x12: {  	s1 =	sld [smem:$0x3F71];
	s0 =	simm.s32 @p0 $0x1  }
0x13: {  	[smem:$0x3F8C] =	sst s0;
	s0 =	simm.s32 @!p1 $0x0  }
0x14: {  	s2 =	sld [smem:$0x3F70];
	s0 =	simm.s32 @p1 $0x1  }
0x15: {  	[smem:$0x3F8D] =	sst s0;
	s0 =	simm.s32 @!p2 $0x0  }
0x16: {  	s3 =	sld [smem:$0x3FDB];
	s0 =	simm.s32 @p2 $0x1  }
0x17: {  	s4 =	simm.s32 $0x1BF5;
	[smem:$0x3F8F] =	sst s0  }
0x18: {  	s0 =	sld [smem:$0x3F72];
	_ =	swait.ge [sflag:s4], $0x0  }
0x19: {  	s7 =	sld [smem:$0x3F73]  }
0x1a: {  	s8 =	sadd.s32 $0xFFFFE003, lr  }
0x1b: {  	s9 =	sadd.s32 $0xFFFFFEF7, lr;
	s5 =	simm.s32 $0xFFFFFFFF;
	p2 =	slt.u32 s8, $0xFFFFF086  }
0x1c: {  	p1 =	slt.u32 s9, $0xF7A;
	s5 =	simm.s32 @!p2 $0x0  }
0x1d: {  	s5 =	simm.s32 @p1 $0x1;
	p0 =	seq.s32 s7, s2  }
0x1e: {  	s7 =	smul.u32 @!p0 $0xF7A, s2;
	p2 =	seq.s32 @!p0 s5, $0x0  }
0x1f: {  	s9 =	smul.u32 $0xF7A, s1;
	s8 =	simm.s32 @!p0 $0x1BF5;
	p2 =	por !p2, p0  }
0x20: {  	[sflag:s8] =	ssyncset.s32 @!p0 $0xFFFFF086;
	s6 =	sadd.s32 @!p0 s3, s7;
	s7 =	simm.s32 @!p0 $0x108  }
0x21: {  	s3 =	sadd.s32 s3, s9;
	s6 =	sadd.s32 @!p0 $0x88, s6;
	s7 =	simm.s32 @p2 $0x1082  }
0x22: {  	[simem:s7], [sflag:s8] =	dma.local @!p0 [hbm:s6], $0xF7A  }
0x23: {  	s9 =	sor.u32 $0xD0000000, s2;
	s6 =	simm.s32 $0x108;
	_ =	swait.ge @!p0 [sflag:s8], $0x0  }
0x24: {  	s3 =	sadd.s32 $0x88, s3;
	s6 =	simm.s32 @!p1 $0x1082;
	[sflag:s4] =	ssyncset.s32 $0xFFFFF086  }
0x25: {  	[simem:s6], [sflag:s4] =	dma.local [hbm:s3], $0xF7A  }
0x26: {  	[smem:$0x3F73] =	sst s1;
	(tag) =	ssettag s2;
	_ =	strace s9  }
0x27: {  	s1 =	sld [smem:$0x3F83]  }
0x28: {  	s2 =	sld [smem:$0x3F84]  }
0x29: {  	s4 =	sld [smem:$0x3F86]  }
0x2a: {  	p0 =	seq.s32 s5, $0x0;
	s5 =	sld [smem:$0x3F87]  }
0x2b: {  	s6 =	sld [smem:$0x3F88]  }
0x2c: {  	s7 =	sld [smem:$0x3F89]  }
0x2d: {  	s3 =	simm.s32 $0x108;
	s8 =	sld [smem:$0x3F8A]  }
0x2e: {  	s3 =	simm.s32 @!p0 $0x1082;
	s9 =	sld [smem:$0x3F8B]  }
0x2f: {  	lr =	sadd.s32 s0, s3;
	s0 =	sld [smem:$0x3F82]  }
0x30: {  	s3 =	sld [smem:$0x3F85]  }
0x31: {  	[smem:$0x3F8E] =	sst s10  }
0x32: {  	s10 =	sld [smem:$0x3F8C];
	_ =	sdelay $0x3  }
0x33: {  	p0 =	seq.s32 s10, $0x1;
	s10 =	sld [smem:$0x3F8E];
	_ =	sdelay $0x3  }
0x34: {  	[smem:$0x3F8E] =	sst s10  }
0x35: {  	s10 =	sld [smem:$0x3F8D];
	_ =	sdelay $0x3  }
0x36: {  	p1 =	seq.s32 s10, $0x1;
	s10 =	sld [smem:$0x3F8E];
	_ =	sdelay $0x3  }
0x37: {  	[smem:$0x3F8E] =	sst s10  }
0x38: {  	s10 =	sld [smem:$0x3F8F]  }
0x39: {  	_ = 	snop;
	(pc) =	sbr.ind lr, $3  }
0x3a: {  	_ = 	snop  }
0x3b: {  	_ = 	snop  }
0x3c: {  	p2 =	seq.s32 s10, $0x1;
	s10 =	sld [smem:$0x3F8E]  }
0x3d: {  	_ =	shalt  }
0x3e: {  	_ =	shalt  }
0x3f: {  	_ =	shalt  }
0x40: {  	_ =	shalt  }
0x41: {  	_ =	shalt  }
0x42: {  	_ =	shalt  }
0x43: {  	_ =	shalt  }
0x44: {  	_ =	shalt  }
0x45: {  	_ =	shalt  }
0x46: {  	_ =	shalt  }
0x47: {  	_ =	shalt  }
0x48: {  	_ =	shalt  }
0x49: {  	_ =	shalt  }
0x4a: {  	_ =	shalt  }
0x4b: {  	_ =	shalt  }
0x4c: {  	_ =	shalt  }
0x4d: {  	_ =	shalt  }
0x4e: {  	_ =	shalt  }
0x4f: {  	_ =	shalt  }
0x50: {  	_ =	shalt  }
0x51: {  	_ =	shalt  }
0x52: {  	_ =	shalt  }
0x53: {  	_ =	shalt  }
0x54: {  	_ =	shalt  }
0x55: {  	_ =	shalt  }
0x56: {  	_ =	shalt  }
0x57: {  	_ =	shalt  }
0x58: {  	_ =	shalt  }
0x59: {  	_ =	shalt  }
0x5a: {  	_ =	shalt  }
0x5b: {  	_ =	shalt  }
0x5c: {  	_ =	shalt  }
0x5d: {  	_ =	shalt  }
0x5e: {  	_ =	shalt  }
0x5f: {  	_ =	shalt  }
0x60: {  	_ =	shalt  }
0x61: {  	_ =	shalt  }
0x62: {  	_ =	shalt  }
0x63: {  	_ =	shalt  }
0x64: {  	_ =	shalt  }
0x65: {  	_ =	shalt  }
0x66: {  	_ =	shalt  }
0x67: {  	_ =	shalt  }
0x68: {  	_ =	shalt  }
0x69: {  	_ =	shalt  }
0x6a: {  	_ =	shalt  }
0x6b: {  	_ =	shalt  }
0x6c: {  	_ =	shalt  }
0x6d: {  	_ =	shalt  }
0x6e: {  	_ =	shalt  }
0x6f: {  	_ =	shalt  }
0x70: {  	_ =	shalt  }
0x71: {  	_ =	shalt  }
0x72: {  	_ =	shalt  }
0x73: {  	_ =	shalt  }
0x74: {  	_ =	shalt  }
0x75: {  	_ =	shalt  }
0x76: {  	_ =	shalt  }
0x77: {  	_ =	shalt  }
0x78: {  	_ =	shalt  }
0x79: {  	_ =	shalt  }
0x7a: {  	_ =	shalt  }
0x7b: {  	_ =	shalt  }
0x7c: {  	_ =	shalt  }
0x7d: {  	_ =	shalt  }
0x7e: {  	_ =	shalt  }
0x7f: {  	_ =	shalt  }
0x80: {  	_ =	shalt  }
0x81: {  	_ =	shalt  }
0x82: {  	_ =	shalt  }
0x83: {  	_ =	shalt  }
0x84: {  	_ =	shalt  }
0x85: {  	_ =	shalt  }
0x86: {  	_ =	shalt  }
0x87: {  	_ =	shalt  }
.Lfunc_end0:
.L_simem_size_0:
called_computation.3_lowered:
.L_overlay_start_0:
0x88: {  	s2 =	sld [smem:$0x3FD9]  }
0x89: {  	s3 =	sld [smem:$0x3FFE];
	_ =	sdelay $0x1  }
0x8a: {  	s1 =	srdreg.scid  }
0x8b: {  	s0 =	sand.u32 $0x1, s1  }
0x8c: {  	s16 =	sshll.u32 s0, $0xA;
	s2 =	sadd.s32 s3, s2  }
0x8d: {  	s2 =	sadd.s32 s2, s16  }
0x8e: {  	[smem:$0x3F9A] =	sst s2  }
0x8f: {  	_ = 	snop  }
0x90: {  	(tm) =	ssettm $0x1  }
0x91: {  	s17 =	sld [smem:$0x3FFB];
	_ =	sdelay $0x3  }
0x92: {  	_ =	strace s17  }
0x93: {  	s2 =	sld [smem:$0x3FFC];
	_ =	sdelay $0x3  }
0x94: {  	_ =	strace s2  }
0x95: {  	s2 =	sld [smem:$0x3FFD];
	_ =	sdelay $0x3  }
0x96: {  	_ =	strace s2  }
0x97: {  	_ =	strace $0x8FFFFFFF  }
0x98: {  	s18 =	sld [smem:$0x3FDB];
	_ =	sdelay $0x1  }
0x99: {  	s19 =	simm.s32 $_scs_section_size  }
0x9a: {  	s4 =	simm.s32 $_size__tile_overlayer_lowered;
	s5 =	simm.s32 $_tile_overlayer_lowered  }
0x9b: {  	s22 =	simm.s32 $0x1BFF;
	s21 =	sshll.u32 s5, $0x1;
	s2 =	sadd.s32 s19, s18  }
0x9c: {  	s6 =	simm.s32 $0x0;
	s20 =	sshll.u32 s4, $0x1;
	s4 =	sadd.s32 s21, s2  }
0x9d: {  	[timem:s6], [sflag:s22] =	dma.local [hbm:s4], s20  }
0x9e: {  	_ =	swait.ge [sflag:s22], s20  }
0x9f: {  	s3 =	ssub.s32 $0x0, s20;
	[sflag:s22] =	ssyncset.done $0x0  }
0xa0: {  	[sflag:s22] =	ssyncadd.s32 s3;
	_ =	sdelay $0x1  }
0xa1: {  	s23 =	simm.s32 $0x1B8B  }
0xa2: {  	_ =	swait.ge [sflag:s23], $0x1  }
0xa3: {  	[sflag:s23] =	ssyncset.done $0x0  }
0xa4: {  	s25 =	simm.s32 $0x1B8E;
	s24 =	sld [smem:$0x3FFE];
	[sflag:s23] =	ssyncadd.s32 $0xFFFFFFFF  }
0xa5: {  	s26 =	simm.s32 $execute0_lowered;
	[smem:$0x3FD2] =	sst s25  }
0xa6: {  	s4 =	sshll.u32 s26, $0x1;
	_ =	strace $0x8000004F;
	[dreg:$0x1] =	wrdreg $0xFFFFFFFF  }
0xa7: {  	s28 =	simm.s32 $_size_execute0_lowered;
	s2 =	sadd.s32 s2, s4;
	[dreg:$0x0] =	wrdreg $0x0  }
0xa8: {  	s4 =	sshll.u32 s28, $0x1;
	[dreg:$0x2] =	wrdreg s2  }
0xa9: {  	[dreg:$0x3] =	wrdreg s4  }
0xaa: {  	[dreg:$0x4] =	wrdreg $0xC0  }
0xab: {  	_ =	task [dreg:s6], $0x5FFFF  }
0xac: {  	[dreg:$0x1] =	wrdreg $0xFFFFFFFF  }
0xad: {  	[dreg:$0x0] =	wrdreg $0x60  }
0xae: {  	[dreg:$0x2] =	wrdreg s24  }
0xaf: {  	[dreg:$0x3] =	wrdreg $0x0  }
0xb0: {  	[dreg:$0x4] =	wrdreg $0x9  }
0xb1: {  	_ =	task.clear_ibuf [dreg:s6], $0x5FFFF;
	_ =	strace $0x9000004F  }
0xb2: {  	s29 =	simm.s32 $0x9;
	_ =	strace $0x80000051  }
0xb3: {  	_ =	swait.ge [sflag:s29], $0x1  }
0xb4: {  	[sflag:s29] =	ssyncadd.s32 $0xFFFFFFFF  }
0xb5: {  	_ =	strace $0x90000051  }
0xb6: {  	_ =	sfence  }
0xb7: {  	s30 =	sld [smem:$0x0];
	_ =	sdelay $0x2  }
0xb8: {  	s31 =	sshll.u32 s1, $0xD;
	s1 =	sshrl.u32 s1, $0x2  }
0xb9: {  	s3 =	sand.u32 $0x4000, s31;
	s1 =	sadd.s32 s1, s30  }
0xba: {  	s0 =	sor.u32 s3, s0;
	s1 =	sshll.u32 s1, $0x11  }
0xbb: {  	s0 =	sor.u32 s1, s0  }
0xbc: {  	s0 =	sadd.s32 $0x8F2B, s0  }
0xbd: {  	[sflag:s0] =	ssyncadd.remote.s32 $0x1  }
0xbe: {  	_ =	sfence.sel $0xFFFF  }
0xbf: {  	[dreg:$0x0] =	wrdreg $0xFFFFFFFF;
	(pc) =	sbr.abs _section_cstart, $3  }
0xc0: {  	[dreg:$0x1] =	wrdreg $0xFFFFFFFF  }
0xc1: {  	_ =	task.clear_ibuf [dreg:s6], $0x2FFFF;
	_ =	strace $0x9FFFFFFF  }
0xc2: {  	(tm) =	ssettm $0x7FFFFFFF  }
0xc3: {  	_ =	shalt  }
tec
execute0_lowered:
.L_overlay_start_1:
0x0: {  	(tag) =	ssettag $0x1  }
0x1: {  	s0 =	rddreg [dreg:$0x0];
	s17 =	stileid.u32  }
0x2: {  	s2 =	rddreg [dreg:$0x1];
	s3 =	simm.s32 $0x0;
	s1 =	smul.u32 $0x18800, s17  }
0x3: {  	s5 =	srdreg.scid;
	s28 =	simm.s32 $0x40;
	s4 =	smul.u32 $0x310, s17  }
0x4: {  	s29 =	simm.s32 $0x80;
	s30 =	simm.s32 $0x18C60;
	s9 =	smul.u32 $0x62000, s17  }
0x5: {  	s31 =	simm.s32 $0x1A860;
	[smem:$0x7FF] =	sst s3;
	s18 =	smul.u32 $0x620, s17  }
0x6: {  	s5 =	sand.u32 $0x1, s5;
	s8 =	ssub.s32 $0x80, s17;
	s15 =	smul.u32 $0x6200, s17  }
0x7: {  	_ =	strace $0x80000050;
	s12 =	sshll.u32 s5, $0x3;
	s13 =	ssub.s32 $0x2, s5  }
0x8: {  	s5 =	smul.u32 $0x6200, s5;
	s1 =	sadd.s32 s1, s0;
	s6 =	sadd.s32 s4, s0  }
0x9: {  	s0 =	sadd.s32 s12, s0;
	s7 =	sshrl.u32 s13, $0x1;
	s4 =	sshrl.u32 s8, $0x4  }
0xa: {  	s14 =	sshrl.u32 s9, $0x2;
	s16 =	sadd.s32 $0xE0, s18;
	s21 =	sadd.s32 $0x1C0, s18  }
0xb: {  	s25 =	sadd.s32 $0x460, s18;
	s26 =	sadd.s32 $0x540, s18;
	s7 =	ssub.s32 s13, s7  }
0xc: {  	s0 =	sadd.s32 $0x16800, s0;
	s8 =	sadd.s32 s14, s2;
	s20 =	sshll.u32 s16, $0x6  }
0xd: {  	s10 =	sshll.u32 s21, $0x6;
	s13 =	sadd.s32 $0x2A0, s18;
	s14 =	sadd.s32 $0x380, s18  }
0xe: {  	s18 =	sshll.u32 s26, $0x6;
	[dreg:$0x3] =	wrdreg s8;
	s7 =	smax.u32 s7, $0x1  }
0xf: {  	s19 =	sadd.s32 s15, s0;
	s8 =	sadd.s32 s20, s2;
	s10 =	sadd.s32 s10, s2  }
0x10: {  	s22 =	sshll.u32 s13, $0x6;
	s23 =	sshll.u32 s13, $0x4;
	[dreg:$0x4] =	wrdreg s7  }
0x11: {  	s24 =	sshll.u32 s14, $0x6;
	s15 =	sshll.u32 s14, $0x4;
	[dreg:$0x5] =	wrdreg s19  }
0x12: {  	s18 =	sadd.s32 s18, s2;
	s7 =	sshll.u32 s16, $0x4;
	[dreg:$0x6] =	wrdreg s8  }
0x13: {  	s12 =	sadd.s32 s22, s2;
	s13 =	sadd.s32 s23, s0;
	s14 =	sadd.s32 s24, s2  }
0x14: {  	s15 =	sadd.s32 s15, s0;
	s16 =	sshll.u32 s25, $0x6;
	s19 =	smul.u32 $0xE000, s17  }
0x15: {  	s22 =	sadd.s32 $0x10600, s6;
	s23 =	simm.s32 $0x1C460;
	s24 =	simm.s32 $0x1  }
0x16: {  	s9 =	sadd.s32 s7, s0;
	s7 =	sshll.u32 s21, $0x4;
	s16 =	sadd.s32 s16, s2  }
0x17: {  	s11 =	sadd.s32 s7, s0;
	s7 =	sshll.u32 s25, $0x4;
	s20 =	sshrl.u32 s19, $0x2  }
0x18: {  	s25 =	simm.s32 $0x18B80;
	s17 =	sadd.s32 s7, s0;
	s7 =	sshll.u32 s26, $0x4  }
0x19: {  	s20 =	sadd.s32 s20, s2;
	s26 =	simm.s32 $0x18BF0;
	s19 =	sadd.s32 s7, s0  }
0x1a: {  	v1 =	vimm.f32 $0.0e+00;
	v0 =	vmov s5;
	s7 =	sadd.s32 $0x26A808, s1;
	s0 =	simm.s32 $0x70;
	s1 =	simm.s32 $0x0  }
.LBB2_1:
0x1b: {  	s6 =	simm.s32 $0x100;
	s5 =	simm.s32 $0x0  }
.LBB2_2:
0x1c: {  	p0 =	sne.s32 s6, $0xDF00;
	[tilespmem:s5+$0x1C490] =	vst v1;
	s21 =	smov.u32 s6;
	s6 =	sadd.s32 $0x100, s6  }
.Ltmp0:
0x1d: {  	[tilespmem:s5+$0x1C480] =	vst v1;
	(pc) =	sbr.rel @p0 .LBB2_2-.Ltmp0, $3  }
0x1e: {  	[tilespmem:s5+$0x1C460] =	vst v1  }
0x1f: {  	[tilespmem:s5+$0x1C470] =	vst v1;
	_ =	sdelay $0x1  }
0x20: {  	s5 =	sshra.s32 s21, $0x2  }
0x21: {  	[tilespmem:s5+$0x1C490] =	vst v1  }
0x22: {  	[tilespmem:s5+$0x1C480] =	vst v1;
	p0 =	sne.s32 s4, $0x1  }
.Ltmp1:
0x23: {  	[tilespmem:s5+$0x1C460] =	vst v1;
	(pc) =	sbr.rel @!p0 .LBB2_5-.Ltmp1, $4  }
0x24: {  	[tilespmem:s5+$0x1C470] =	vst v1  }
0x25: {  	[spmem:s20] =	stream.linear.scatter [tilespmem:s23], [sflag:$0x1], $0x3800, $0x38;
	[tilespmem:$0x1FC60] =	vst v63  }
0x26: {  	_ =	swait.ge [sflag:s24], $0x3800  }
0x27: {  	s5 =	sadd.s32 $0xFFFFFFFF, s4;
	s6 =	smov.u32 s20;
	[sflag:s24] =	ssyncset.done $0x0  }
.LBB2_4:
0x28: {  	p0 =	sne.s32 s5, $0x1;
	[sflag:s24] =	ssyncadd.s32 $0xFFFFC800;
	s6 =	sadd.s32 $0x38000, s6  }
.Ltmp2:
0x29: {  	s5 =	sadd.s32 $0xFFFFFFFF, s5;
	(pc) =	sbr.rel @p0 .LBB2_4-.Ltmp2, $4  }
0x2a: {  	_ = 	snop  }
0x2b: {  	[spmem:s6] =	stream.linear.scatter [tilespmem:s23], [sflag:$0x1], $0x3800, $0x38;
	[tilespmem:$0x1FC60] =	vst v63  }
0x2c: {  	_ =	swait.ge [sflag:s24], $0x3800  }
0x2d: {  	[sflag:s24] =	ssyncset.done $0x0  }
.LBB2_5:
0x2e: {  	[sflag:s24] =	ssyncadd.s32 $0xFFFFC800  }
0x2f: {  	s5 =	sadd.s32 $0x0, s22;
	[bflag:$0x0] =	sbarrier.arrive $0xFFFF  }
0x30: {  	[tilespmem:s25], [sflag:$0x1] =	stream.linear.gather [hbm4b:s5+s3], $0x70, $0x38;
	[tilespmem:$0x1FC60] =	vst v63  }
0x31: {  	_ =	swait.ge [sflag:s24], $0x70  }
0x32: {  	[sflag:s24] =	ssyncset.done $0x0  }
0x33: {  	s5 =	sadd.s32 $0x3100, s5;
	[sflag:s24] =	ssyncadd.s32 $0xFFFFFF90  }
0x34: {  	[tilespmem:s26], [sflag:$0x1] =	stream.linear.gather [hbm4b:s5+s3], $0x70, $0x38;
	[tilespmem:$0x1FC60] =	vst v63  }
0x35: {  	_ =	swait.ge [sflag:s24], $0x70  }
0x36: {  	[sflag:s24] =	ssyncset.done $0x0  }
0x37: {  	[sflag:s24] =	ssyncadd.s32 $0xFFFFFF90  }
0x38: {  	v2 =	vld [tilespmem:$0x18C50]  }
0x39: {  	v3 =	vld [tilespmem:$0x18C40]  }
0x3a: {  	v4 =	vld [tilespmem:$0x18C20]  }
0x3b: {  	v5 =	vld [tilespmem:$0x18BD0]  }
0x3c: {  	v7 =	vld [tilespmem:$0x18BC0]  }
0x3d: {  	v8 =	vld [tilespmem:$0x18BB0];
	v2 =	vsub.s32 v2, v0  }
0x3e: {  	v6 =	vld [tilespmem:$0x18C30];
	v3 =	vsub.s32 v3, v0;
	v2 =	vmin.u32 v2, $0x6200  }
0x3f: {  	v9 =	vld [tilespmem:$0x18C10];
	v4 =	vsub.s32 v4, v0;
	v3 =	vmin.u32 v3, $0x6200;
	[tilespmem:$0x18C50] =	vst v2  }
0x40: {  	v57 =	vld [tilespmem:$0x18B90];
	v5 =	vsub.s32 v5, v0;
	v4 =	vmin.u32 v4, $0x6200;
	[tilespmem:$0x18C40] =	vst v3  }
0x41: {  	v7 =	vsub.s32 v7, v0;
	v5 =	vmin.u32 v5, $0x6200;
	v2 =	vld [tilespmem:$0x18BA0];
	[tilespmem:$0x18C20] =	vst v4  }
0x42: {  	v8 =	vsub.s32 v8, v0;
	v7 =	vmin.u32 v7, $0x6200;
	v3 =	vld [tilespmem:$0x18C00];
	[tilespmem:$0x18BD0] =	vst v5  }
0x43: {  	v58 =	vld [tilespmem:$0x18BF0];
	v56 =	vsub.s32 v6, v0;
	v8 =	vmin.u32 v8, $0x6200;
	[tilespmem:$0x18BC0] =	vst v7  }
0x44: {  	v60 =	vld [tilespmem:$0x18BE0];
	v59 =	vsub.s32 v9, v0;
	v4 =	vmin.u32 v56, $0x6200;
	[tilespmem:$0x18BB0] =	vst v8  }
0x45: {  	v61 =	vld [tilespmem:$0x18B80];
	v62 =	vsub.s32 v57, v0;
	[tilespmem:$0x18C30] =	vst v4;
	v4 =	vmin.u32 v59, $0x6200  }
0x46: {  	[tilespmem:$0x18C10] =	vst v4;
	v4 =	vmin.u32 v62, $0x6200;
	v2 =	vsub.s32 v2, v0  }
0x47: {  	[tilespmem:$0x18B90] =	vst v4;
	v3 =	vsub.s32 v3, v0;
	v2 =	vmin.u32 v2, $0x6200  }
0x48: {  	v3 =	vmin.u32 v3, $0x6200;
	[tilespmem:$0x18BA0] =	vst v2;
	v2 =	vsub.s32 v58, v0  }
0x49: {  	[tilespmem:$0x18C00] =	vst v3;
	v3 =	vsub.s32 v60, v0;
	v2 =	vmin.u32 v2, $0x6200  }
0x4a: {  	v63 =	vsub.s32 v61, v0;
	[tilespmem:$0x18BF0] =	vst v2;
	v2 =	vmin.u32 v3, $0x6200  }
0x4b: {  	v3 =	vmin.u32 v63, $0x6200;
	[tilespmem:$0x18BE0] =	vst v2  }
0x4c: {  	s21 =	sadd.s32 $0xFFFFFFF8, s7;
	s6 =	smov.u32 s7;
	[tilespmem:$0x18B80] =	vst v3  }
0x4d: {  	[tilespmem:s30], [sflag:$0x1] =	stream.strided.gather [hbm4b:s21+s28], $0x1C00, s29, s28, $0x38;
	[tilespmem:$0x1FC60] =	vst v63  }
0x4e: {  	s5 =	simm.s32 $0xE;
	s21 =	smov.u32 s7;
	_ =	swait.ge [sflag:s24], $0x1C00  }
.LBB2_6:
0x4f: {  	p0 =	sne.s32 s5, $0x302;
	[sflag:s24] =	ssyncset.done $0x0;
	s21 =	sadd.s32 $0x700, s21  }
0x50: {  	s8 =	smov.u32 s5;
	s5 =	sadd.s32 $0xE, s5;
	[sflag:s24] =	ssyncadd.s32 $0xFFFFE400  }
0x51: {  	[tilespmem:s31], [sflag:$0x1] =	stream.strided.gather [hbm4b:s6+s28], $0x1C00, s29, s28, $0x38;
	[tilespmem:$0x1FC60] =	vst v63  }
0x52: {  	s6 =	smov.u32 s21;
	_ =	swait.ge [sflag:s24], $0x1C00  }
0x53: {  	[sflag:s24] =	ssyncset.done $0x0  }
0x54: {  	[sflag:s24] =	ssyncadd.s32 $0xFFFFE400  }
0x55: {  	[spmem:s2] =	stream.indirect.scatter.add.f32 [tilespmem:s30], [sflag:$0x1], $0x40, s25, s0, $0xb8;
	[tilespmem:$0x1FC60] =	vst v63  }
0x56: {  	_ =	swait.ge [sflag:s24], $0x1C00  }
0x57: {  	[sflag:s24] =	ssyncset.done $0x0  }
0x58: {  	[sflag:s24] =	ssyncadd.s32 $0xFFFFE400  }
0x59: {  	[spmem:s2] =	stream.indirect.scatter.add.f32 [tilespmem:s31], [sflag:$0x1], $0x40, s26, s0, $0xb8;
	[tilespmem:$0x1FC60] =	vst v63  }
0x5a: {  	_ =	swait.ge [sflag:s24], $0x1C00  }
0x5b: {  	[sflag:s24] =	ssyncset.done $0x0  }
0x5c: {  	s8 =	sadd.s32 s8, s22;
	[sflag:s24] =	ssyncadd.s32 $0xFFFFE400  }
0x5d: {  	[tilespmem:s25], [sflag:$0x1] =	stream.linear.gather [hbm4b:s8+s3], $0x70, $0x38;
	[tilespmem:$0x1FC60] =	vst v63  }
0x5e: {  	_ =	swait.ge [sflag:s24], $0x70  }
0x5f: {  	[sflag:s24] =	ssyncset.done $0x0  }
0x60: {  	s8 =	sadd.s32 $0x3100, s8;
	[sflag:s24] =	ssyncadd.s32 $0xFFFFFF90  }
0x61: {  	[tilespmem:s26], [sflag:$0x1] =	stream.linear.gather [hbm4b:s8+s3], $0x70, $0x38;
	[tilespmem:$0x1FC60] =	vst v63  }
0x62: {  	_ =	swait.ge [sflag:s24], $0x70  }
0x63: {  	[sflag:s24] =	ssyncset.done $0x0  }
0x64: {  	[sflag:s24] =	ssyncadd.s32 $0xFFFFFF90  }
0x65: {  	v2 =	vld [tilespmem:$0x18C50]  }
0x66: {  	v3 =	vld [tilespmem:$0x18C40]  }
0x67: {  	v4 =	vld [tilespmem:$0x18C20]  }
0x68: {  	v5 =	vld [tilespmem:$0x18BD0]  }
0x69: {  	v6 =	vld [tilespmem:$0x18C30]  }
0x6a: {  	v7 =	vld [tilespmem:$0x18BC0];
	v2 =	vsub.s32 v2, v0  }
0x6b: {  	v8 =	vld [tilespmem:$0x18BB0];
	v3 =	vsub.s32 v3, v0;
	v2 =	vmin.u32 v2, $0x6200  }
0x6c: {  	v9 =	vld [tilespmem:$0x18C10];
	v4 =	vsub.s32 v4, v0;
	v3 =	vmin.u32 v3, $0x6200;
	[tilespmem:$0x18C50] =	vst v2  }
0x6d: {  	v2 =	vld [tilespmem:$0x18BA0];
	v4 =	vmin.u32 v4, $0x6200;
	v5 =	vsub.s32 v5, v0;
	[tilespmem:$0x18C40] =	vst v3  }
0x6e: {  	v3 =	vld [tilespmem:$0x18C00];
	[tilespmem:$0x18C20] =	vst v4;
	v4 =	vsub.s32 v6, v0;
	v5 =	vmin.u32 v5, $0x6200  }
0x6f: {  	v6 =	vld [tilespmem:$0x18B90];
	v7 =	vsub.s32 v7, v0;
	v4 =	vmin.u32 v4, $0x6200;
	[tilespmem:$0x18BD0] =	vst v5  }
0x70: {  	v5 =	vld [tilespmem:$0x18BF0];
	v8 =	vsub.s32 v8, v0;
	v7 =	vmin.u32 v7, $0x6200;
	[tilespmem:$0x18C30] =	vst v4  }
0x71: {  	v4 =	vsub.s32 v9, v0;
	v8 =	vmin.u32 v8, $0x6200;
	[tilespmem:$0x18BC0] =	vst v7;
	v7 =	vld [tilespmem:$0x18BE0]  }
0x72: {  	v9 =	vld [tilespmem:$0x18B80];
	v2 =	vsub.s32 v2, v0;
	v4 =	vmin.u32 v4, $0x6200;
	[tilespmem:$0x18BB0] =	vst v8  }
0x73: {  	v3 =	vsub.s32 v3, v0;
	v2 =	vmin.u32 v2, $0x6200;
	[tilespmem:$0x18C10] =	vst v4  }
0x74: {  	v4 =	vsub.s32 v6, v0;
	v3 =	vmin.u32 v3, $0x6200;
	[tilespmem:$0x18BA0] =	vst v2  }
0x75: {  	v2 =	vsub.s32 v5, v0;
	v4 =	vmin.u32 v4, $0x6200;
	[tilespmem:$0x18C00] =	vst v3  }
0x76: {  	v2 =	vmin.u32 v2, $0x6200;
	[tilespmem:$0x18B90] =	vst v4;
	v3 =	vsub.s32 v7, v0  }
.Ltmp3:
0x77: {  	v4 =	vsub.s32 v9, v0;
	[tilespmem:$0x18BF0] =	vst v2;
	v2 =	vmin.u32 v3, $0x6200;
	(pc) =	sbr.rel @p0 .LBB2_6-.Ltmp3, $4  }
0x78: {  	v3 =	vmin.u32 v4, $0x6200;
	[tilespmem:$0x18BE0] =	vst v2  }
0x79: {  	s8 =	sadd.s32 $0xFFFFFFF8, s21;
	[tilespmem:$0x18B80] =	vst v3  }
0x7a: {  	[tilespmem:s30], [sflag:$0x1] =	stream.strided.gather [hbm4b:s8+s28], $0x1C00, s29, s28, $0x38;
	[tilespmem:$0x1FC60] =	vst v63  }
0x7b: {  	_ =	swait.ge [sflag:s24], $0x1C00  }
0x7c: {  	[sflag:s24] =	ssyncset.done $0x0  }
0x7d: {  	[sflag:s24] =	ssyncadd.s32 $0xFFFFE400  }
0x7e: {  	[tilespmem:s31], [sflag:$0x1] =	stream.strided.gather [hbm4b:s6+s28], $0x1C00, s29, s28, $0x38;
	[tilespmem:$0x1FC60] =	vst v63  }
0x7f: {  	_ =	swait.ge [sflag:s24], $0x1C00  }
0x80: {  	[sflag:s24] =	ssyncset.done $0x0  }
0x81: {  	[sflag:s24] =	ssyncadd.s32 $0xFFFFE400  }
0x82: {  	[spmem:s2] =	stream.indirect.scatter.add.f32 [tilespmem:s30], [sflag:$0x1], $0x40, s25, s0, $0xb8;
	[tilespmem:$0x1FC60] =	vst v63  }
0x83: {  	_ =	swait.ge [sflag:s24], $0x1C00  }
0x84: {  	[sflag:s24] =	ssyncset.done $0x0  }
0x85: {  	[sflag:s24] =	ssyncadd.s32 $0xFFFFE400  }
0x86: {  	[spmem:s2] =	stream.indirect.scatter.add.f32 [tilespmem:s31], [sflag:$0x1], $0x40, s26, s0, $0xb8;
	[tilespmem:$0x1FC60] =	vst v63  }
0x87: {  	_ =	swait.ge [sflag:s24], $0x1C00  }
0x88: {  	[sflag:s24] =	ssyncset.done $0x0  }
0x89: {  	[sflag:s24] =	ssyncadd.s32 $0xFFFFE400  }
0x8a: {  	[bflag:$0x0] =	sbarrier.arrive $0xFFFF  }
0x8b: {  	s5 =	rddreg [dreg:$0x3]  }
0x8c: {  	[tilespmem:s23], [sflag:$0x1] =	stream.linear.gather [spmem:s5], $0x3800, $0x38;
	[tilespmem:$0x1FC60] =	vst v63  }
0x8d: {  	_ =	swait.ge [sflag:s24], $0x3800  }
0x8e: {  	[sflag:s24] =	ssyncset.done $0x0  }
0x8f: {  	s6 =	rddreg [dreg:$0x5];
	[sflag:s24] =	ssyncadd.s32 $0xFFFFC800  }
0x90: {  	[hbm4b:s6+s28] =	stream.strided.scatter [tilespmem:s23], [sflag:$0x1], $0x3800, s29, s28, $0x38;
	[tilespmem:$0x1FC60] =	vst v63  }
0x91: {  	_ =	swait.ge [sflag:s24], $0x3800  }
0x92: {  	[sflag:s24] =	ssyncset.done $0x0  }
0x93: {  	s8 =	rddreg [dreg:$0x6];
	[sflag:s24] =	ssyncadd.s32 $0xFFFFC800  }
0x94: {  	[tilespmem:s23], [sflag:$0x1] =	stream.linear.gather [spmem:s8], $0x3800, $0x38;
	[tilespmem:$0x1FC60] =	vst v63  }
0x95: {  	_ =	swait.ge [sflag:s24], $0x3800  }
0x96: {  	[sflag:s24] =	ssyncset.done $0x0  }
0x97: {  	[sflag:s24] =	ssyncadd.s32 $0xFFFFC800  }
0x98: {  	[hbm4b:s9+s28] =	stream.strided.scatter [tilespmem:s23], [sflag:$0x1], $0x3800, s29, s28, $0x38;
	[tilespmem:$0x1FC60] =	vst v63  }
0x99: {  	_ =	swait.ge [sflag:s24], $0x3800  }
0x9a: {  	[sflag:s24] =	ssyncset.done $0x0  }
0x9b: {  	[sflag:s24] =	ssyncadd.s32 $0xFFFFC800  }
0x9c: {  	[tilespmem:s23], [sflag:$0x1] =	stream.linear.gather [spmem:s10], $0x3800, $0x38;
	[tilespmem:$0x1FC60] =	vst v63  }
0x9d: {  	_ =	swait.ge [sflag:s24], $0x3800  }
0x9e: {  	[sflag:s24] =	ssyncset.done $0x0  }
0x9f: {  	[sflag:s24] =	ssyncadd.s32 $0xFFFFC800  }
0xa0: {  	[hbm4b:s11+s28] =	stream.strided.scatter [tilespmem:s23], [sflag:$0x1], $0x3800, s29, s28, $0x38;
	[tilespmem:$0x1FC60] =	vst v63  }
0xa1: {  	_ =	swait.ge [sflag:s24], $0x3800  }
0xa2: {  	[sflag:s24] =	ssyncset.done $0x0  }
0xa3: {  	[sflag:s24] =	ssyncadd.s32 $0xFFFFC800  }
0xa4: {  	[tilespmem:s23], [sflag:$0x1] =	stream.linear.gather [spmem:s12], $0x3800, $0x38;
	[tilespmem:$0x1FC60] =	vst v63  }
0xa5: {  	_ =	swait.ge [sflag:s24], $0x3800  }
0xa6: {  	[sflag:s24] =	ssyncset.done $0x0  }
0xa7: {  	[sflag:s24] =	ssyncadd.s32 $0xFFFFC800  }
0xa8: {  	[hbm4b:s13+s28] =	stream.strided.scatter [tilespmem:s23], [sflag:$0x1], $0x3800, s29, s28, $0x38;
	[tilespmem:$0x1FC60] =	vst v63  }
0xa9: {  	_ =	swait.ge [sflag:s24], $0x3800  }
0xaa: {  	[sflag:s24] =	ssyncset.done $0x0  }
0xab: {  	[sflag:s24] =	ssyncadd.s32 $0xFFFFC800  }
0xac: {  	[tilespmem:s23], [sflag:$0x1] =	stream.linear.gather [spmem:s14], $0x3800, $0x38;
	[tilespmem:$0x1FC60] =	vst v63  }
0xad: {  	_ =	swait.ge [sflag:s24], $0x3800  }
0xae: {  	[sflag:s24] =	ssyncset.done $0x0  }
0xaf: {  	[sflag:s24] =	ssyncadd.s32 $0xFFFFC800  }
0xb0: {  	[hbm4b:s15+s28] =	stream.strided.scatter [tilespmem:s23], [sflag:$0x1], $0x3800, s29, s28, $0x38;
	[tilespmem:$0x1FC60] =	vst v63  }
0xb1: {  	_ =	swait.ge [sflag:s24], $0x3800  }
0xb2: {  	[sflag:s24] =	ssyncset.done $0x0  }
0xb3: {  	[sflag:s24] =	ssyncadd.s32 $0xFFFFC800  }
0xb4: {  	[tilespmem:s23], [sflag:$0x1] =	stream.linear.gather [spmem:s16], $0x3800, $0x38;
	[tilespmem:$0x1FC60] =	vst v63  }
0xb5: {  	_ =	swait.ge [sflag:s24], $0x3800  }
0xb6: {  	[sflag:s24] =	ssyncset.done $0x0  }
0xb7: {  	[sflag:s24] =	ssyncadd.s32 $0xFFFFC800  }
0xb8: {  	[hbm4b:s17+s28] =	stream.strided.scatter [tilespmem:s23], [sflag:$0x1], $0x3800, s29, s28, $0x38;
	[tilespmem:$0x1FC60] =	vst v63  }
0xb9: {  	_ =	swait.ge [sflag:s24], $0x3800  }
0xba: {  	[sflag:s24] =	ssyncset.done $0x0  }
0xbb: {  	[sflag:s24] =	ssyncadd.s32 $0xFFFFC800  }
0xbc: {  	[tilespmem:s23], [sflag:$0x1] =	stream.linear.gather [spmem:s18], $0x3800, $0x38;
	[tilespmem:$0x1FC60] =	vst v63  }
0xbd: {  	_ =	swait.ge [sflag:s24], $0x3800  }
0xbe: {  	[sflag:s24] =	ssyncset.done $0x0  }
0xbf: {  	[sflag:s24] =	ssyncadd.s32 $0xFFFFC800  }
0xc0: {  	[hbm4b:s19+s28] =	stream.strided.scatter [tilespmem:s23], [sflag:$0x1], $0x3800, s29, s28, $0x38;
	[tilespmem:$0x1FC60] =	vst v63  }
0xc1: {  	_ =	swait.ge [sflag:s24], $0x3800  }
0xc2: {  	s1 =	sadd.s32 $0x1, s1;
	s21 =	rddreg [dreg:$0x4]  }
0xc3: {  	p0 =	sne.s32 s1, s21  }
.Ltmp4:
0xc4: {  	_ = 	snop;
	(pc) =	sbr.rel @p0 .LBB2_1-.Ltmp4, $3  }
0xc5: {  	_ =	sdelay $0x1  }
0xc6: {  	[sflag:s24] =	ssyncset.done $0x0  }
0xc7: {  	[sflag:s24] =	ssyncadd.s32 $0xFFFFC800  }
0xc8: {  	_ =	sfence.sel $0x180000  }
0xc9: {  	[bflag:$0x0] =	sbarrier.arrive $0xFFFF  }
0xca: {  	_ =	strace $0x90000050  }
0xcb: {  	s0 =	stileid.u32;
	[bflag:$0x2] =	sbarrier.arrive $0xFFFF  }
0xcc: {  	p0 =	sne.s32 s0, $0x0;
	s0 =	rddreg [dreg:$0x2]  }
0xcd: {  	s0 =	sadd.s32 @!p0 $0x100000, s0  }
0xce: {  	[sflag:s0] =	ssyncadd.tile.s32 @!p0 $0x1;
	_ =	shalt  }
.Lfunc_end2:
_tile_overlayer_lowered:
.L_overlay_start_2:
0xcf: {  	(tag) =	ssettag $0x2  }
0xd0: {  	s0 =	rddreg [dreg:$0x0];
	s2 =	stileid.u32  }
0xd1: {  	s1 =	rddreg [dreg:$0x1];
	p0 =	sne.s32 s2, $0x0  }
0xd2: {  	s3 =	rddreg [dreg:$0x2];
	[bflag:$0x3] =	sbarrier.arrive $0xFFFF;
	s2 =	simm.s32 @!p0 $0x1C01  }
0xd3: {  	[timem:s3], [sflag:s2] =	dma.local @!p0 [hbm:s0], s1  }
0xd4: {  	s0 =	simm.s32 @!p0 $0x1  }
0xd5: {  	_ =	swait.ge @!p0 [sflag:s0], s1  }
0xd6: {  	s1 =	ssub.s32 @!p0 $0x0, s1;
	[sflag:s0] =	ssyncset.done @!p0 $0x0  }
0xd7: {  	[sflag:s0] =	ssyncadd.s32 @!p0 s1  }
0xd8: {  	[bflag:$0x3] =	sbarrier.arrive $0xFFFF  }
0xd9: {  	_ =	shalt  }

</sc_bundles>
